<compile_context>
chip_gen: v7x
topology: tpu7x:2x2x1
jax: 0.10.2.dev20260603
libtpu: 0.0.44.dev20260713+nightly
codegen_flags: <defaults>
</compile_context>

<pallas_src>
import jax
import jax.numpy as jnp
from jax import lax
from jax.experimental import pallas as pl
from jax.experimental.pallas import tpu as pltpu
from jax.experimental.pallas import tpu_sc as plsc

NUM_USERS = 50000
NUM_ITEMS = 50000
N = NUM_USERS + NUM_ITEMS
H = 16
NC = 2
NS = 16

NODES_PER_TILE = 6272
NPAD = NS * NODES_PER_TILE
NCHUNK = 128
NODE_CHUNKS = NODES_PER_TILE // NCHUNK

E = 1600000
RPC = 4
EDGE_CHUNKS = 196
ROWS_PER_TILE = EDGE_CHUNKS * RPC
EP = NS * ROWS_PER_TILE * 128

_F32 = jnp.float32
_I32 = jnp.int32


def _rsqrt16(d):
    i = lax.bitcast_convert_type(d, _I32)
    y = lax.bitcast_convert_type(jnp.int32(0x5F3759DF) - (i >> 1), _F32)
    half = d * 0.5
    for _ in range(3):
        y = y * (1.5 - half * y * y)
    return jnp.where(d > 0.5, y, jnp.zeros_like(y))


def _gcn_body(colp, rowp, x0h,
              s_out, y0, y1, y2,
              acc, dacc,
              cbufs, rbufs, gbufs, onesb, z1d, r1d,
              semga, semgb, semsa, semsb, semia, semib, semra, semrb,
              semr, semw):
    c = lax.axis_index("c")
    t = lax.axis_index("s")
    coff = c * NPAD
    nbase0 = t * NODES_PER_TILE
    rbase0 = t * ROWS_PER_TILE
    semg = (semga, semgb)
    sems = (semsa, semsb)
    semic = (semia, semib)
    semir = (semra, semrb)
    max_rb = EP // 128 - RPC

    def col_load(b, m):
        rb = jnp.minimum(rbase0 + m * RPC, max_rb)
        pltpu.async_copy(colp.at[pl.ds(rb, RPC)], cbufs[b], semic[b])

    def row_load(b, m):
        rb = jnp.minimum(rbase0 + m * RPC, max_rb)
        pltpu.async_copy(rowp.at[pl.ds(rb, RPC)], rbufs[b], semir[b])

    def col_wait(b):
        pltpu.make_async_copy(colp.at[pl.ds(0, RPC)], cbufs[b],
                              semic[b]).wait()

    def row_wait(b):
        pltpu.make_async_copy(rowp.at[pl.ds(0, RPC)], rbufs[b],
                              semir[b]).wait()

    def fire_gaths(b, ysrc):
        @pl.loop(0, RPC)
        def _off(r):
            @pl.loop(0, 8)
            def _offv(v):
                sl = pl.ds(v * 16, 16)
                cbufs[b][r, sl] = cbufs[b][r, sl] + coff

        return [
            pltpu.async_copy(ysrc.at[cbufs[b].at[r]], gbufs[b].at[r],
                             semg[b])
            for r in range(RPC)
        ]

    def wait_gaths(b, ysrc):
        for r in range(RPC):
            pltpu.make_async_copy(ysrc.at[cbufs[b].at[r]], gbufs[b].at[r],
                                  semg[b]).wait()

    def fire_scats(b):
        return [
            pltpu.async_copy(gbufs[b].at[r], acc.at[rbufs[b].at[r]],
                             sems[b], add=True)
            for r in range(RPC)
        ]

    def wait_scats(b):
        for r in range(RPC):
            pltpu.make_async_copy(gbufs[b].at[r], acc.at[rbufs[b].at[r]],
                                  sems[b]).wait()

    abuf = gbufs[0].at[0]
    sbuf = gbufs[0].at[2]
    zbuf = gbufs[0].at[3]
    xbuf = gbufs[1].at[0]

    ones16 = jnp.ones((16,), _F32)
    zero16 = jnp.zeros((16,), _F32)

    @pl.loop(0, 8)
    def _c1(v):
        onesb[pl.ds(v * 16, 16)] = ones16

    @pl.loop(0, NCHUNK // 16)
    def _c3(i):
        z1d[pl.ds(i * 16, 16)] = zero16

    def fill_zbuf():
        @pl.loop(0, NCHUNK)
        def _z(n):
            zbuf[n, :] = zero16

    fill_zbuf()

    @pl.loop(0, NODE_CHUNKS)
    def _zero(q):
        nb = nbase0 + q * NCHUNK
        pltpu.sync_copy(zbuf, acc.at[pl.ds(nb, NCHUNK)])
        pltpu.sync_copy(z1d, dacc.at[pl.ds(nb, NCHUNK)])

    plsc.subcore_barrier()

    with jax.named_scope("ph_deg"):
        col_load(0, 0)
        col_load(1, 1)

        @pl.loop(0, EDGE_CHUNKS // 2)
        def _deg(j):
            scats = {}
            for b in (0, 1):
                col_wait(b)
                scats[b] = [
                    pltpu.async_copy(onesb, dacc.at[cbufs[b].at[r]],
                                     sems[b], add=True)
                    for r in range(RPC)
                ]
            for b in (0, 1):
                for d in scats[b]:
                    d.wait()
                col_load(b, 2 * j + 2 + b)

        col_wait(0)
        col_wait(1)

    plsc.subcore_barrier()

    def prep_body(q, first):
        nb = nbase0 + q * NCHUNK
        if not first:
            for _ in range(2):
                pltpu.make_async_copy(
                    sbuf, s_out.at[pl.ds(coff, NCHUNK)], semw).wait()
        cp_x = pltpu.async_copy(x0h.at[c, pl.ds(nb, NCHUNK)], xbuf, semr)
        pltpu.sync_copy(dacc.at[pl.ds(nb, NCHUNK)], r1d)

        @pl.loop(0, NCHUNK // 16)
        def _r(i):
            d = r1d[pl.ds(i * 16, 16)]
            r1d[pl.ds(i * 16, 16)] = _rsqrt16(d)

        pltpu.sync_copy(r1d, dacc.at[pl.ds(nb, NCHUNK)])
        cp_x.wait()

        @pl.loop(0, NCHUNK)
        def _y(n):
            de = plsc.load_gather(r1d, [jnp.full((16,), n, _I32)])
            xh = xbuf[n, :]
            sbuf[n, :] = xh
            xbuf[n, :] = de * xh

        pltpu.async_copy(sbuf, s_out.at[pl.ds(coff + nb, NCHUNK)], semw)
        pltpu.async_copy(xbuf, y0.at[pl.ds(coff + nb, NCHUNK)], semw)

    with jax.named_scope("ph_prep"):
        prep_body(0, True)

        @pl.loop(1, NODE_CHUNKS)
        def _prep(q):
            prep_body(q, False)

        for _ in range(2):
            pltpu.make_async_copy(sbuf, s_out.at[pl.ds(coff, NCHUNK)],
                                  semw).wait()

    plsc.subcore_barrier()

    for li, (ysrc, ydst) in enumerate([(y0, y1), (y1, y2), (y2, None)]):
        last = ydst is None

        with jax.named_scope(f"ph_edges{li}"):
            for b in (0, 1):
                col_load(b, b)
                row_load(b, b)

            @pl.loop(0, EDGE_CHUNKS // 2)
            def _edges(j):
                for b in (0, 1):
                    col_wait(b)
                    row_wait(b)
                    fire_gaths(b, ysrc)
                for b in (0, 1):
                    wait_gaths(b, ysrc)
                    fire_scats(b)
                    col_load(b, 2 * j + 2 + b)
                for b in (0, 1):
                    wait_scats(b)
                    row_load(b, 2 * j + 2 + b)

            for b in (0, 1):
                col_wait(b)
                row_wait(b)

        plsc.subcore_barrier()

        nw = 1 if last else 2

        def drain_post():
            for _ in range(nw):
                pltpu.make_async_copy(
                    sbuf, s_out.at[pl.ds(coff, NCHUNK)], semw).wait()

        def post_body(q, first, last=last, ydst=ydst):
            nb = nbase0 + q * NCHUNK
            if not first:
                drain_post()
            cp_s = pltpu.async_copy(
                s_out.at[pl.ds(coff + nb, NCHUNK)], sbuf, semr)
            pltpu.sync_copy(acc.at[pl.ds(nb, NCHUNK)], abuf)
            pltpu.sync_copy(dacc.at[pl.ds(nb, NCHUNK)], r1d)
            if not last:
                pltpu.sync_copy(zbuf, acc.at[pl.ds(nb, NCHUNK)])
            cp_s.wait()

            @pl.loop(0, NCHUNK)
            def _n(n):
                de = plsc.load_gather(r1d, [jnp.full((16,), n, _I32)])
                x = de * abuf[n, :]
                if last:
                    sbuf[n, :] = (sbuf[n, :] + x) * 0.25
                else:
                    sbuf[n, :] = sbuf[n, :] + x
                    abuf[n, :] = de * x

            pltpu.async_copy(sbuf, s_out.at[pl.ds(coff + nb, NCHUNK)],
                             semw)
            if not last:
                pltpu.async_copy(abuf, ydst.at[pl.ds(coff + nb, NCHUNK)],
                                 semw)

        with jax.named_scope(f"ph_post{li}"):
            fill_zbuf()
            post_body(0, True)

            @pl.loop(1, NODE_CHUNKS)
            def _post(q):
                post_body(q, False)

            drain_post()

        plsc.subcore_barrier()


@jax.jit
def _lightgcn(colp, rowp, x0h):
    mesh = plsc.VectorSubcoreMesh(core_axis_name="c", subcore_axis_name="s",
                                  num_cores=NC, num_subcores=NS)
    f = pl.kernel(
        _gcn_body,
        out_type=(
            jax.ShapeDtypeStruct((2 * NPAD, H), _F32),
            jax.ShapeDtypeStruct((2 * NPAD, H), _F32),
            jax.ShapeDtypeStruct((2 * NPAD, H), _F32),
            jax.ShapeDtypeStruct((2 * NPAD, H), _F32),
        ),
        mesh=mesh,
        compiler_params=pltpu.CompilerParams(needs_layout_passes=False,
                                             use_tc_tiling_on_sc=False),
        scratch_types=[
            pltpu.VMEM_SHARED((NPAD, H), _F32),
            pltpu.VMEM_SHARED((NPAD,), _F32),
            [pltpu.VMEM((RPC, 128), _I32)] * 2,
            [pltpu.VMEM((RPC, 128), _I32)] * 2,
            [pltpu.VMEM((RPC, 128, H), _F32)] * 2,
            pltpu.VMEM((128,), _F32),
            pltpu.VMEM((NCHUNK,), _F32),
            pltpu.VMEM((NCHUNK,), _F32),
            pltpu.SemaphoreType.DMA,
            pltpu.SemaphoreType.DMA,
            pltpu.SemaphoreType.DMA,
            pltpu.SemaphoreType.DMA,
            pltpu.SemaphoreType.DMA,
            pltpu.SemaphoreType.DMA,
            pltpu.SemaphoreType.DMA,
            pltpu.SemaphoreType.DMA,
            pltpu.SemaphoreType.DMA,
            pltpu.SemaphoreType.DMA,
        ],
    )
    return f(colp, rowp, x0h)


def kernel(edge_index, user_weight, item_weight):
    ei = edge_index.astype(_I32)
    pad = N + (jnp.arange(EP - E, dtype=_I32) % 16)
    rowp = jnp.concatenate([ei[0], pad]).reshape(EP // 128, 128)
    colp = jnp.concatenate([ei[1], pad]).reshape(EP // 128, 128)
    x0 = jnp.concatenate([user_weight, item_weight], axis=0)
    x0p = jnp.concatenate([x0, jnp.zeros((NPAD - N, 32), _F32)], axis=0)
    x0h = jnp.stack([x0p[:, :H], x0p[:, H:]])
    s, _, _, _ = _lightgcn(colp, rowp, x0h)
    final = jnp.concatenate([s[:N], s[NPAD:NPAD + N]], axis=1)
    return final[:NUM_USERS], final[NUM_USERS:]

# --- scband reference (transcript-rebuilt; emitter-appended) ---
"""Pipeline reference for scband-light-gcn-47614007444025 (READ-ONLY COPY).

The authoritative reference and input builder live on the scoring server;
editing this copy changes nothing except your own understanding.
"""

import jax, jax.numpy as jnp
import numpy as np

NUM_USERS = 50000
NUM_ITEMS = 50000
EMBED_DIM = 32
NUM_LAYERS = 3
NUM_EDGES = 1600000


def setup_inputs(seed: int = 0) -> dict:
    key = jax.random.key(seed)
    k1, k2, k3 = jax.random.split(key, 3)
    user_weight = jax.random.normal(k1, (NUM_USERS, EMBED_DIM), dtype=jnp.float32) * 0.1
    item_weight = jax.random.normal(k2, (NUM_ITEMS, EMBED_DIM), dtype=jnp.float32) * 0.1
    edge_index = jax.random.randint(k3, (2, NUM_EDGES), 0, NUM_USERS + NUM_ITEMS, dtype=jnp.int64)
    return {"edge_index": edge_index, "user_weight": user_weight, "item_weight": item_weight}


def reference(edge_index, user_weight, item_weight):
    # LightGCN forward: x = concat(user_emb, item_emb); L rounds of symmetric-normalized
    # propagation (LGConv); mean over layer embeddings; split into user/item parts.
    x = jnp.concatenate([user_weight, item_weight], axis=0)
    N = x.shape[0]
    row = edge_index[0]
    col = edge_index[1]
    # symmetric GCN normalization (no self-loops, unit edge weights)
    deg = jnp.zeros((N,), dtype=x.dtype).at[col].add(1.0)
    deg_inv_sqrt = jnp.where(deg > 0, 1.0 / jnp.sqrt(jnp.maximum(deg, 1e-12)), 0.0)
    norm = deg_inv_sqrt[row] * deg_inv_sqrt[col]
    layer_embeddings = [x]
    for _ in range(NUM_LAYERS):
        msg = norm[:, None] * jnp.take(x, col, axis=0)  # gather neighbor features
        x = jnp.zeros((N, x.shape[1]), dtype=x.dtype).at[row].add(msg)  # scatter-add
        layer_embeddings.append(x)
    final = jnp.stack(layer_embeddings, axis=1).mean(axis=1)
    user_embeddings = final[:NUM_USERS]
    item_embeddings = final[NUM_USERS:]
    return (user_embeddings, item_embeddings)

if __name__ == "__main__":
    import jax
    _d = setup_inputs()
    print(jax.jit(kernel)(*tuple(_d.values())))

</pallas_src>

<mosaic_0001>
#map = affine_map<(d0, d1) -> (0, 0)>
#map1 = affine_map<(d0, d1) -> (0, 0, 0)>
module attributes {stable_mosaic.version = 14 : i64} {
  func.func @_gcn_body(%arg0: i32, %arg1: i32, %arg2: memref<12544x128xi32, #tpu.memory_space<hbm>>, %arg3: memref<12544x128xi32, #tpu.memory_space<hbm>>, %arg4: memref<2x100352x16xf32, #tpu.memory_space<hbm>>, %arg5: memref<200704x16xf32, #tpu.memory_space<hbm>>, %arg6: memref<200704x16xf32, #tpu.memory_space<hbm>>, %arg7: memref<200704x16xf32, #tpu.memory_space<hbm>>, %arg8: memref<200704x16xf32, #tpu.memory_space<hbm>>, %arg9: memref<100352x16xf32, #tpu.memory_space<vmem_shared>>, %arg10: memref<100352xf32, #tpu.memory_space<vmem_shared>>, %arg11: memref<4x128xi32, #tpu.memory_space<vmem>>, %arg12: memref<4x128xi32, #tpu.memory_space<vmem>>, %arg13: memref<4x128xi32, #tpu.memory_space<vmem>>, %arg14: memref<4x128xi32, #tpu.memory_space<vmem>>, %arg15: memref<4x128x16xf32, #tpu.memory_space<vmem>>, %arg16: memref<4x128x16xf32, #tpu.memory_space<vmem>>, %arg17: memref<128xf32, #tpu.memory_space<vmem>>, %arg18: memref<128xf32, #tpu.memory_space<vmem>>, %arg19: memref<128xf32, #tpu.memory_space<vmem>>, %arg20: memref<!tpu.dma_semaphore, #tpu.memory_space<semaphore_mem>>, %arg21: memref<!tpu.dma_semaphore, #tpu.memory_space<semaphore_mem>>, %arg22: memref<!tpu.dma_semaphore, #tpu.memory_space<semaphore_mem>>, %arg23: memref<!tpu.dma_semaphore, #tpu.memory_space<semaphore_mem>>, %arg24: memref<!tpu.dma_semaphore, #tpu.memory_space<semaphore_mem>>, %arg25: memref<!tpu.dma_semaphore, #tpu.memory_space<semaphore_mem>>, %arg26: memref<!tpu.dma_semaphore, #tpu.memory_space<semaphore_mem>>, %arg27: memref<!tpu.dma_semaphore, #tpu.memory_space<semaphore_mem>>, %arg28: memref<!tpu.dma_semaphore, #tpu.memory_space<semaphore_mem>>, %arg29: memref<!tpu.dma_semaphore, #tpu.memory_space<semaphore_mem>>) attributes {dimension_semantics = [#tpu.dimension_semantics<core_parallel>, #tpu.dimension_semantics<subcore_parallel>], iteration_bounds = array<i64: 2, 16>, scalar_prefetch = 0 : i64, scratch_operands = 21 : i64, tpu.core_type = #tpu.core_type<sc_vector_subcore>, window_params = [{transform_indices = #map}, {transform_indices = #map}, {transform_indices = #map1}, {transform_indices = #map}, {transform_indices = #map}, {transform_indices = #map}, {transform_indices = #map}]} {
    %mul3A = arith.constant 100352 : i32
    %mul3A_0 = arith.muli %arg0, %mul3A : i32
    %mul3A_1 = arith.constant 6272 : i32
    %mul3A_2 = arith.muli %arg1, %mul3A_1 : i32
    %mul3A_3 = arith.constant 784 : i32
    %mul3A_4 = arith.muli %arg1, %mul3A_3 : i32
    %broadcast_in_dim3A = arith.constant 1.000000e+00 : f32
    %broadcast_in_dim3A_5 = vector.broadcast %broadcast_in_dim3A : f32 to vector<16xf32>
    %broadcast_in_dim3A_6 = arith.constant 0.000000e+00 : f32
    %broadcast_in_dim3A_7 = vector.broadcast %broadcast_in_dim3A_6 : f32 to vector<16xf32>
    %scan3A = arith.constant 0 : i32
    %scan3A_8 = arith.constant 8 : i32
    %scan3A_9 = arith.addi %scan3A, %scan3A_8 : i32
    %scan3A_10 = arith.constant 1 : i32
    scf.for %scan3A_642 = %scan3A to %scan3A_9 step %scan3A_10  : i32 {
      %mul3A_643 = arith.constant 1 : i32
      %mul3A_644 = arith.muli %scan3A_642, %mul3A_643 : i32
      %add3A_645 = arith.constant 0 : i32
      %add3A_646 = arith.addi %add3A_645, %mul3A_644 : i32
      %mul3A_647 = arith.constant 16 : i32
      %mul3A_648 = arith.muli %add3A_646, %mul3A_647 : i32
      %swap3A = arith.index_cast %mul3A_648 : i32 to index
      %swap3A_649 = tpu.vector_load %arg17[%swap3A] {strides = array<i32>} : memref<128xf32, #tpu.memory_space<vmem>>, vector<16xf32>,
      tpu.vector_store %arg17[%swap3A], %broadcast_in_dim3A_5 {strides = array<i32>} : memref<128xf32, #tpu.memory_space<vmem>>, vector<16xf32>,
    }
    %scan3A_11 = arith.constant 8 : i32
    %scan3A_12 = arith.constant 0 : i32
    %scan3A_13 = arith.constant 8 : i32
    %scan3A_14 = arith.addi %scan3A_12, %scan3A_13 : i32
    %scan3A_15 = arith.constant 1 : i32
    scf.for %scan3A_642 = %scan3A_12 to %scan3A_14 step %scan3A_15  : i32 {
      %mul3A_643 = arith.constant 1 : i32
      %mul3A_644 = arith.muli %scan3A_642, %mul3A_643 : i32
      %add3A_645 = arith.constant 0 : i32
      %add3A_646 = arith.addi %add3A_645, %mul3A_644 : i32
      %mul3A_647 = arith.constant 16 : i32
      %mul3A_648 = arith.muli %add3A_646, %mul3A_647 : i32
      %swap3A = arith.index_cast %mul3A_648 : i32 to index
      %swap3A_649 = tpu.vector_load %arg18[%swap3A] {strides = array<i32>} : memref<128xf32, #tpu.memory_space<vmem>>, vector<16xf32>,
      tpu.vector_store %arg18[%swap3A], %broadcast_in_dim3A_7 {strides = array<i32>} : memref<128xf32, #tpu.memory_space<vmem>>, vector<16xf32>,
    }
    %scan3A_16 = arith.constant 8 : i32
    %scan3A_17 = arith.constant 3 : i32
    %scan3A_18 = arith.constant 0 : i32
    %scan3A_19 = arith.constant 128 : i32
    %scan3A_20 = arith.addi %scan3A_18, %scan3A_19 : i32
    %scan3A_21 = arith.constant 1 : i32
    scf.for %scan3A_642 = %scan3A_18 to %scan3A_20 step %scan3A_21  : i32 {
      %mul3A_643 = arith.constant 1 : i32
      %mul3A_644 = arith.muli %scan3A_642, %mul3A_643 : i32
      %add3A_645 = arith.constant 0 : i32
      %add3A_646 = arith.addi %add3A_645, %mul3A_644 : i32
      %swap3A = arith.constant 0 : i32
      %swap3A_647 = arith.constant 0 : i32
      %swap3A_648 = tpu.memref_slice %arg15[%scan3A_17, %swap3A, %swap3A_647] : memref<4x128x16xf32, #tpu.memory_space<vmem>> -> memref<1x128x16xf32, #tpu.memory_space<vmem>>
      %swap3A_649 = tpu.memref_squeeze %swap3A_648 : memref<1x128x16xf32, #tpu.memory_space<vmem>> -> memref<128x16xf32, #tpu.memory_space<vmem>>
      %swap3A_650 = arith.index_cast %add3A_646 : i32 to index
      %swap3A_651 = arith.constant 0 : index
      %swap3A_652 = tpu.vector_load %swap3A_649[%swap3A_650, %swap3A_651] {strides = array<i32>} : memref<128x16xf32, #tpu.memory_space<vmem>>, vector<16xf32>,
      tpu.vector_store %swap3A_649[%swap3A_650, %swap3A_651], %broadcast_in_dim3A_7 {strides = array<i32>} : memref<128x16xf32, #tpu.memory_space<vmem>>, vector<16xf32>,
    }
    %scan3A_22 = arith.constant 128 : i32
    %scan3A_23 = arith.constant 3 : i32
    %scan3A_24 = arith.constant 0 : i32
    %scan3A_25 = arith.constant 49 : i32
    %scan3A_26 = arith.addi %scan3A_24, %scan3A_25 : i32
    %scan3A_27 = arith.constant 1 : i32
    scf.for %scan3A_642 = %scan3A_24 to %scan3A_26 step %scan3A_27  : i32 {
      %mul3A_643 = arith.constant 1 : i32
      %mul3A_644 = arith.muli %scan3A_642, %mul3A_643 : i32
      %add3A_645 = arith.constant 0 : i32
      %add3A_646 = arith.addi %add3A_645, %mul3A_644 : i32
      %mul3A_647 = arith.constant 128 : i32
      %mul3A_648 = arith.muli %add3A_646, %mul3A_647 : i32
      %add3A_649 = arith.addi %mul3A_2, %mul3A_648 : i32
      "tpu.region"() ({
        %run_scoped3A_650 = tpu.sem_alloc : memref<!tpu.dma_semaphore, #tpu.memory_space<semaphore_mem>>
        %dma_start3A_651 = arith.constant 0 : i32
        %dma_start3A_652 = arith.constant 0 : i32
        %dma_start3A_653 = tpu.memref_slice %arg15[%scan3A_23, %dma_start3A_651, %dma_start3A_652] : memref<4x128x16xf32, #tpu.memory_space<vmem>> -> memref<1x128x16xf32, #tpu.memory_space<vmem>>
        %dma_start3A_654 = tpu.memref_squeeze %dma_start3A_653 : memref<1x128x16xf32, #tpu.memory_space<vmem>> -> memref<128x16xf32, #tpu.memory_space<vmem>>
        %dma_start3A_655 = arith.constant 0 : i32
        %dma_start3A_656 = tpu.memref_slice %arg9[%add3A_649, %dma_start3A_655] : memref<100352x16xf32, #tpu.memory_space<vmem_shared>> -> memref<128x16xf32, #tpu.memory_space<vmem_shared>>
        %dma_start3A_657 = arith.constant 0 : i32
        %dma_start3A_658 = tpu.memref_slice %arg9[%add3A_649, %dma_start3A_657] : memref<100352x16xf32, #tpu.memory_space<vmem_shared>> -> memref<128x16xf32, #tpu.memory_space<vmem_shared>>
        %dma_start3A_659 = arith.constant 0 : i32
        %dma_start3A_660 = arith.constant 0 : i32
        %dma_start3A_661 = tpu.memref_slice %arg15[%scan3A_23, %dma_start3A_659, %dma_start3A_660] : memref<4x128x16xf32, #tpu.memory_space<vmem>> -> memref<1x128x16xf32, #tpu.memory_space<vmem>>
        %dma_start3A_662 = tpu.memref_squeeze %dma_start3A_661 : memref<1x128x16xf32, #tpu.memory_space<vmem>> -> memref<128x16xf32, #tpu.memory_space<vmem>>
        tpu.enqueue_dma source(%dma_start3A_662 : memref<128x16xf32, #tpu.memory_space<vmem>>) target(%dma_start3A_658 : memref<128x16xf32, #tpu.memory_space<vmem_shared>>) target_semaphore(%run_scoped3A_650 : memref<!tpu.dma_semaphore, #tpu.memory_space<semaphore_mem>>)
        %dma_wait3A_663 = arith.constant 0 : i32
        %dma_wait3A_664 = arith.constant 0 : i32
        %dma_wait3A_665 = tpu.memref_slice %arg15[%scan3A_23, %dma_wait3A_663, %dma_wait3A_664] : memref<4x128x16xf32, #tpu.memory_space<vmem>> -> memref<1x128x16xf32, #tpu.memory_space<vmem>>
        %dma_wait3A_666 = tpu.memref_squeeze %dma_wait3A_665 : memref<1x128x16xf32, #tpu.memory_space<vmem>> -> memref<128x16xf32, #tpu.memory_space<vmem>>
        %dma_wait3A_667 = arith.constant 0 : i32
        %dma_wait3A_668 = tpu.memref_slice %arg9[%add3A_649, %dma_wait3A_667] : memref<100352x16xf32, #tpu.memory_space<vmem_shared>> -> memref<128x16xf32, #tpu.memory_space<vmem_shared>>
        %dma_wait3A_669 = arith.constant 0 : i32
        %dma_wait3A_670 = tpu.memref_slice %arg9[%add3A_649, %dma_wait3A_669] : memref<100352x16xf32, #tpu.memory_space<vmem_shared>> -> memref<128x16xf32, #tpu.memory_space<vmem_shared>>
        %dma_wait3A_671 = arith.constant 0 : i32
        %dma_wait3A_672 = arith.constant 0 : i32
        %dma_wait3A_673 = tpu.memref_slice %arg15[%scan3A_23, %dma_wait3A_671, %dma_wait3A_672] : memref<4x128x16xf32, #tpu.memory_space<vmem>> -> memref<1x128x16xf32, #tpu.memory_space<vmem>>
        %dma_wait3A_674 = tpu.memref_squeeze %dma_wait3A_673 : memref<1x128x16xf32, #tpu.memory_space<vmem>> -> memref<128x16xf32, #tpu.memory_space<vmem>>
        tpu.wait_dma2 semaphore(%run_scoped3A_650 : memref<!tpu.dma_semaphore, #tpu.memory_space<semaphore_mem>>) src(%dma_wait3A_674 : memref<128x16xf32, #tpu.memory_space<vmem>>) dst(%dma_wait3A_670 : memref<128x16xf32, #tpu.memory_space<vmem_shared>>)
        tpu.yield
      }) : () -> ()
      "tpu.region"() ({
        %run_scoped3A_650 = tpu.sem_alloc : memref<!tpu.dma_semaphore, #tpu.memory_space<semaphore_mem>>
        %dma_start3A_651 = tpu.memref_slice %arg10[%add3A_649] : memref<100352xf32, #tpu.memory_space<vmem_shared>> -> memref<128xf32, #tpu.memory_space<vmem_shared>>
        %dma_start3A_652 = tpu.memref_slice %arg10[%add3A_649] : memref<100352xf32, #tpu.memory_space<vmem_shared>> -> memref<128xf32, #tpu.memory_space<vmem_shared>>
        tpu.enqueue_dma source(%arg18 : memref<128xf32, #tpu.memory_space<vmem>>) target(%dma_start3A_652 : memref<128xf32, #tpu.memory_space<vmem_shared>>) target_semaphore(%run_scoped3A_650 : memref<!tpu.dma_semaphore, #tpu.memory_space<semaphore_mem>>)
        %dma_wait3A_653 = tpu.memref_slice %arg10[%add3A_649] : memref<100352xf32, #tpu.memory_space<vmem_shared>> -> memref<128xf32, #tpu.memory_space<vmem_shared>>
        %dma_wait3A_654 = tpu.memref_slice %arg10[%add3A_649] : memref<100352xf32, #tpu.memory_space<vmem_shared>> -> memref<128xf32, #tpu.memory_space<vmem_shared>>
        tpu.wait_dma2 semaphore(%run_scoped3A_650 : memref<!tpu.dma_semaphore, #tpu.memory_space<semaphore_mem>>) src(%arg18 : memref<128xf32, #tpu.memory_space<vmem>>) dst(%dma_wait3A_654 : memref<128xf32, #tpu.memory_space<vmem_shared>>)
        tpu.yield
      }) : () -> ()
    }
    %scan3A_28 = arith.constant 49 : i32
    %barrier3A = arith.constant 0 : index
    tpu.barrier barrier_id(%barrier3A)
    "tpu.trace_start"() <{level = 10 : i32, message = "ph_deg"}> : () -> ()
    %add3A = arith.constant 0 : i32
    %add3A_29 = arith.addi %mul3A_4, %add3A : i32
    %min3A = arith.constant 12540 : i32
    %min3A_30 = arith.minsi %add3A_29, %min3A : i32
    %dma_start3A = arith.constant 0 : i32
    %dma_start3A_31 = tpu.memref_slice %arg2[%min3A_30, %dma_start3A] : memref<12544x128xi32, #tpu.memory_space<hbm>> -> memref<4x128xi32, #tpu.memory_space<hbm>>
    %dma_start3A_32 = arith.constant 0 : i32
    %dma_start3A_33 = tpu.memref_slice %arg2[%min3A_30, %dma_start3A_32] : memref<12544x128xi32, #tpu.memory_space<hbm>> -> memref<4x128xi32, #tpu.memory_space<hbm>>
    tpu.enqueue_dma source(%dma_start3A_33 : memref<4x128xi32, #tpu.memory_space<hbm>>) target(%arg11 : memref<4x128xi32, #tpu.memory_space<vmem>>) target_semaphore(%arg24 : memref<!tpu.dma_semaphore, #tpu.memory_space<semaphore_mem>>)
    %add3A_34 = arith.constant 4 : i32
    %add3A_35 = arith.addi %mul3A_4, %add3A_34 : i32
    %min3A_36 = arith.constant 12540 : i32
    %min3A_37 = arith.minsi %add3A_35, %min3A_36 : i32
    %dma_start3A_38 = arith.constant 0 : i32
    %dma_start3A_39 = tpu.memref_slice %arg2[%min3A_37, %dma_start3A_38] : memref<12544x128xi32, #tpu.memory_space<hbm>> -> memref<4x128xi32, #tpu.memory_space<hbm>>
    %dma_start3A_40 = arith.constant 0 : i32
    %dma_start3A_41 = tpu.memref_slice %arg2[%min3A_37, %dma_start3A_40] : memref<12544x128xi32, #tpu.memory_space<hbm>> -> memref<4x128xi32, #tpu.memory_space<hbm>>
    tpu.enqueue_dma source(%dma_start3A_41 : memref<4x128xi32, #tpu.memory_space<hbm>>) target(%arg12 : memref<4x128xi32, #tpu.memory_space<vmem>>) target_semaphore(%arg25 : memref<!tpu.dma_semaphore, #tpu.memory_space<semaphore_mem>>)
    %scan3A_42 = arith.constant 0 : i32
    %scan3A_43 = arith.constant 98 : i32
    %scan3A_44 = arith.addi %scan3A_42, %scan3A_43 : i32
    %scan3A_45 = arith.constant 1 : i32
    scf.for %scan3A_642 = %scan3A_42 to %scan3A_44 step %scan3A_45  : i32 {
      %mul3A_643 = arith.constant 1 : i32
      %mul3A_644 = arith.muli %scan3A_642, %mul3A_643 : i32
      %add3A_645 = arith.constant 0 : i32
      %add3A_646 = arith.addi %add3A_645, %mul3A_644 : i32
      %dma_wait3A_647 = arith.constant 0 : i32
      %dma_wait3A_648 = arith.constant 0 : i32
      %dma_wait3A_649 = tpu.memref_slice %arg2[%dma_wait3A_647, %dma_wait3A_648] : memref<12544x128xi32, #tpu.memory_space<hbm>> -> memref<4x128xi32, #tpu.memory_space<hbm>>
      %dma_wait3A_650 = arith.constant 0 : i32
      %dma_wait3A_651 = arith.constant 0 : i32
      %dma_wait3A_652 = tpu.memref_slice %arg2[%dma_wait3A_650, %dma_wait3A_651] : memref<12544x128xi32, #tpu.memory_space<hbm>> -> memref<4x128xi32, #tpu.memory_space<hbm>>
      tpu.wait_dma2 semaphore(%arg24 : memref<!tpu.dma_semaphore, #tpu.memory_space<semaphore_mem>>) src(%dma_wait3A_652 : memref<4x128xi32, #tpu.memory_space<hbm>>) dst(%arg11 : memref<4x128xi32, #tpu.memory_space<vmem>>)
      %dma_start3A_653 = arith.constant 0 : i32
      %dma_start3A_654 = arith.constant 0 : i32
      %dma_start3A_655 = tpu.memref_slice %arg11[%dma_start3A_653, %dma_start3A_654] : memref<4x128xi32, #tpu.memory_space<vmem>> -> memref<1x128xi32, #tpu.memory_space<vmem>>
      %dma_start3A_656 = tpu.memref_squeeze %dma_start3A_655 : memref<1x128xi32, #tpu.memory_space<vmem>> -> memref<128xi32, #tpu.memory_space<vmem>>
      %dma_start3A_657 = arith.constant 0 : i32
      %dma_start3A_658 = tpu.memref_slice %arg10[%dma_start3A_657] : memref<100352xf32, #tpu.memory_space<vmem_shared>> -> memref<100352xf32, #tpu.memory_space<vmem_shared>>
      tpu.enqueue_indirect_dma source(%arg17 : memref<128xf32, #tpu.memory_space<vmem>>) target(%dma_start3A_658 : memref<100352xf32, #tpu.memory_space<vmem_shared>>) offsets(%dma_start3A_656 : memref<128xi32, #tpu.memory_space<vmem>>) semaphore(%arg22 : memref<!tpu.dma_semaphore, #tpu.memory_space<semaphore_mem>>) {add = true}
      %dma_start3A_659 = arith.constant 1 : i32
      %dma_start3A_660 = arith.constant 0 : i32
      %dma_start3A_661 = tpu.memref_slice %arg11[%dma_start3A_659, %dma_start3A_660] : memref<4x128xi32, #tpu.memory_space<vmem>> -> memref<1x128xi32, #tpu.memory_space<vmem>>
      %dma_start3A_662 = tpu.memref_squeeze %dma_start3A_661 : memref<1x128xi32, #tpu.memory_space<vmem>> -> memref<128xi32, #tpu.memory_space<vmem>>
      %dma_start3A_663 = arith.constant 0 : i32
      %dma_start3A_664 = tpu.memref_slice %arg10[%dma_start3A_663] : memref<100352xf32, #tpu.memory_space<vmem_shared>> -> memref<100352xf32, #tpu.memory_space<vmem_shared>>
      tpu.enqueue_indirect_dma source(%arg17 : memref<128xf32, #tpu.memory_space<vmem>>) target(%dma_start3A_664 : memref<100352xf32, #tpu.memory_space<vmem_shared>>) offsets(%dma_start3A_662 : memref<128xi32, #tpu.memory_space<vmem>>) semaphore(%arg22 : memref<!tpu.dma_semaphore, #tpu.memory_space<semaphore_mem>>) {add = true}
      %dma_start3A_665 = arith.constant 2 : i32
      %dma_start3A_666 = arith.constant 0 : i32
      %dma_start3A_667 = tpu.memref_slice %arg11[%dma_start3A_665, %dma_start3A_666] : memref<4x128xi32, #tpu.memory_space<vmem>> -> memref<1x128xi32, #tpu.memory_space<vmem>>
      %dma_start3A_668 = tpu.memref_squeeze %dma_start3A_667 : memref<1x128xi32, #tpu.memory_space<vmem>> -> memref<128xi32, #tpu.memory_space<vmem>>
      %dma_start3A_669 = arith.constant 0 : i32
      %dma_start3A_670 = tpu.memref_slice %arg10[%dma_start3A_669] : memref<100352xf32, #tpu.memory_space<vmem_shared>> -> memref<100352xf32, #tpu.memory_space<vmem_shared>>
      tpu.enqueue_indirect_dma source(%arg17 : memref<128xf32, #tpu.memory_space<vmem>>) target(%dma_start3A_670 : memref<100352xf32, #tpu.memory_space<vmem_shared>>) offsets(%dma_start3A_668 : memref<128xi32, #tpu.memory_space<vmem>>) semaphore(%arg22 : memref<!tpu.dma_semaphore, #tpu.memory_space<semaphore_mem>>) {add = true}
      %dma_start3A_671 = arith.constant 3 : i32
      %dma_start3A_672 = arith.constant 0 : i32
      %dma_start3A_673 = tpu.memref_slice %arg11[%dma_start3A_671, %dma_start3A_672] : memref<4x128xi32, #tpu.memory_space<vmem>> -> memref<1x128xi32, #tpu.memory_space<vmem>>
      %dma_start3A_674 = tpu.memref_squeeze %dma_start3A_673 : memref<1x128xi32, #tpu.memory_space<vmem>> -> memref<128xi32, #tpu.memory_space<vmem>>
      %dma_start3A_675 = arith.constant 0 : i32
      %dma_start3A_676 = tpu.memref_slice %arg10[%dma_start3A_675] : memref<100352xf32, #tpu.memory_space<vmem_shared>> -> memref<100352xf32, #tpu.memory_space<vmem_shared>>
      tpu.enqueue_indirect_dma source(%arg17 : memref<128xf32, #tpu.memory_space<vmem>>) target(%dma_start3A_676 : memref<100352xf32, #tpu.memory_space<vmem_shared>>) offsets(%dma_start3A_674 : memref<128xi32, #tpu.memory_space<vmem>>) semaphore(%arg22 : memref<!tpu.dma_semaphore, #tpu.memory_space<semaphore_mem>>) {add = true}
      %dma_wait3A_677 = arith.constant 0 : i32
      %dma_wait3A_678 = arith.constant 0 : i32
      %dma_wait3A_679 = tpu.memref_slice %arg2[%dma_wait3A_677, %dma_wait3A_678] : memref<12544x128xi32, #tpu.memory_space<hbm>> -> memref<4x128xi32, #tpu.memory_space<hbm>>
      %dma_wait3A_680 = arith.constant 0 : i32
      %dma_wait3A_681 = arith.constant 0 : i32
      %dma_wait3A_682 = tpu.memref_slice %arg2[%dma_wait3A_680, %dma_wait3A_681] : memref<12544x128xi32, #tpu.memory_space<hbm>> -> memref<4x128xi32, #tpu.memory_space<hbm>>
      tpu.wait_dma2 semaphore(%arg25 : memref<!tpu.dma_semaphore, #tpu.memory_space<semaphore_mem>>) src(%dma_wait3A_682 : memref<4x128xi32, #tpu.memory_space<hbm>>) dst(%arg12 : memref<4x128xi32, #tpu.memory_space<vmem>>)
      %dma_start3A_683 = arith.constant 0 : i32
      %dma_start3A_684 = arith.constant 0 : i32
      %dma_start3A_685 = tpu.memref_slice %arg12[%dma_start3A_683, %dma_start3A_684] : memref<4x128xi32, #tpu.memory_space<vmem>> -> memref<1x128xi32, #tpu.memory_space<vmem>>
      %dma_start3A_686 = tpu.memref_squeeze %dma_start3A_685 : memref<1x128xi32, #tpu.memory_space<vmem>> -> memref<128xi32, #tpu.memory_space<vmem>>
      %dma_start3A_687 = arith.constant 0 : i32
      %dma_start3A_688 = tpu.memref_slice %arg10[%dma_start3A_687] : memref<100352xf32, #tpu.memory_space<vmem_shared>> -> memref<100352xf32, #tpu.memory_space<vmem_shared>>
      tpu.enqueue_indirect_dma source(%arg17 : memref<128xf32, #tpu.memory_space<vmem>>) target(%dma_start3A_688 : memref<100352xf32, #tpu.memory_space<vmem_shared>>) offsets(%dma_start3A_686 : memref<128xi32, #tpu.memory_space<vmem>>) semaphore(%arg23 : memref<!tpu.dma_semaphore, #tpu.memory_space<semaphore_mem>>) {add = true}
      %dma_start3A_689 = arith.constant 1 : i32
      %dma_start3A_690 = arith.constant 0 : i32
      %dma_start3A_691 = tpu.memref_slice %arg12[%dma_start3A_689, %dma_start3A_690] : memref<4x128xi32, #tpu.memory_space<vmem>> -> memref<1x128xi32, #tpu.memory_space<vmem>>
      %dma_start3A_692 = tpu.memref_squeeze %dma_start3A_691 : memref<1x128xi32, #tpu.memory_space<vmem>> -> memref<128xi32, #tpu.memory_space<vmem>>
      %dma_start3A_693 = arith.constant 0 : i32
      %dma_start3A_694 = tpu.memref_slice %arg10[%dma_start3A_693] : memref<100352xf32, #tpu.memory_space<vmem_shared>> -> memref<100352xf32, #tpu.memory_space<vmem_shared>>
      tpu.enqueue_indirect_dma source(%arg17 : memref<128xf32, #tpu.memory_space<vmem>>) target(%dma_start3A_694 : memref<100352xf32, #tpu.memory_space<vmem_shared>>) offsets(%dma_start3A_692 : memref<128xi32, #tpu.memory_space<vmem>>) semaphore(%arg23 : memref<!tpu.dma_semaphore, #tpu.memory_space<semaphore_mem>>) {add = true}
      %dma_start3A_695 = arith.constant 2 : i32
      %dma_start3A_696 = arith.constant 0 : i32
      %dma_start3A_697 = tpu.memref_slice %arg12[%dma_start3A_695, %dma_start3A_696] : memref<4x128xi32, #tpu.memory_space<vmem>> -> memref<1x128xi32, #tpu.memory_space<vmem>>
      %dma_start3A_698 = tpu.memref_squeeze %dma_start3A_697 : memref<1x128xi32, #tpu.memory_space<vmem>> -> memref<128xi32, #tpu.memory_space<vmem>>
      %dma_start3A_699 = arith.constant 0 : i32
      %dma_start3A_700 = tpu.memref_slice %arg10[%dma_start3A_699] : memref<100352xf32, #tpu.memory_space<vmem_shared>> -> memref<100352xf32, #tpu.memory_space<vmem_shared>>
      tpu.enqueue_indirect_dma source(%arg17 : memref<128xf32, #tpu.memory_space<vmem>>) target(%dma_start3A_700 : memref<100352xf32, #tpu.memory_space<vmem_shared>>) offsets(%dma_start3A_698 : memref<128xi32, #tpu.memory_space<vmem>>) semaphore(%arg23 : memref<!tpu.dma_semaphore, #tpu.memory_space<semaphore_mem>>) {add = true}
      %dma_start3A_701 = arith.constant 3 : i32
      %dma_start3A_702 = arith.constant 0 : i32
      %dma_start3A_703 = tpu.memref_slice %arg12[%dma_start3A_701, %dma_start3A_702] : memref<4x128xi32, #tpu.memory_space<vmem>> -> memref<1x128xi32, #tpu.memory_space<vmem>>
      %dma_start3A_704 = tpu.memref_squeeze %dma_start3A_703 : memref<1x128xi32, #tpu.memory_space<vmem>> -> memref<128xi32, #tpu.memory_space<vmem>>
      %dma_start3A_705 = arith.constant 0 : i32
      %dma_start3A_706 = tpu.memref_slice %arg10[%dma_start3A_705] : memref<100352xf32, #tpu.memory_space<vmem_shared>> -> memref<100352xf32, #tpu.memory_space<vmem_shared>>
      tpu.enqueue_indirect_dma source(%arg17 : memref<128xf32, #tpu.memory_space<vmem>>) target(%dma_start3A_706 : memref<100352xf32, #tpu.memory_space<vmem_shared>>) offsets(%dma_start3A_704 : memref<128xi32, #tpu.memory_space<vmem>>) semaphore(%arg23 : memref<!tpu.dma_semaphore, #tpu.memory_space<semaphore_mem>>) {add = true}
      %dma_wait3A_707 = arith.constant 0 : i32
      %dma_wait3A_708 = arith.constant 0 : i32
      %dma_wait3A_709 = tpu.memref_slice %arg11[%dma_wait3A_707, %dma_wait3A_708] : memref<4x128xi32, #tpu.memory_space<vmem>> -> memref<1x128xi32, #tpu.memory_space<vmem>>
      %dma_wait3A_710 = tpu.memref_squeeze %dma_wait3A_709 : memref<1x128xi32, #tpu.memory_space<vmem>> -> memref<128xi32, #tpu.memory_space<vmem>>
      %dma_wait3A_711 = arith.constant 0 : i32
      %dma_wait3A_712 = tpu.memref_slice %arg10[%dma_wait3A_711] : memref<100352xf32, #tpu.memory_space<vmem_shared>> -> memref<100352xf32, #tpu.memory_space<vmem_shared>>
      tpu.wait_indirect_dma semaphore(%arg22 : memref<!tpu.dma_semaphore, #tpu.memory_space<semaphore_mem>>) src(%arg17 : memref<128xf32, #tpu.memory_space<vmem>>) dst(%dma_wait3A_712 : memref<100352xf32, #tpu.memory_space<vmem_shared>>)
      %dma_wait3A_713 = arith.constant 1 : i32
      %dma_wait3A_714 = arith.constant 0 : i32
      %dma_wait3A_715 = tpu.memref_slice %arg11[%dma_wait3A_713, %dma_wait3A_714] : memref<4x128xi32, #tpu.memory_space<vmem>> -> memref<1x128xi32, #tpu.memory_space<vmem>>
      %dma_wait3A_716 = tpu.memref_squeeze %dma_wait3A_715 : memref<1x128xi32, #tpu.memory_space<vmem>> -> memref<128xi32, #tpu.memory_space<vmem>>
      %dma_wait3A_717 = arith.constant 0 : i32
      %dma_wait3A_718 = tpu.memref_slice %arg10[%dma_wait3A_717] : memref<100352xf32, #tpu.memory_space<vmem_shared>> -> memref<100352xf32, #tpu.memory_space<vmem_shared>>
      tpu.wait_indirect_dma semaphore(%arg22 : memref<!tpu.dma_semaphore, #tpu.memory_space<semaphore_mem>>) src(%arg17 : memref<128xf32, #tpu.memory_space<vmem>>) dst(%dma_wait3A_718 : memref<100352xf32, #tpu.memory_space<vmem_shared>>)
      %dma_wait3A_719 = arith.constant 2 : i32
      %dma_wait3A_720 = arith.constant 0 : i32
      %dma_wait3A_721 = tpu.memref_slice %arg11[%dma_wait3A_719, %dma_wait3A_720] : memref<4x128xi32, #tpu.memory_space<vmem>> -> memref<1x128xi32, #tpu.memory_space<vmem>>
      %dma_wait3A_722 = tpu.memref_squeeze %dma_wait3A_721 : memref<1x128xi32, #tpu.memory_space<vmem>> -> memref<128xi32, #tpu.memory_space<vmem>>
      %dma_wait3A_723 = arith.constant 0 : i32
      %dma_wait3A_724 = tpu.memref_slice %arg10[%dma_wait3A_723] : memref<100352xf32, #tpu.memory_space<vmem_shared>> -> memref<100352xf32, #tpu.memory_space<vmem_shared>>
      tpu.wait_indirect_dma semaphore(%arg22 : memref<!tpu.dma_semaphore, #tpu.memory_space<semaphore_mem>>) src(%arg17 : memref<128xf32, #tpu.memory_space<vmem>>) dst(%dma_wait3A_724 : memref<100352xf32, #tpu.memory_space<vmem_shared>>)
      %dma_wait3A_725 = arith.constant 3 : i32
      %dma_wait3A_726 = arith.constant 0 : i32
      %dma_wait3A_727 = tpu.memref_slice %arg11[%dma_wait3A_725, %dma_wait3A_726] : memref<4x128xi32, #tpu.memory_space<vmem>> -> memref<1x128xi32, #tpu.memory_space<vmem>>
      %dma_wait3A_728 = tpu.memref_squeeze %dma_wait3A_727 : memref<1x128xi32, #tpu.memory_space<vmem>> -> memref<128xi32, #tpu.memory_space<vmem>>
      %dma_wait3A_729 = arith.constant 0 : i32
      %dma_wait3A_730 = tpu.memref_slice %arg10[%dma_wait3A_729] : memref<100352xf32, #tpu.memory_space<vmem_shared>> -> memref<100352xf32, #tpu.memory_space<vmem_shared>>
      tpu.wait_indirect_dma semaphore(%arg22 : memref<!tpu.dma_semaphore, #tpu.memory_space<semaphore_mem>>) src(%arg17 : memref<128xf32, #tpu.memory_space<vmem>>) dst(%dma_wait3A_730 : memref<100352xf32, #tpu.memory_space<vmem_shared>>)
      %mul3A_731 = arith.constant 2 : i32
      %mul3A_732 = arith.muli %mul3A_731, %add3A_646 : i32
      %add3A_733 = arith.constant 2 : i32
      %add3A_734 = arith.addi %mul3A_732, %add3A_733 : i32
      %add3A_735 = arith.constant 0 : i32
      %add3A_736 = arith.addi %add3A_734, %add3A_735 : i32
      %mul3A_737 = arith.constant 4 : i32
      %mul3A_738 = arith.muli %add3A_736, %mul3A_737 : i32
      %add3A_739 = arith.addi %mul3A_4, %mul3A_738 : i32
      %min3A_740 = arith.constant 12540 : i32
      %min3A_741 = arith.minsi %add3A_739, %min3A_740 : i32
      %dma_start3A_742 = arith.constant 0 : i32
      %dma_start3A_743 = tpu.memref_slice %arg2[%min3A_741, %dma_start3A_742] : memref<12544x128xi32, #tpu.memory_space<hbm>> -> memref<4x128xi32, #tpu.memory_space<hbm>>
      %dma_start3A_744 = arith.constant 0 : i32
      %dma_start3A_745 = tpu.memref_slice %arg2[%min3A_741, %dma_start3A_744] : memref<12544x128xi32, #tpu.memory_space<hbm>> -> memref<4x128xi32, #tpu.memory_space<hbm>>
      tpu.enqueue_dma source(%dma_start3A_745 : memref<4x128xi32, #tpu.memory_space<hbm>>) target(%arg11 : memref<4x128xi32, #tpu.memory_space<vmem>>) target_semaphore(%arg24 : memref<!tpu.dma_semaphore, #tpu.memory_space<semaphore_mem>>)
      %dma_wait3A_746 = arith.constant 0 : i32
      %dma_wait3A_747 = arith.constant 0 : i32
      %dma_wait3A_748 = tpu.memref_slice %arg12[%dma_wait3A_746, %dma_wait3A_747] : memref<4x128xi32, #tpu.memory_space<vmem>> -> memref<1x128xi32, #tpu.memory_space<vmem>>
      %dma_wait3A_749 = tpu.memref_squeeze %dma_wait3A_748 : memref<1x128xi32, #tpu.memory_space<vmem>> -> memref<128xi32, #tpu.memory_space<vmem>>
      %dma_wait3A_750 = arith.constant 0 : i32
      %dma_wait3A_751 = tpu.memref_slice %arg10[%dma_wait3A_750] : memref<100352xf32, #tpu.memory_space<vmem_shared>> -> memref<100352xf32, #tpu.memory_space<vmem_shared>>
      tpu.wait_indirect_dma semaphore(%arg23 : memref<!tpu.dma_semaphore, #tpu.memory_space<semaphore_mem>>) src(%arg17 : memref<128xf32, #tpu.memory_space<vmem>>) dst(%dma_wait3A_751 : memref<100352xf32, #tpu.memory_space<vmem_shared>>)
      %dma_wait3A_752 = arith.constant 1 : i32
      %dma_wait3A_753 = arith.constant 0 : i32
      %dma_wait3A_754 = tpu.memref_slice %arg12[%dma_wait3A_752, %dma_wait3A_753] : memref<4x128xi32, #tpu.memory_space<vmem>> -> memref<1x128xi32, #tpu.memory_space<vmem>>
      %dma_wait3A_755 = tpu.memref_squeeze %dma_wait3A_754 : memref<1x128xi32, #tpu.memory_space<vmem>> -> memref<128xi32, #tpu.memory_space<vmem>>
      %dma_wait3A_756 = arith.constant 0 : i32
      %dma_wait3A_757 = tpu.memref_slice %arg10[%dma_wait3A_756] : memref<100352xf32, #tpu.memory_space<vmem_shared>> -> memref<100352xf32, #tpu.memory_space<vmem_shared>>
      tpu.wait_indirect_dma semaphore(%arg23 : memref<!tpu.dma_semaphore, #tpu.memory_space<semaphore_mem>>) src(%arg17 : memref<128xf32, #tpu.memory_space<vmem>>) dst(%dma_wait3A_757 : memref<100352xf32, #tpu.memory_space<vmem_shared>>)
      %dma_wait3A_758 = arith.constant 2 : i32
      %dma_wait3A_759 = arith.constant 0 : i32
      %dma_wait3A_760 = tpu.memref_slice %arg12[%dma_wait3A_758, %dma_wait3A_759] : memref<4x128xi32, #tpu.memory_space<vmem>> -> memref<1x128xi32, #tpu.memory_space<vmem>>
      %dma_wait3A_761 = tpu.memref_squeeze %dma_wait3A_760 : memref<1x128xi32, #tpu.memory_space<vmem>> -> memref<128xi32, #tpu.memory_space<vmem>>
      %dma_wait3A_762 = arith.constant 0 : i32
      %dma_wait3A_763 = tpu.memref_slice %arg10[%dma_wait3A_762] : memref<100352xf32, #tpu.memory_space<vmem_shared>> -> memref<100352xf32, #tpu.memory_space<vmem_shared>>
      tpu.wait_indirect_dma semaphore(%arg23 : memref<!tpu.dma_semaphore, #tpu.memory_space<semaphore_mem>>) src(%arg17 : memref<128xf32, #tpu.memory_space<vmem>>) dst(%dma_wait3A_763 : memref<100352xf32, #tpu.memory_space<vmem_shared>>)
      %dma_wait3A_764 = arith.constant 3 : i32
      %dma_wait3A_765 = arith.constant 0 : i32
      %dma_wait3A_766 = tpu.memref_slice %arg12[%dma_wait3A_764, %dma_wait3A_765] : memref<4x128xi32, #tpu.memory_space<vmem>> -> memref<1x128xi32, #tpu.memory_space<vmem>>
      %dma_wait3A_767 = tpu.memref_squeeze %dma_wait3A_766 : memref<1x128xi32, #tpu.memory_space<vmem>> -> memref<128xi32, #tpu.memory_space<vmem>>
      %dma_wait3A_768 = arith.constant 0 : i32
      %dma_wait3A_769 = tpu.memref_slice %arg10[%dma_wait3A_768] : memref<100352xf32, #tpu.memory_space<vmem_shared>> -> memref<100352xf32, #tpu.memory_space<vmem_shared>>
      tpu.wait_indirect_dma semaphore(%arg23 : memref<!tpu.dma_semaphore, #tpu.memory_space<semaphore_mem>>) src(%arg17 : memref<128xf32, #tpu.memory_space<vmem>>) dst(%dma_wait3A_769 : memref<100352xf32, #tpu.memory_space<vmem_shared>>)
      %mul3A_770 = arith.constant 2 : i32
      %mul3A_771 = arith.muli %mul3A_770, %add3A_646 : i32
      %add3A_772 = arith.constant 2 : i32
      %add3A_773 = arith.addi %mul3A_771, %add3A_772 : i32
      %add3A_774 = arith.constant 1 : i32
      %add3A_775 = arith.addi %add3A_773, %add3A_774 : i32
      %mul3A_776 = arith.constant 4 : i32
      %mul3A_777 = arith.muli %add3A_775, %mul3A_776 : i32
      %add3A_778 = arith.addi %mul3A_4, %mul3A_777 : i32
      %min3A_779 = arith.constant 12540 : i32
      %min3A_780 = arith.minsi %add3A_778, %min3A_779 : i32
      %dma_start3A_781 = arith.constant 0 : i32
      %dma_start3A_782 = tpu.memref_slice %arg2[%min3A_780, %dma_start3A_781] : memref<12544x128xi32, #tpu.memory_space<hbm>> -> memref<4x128xi32, #tpu.memory_space<hbm>>
      %dma_start3A_783 = arith.constant 0 : i32
      %dma_start3A_784 = tpu.memref_slice %arg2[%min3A_780, %dma_start3A_783] : memref<12544x128xi32, #tpu.memory_space<hbm>> -> memref<4x128xi32, #tpu.memory_space<hbm>>
      tpu.enqueue_dma source(%dma_start3A_784 : memref<4x128xi32, #tpu.memory_space<hbm>>) target(%arg12 : memref<4x128xi32, #tpu.memory_space<vmem>>) target_semaphore(%arg25 : memref<!tpu.dma_semaphore, #tpu.memory_space<semaphore_mem>>)
    }
    %scan3A_46 = arith.constant 98 : i32
    %dma_wait3A = arith.constant 0 : i32
    %dma_wait3A_47 = arith.constant 0 : i32
    %dma_wait3A_48 = tpu.memref_slice %arg2[%dma_wait3A, %dma_wait3A_47] : memref<12544x128xi32, #tpu.memory_space<hbm>> -> memref<4x128xi32, #tpu.memory_space<hbm>>
    %dma_wait3A_49 = arith.constant 0 : i32
    %dma_wait3A_50 = arith.constant 0 : i32
    %dma_wait3A_51 = tpu.memref_slice %arg2[%dma_wait3A_49, %dma_wait3A_50] : memref<12544x128xi32, #tpu.memory_space<hbm>> -> memref<4x128xi32, #tpu.memory_space<hbm>>
    tpu.wait_dma2 semaphore(%arg24 : memref<!tpu.dma_semaphore, #tpu.memory_space<semaphore_mem>>) src(%dma_wait3A_51 : memref<4x128xi32, #tpu.memory_space<hbm>>) dst(%arg11 : memref<4x128xi32, #tpu.memory_space<vmem>>)
    %dma_wait3A_52 = arith.constant 0 : i32
    %dma_wait3A_53 = arith.constant 0 : i32
    %dma_wait3A_54 = tpu.memref_slice %arg2[%dma_wait3A_52, %dma_wait3A_53] : memref<12544x128xi32, #tpu.memory_space<hbm>> -> memref<4x128xi32, #tpu.memory_space<hbm>>
    %dma_wait3A_55 = arith.constant 0 : i32
    %dma_wait3A_56 = arith.constant 0 : i32
    %dma_wait3A_57 = tpu.memref_slice %arg2[%dma_wait3A_55, %dma_wait3A_56] : memref<12544x128xi32, #tpu.memory_space<hbm>> -> memref<4x128xi32, #tpu.memory_space<hbm>>
    tpu.wait_dma2 semaphore(%arg25 : memref<!tpu.dma_semaphore, #tpu.memory_space<semaphore_mem>>) src(%dma_wait3A_57 : memref<4x128xi32, #tpu.memory_space<hbm>>) dst(%arg12 : memref<4x128xi32, #tpu.memory_space<vmem>>)
    "tpu.trace_stop"() : () -> ()
    %barrier3A_58 = arith.constant 0 : index
    tpu.barrier barrier_id(%barrier3A_58)
    "tpu.trace_start"() <{level = 10 : i32, message = "ph_prep"}> : () -> ()
    %add3A_59 = arith.constant 0 : i32
    %add3A_60 = arith.addi %mul3A_2, %add3A_59 : i32
    %dma_start3A_61 = arith.constant 0 : i32
    %dma_start3A_62 = arith.constant 0 : i32
    %dma_start3A_63 = arith.constant 0 : i32
    %dma_start3A_64 = tpu.memref_slice %arg16[%dma_start3A_61, %dma_start3A_62, %dma_start3A_63] : memref<4x128x16xf32, #tpu.memory_space<vmem>> -> memref<1x128x16xf32, #tpu.memory_space<vmem>>
    %dma_start3A_65 = tpu.memref_squeeze %dma_start3A_64 : memref<1x128x16xf32, #tpu.memory_space<vmem>> -> memref<128x16xf32, #tpu.memory_space<vmem>>
    %dma_start3A_66 = arith.constant 0 : i32
    %dma_start3A_67 = tpu.memref_slice %arg4[%arg0, %add3A_60, %dma_start3A_66] : memref<2x100352x16xf32, #tpu.memory_space<hbm>> -> memref<1x128x16xf32, #tpu.memory_space<hbm>>
    %dma_start3A_68 = tpu.memref_squeeze %dma_start3A_67 : memref<1x128x16xf32, #tpu.memory_space<hbm>> -> memref<128x16xf32, #tpu.memory_space<hbm>>
    %dma_start3A_69 = arith.constant 0 : i32
    %dma_start3A_70 = arith.constant 0 : i32
    %dma_start3A_71 = tpu.memref_slice %arg16[%dma_start3A_61, %dma_start3A_69, %dma_start3A_70] : memref<4x128x16xf32, #tpu.memory_space<vmem>> -> memref<1x128x16xf32, #tpu.memory_space<vmem>>
    %dma_start3A_72 = tpu.memref_squeeze %dma_start3A_71 : memref<1x128x16xf32, #tpu.memory_space<vmem>> -> memref<128x16xf32, #tpu.memory_space<vmem>>
    %dma_start3A_73 = arith.constant 0 : i32
    %dma_start3A_74 = tpu.memref_slice %arg4[%arg0, %add3A_60, %dma_start3A_73] : memref<2x100352x16xf32, #tpu.memory_space<hbm>> -> memref<1x128x16xf32, #tpu.memory_space<hbm>>
    %dma_start3A_75 = tpu.memref_squeeze %dma_start3A_74 : memref<1x128x16xf32, #tpu.memory_space<hbm>> -> memref<128x16xf32, #tpu.memory_space<hbm>>
    tpu.enqueue_dma source(%dma_start3A_75 : memref<128x16xf32, #tpu.memory_space<hbm>>) target(%dma_start3A_72 : memref<128x16xf32, #tpu.memory_space<vmem>>) target_semaphore(%arg28 : memref<!tpu.dma_semaphore, #tpu.memory_space<semaphore_mem>>)
    "tpu.region"() ({
      %run_scoped3A_642 = tpu.sem_alloc : memref<!tpu.dma_semaphore, #tpu.memory_space<semaphore_mem>>
      %dma_start3A_643 = tpu.memref_slice %arg10[%add3A_60] : memref<100352xf32, #tpu.memory_space<vmem_shared>> -> memref<128xf32, #tpu.memory_space<vmem_shared>>
      %dma_start3A_644 = tpu.memref_slice %arg10[%add3A_60] : memref<100352xf32, #tpu.memory_space<vmem_shared>> -> memref<128xf32, #tpu.memory_space<vmem_shared>>
      tpu.enqueue_dma source(%dma_start3A_644 : memref<128xf32, #tpu.memory_space<vmem_shared>>) target(%arg19 : memref<128xf32, #tpu.memory_space<vmem>>) target_semaphore(%run_scoped3A_642 : memref<!tpu.dma_semaphore, #tpu.memory_space<semaphore_mem>>)
      %dma_wait3A_645 = tpu.memref_slice %arg10[%add3A_60] : memref<100352xf32, #tpu.memory_space<vmem_shared>> -> memref<128xf32, #tpu.memory_space<vmem_shared>>
      %dma_wait3A_646 = tpu.memref_slice %arg10[%add3A_60] : memref<100352xf32, #tpu.memory_space<vmem_shared>> -> memref<128xf32, #tpu.memory_space<vmem_shared>>
      tpu.wait_dma2 semaphore(%run_scoped3A_642 : memref<!tpu.dma_semaphore, #tpu.memory_space<semaphore_mem>>) src(%dma_wait3A_646 : memref<128xf32, #tpu.memory_space<vmem_shared>>) dst(%arg19 : memref<128xf32, #tpu.memory_space<vmem>>)
      tpu.yield
    }) : () -> ()
    %scan3A_76 = arith.constant 0 : i32
    %scan3A_77 = arith.constant 8 : i32
    %scan3A_78 = arith.addi %scan3A_76, %scan3A_77 : i32
    %scan3A_79 = arith.constant 1 : i32
    scf.for %scan3A_642 = %scan3A_76 to %scan3A_78 step %scan3A_79  : i32 {
      %mul3A_643 = arith.constant 1 : i32
      %mul3A_644 = arith.muli %scan3A_642, %mul3A_643 : i32
      %add3A_645 = arith.constant 0 : i32
      %add3A_646 = arith.addi %add3A_645, %mul3A_644 : i32
      %mul3A_647 = arith.constant 16 : i32
      %mul3A_648 = arith.muli %add3A_646, %mul3A_647 : i32
      %get3A = arith.index_cast %mul3A_648 : i32 to index
      %get3A_649 = tpu.vector_load %arg19[%get3A] {strides = array<i32>} : memref<128xf32, #tpu.memory_space<vmem>>, vector<16xf32>,
      %bitcast_convert_type3A = tpu.bitcast %get3A_649 : vector<16xf32> -> vector<16xi32>
      %shift_right_arithmetic3A = arith.constant 1 : i32
      %shift_right_arithmetic3A_650 = vector.broadcast %shift_right_arithmetic3A : i32 to vector<16xi32>
      %shift_right_arithmetic3A_651 = arith.shrsi %bitcast_convert_type3A, %shift_right_arithmetic3A_650 : vector<16xi32>
      %sub3A = arith.constant 1597463007 : i32
      %sub3A_652 = vector.broadcast %sub3A : i32 to vector<16xi32>
      %sub3A_653 = arith.subi %sub3A_652, %shift_right_arithmetic3A_651 : vector<16xi32>
      %bitcast_convert_type3A_654 = tpu.bitcast %sub3A_653 : vector<16xi32> -> vector<16xf32>
      %mul3A_655 = arith.constant 5.000000e-01 : f32
      %mul3A_656 = vector.broadcast %mul3A_655 : f32 to vector<16xf32>
      %mul3A_657 = arith.mulf %get3A_649, %mul3A_656 : vector<16xf32>
      %mul3A_658 = arith.mulf %mul3A_657, %bitcast_convert_type3A_654 : vector<16xf32>
      %mul3A_659 = arith.mulf %mul3A_658, %bitcast_convert_type3A_654 : vector<16xf32>
      %sub3A_660 = arith.constant 1.500000e+00 : f32
      %sub3A_661 = vector.broadcast %sub3A_660 : f32 to vector<16xf32>
      %sub3A_662 = arith.subf %sub3A_661, %mul3A_659 : vector<16xf32>
      %mul3A_663 = arith.mulf %bitcast_convert_type3A_654, %sub3A_662 : vector<16xf32>
      %mul3A_664 = arith.mulf %mul3A_657, %mul3A_663 : vector<16xf32>
      %mul3A_665 = arith.mulf %mul3A_664, %mul3A_663 : vector<16xf32>
      %sub3A_666 = arith.constant 1.500000e+00 : f32
      %sub3A_667 = vector.broadcast %sub3A_666 : f32 to vector<16xf32>
      %sub3A_668 = arith.subf %sub3A_667, %mul3A_665 : vector<16xf32>
      %mul3A_669 = arith.mulf %mul3A_663, %sub3A_668 : vector<16xf32>
      %mul3A_670 = arith.mulf %mul3A_657, %mul3A_669 : vector<16xf32>
      %mul3A_671 = arith.mulf %mul3A_670, %mul3A_669 : vector<16xf32>
      %sub3A_672 = arith.constant 1.500000e+00 : f32
      %sub3A_673 = vector.broadcast %sub3A_672 : f32 to vector<16xf32>
      %sub3A_674 = arith.subf %sub3A_673, %mul3A_671 : vector<16xf32>
      %mul3A_675 = arith.mulf %mul3A_669, %sub3A_674 : vector<16xf32>
      %gt3A = arith.constant 5.000000e-01 : f32
      %gt3A_676 = vector.broadcast %gt3A : f32 to vector<16xf32>
      %gt3A_677 = arith.cmpf ogt, %get3A_649, %gt3A_676 : vector<16xf32>
      %broadcast_in_dim3A_678 = arith.constant 0.000000e+00 : f32
      %broadcast_in_dim3A_679 = vector.broadcast %broadcast_in_dim3A_678 : f32 to vector<16xf32>
      %select_n3A = arith.select %gt3A_677, %mul3A_675, %broadcast_in_dim3A_679 : vector<16xi1>, vector<16xf32>
      %mul3A_680 = arith.constant 16 : i32
      %mul3A_681 = arith.muli %add3A_646, %mul3A_680 : i32
      %swap3A = arith.index_cast %mul3A_681 : i32 to index
      %swap3A_682 = tpu.vector_load %arg19[%swap3A] {strides = array<i32>} : memref<128xf32, #tpu.memory_space<vmem>>, vector<16xf32>,
      tpu.vector_store %arg19[%swap3A], %select_n3A {strides = array<i32>} : memref<128xf32, #tpu.memory_space<vmem>>, vector<16xf32>,
    }
    %scan3A_80 = arith.constant 8 : i32
    "tpu.region"() ({
      %run_scoped3A_642 = tpu.sem_alloc : memref<!tpu.dma_semaphore, #tpu.memory_space<semaphore_mem>>
      %dma_start3A_643 = tpu.memref_slice %arg10[%add3A_60] : memref<100352xf32, #tpu.memory_space<vmem_shared>> -> memref<128xf32, #tpu.memory_space<vmem_shared>>
      %dma_start3A_644 = tpu.memref_slice %arg10[%add3A_60] : memref<100352xf32, #tpu.memory_space<vmem_shared>> -> memref<128xf32, #tpu.memory_space<vmem_shared>>
      tpu.enqueue_dma source(%arg19 : memref<128xf32, #tpu.memory_space<vmem>>) target(%dma_start3A_644 : memref<128xf32, #tpu.memory_space<vmem_shared>>) target_semaphore(%run_scoped3A_642 : memref<!tpu.dma_semaphore, #tpu.memory_space<semaphore_mem>>)
      %dma_wait3A_645 = tpu.memref_slice %arg10[%add3A_60] : memref<100352xf32, #tpu.memory_space<vmem_shared>> -> memref<128xf32, #tpu.memory_space<vmem_shared>>
      %dma_wait3A_646 = tpu.memref_slice %arg10[%add3A_60] : memref<100352xf32, #tpu.memory_space<vmem_shared>> -> memref<128xf32, #tpu.memory_space<vmem_shared>>
      tpu.wait_dma2 semaphore(%run_scoped3A_642 : memref<!tpu.dma_semaphore, #tpu.memory_space<semaphore_mem>>) src(%arg19 : memref<128xf32, #tpu.memory_space<vmem>>) dst(%dma_wait3A_646 : memref<128xf32, #tpu.memory_space<vmem_shared>>)
      tpu.yield
    }) : () -> ()
    %dma_wait3A_81 = arith.constant 0 : i32
    %dma_wait3A_82 = arith.constant 0 : i32
    %dma_wait3A_83 = arith.constant 0 : i32
    %dma_wait3A_84 = tpu.memref_slice %arg16[%dma_wait3A_81, %dma_wait3A_82, %dma_wait3A_83] : memref<4x128x16xf32, #tpu.memory_space<vmem>> -> memref<1x128x16xf32, #tpu.memory_space<vmem>>
    %dma_wait3A_85 = tpu.memref_squeeze %dma_wait3A_84 : memref<1x128x16xf32, #tpu.memory_space<vmem>> -> memref<128x16xf32, #tpu.memory_space<vmem>>
    %dma_wait3A_86 = arith.constant 0 : i32
    %dma_wait3A_87 = tpu.memref_slice %arg4[%arg0, %add3A_60, %dma_wait3A_86] : memref<2x100352x16xf32, #tpu.memory_space<hbm>> -> memref<1x128x16xf32, #tpu.memory_space<hbm>>
    %dma_wait3A_88 = tpu.memref_squeeze %dma_wait3A_87 : memref<1x128x16xf32, #tpu.memory_space<hbm>> -> memref<128x16xf32, #tpu.memory_space<hbm>>
    %dma_wait3A_89 = arith.constant 0 : i32
    %dma_wait3A_90 = arith.constant 0 : i32
    %dma_wait3A_91 = tpu.memref_slice %arg16[%dma_wait3A_81, %dma_wait3A_89, %dma_wait3A_90] : memref<4x128x16xf32, #tpu.memory_space<vmem>> -> memref<1x128x16xf32, #tpu.memory_space<vmem>>
    %dma_wait3A_92 = tpu.memref_squeeze %dma_wait3A_91 : memref<1x128x16xf32, #tpu.memory_space<vmem>> -> memref<128x16xf32, #tpu.memory_space<vmem>>
    %dma_wait3A_93 = arith.constant 0 : i32
    %dma_wait3A_94 = tpu.memref_slice %arg4[%arg0, %add3A_60, %dma_wait3A_93] : memref<2x100352x16xf32, #tpu.memory_space<hbm>> -> memref<1x128x16xf32, #tpu.memory_space<hbm>>
    %dma_wait3A_95 = tpu.memref_squeeze %dma_wait3A_94 : memref<1x128x16xf32, #tpu.memory_space<hbm>> -> memref<128x16xf32, #tpu.memory_space<hbm>>
    tpu.wait_dma2 semaphore(%arg28 : memref<!tpu.dma_semaphore, #tpu.memory_space<semaphore_mem>>) src(%dma_wait3A_95 : memref<128x16xf32, #tpu.memory_space<hbm>>) dst(%dma_wait3A_92 : memref<128x16xf32, #tpu.memory_space<vmem>>)
    %scan3A_96 = arith.constant 0 : i32
    %scan3A_97 = arith.constant 2 : i32
    %scan3A_98 = arith.constant 0 : i32
    %scan3A_99 = arith.constant 128 : i32
    %scan3A_100 = arith.addi %scan3A_98, %scan3A_99 : i32
    %scan3A_101 = arith.constant 1 : i32
    scf.for %scan3A_642 = %scan3A_98 to %scan3A_100 step %scan3A_101  : i32 {
      %mul3A_643 = arith.constant 1 : i32
      %mul3A_644 = arith.muli %scan3A_642, %mul3A_643 : i32
      %add3A_645 = arith.constant 0 : i32
      %add3A_646 = arith.addi %add3A_645, %mul3A_644 : i32
      %broadcast_in_dim3A_647 = vector.broadcast %add3A_646 : i32 to vector<16xi32>
      %gather3A = tpu.vector_load_idx %arg19[%broadcast_in_dim3A_647] : memref<128xf32, #tpu.memory_space<vmem>>[vector<16xi32>], vector<16xf32>,
      %get3A = arith.constant 0 : i32
      %get3A_648 = arith.constant 0 : i32
      %get3A_649 = tpu.memref_slice %arg16[%scan3A_96, %get3A, %get3A_648] : memref<4x128x16xf32, #tpu.memory_space<vmem>> -> memref<1x128x16xf32, #tpu.memory_space<vmem>>
      %get3A_650 = tpu.memref_squeeze %get3A_649 : memref<1x128x16xf32, #tpu.memory_space<vmem>> -> memref<128x16xf32, #tpu.memory_space<vmem>>
      %get3A_651 = arith.index_cast %add3A_646 : i32 to index
      %get3A_652 = arith.constant 0 : index
      %get3A_653 = tpu.vector_load %get3A_650[%get3A_651, %get3A_652] {strides = array<i32>} : memref<128x16xf32, #tpu.memory_space<vmem>>, vector<16xf32>,
      %swap3A = arith.constant 0 : i32
      %swap3A_654 = arith.constant 0 : i32
      %swap3A_655 = tpu.memref_slice %arg15[%scan3A_97, %swap3A, %swap3A_654] : memref<4x128x16xf32, #tpu.memory_space<vmem>> -> memref<1x128x16xf32, #tpu.memory_space<vmem>>
      %swap3A_656 = tpu.memref_squeeze %swap3A_655 : memref<1x128x16xf32, #tpu.memory_space<vmem>> -> memref<128x16xf32, #tpu.memory_space<vmem>>
      %swap3A_657 = arith.index_cast %add3A_646 : i32 to index
      %swap3A_658 = arith.constant 0 : index
      %swap3A_659 = tpu.vector_load %swap3A_656[%swap3A_657, %swap3A_658] {strides = array<i32>} : memref<128x16xf32, #tpu.memory_space<vmem>>, vector<16xf32>,
      tpu.vector_store %swap3A_656[%swap3A_657, %swap3A_658], %get3A_653 {strides = array<i32>} : memref<128x16xf32, #tpu.memory_space<vmem>>, vector<16xf32>,
      %mul3A_660 = arith.mulf %gather3A, %get3A_653 : vector<16xf32>
      %swap3A_661 = arith.constant 0 : i32
      %swap3A_662 = arith.constant 0 : i32
      %swap3A_663 = tpu.memref_slice %arg16[%scan3A_96, %swap3A_661, %swap3A_662] : memref<4x128x16xf32, #tpu.memory_space<vmem>> -> memref<1x128x16xf32, #tpu.memory_space<vmem>>
      %swap3A_664 = tpu.memref_squeeze %swap3A_663 : memref<1x128x16xf32, #tpu.memory_space<vmem>> -> memref<128x16xf32, #tpu.memory_space<vmem>>
      %swap3A_665 = arith.index_cast %add3A_646 : i32 to index
      %swap3A_666 = arith.constant 0 : index
      %swap3A_667 = tpu.vector_load %swap3A_664[%swap3A_665, %swap3A_666] {strides = array<i32>} : memref<128x16xf32, #tpu.memory_space<vmem>>, vector<16xf32>,
      tpu.vector_store %swap3A_664[%swap3A_665, %swap3A_666], %mul3A_660 {strides = array<i32>} : memref<128x16xf32, #tpu.memory_space<vmem>>, vector<16xf32>,
    }
    %scan3A_102 = arith.constant 128 : i32
    %add3A_103 = arith.addi %mul3A_0, %add3A_60 : i32
    %dma_start3A_104 = arith.constant 2 : i32
    %dma_start3A_105 = arith.constant 0 : i32
    %dma_start3A_106 = arith.constant 0 : i32
    %dma_start3A_107 = tpu.memref_slice %arg15[%dma_start3A_104, %dma_start3A_105, %dma_start3A_106] : memref<4x128x16xf32, #tpu.memory_space<vmem>> -> memref<1x128x16xf32, #tpu.memory_space<vmem>>
    %dma_start3A_108 = tpu.memref_squeeze %dma_start3A_107 : memref<1x128x16xf32, #tpu.memory_space<vmem>> -> memref<128x16xf32, #tpu.memory_space<vmem>>
    %dma_start3A_109 = arith.constant 0 : i32
    %dma_start3A_110 = tpu.memref_slice %arg5[%add3A_103, %dma_start3A_109] : memref<200704x16xf32, #tpu.memory_space<hbm>> -> memref<128x16xf32, #tpu.memory_space<hbm>>
    %dma_start3A_111 = arith.constant 0 : i32
    %dma_start3A_112 = tpu.memref_slice %arg5[%add3A_103, %dma_start3A_111] : memref<200704x16xf32, #tpu.memory_space<hbm>> -> memref<128x16xf32, #tpu.memory_space<hbm>>
    %dma_start3A_113 = arith.constant 0 : i32
    %dma_start3A_114 = arith.constant 0 : i32
    %dma_start3A_115 = tpu.memref_slice %arg15[%dma_start3A_104, %dma_start3A_113, %dma_start3A_114] : memref<4x128x16xf32, #tpu.memory_space<vmem>> -> memref<1x128x16xf32, #tpu.memory_space<vmem>>
    %dma_start3A_116 = tpu.memref_squeeze %dma_start3A_115 : memref<1x128x16xf32, #tpu.memory_space<vmem>> -> memref<128x16xf32, #tpu.memory_space<vmem>>
    tpu.enqueue_dma source(%dma_start3A_116 : memref<128x16xf32, #tpu.memory_space<vmem>>) target(%dma_start3A_112 : memref<128x16xf32, #tpu.memory_space<hbm>>) target_semaphore(%arg29 : memref<!tpu.dma_semaphore, #tpu.memory_space<semaphore_mem>>)
    %add3A_117 = arith.addi %mul3A_0, %add3A_60 : i32
    %dma_start3A_118 = arith.constant 0 : i32
    %dma_start3A_119 = arith.constant 0 : i32
    %dma_start3A_120 = arith.constant 0 : i32
    %dma_start3A_121 = tpu.memref_slice %arg16[%dma_start3A_118, %dma_start3A_119, %dma_start3A_120] : memref<4x128x16xf32, #tpu.memory_space<vmem>> -> memref<1x128x16xf32, #tpu.memory_space<vmem>>
    %dma_start3A_122 = tpu.memref_squeeze %dma_start3A_121 : memref<1x128x16xf32, #tpu.memory_space<vmem>> -> memref<128x16xf32, #tpu.memory_space<vmem>>
    %dma_start3A_123 = arith.constant 0 : i32
    %dma_start3A_124 = tpu.memref_slice %arg6[%add3A_117, %dma_start3A_123] : memref<200704x16xf32, #tpu.memory_space<hbm>> -> memref<128x16xf32, #tpu.memory_space<hbm>>
    %dma_start3A_125 = arith.constant 0 : i32
    %dma_start3A_126 = tpu.memref_slice %arg6[%add3A_117, %dma_start3A_125] : memref<200704x16xf32, #tpu.memory_space<hbm>> -> memref<128x16xf32, #tpu.memory_space<hbm>>
    %dma_start3A_127 = arith.constant 0 : i32
    %dma_start3A_128 = arith.constant 0 : i32
    %dma_start3A_129 = tpu.memref_slice %arg16[%dma_start3A_118, %dma_start3A_127, %dma_start3A_128] : memref<4x128x16xf32, #tpu.memory_space<vmem>> -> memref<1x128x16xf32, #tpu.memory_space<vmem>>
    %dma_start3A_130 = tpu.memref_squeeze %dma_start3A_129 : memref<1x128x16xf32, #tpu.memory_space<vmem>> -> memref<128x16xf32, #tpu.memory_space<vmem>>
    tpu.enqueue_dma source(%dma_start3A_130 : memref<128x16xf32, #tpu.memory_space<vmem>>) target(%dma_start3A_126 : memref<128x16xf32, #tpu.memory_space<hbm>>) target_semaphore(%arg29 : memref<!tpu.dma_semaphore, #tpu.memory_space<semaphore_mem>>)
    %scan3A_131 = arith.constant 2 : i32
    %scan3A_132 = arith.constant 0 : i32
    %scan3A_133 = arith.constant 0 : i32
    %scan3A_134 = arith.constant 48 : i32
    %scan3A_135 = arith.addi %scan3A_133, %scan3A_134 : i32
    %scan3A_136 = arith.constant 1 : i32
    scf.for %scan3A_642 = %scan3A_133 to %scan3A_135 step %scan3A_136  : i32 {
      %mul3A_643 = arith.constant 1 : i32
      %mul3A_644 = arith.muli %scan3A_642, %mul3A_643 : i32
      %add3A_645 = arith.constant 1 : i32
      %add3A_646 = arith.addi %add3A_645, %mul3A_644 : i32
      %mul3A_647 = arith.constant 128 : i32
      %mul3A_648 = arith.muli %add3A_646, %mul3A_647 : i32
      %add3A_649 = arith.addi %mul3A_2, %mul3A_648 : i32
      %dma_wait3A_650 = arith.constant 0 : i32
      %dma_wait3A_651 = arith.constant 0 : i32
      %dma_wait3A_652 = tpu.memref_slice %arg15[%scan3A_131, %dma_wait3A_650, %dma_wait3A_651] : memref<4x128x16xf32, #tpu.memory_space<vmem>> -> memref<1x128x16xf32, #tpu.memory_space<vmem>>
      %dma_wait3A_653 = tpu.memref_squeeze %dma_wait3A_652 : memref<1x128x16xf32, #tpu.memory_space<vmem>> -> memref<128x16xf32, #tpu.memory_space<vmem>>
      %dma_wait3A_654 = arith.constant 0 : i32
      %dma_wait3A_655 = tpu.memref_slice %arg5[%mul3A_0, %dma_wait3A_654] : memref<200704x16xf32, #tpu.memory_space<hbm>> -> memref<128x16xf32, #tpu.memory_space<hbm>>
      %dma_wait3A_656 = arith.constant 0 : i32
      %dma_wait3A_657 = tpu.memref_slice %arg5[%mul3A_0, %dma_wait3A_656] : memref<200704x16xf32, #tpu.memory_space<hbm>> -> memref<128x16xf32, #tpu.memory_space<hbm>>
      %dma_wait3A_658 = arith.constant 0 : i32
      %dma_wait3A_659 = arith.constant 0 : i32
      %dma_wait3A_660 = tpu.memref_slice %arg15[%scan3A_131, %dma_wait3A_658, %dma_wait3A_659] : memref<4x128x16xf32, #tpu.memory_space<vmem>> -> memref<1x128x16xf32, #tpu.memory_space<vmem>>
      %dma_wait3A_661 = tpu.memref_squeeze %dma_wait3A_660 : memref<1x128x16xf32, #tpu.memory_space<vmem>> -> memref<128x16xf32, #tpu.memory_space<vmem>>
      tpu.wait_dma2 semaphore(%arg29 : memref<!tpu.dma_semaphore, #tpu.memory_space<semaphore_mem>>) src(%dma_wait3A_661 : memref<128x16xf32, #tpu.memory_space<vmem>>) dst(%dma_wait3A_657 : memref<128x16xf32, #tpu.memory_space<hbm>>)
      %dma_wait3A_662 = arith.constant 0 : i32
      %dma_wait3A_663 = arith.constant 0 : i32
      %dma_wait3A_664 = tpu.memref_slice %arg15[%scan3A_131, %dma_wait3A_662, %dma_wait3A_663] : memref<4x128x16xf32, #tpu.memory_space<vmem>> -> memref<1x128x16xf32, #tpu.memory_space<vmem>>
      %dma_wait3A_665 = tpu.memref_squeeze %dma_wait3A_664 : memref<1x128x16xf32, #tpu.memory_space<vmem>> -> memref<128x16xf32, #tpu.memory_space<vmem>>
      %dma_wait3A_666 = arith.constant 0 : i32
      %dma_wait3A_667 = tpu.memref_slice %arg5[%mul3A_0, %dma_wait3A_666] : memref<200704x16xf32, #tpu.memory_space<hbm>> -> memref<128x16xf32, #tpu.memory_space<hbm>>
      %dma_wait3A_668 = arith.constant 0 : i32
      %dma_wait3A_669 = tpu.memref_slice %arg5[%mul3A_0, %dma_wait3A_668] : memref<200704x16xf32, #tpu.memory_space<hbm>> -> memref<128x16xf32, #tpu.memory_space<hbm>>
      %dma_wait3A_670 = arith.constant 0 : i32
      %dma_wait3A_671 = arith.constant 0 : i32
      %dma_wait3A_672 = tpu.memref_slice %arg15[%scan3A_131, %dma_wait3A_670, %dma_wait3A_671] : memref<4x128x16xf32, #tpu.memory_space<vmem>> -> memref<1x128x16xf32, #tpu.memory_space<vmem>>
      %dma_wait3A_673 = tpu.memref_squeeze %dma_wait3A_672 : memref<1x128x16xf32, #tpu.memory_space<vmem>> -> memref<128x16xf32, #tpu.memory_space<vmem>>
      tpu.wait_dma2 semaphore(%arg29 : memref<!tpu.dma_semaphore, #tpu.memory_space<semaphore_mem>>) src(%dma_wait3A_673 : memref<128x16xf32, #tpu.memory_space<vmem>>) dst(%dma_wait3A_669 : memref<128x16xf32, #tpu.memory_space<hbm>>)
      %dma_start3A_674 = arith.constant 0 : i32
      %dma_start3A_675 = arith.constant 0 : i32
      %dma_start3A_676 = tpu.memref_slice %arg16[%scan3A_132, %dma_start3A_674, %dma_start3A_675] : memref<4x128x16xf32, #tpu.memory_space<vmem>> -> memref<1x128x16xf32, #tpu.memory_space<vmem>>
      %dma_start3A_677 = tpu.memref_squeeze %dma_start3A_676 : memref<1x128x16xf32, #tpu.memory_space<vmem>> -> memref<128x16xf32, #tpu.memory_space<vmem>>
      %dma_start3A_678 = arith.constant 0 : i32
      %dma_start3A_679 = tpu.memref_slice %arg4[%arg0, %add3A_649, %dma_start3A_678] : memref<2x100352x16xf32, #tpu.memory_space<hbm>> -> memref<1x128x16xf32, #tpu.memory_space<hbm>>
      %dma_start3A_680 = tpu.memref_squeeze %dma_start3A_679 : memref<1x128x16xf32, #tpu.memory_space<hbm>> -> memref<128x16xf32, #tpu.memory_space<hbm>>
      %dma_start3A_681 = arith.constant 0 : i32
      %dma_start3A_682 = arith.constant 0 : i32
      %dma_start3A_683 = tpu.memref_slice %arg16[%scan3A_132, %dma_start3A_681, %dma_start3A_682] : memref<4x128x16xf32, #tpu.memory_space<vmem>> -> memref<1x128x16xf32, #tpu.memory_space<vmem>>
      %dma_start3A_684 = tpu.memref_squeeze %dma_start3A_683 : memref<1x128x16xf32, #tpu.memory_space<vmem>> -> memref<128x16xf32, #tpu.memory_space<vmem>>
      %dma_start3A_685 = arith.constant 0 : i32
      %dma_start3A_686 = tpu.memref_slice %arg4[%arg0, %add3A_649, %dma_start3A_685] : memref<2x100352x16xf32, #tpu.memory_space<hbm>> -> memref<1x128x16xf32, #tpu.memory_space<hbm>>
      %dma_start3A_687 = tpu.memref_squeeze %dma_start3A_686 : memref<1x128x16xf32, #tpu.memory_space<hbm>> -> memref<128x16xf32, #tpu.memory_space<hbm>>
      tpu.enqueue_dma source(%dma_start3A_687 : memref<128x16xf32, #tpu.memory_space<hbm>>) target(%dma_start3A_684 : memref<128x16xf32, #tpu.memory_space<vmem>>) target_semaphore(%arg28 : memref<!tpu.dma_semaphore, #tpu.memory_space<semaphore_mem>>)
      "tpu.region"() ({
        %run_scoped3A_738 = tpu.sem_alloc : memref<!tpu.dma_semaphore, #tpu.memory_space<semaphore_mem>>
        %dma_start3A_739 = tpu.memref_slice %arg10[%add3A_649] : memref<100352xf32, #tpu.memory_space<vmem_shared>> -> memref<128xf32, #tpu.memory_space<vmem_shared>>
        %dma_start3A_740 = tpu.memref_slice %arg10[%add3A_649] : memref<100352xf32, #tpu.memory_space<vmem_shared>> -> memref<128xf32, #tpu.memory_space<vmem_shared>>
        tpu.enqueue_dma source(%dma_start3A_740 : memref<128xf32, #tpu.memory_space<vmem_shared>>) target(%arg19 : memref<128xf32, #tpu.memory_space<vmem>>) target_semaphore(%run_scoped3A_738 : memref<!tpu.dma_semaphore, #tpu.memory_space<semaphore_mem>>)
        %dma_wait3A_741 = tpu.memref_slice %arg10[%add3A_649] : memref<100352xf32, #tpu.memory_space<vmem_shared>> -> memref<128xf32, #tpu.memory_space<vmem_shared>>
        %dma_wait3A_742 = tpu.memref_slice %arg10[%add3A_649] : memref<100352xf32, #tpu.memory_space<vmem_shared>> -> memref<128xf32, #tpu.memory_space<vmem_shared>>
        tpu.wait_dma2 semaphore(%run_scoped3A_738 : memref<!tpu.dma_semaphore, #tpu.memory_space<semaphore_mem>>) src(%dma_wait3A_742 : memref<128xf32, #tpu.memory_space<vmem_shared>>) dst(%arg19 : memref<128xf32, #tpu.memory_space<vmem>>)
        tpu.yield
      }) : () -> ()
      %scan3A_688 = arith.constant 0 : i32
      %scan3A_689 = arith.constant 8 : i32
      %scan3A_690 = arith.addi %scan3A_688, %scan3A_689 : i32
      %scan3A_691 = arith.constant 1 : i32
      scf.for %scan3A_738 = %scan3A_688 to %scan3A_690 step %scan3A_691  : i32 {
        %mul3A_739 = arith.constant 1 : i32
        %mul3A_740 = arith.muli %scan3A_738, %mul3A_739 : i32
        %add3A_741 = arith.constant 0 : i32
        %add3A_742 = arith.addi %add3A_741, %mul3A_740 : i32
        %mul3A_743 = arith.constant 16 : i32
        %mul3A_744 = arith.muli %add3A_742, %mul3A_743 : i32
        %get3A = arith.index_cast %mul3A_744 : i32 to index
        %get3A_745 = tpu.vector_load %arg19[%get3A] {strides = array<i32>} : memref<128xf32, #tpu.memory_space<vmem>>, vector<16xf32>,
        %bitcast_convert_type3A = tpu.bitcast %get3A_745 : vector<16xf32> -> vector<16xi32>
        %shift_right_arithmetic3A = arith.constant 1 : i32
        %shift_right_arithmetic3A_746 = vector.broadcast %shift_right_arithmetic3A : i32 to vector<16xi32>
        %shift_right_arithmetic3A_747 = arith.shrsi %bitcast_convert_type3A, %shift_right_arithmetic3A_746 : vector<16xi32>
        %sub3A = arith.constant 1597463007 : i32
        %sub3A_748 = vector.broadcast %sub3A : i32 to vector<16xi32>
        %sub3A_749 = arith.subi %sub3A_748, %shift_right_arithmetic3A_747 : vector<16xi32>
        %bitcast_convert_type3A_750 = tpu.bitcast %sub3A_749 : vector<16xi32> -> vector<16xf32>
        %mul3A_751 = arith.constant 5.000000e-01 : f32
        %mul3A_752 = vector.broadcast %mul3A_751 : f32 to vector<16xf32>
        %mul3A_753 = arith.mulf %get3A_745, %mul3A_752 : vector<16xf32>
        %mul3A_754 = arith.mulf %mul3A_753, %bitcast_convert_type3A_750 : vector<16xf32>
        %mul3A_755 = arith.mulf %mul3A_754, %bitcast_convert_type3A_750 : vector<16xf32>
        %sub3A_756 = arith.constant 1.500000e+00 : f32
        %sub3A_757 = vector.broadcast %sub3A_756 : f32 to vector<16xf32>
        %sub3A_758 = arith.subf %sub3A_757, %mul3A_755 : vector<16xf32>
        %mul3A_759 = arith.mulf %bitcast_convert_type3A_750, %sub3A_758 : vector<16xf32>
        %mul3A_760 = arith.mulf %mul3A_753, %mul3A_759 : vector<16xf32>
        %mul3A_761 = arith.mulf %mul3A_760, %mul3A_759 : vector<16xf32>
        %sub3A_762 = arith.constant 1.500000e+00 : f32
        %sub3A_763 = vector.broadcast %sub3A_762 : f32 to vector<16xf32>
        %sub3A_764 = arith.subf %sub3A_763, %mul3A_761 : vector<16xf32>
        %mul3A_765 = arith.mulf %mul3A_759, %sub3A_764 : vector<16xf32>
        %mul3A_766 = arith.mulf %mul3A_753, %mul3A_765 : vector<16xf32>
        %mul3A_767 = arith.mulf %mul3A_766, %mul3A_765 : vector<16xf32>
        %sub3A_768 = arith.constant 1.500000e+00 : f32
        %sub3A_769 = vector.broadcast %sub3A_768 : f32 to vector<16xf32>
        %sub3A_770 = arith.subf %sub3A_769, %mul3A_767 : vector<16xf32>
        %mul3A_771 = arith.mulf %mul3A_765, %sub3A_770 : vector<16xf32>
        %gt3A = arith.constant 5.000000e-01 : f32
        %gt3A_772 = vector.broadcast %gt3A : f32 to vector<16xf32>
        %gt3A_773 = arith.cmpf ogt, %get3A_745, %gt3A_772 : vector<16xf32>
        %broadcast_in_dim3A_774 = arith.constant 0.000000e+00 : f32
        %broadcast_in_dim3A_775 = vector.broadcast %broadcast_in_dim3A_774 : f32 to vector<16xf32>
        %select_n3A = arith.select %gt3A_773, %mul3A_771, %broadcast_in_dim3A_775 : vector<16xi1>, vector<16xf32>
        %mul3A_776 = arith.constant 16 : i32
        %mul3A_777 = arith.muli %add3A_742, %mul3A_776 : i32
        %swap3A = arith.index_cast %mul3A_777 : i32 to index
        %swap3A_778 = tpu.vector_load %arg19[%swap3A] {strides = array<i32>} : memref<128xf32, #tpu.memory_space<vmem>>, vector<16xf32>,
        tpu.vector_store %arg19[%swap3A], %select_n3A {strides = array<i32>} : memref<128xf32, #tpu.memory_space<vmem>>, vector<16xf32>,
      }
      %scan3A_692 = arith.constant 8 : i32
      "tpu.region"() ({
        %run_scoped3A_738 = tpu.sem_alloc : memref<!tpu.dma_semaphore, #tpu.memory_space<semaphore_mem>>
        %dma_start3A_739 = tpu.memref_slice %arg10[%add3A_649] : memref<100352xf32, #tpu.memory_space<vmem_shared>> -> memref<128xf32, #tpu.memory_space<vmem_shared>>
        %dma_start3A_740 = tpu.memref_slice %arg10[%add3A_649] : memref<100352xf32, #tpu.memory_space<vmem_shared>> -> memref<128xf32, #tpu.memory_space<vmem_shared>>
        tpu.enqueue_dma source(%arg19 : memref<128xf32, #tpu.memory_space<vmem>>) target(%dma_start3A_740 : memref<128xf32, #tpu.memory_space<vmem_shared>>) target_semaphore(%run_scoped3A_738 : memref<!tpu.dma_semaphore, #tpu.memory_space<semaphore_mem>>)
        %dma_wait3A_741 = tpu.memref_slice %arg10[%add3A_649] : memref<100352xf32, #tpu.memory_space<vmem_shared>> -> memref<128xf32, #tpu.memory_space<vmem_shared>>
        %dma_wait3A_742 = tpu.memref_slice %arg10[%add3A_649] : memref<100352xf32, #tpu.memory_space<vmem_shared>> -> memref<128xf32, #tpu.memory_space<vmem_shared>>
        tpu.wait_dma2 semaphore(%run_scoped3A_738 : memref<!tpu.dma_semaphore, #tpu.memory_space<semaphore_mem>>) src(%arg19 : memref<128xf32, #tpu.memory_space<vmem>>) dst(%dma_wait3A_742 : memref<128xf32, #tpu.memory_space<vmem_shared>>)
        tpu.yield
      }) : () -> ()
      %dma_wait3A_693 = arith.constant 0 : i32
      %dma_wait3A_694 = arith.constant 0 : i32
      %dma_wait3A_695 = tpu.memref_slice %arg16[%scan3A_132, %dma_wait3A_693, %dma_wait3A_694] : memref<4x128x16xf32, #tpu.memory_space<vmem>> -> memref<1x128x16xf32, #tpu.memory_space<vmem>>
      %dma_wait3A_696 = tpu.memref_squeeze %dma_wait3A_695 : memref<1x128x16xf32, #tpu.memory_space<vmem>> -> memref<128x16xf32, #tpu.memory_space<vmem>>
      %dma_wait3A_697 = arith.constant 0 : i32
      %dma_wait3A_698 = tpu.memref_slice %arg4[%arg0, %add3A_649, %dma_wait3A_697] : memref<2x100352x16xf32, #tpu.memory_space<hbm>> -> memref<1x128x16xf32, #tpu.memory_space<hbm>>
      %dma_wait3A_699 = tpu.memref_squeeze %dma_wait3A_698 : memref<1x128x16xf32, #tpu.memory_space<hbm>> -> memref<128x16xf32, #tpu.memory_space<hbm>>
      %dma_wait3A_700 = arith.constant 0 : i32
      %dma_wait3A_701 = arith.constant 0 : i32
      %dma_wait3A_702 = tpu.memref_slice %arg16[%scan3A_132, %dma_wait3A_700, %dma_wait3A_701] : memref<4x128x16xf32, #tpu.memory_space<vmem>> -> memref<1x128x16xf32, #tpu.memory_space<vmem>>
      %dma_wait3A_703 = tpu.memref_squeeze %dma_wait3A_702 : memref<1x128x16xf32, #tpu.memory_space<vmem>> -> memref<128x16xf32, #tpu.memory_space<vmem>>
      %dma_wait3A_704 = arith.constant 0 : i32
      %dma_wait3A_705 = tpu.memref_slice %arg4[%arg0, %add3A_649, %dma_wait3A_704] : memref<2x100352x16xf32, #tpu.memory_space<hbm>> -> memref<1x128x16xf32, #tpu.memory_space<hbm>>
      %dma_wait3A_706 = tpu.memref_squeeze %dma_wait3A_705 : memref<1x128x16xf32, #tpu.memory_space<hbm>> -> memref<128x16xf32, #tpu.memory_space<hbm>>
      tpu.wait_dma2 semaphore(%arg28 : memref<!tpu.dma_semaphore, #tpu.memory_space<semaphore_mem>>) src(%dma_wait3A_706 : memref<128x16xf32, #tpu.memory_space<hbm>>) dst(%dma_wait3A_703 : memref<128x16xf32, #tpu.memory_space<vmem>>)
      %scan3A_707 = arith.constant 0 : i32
      %scan3A_708 = arith.constant 128 : i32
      %scan3A_709 = arith.addi %scan3A_707, %scan3A_708 : i32
      %scan3A_710 = arith.constant 1 : i32
      scf.for %scan3A_738 = %scan3A_707 to %scan3A_709 step %scan3A_710  : i32 {
        %mul3A_739 = arith.constant 1 : i32
        %mul3A_740 = arith.muli %scan3A_738, %mul3A_739 : i32
        %add3A_741 = arith.constant 0 : i32
        %add3A_742 = arith.addi %add3A_741, %mul3A_740 : i32
        %broadcast_in_dim3A_743 = vector.broadcast %add3A_742 : i32 to vector<16xi32>
        %gather3A = tpu.vector_load_idx %arg19[%broadcast_in_dim3A_743] : memref<128xf32, #tpu.memory_space<vmem>>[vector<16xi32>], vector<16xf32>,
        %get3A = arith.constant 0 : i32
        %get3A_744 = arith.constant 0 : i32
        %get3A_745 = tpu.memref_slice %arg16[%scan3A_132, %get3A, %get3A_744] : memref<4x128x16xf32, #tpu.memory_space<vmem>> -> memref<1x128x16xf32, #tpu.memory_space<vmem>>
        %get3A_746 = tpu.memref_squeeze %get3A_745 : memref<1x128x16xf32, #tpu.memory_space<vmem>> -> memref<128x16xf32, #tpu.memory_space<vmem>>
        %get3A_747 = arith.index_cast %add3A_742 : i32 to index
        %get3A_748 = arith.constant 0 : index
        %get3A_749 = tpu.vector_load %get3A_746[%get3A_747, %get3A_748] {strides = array<i32>} : memref<128x16xf32, #tpu.memory_space<vmem>>, vector<16xf32>,
        %swap3A = arith.constant 0 : i32
        %swap3A_750 = arith.constant 0 : i32
        %swap3A_751 = tpu.memref_slice %arg15[%scan3A_131, %swap3A, %swap3A_750] : memref<4x128x16xf32, #tpu.memory_space<vmem>> -> memref<1x128x16xf32, #tpu.memory_space<vmem>>
        %swap3A_752 = tpu.memref_squeeze %swap3A_751 : memref<1x128x16xf32, #tpu.memory_space<vmem>> -> memref<128x16xf32, #tpu.memory_space<vmem>>
        %swap3A_753 = arith.index_cast %add3A_742 : i32 to index
        %swap3A_754 = arith.constant 0 : index
        %swap3A_755 = tpu.vector_load %swap3A_752[%swap3A_753, %swap3A_754] {strides = array<i32>} : memref<128x16xf32, #tpu.memory_space<vmem>>, vector<16xf32>,
        tpu.vector_store %swap3A_752[%swap3A_753, %swap3A_754], %get3A_749 {strides = array<i32>} : memref<128x16xf32, #tpu.memory_space<vmem>>, vector<16xf32>,
        %mul3A_756 = arith.mulf %gather3A, %get3A_749 : vector<16xf32>
        %swap3A_757 = arith.constant 0 : i32
        %swap3A_758 = arith.constant 0 : i32
        %swap3A_759 = tpu.memref_slice %arg16[%scan3A_132, %swap3A_757, %swap3A_758] : memref<4x128x16xf32, #tpu.memory_space<vmem>> -> memref<1x128x16xf32, #tpu.memory_space<vmem>>
        %swap3A_760 = tpu.memref_squeeze %swap3A_759 : memref<1x128x16xf32, #tpu.memory_space<vmem>> -> memref<128x16xf32, #tpu.memory_space<vmem>>
        %swap3A_761 = arith.index_cast %add3A_742 : i32 to index
        %swap3A_762 = arith.constant 0 : index
        %swap3A_763 = tpu.vector_load %swap3A_760[%swap3A_761, %swap3A_762] {strides = array<i32>} : memref<128x16xf32, #tpu.memory_space<vmem>>, vector<16xf32>,
        tpu.vector_store %swap3A_760[%swap3A_761, %swap3A_762], %mul3A_756 {strides = array<i32>} : memref<128x16xf32, #tpu.memory_space<vmem>>, vector<16xf32>,
      }
      %scan3A_711 = arith.constant 128 : i32
      %add3A_712 = arith.addi %mul3A_0, %add3A_649 : i32
      %dma_start3A_713 = arith.constant 0 : i32
      %dma_start3A_714 = arith.constant 0 : i32
      %dma_start3A_715 = tpu.memref_slice %arg15[%scan3A_131, %dma_start3A_713, %dma_start3A_714] : memref<4x128x16xf32, #tpu.memory_space<vmem>> -> memref<1x128x16xf32, #tpu.memory_space<vmem>>
      %dma_start3A_716 = tpu.memref_squeeze %dma_start3A_715 : memref<1x128x16xf32, #tpu.memory_space<vmem>> -> memref<128x16xf32, #tpu.memory_space<vmem>>
      %dma_start3A_717 = arith.constant 0 : i32
      %dma_start3A_718 = tpu.memref_slice %arg5[%add3A_712, %dma_start3A_717] : memref<200704x16xf32, #tpu.memory_space<hbm>> -> memref<128x16xf32, #tpu.memory_space<hbm>>
      %dma_start3A_719 = arith.constant 0 : i32
      %dma_start3A_720 = tpu.memref_slice %arg5[%add3A_712, %dma_start3A_719] : memref<200704x16xf32, #tpu.memory_space<hbm>> -> memref<128x16xf32, #tpu.memory_space<hbm>>
      %dma_start3A_721 = arith.constant 0 : i32
      %dma_start3A_722 = arith.constant 0 : i32
      %dma_start3A_723 = tpu.memref_slice %arg15[%scan3A_131, %dma_start3A_721, %dma_start3A_722] : memref<4x128x16xf32, #tpu.memory_space<vmem>> -> memref<1x128x16xf32, #tpu.memory_space<vmem>>
      %dma_start3A_724 = tpu.memref_squeeze %dma_start3A_723 : memref<1x128x16xf32, #tpu.memory_space<vmem>> -> memref<128x16xf32, #tpu.memory_space<vmem>>
      tpu.enqueue_dma source(%dma_start3A_724 : memref<128x16xf32, #tpu.memory_space<vmem>>) target(%dma_start3A_720 : memref<128x16xf32, #tpu.memory_space<hbm>>) target_semaphore(%arg29 : memref<!tpu.dma_semaphore, #tpu.memory_space<semaphore_mem>>)
      %add3A_725 = arith.addi %mul3A_0, %add3A_649 : i32
      %dma_start3A_726 = arith.constant 0 : i32
      %dma_start3A_727 = arith.constant 0 : i32
      %dma_start3A_728 = tpu.memref_slice %arg16[%scan3A_132, %dma_start3A_726, %dma_start3A_727] : memref<4x128x16xf32, #tpu.memory_space<vmem>> -> memref<1x128x16xf32, #tpu.memory_space<vmem>>
      %dma_start3A_729 = tpu.memref_squeeze %dma_start3A_728 : memref<1x128x16xf32, #tpu.memory_space<vmem>> -> memref<128x16xf32, #tpu.memory_space<vmem>>
      %dma_start3A_730 = arith.constant 0 : i32
      %dma_start3A_731 = tpu.memref_slice %arg6[%add3A_725, %dma_start3A_730] : memref<200704x16xf32, #tpu.memory_space<hbm>> -> memref<128x16xf32, #tpu.memory_space<hbm>>
      %dma_start3A_732 = arith.constant 0 : i32
      %dma_start3A_733 = tpu.memref_slice %arg6[%add3A_725, %dma_start3A_732] : memref<200704x16xf32, #tpu.memory_space<hbm>> -> memref<128x16xf32, #tpu.memory_space<hbm>>
      %dma_start3A_734 = arith.constant 0 : i32
      %dma_start3A_735 = arith.constant 0 : i32
      %dma_start3A_736 = tpu.memref_slice %arg16[%scan3A_132, %dma_start3A_734, %dma_start3A_735] : memref<4x128x16xf32, #tpu.memory_space<vmem>> -> memref<1x128x16xf32, #tpu.memory_space<vmem>>
      %dma_start3A_737 = tpu.memref_squeeze %dma_start3A_736 : memref<1x128x16xf32, #tpu.memory_space<vmem>> -> memref<128x16xf32, #tpu.memory_space<vmem>>
      tpu.enqueue_dma source(%dma_start3A_737 : memref<128x16xf32, #tpu.memory_space<vmem>>) target(%dma_start3A_733 : memref<128x16xf32, #tpu.memory_space<hbm>>) target_semaphore(%arg29 : memref<!tpu.dma_semaphore, #tpu.memory_space<semaphore_mem>>)
    }
    %scan3A_137 = arith.constant 48 : i32
    %dma_wait3A_138 = arith.constant 2 : i32
    %dma_wait3A_139 = arith.constant 0 : i32
    %dma_wait3A_140 = arith.constant 0 : i32
    %dma_wait3A_141 = tpu.memref_slice %arg15[%dma_wait3A_138, %dma_wait3A_139, %dma_wait3A_140] : memref<4x128x16xf32, #tpu.memory_space<vmem>> -> memref<1x128x16xf32, #tpu.memory_space<vmem>>
    %dma_wait3A_142 = tpu.memref_squeeze %dma_wait3A_141 : memref<1x128x16xf32, #tpu.memory_space<vmem>> -> memref<128x16xf32, #tpu.memory_space<vmem>>
    %dma_wait3A_143 = arith.constant 0 : i32
    %dma_wait3A_144 = tpu.memref_slice %arg5[%mul3A_0, %dma_wait3A_143] : memref<200704x16xf32, #tpu.memory_space<hbm>> -> memref<128x16xf32, #tpu.memory_space<hbm>>
    %dma_wait3A_145 = arith.constant 0 : i32
    %dma_wait3A_146 = tpu.memref_slice %arg5[%mul3A_0, %dma_wait3A_145] : memref<200704x16xf32, #tpu.memory_space<hbm>> -> memref<128x16xf32, #tpu.memory_space<hbm>>
    %dma_wait3A_147 = arith.constant 0 : i32
    %dma_wait3A_148 = arith.constant 0 : i32
    %dma_wait3A_149 = tpu.memref_slice %arg15[%dma_wait3A_138, %dma_wait3A_147, %dma_wait3A_148] : memref<4x128x16xf32, #tpu.memory_space<vmem>> -> memref<1x128x16xf32, #tpu.memory_space<vmem>>
    %dma_wait3A_150 = tpu.memref_squeeze %dma_wait3A_149 : memref<1x128x16xf32, #tpu.memory_space<vmem>> -> memref<128x16xf32, #tpu.memory_space<vmem>>
    tpu.wait_dma2 semaphore(%arg29 : memref<!tpu.dma_semaphore, #tpu.memory_space<semaphore_mem>>) src(%dma_wait3A_150 : memref<128x16xf32, #tpu.memory_space<vmem>>) dst(%dma_wait3A_146 : memref<128x16xf32, #tpu.memory_space<hbm>>)
    %dma_wait3A_151 = arith.constant 2 : i32
    %dma_wait3A_152 = arith.constant 0 : i32
    %dma_wait3A_153 = arith.constant 0 : i32
    %dma_wait3A_154 = tpu.memref_slice %arg15[%dma_wait3A_151, %dma_wait3A_152, %dma_wait3A_153] : memref<4x128x16xf32, #tpu.memory_space<vmem>> -> memref<1x128x16xf32, #tpu.memory_space<vmem>>
    %dma_wait3A_155 = tpu.memref_squeeze %dma_wait3A_154 : memref<1x128x16xf32, #tpu.memory_space<vmem>> -> memref<128x16xf32, #tpu.memory_space<vmem>>
    %dma_wait3A_156 = arith.constant 0 : i32
    %dma_wait3A_157 = tpu.memref_slice %arg5[%mul3A_0, %dma_wait3A_156] : memref<200704x16xf32, #tpu.memory_space<hbm>> -> memref<128x16xf32, #tpu.memory_space<hbm>>
    %dma_wait3A_158 = arith.constant 0 : i32
    %dma_wait3A_159 = tpu.memref_slice %arg5[%mul3A_0, %dma_wait3A_158] : memref<200704x16xf32, #tpu.memory_space<hbm>> -> memref<128x16xf32, #tpu.memory_space<hbm>>
    %dma_wait3A_160 = arith.constant 0 : i32
    %dma_wait3A_161 = arith.constant 0 : i32
    %dma_wait3A_162 = tpu.memref_slice %arg15[%dma_wait3A_151, %dma_wait3A_160, %dma_wait3A_161] : memref<4x128x16xf32, #tpu.memory_space<vmem>> -> memref<1x128x16xf32, #tpu.memory_space<vmem>>
    %dma_wait3A_163 = tpu.memref_squeeze %dma_wait3A_162 : memref<1x128x16xf32, #tpu.memory_space<vmem>> -> memref<128x16xf32, #tpu.memory_space<vmem>>
    tpu.wait_dma2 semaphore(%arg29 : memref<!tpu.dma_semaphore, #tpu.memory_space<semaphore_mem>>) src(%dma_wait3A_163 : memref<128x16xf32, #tpu.memory_space<vmem>>) dst(%dma_wait3A_159 : memref<128x16xf32, #tpu.memory_space<hbm>>)
    "tpu.trace_stop"() : () -> ()
    %barrier3A_164 = arith.constant 0 : index
    tpu.barrier barrier_id(%barrier3A_164)
    "tpu.trace_start"() <{level = 10 : i32, message = "ph_edges0"}> : () -> ()
    %add3A_165 = arith.constant 0 : i32
    %add3A_166 = arith.addi %mul3A_4, %add3A_165 : i32
    %min3A_167 = arith.constant 12540 : i32
    %min3A_168 = arith.minsi %add3A_166, %min3A_167 : i32
    %dma_start3A_169 = arith.constant 0 : i32
    %dma_start3A_170 = tpu.memref_slice %arg2[%min3A_168, %dma_start3A_169] : memref<12544x128xi32, #tpu.memory_space<hbm>> -> memref<4x128xi32, #tpu.memory_space<hbm>>
    %dma_start3A_171 = arith.constant 0 : i32
    %dma_start3A_172 = tpu.memref_slice %arg2[%min3A_168, %dma_start3A_171] : memref<12544x128xi32, #tpu.memory_space<hbm>> -> memref<4x128xi32, #tpu.memory_space<hbm>>
    tpu.enqueue_dma source(%dma_start3A_172 : memref<4x128xi32, #tpu.memory_space<hbm>>) target(%arg11 : memref<4x128xi32, #tpu.memory_space<vmem>>) target_semaphore(%arg24 : memref<!tpu.dma_semaphore, #tpu.memory_space<semaphore_mem>>)
    %add3A_173 = arith.constant 0 : i32
    %add3A_174 = arith.addi %mul3A_4, %add3A_173 : i32
    %min3A_175 = arith.constant 12540 : i32
    %min3A_176 = arith.minsi %add3A_174, %min3A_175 : i32
    %dma_start3A_177 = arith.constant 0 : i32
    %dma_start3A_178 = tpu.memref_slice %arg3[%min3A_176, %dma_start3A_177] : memref<12544x128xi32, #tpu.memory_space<hbm>> -> memref<4x128xi32, #tpu.memory_space<hbm>>
    %dma_start3A_179 = arith.constant 0 : i32
    %dma_start3A_180 = tpu.memref_slice %arg3[%min3A_176, %dma_start3A_179] : memref<12544x128xi32, #tpu.memory_space<hbm>> -> memref<4x128xi32, #tpu.memory_space<hbm>>
    tpu.enqueue_dma source(%dma_start3A_180 : memref<4x128xi32, #tpu.memory_space<hbm>>) target(%arg13 : memref<4x128xi32, #tpu.memory_space<vmem>>) target_semaphore(%arg26 : memref<!tpu.dma_semaphore, #tpu.memory_space<semaphore_mem>>)
    %add3A_181 = arith.constant 4 : i32
    %add3A_182 = arith.addi %mul3A_4, %add3A_181 : i32
    %min3A_183 = arith.constant 12540 : i32
    %min3A_184 = arith.minsi %add3A_182, %min3A_183 : i32
    %dma_start3A_185 = arith.constant 0 : i32
    %dma_start3A_186 = tpu.memref_slice %arg2[%min3A_184, %dma_start3A_185] : memref<12544x128xi32, #tpu.memory_space<hbm>> -> memref<4x128xi32, #tpu.memory_space<hbm>>
    %dma_start3A_187 = arith.constant 0 : i32
    %dma_start3A_188 = tpu.memref_slice %arg2[%min3A_184, %dma_start3A_187] : memref<12544x128xi32, #tpu.memory_space<hbm>> -> memref<4x128xi32, #tpu.memory_space<hbm>>
    tpu.enqueue_dma source(%dma_start3A_188 : memref<4x128xi32, #tpu.memory_space<hbm>>) target(%arg12 : memref<4x128xi32, #tpu.memory_space<vmem>>) target_semaphore(%arg25 : memref<!tpu.dma_semaphore, #tpu.memory_space<semaphore_mem>>)
    %add3A_189 = arith.constant 4 : i32
    %add3A_190 = arith.addi %mul3A_4, %add3A_189 : i32
    %min3A_191 = arith.constant 12540 : i32
    %min3A_192 = arith.minsi %add3A_190, %min3A_191 : i32
    %dma_start3A_193 = arith.constant 0 : i32
    %dma_start3A_194 = tpu.memref_slice %arg3[%min3A_192, %dma_start3A_193] : memref<12544x128xi32, #tpu.memory_space<hbm>> -> memref<4x128xi32, #tpu.memory_space<hbm>>
    %dma_start3A_195 = arith.constant 0 : i32
    %dma_start3A_196 = tpu.memref_slice %arg3[%min3A_192, %dma_start3A_195] : memref<12544x128xi32, #tpu.memory_space<hbm>> -> memref<4x128xi32, #tpu.memory_space<hbm>>
    tpu.enqueue_dma source(%dma_start3A_196 : memref<4x128xi32, #tpu.memory_space<hbm>>) target(%arg14 : memref<4x128xi32, #tpu.memory_space<vmem>>) target_semaphore(%arg27 : memref<!tpu.dma_semaphore, #tpu.memory_space<semaphore_mem>>)
    %scan3A_197 = arith.constant 0 : i32
    %scan3A_198 = arith.constant 98 : i32
    %scan3A_199 = arith.addi %scan3A_197, %scan3A_198 : i32
    %scan3A_200 = arith.constant 1 : i32
    scf.for %scan3A_642 = %scan3A_197 to %scan3A_199 step %scan3A_200  : i32 {
      %mul3A_643 = arith.constant 1 : i32
      %mul3A_644 = arith.muli %scan3A_642, %mul3A_643 : i32
      %add3A_645 = arith.constant 0 : i32
      %add3A_646 = arith.addi %add3A_645, %mul3A_644 : i32
      %dma_wait3A_647 = arith.constant 0 : i32
      %dma_wait3A_648 = arith.constant 0 : i32
      %dma_wait3A_649 = tpu.memref_slice %arg2[%dma_wait3A_647, %dma_wait3A_648] : memref<12544x128xi32, #tpu.memory_space<hbm>> -> memref<4x128xi32, #tpu.memory_space<hbm>>
      %dma_wait3A_650 = arith.constant 0 : i32
      %dma_wait3A_651 = arith.constant 0 : i32
      %dma_wait3A_652 = tpu.memref_slice %arg2[%dma_wait3A_650, %dma_wait3A_651] : memref<12544x128xi32, #tpu.memory_space<hbm>> -> memref<4x128xi32, #tpu.memory_space<hbm>>
      tpu.wait_dma2 semaphore(%arg24 : memref<!tpu.dma_semaphore, #tpu.memory_space<semaphore_mem>>) src(%dma_wait3A_652 : memref<4x128xi32, #tpu.memory_space<hbm>>) dst(%arg11 : memref<4x128xi32, #tpu.memory_space<vmem>>)
      %dma_wait3A_653 = arith.constant 0 : i32
      %dma_wait3A_654 = arith.constant 0 : i32
      %dma_wait3A_655 = tpu.memref_slice %arg3[%dma_wait3A_653, %dma_wait3A_654] : memref<12544x128xi32, #tpu.memory_space<hbm>> -> memref<4x128xi32, #tpu.memory_space<hbm>>
      %dma_wait3A_656 = arith.constant 0 : i32
      %dma_wait3A_657 = arith.constant 0 : i32
      %dma_wait3A_658 = tpu.memref_slice %arg3[%dma_wait3A_656, %dma_wait3A_657] : memref<12544x128xi32, #tpu.memory_space<hbm>> -> memref<4x128xi32, #tpu.memory_space<hbm>>
      tpu.wait_dma2 semaphore(%arg26 : memref<!tpu.dma_semaphore, #tpu.memory_space<semaphore_mem>>) src(%dma_wait3A_658 : memref<4x128xi32, #tpu.memory_space<hbm>>) dst(%arg13 : memref<4x128xi32, #tpu.memory_space<vmem>>)
      %scan3A_659 = arith.constant 0 : i32
      %scan3A_660 = arith.constant 4 : i32
      %scan3A_661 = arith.addi %scan3A_659, %scan3A_660 : i32
      %scan3A_662 = arith.constant 1 : i32
      scf.for %scan3A_1125 = %scan3A_659 to %scan3A_661 step %scan3A_662  : i32 {
        %mul3A_1126 = arith.constant 1 : i32
        %mul3A_1127 = arith.muli %scan3A_1125, %mul3A_1126 : i32
        %add3A_1128 = arith.constant 0 : i32
        %add3A_1129 = arith.addi %add3A_1128, %mul3A_1127 : i32
        %scan3A_1130 = arith.constant 0 : i32
        %scan3A_1131 = arith.constant 8 : i32
        %scan3A_1132 = arith.addi %scan3A_1130, %scan3A_1131 : i32
        %scan3A_1133 = arith.constant 1 : i32
        scf.for %scan3A_1135 = %scan3A_1130 to %scan3A_1132 step %scan3A_1133  : i32 {
          %mul3A_1136 = arith.constant 1 : i32
          %mul3A_1137 = arith.muli %scan3A_1135, %mul3A_1136 : i32
          %add3A_1138 = arith.constant 0 : i32
          %add3A_1139 = arith.addi %add3A_1138, %mul3A_1137 : i32
          %mul3A_1140 = arith.constant 16 : i32
          %mul3A_1141 = arith.muli %add3A_1139, %mul3A_1140 : i32
          %get3A = arith.index_cast %add3A_1129 : i32 to index
          %get3A_1142 = arith.index_cast %mul3A_1141 : i32 to index
          %get3A_1143 = tpu.vector_load %arg11[%get3A, %get3A_1142] {strides = array<i32>} : memref<4x128xi32, #tpu.memory_space<vmem>>, vector<16xi32>,
          %add3A_1144 = vector.broadcast %mul3A_0 : i32 to vector<16xi32>
          %add3A_1145 = arith.addi %get3A_1143, %add3A_1144 : vector<16xi32>
          %swap3A = arith.index_cast %add3A_1129 : i32 to index
          %swap3A_1146 = arith.index_cast %mul3A_1141 : i32 to index
          %swap3A_1147 = tpu.vector_load %arg11[%swap3A, %swap3A_1146] {strides = array<i32>} : memref<4x128xi32, #tpu.memory_space<vmem>>, vector<16xi32>,
          tpu.vector_store %arg11[%swap3A, %swap3A_1146], %add3A_1145 {strides = array<i32>} : memref<4x128xi32, #tpu.memory_space<vmem>>, vector<16xi32>,
        }
        %scan3A_1134 = arith.constant 8 : i32
      }
      %scan3A_663 = arith.constant 4 : i32
      %dma_start3A_664 = arith.constant 0 : i32
      %dma_start3A_665 = arith.constant 0 : i32
      %dma_start3A_666 = arith.constant 0 : i32
      %dma_start3A_667 = arith.constant 0 : i32
      %dma_start3A_668 = tpu.memref_slice %arg15[%dma_start3A_665, %dma_start3A_666, %dma_start3A_667] : memref<4x128x16xf32, #tpu.memory_space<vmem>> -> memref<1x128x16xf32, #tpu.memory_space<vmem>>
      %dma_start3A_669 = tpu.memref_squeeze %dma_start3A_668 : memref<1x128x16xf32, #tpu.memory_space<vmem>> -> memref<128x16xf32, #tpu.memory_space<vmem>>
      %dma_start3A_670 = arith.constant 0 : i32
      %dma_start3A_671 = tpu.memref_slice %arg11[%dma_start3A_664, %dma_start3A_670] : memref<4x128xi32, #tpu.memory_space<vmem>> -> memref<1x128xi32, #tpu.memory_space<vmem>>
      %dma_start3A_672 = tpu.memref_squeeze %dma_start3A_671 : memref<1x128xi32, #tpu.memory_space<vmem>> -> memref<128xi32, #tpu.memory_space<vmem>>
      %dma_start3A_673 = arith.constant 0 : i32
      %dma_start3A_674 = arith.constant 0 : i32
      %dma_start3A_675 = tpu.memref_slice %arg6[%dma_start3A_673, %dma_start3A_674] : memref<200704x16xf32, #tpu.memory_space<hbm>> -> memref<200704x16xf32, #tpu.memory_space<hbm>>
      tpu.enqueue_indirect_dma source(%dma_start3A_675 : memref<200704x16xf32, #tpu.memory_space<hbm>>) target(%dma_start3A_669 : memref<128x16xf32, #tpu.memory_space<vmem>>) offsets(%dma_start3A_672 : memref<128xi32, #tpu.memory_space<vmem>>) semaphore(%arg20 : memref<!tpu.dma_semaphore, #tpu.memory_space<semaphore_mem>>)
      %dma_start3A_676 = arith.constant 1 : i32
      %dma_start3A_677 = arith.constant 1 : i32
      %dma_start3A_678 = arith.constant 0 : i32
      %dma_start3A_679 = arith.constant 0 : i32
      %dma_start3A_680 = tpu.memref_slice %arg15[%dma_start3A_677, %dma_start3A_678, %dma_start3A_679] : memref<4x128x16xf32, #tpu.memory_space<vmem>> -> memref<1x128x16xf32, #tpu.memory_space<vmem>>
      %dma_start3A_681 = tpu.memref_squeeze %dma_start3A_680 : memref<1x128x16xf32, #tpu.memory_space<vmem>> -> memref<128x16xf32, #tpu.memory_space<vmem>>
      %dma_start3A_682 = arith.constant 0 : i32
      %dma_start3A_683 = tpu.memref_slice %arg11[%dma_start3A_676, %dma_start3A_682] : memref<4x128xi32, #tpu.memory_space<vmem>> -> memref<1x128xi32, #tpu.memory_space<vmem>>
      %dma_start3A_684 = tpu.memref_squeeze %dma_start3A_683 : memref<1x128xi32, #tpu.memory_space<vmem>> -> memref<128xi32, #tpu.memory_space<vmem>>
      %dma_start3A_685 = arith.constant 0 : i32
      %dma_start3A_686 = arith.constant 0 : i32
      %dma_start3A_687 = tpu.memref_slice %arg6[%dma_start3A_685, %dma_start3A_686] : memref<200704x16xf32, #tpu.memory_space<hbm>> -> memref<200704x16xf32, #tpu.memory_space<hbm>>
      tpu.enqueue_indirect_dma source(%dma_start3A_687 : memref<200704x16xf32, #tpu.memory_space<hbm>>) target(%dma_start3A_681 : memref<128x16xf32, #tpu.memory_space<vmem>>) offsets(%dma_start3A_684 : memref<128xi32, #tpu.memory_space<vmem>>) semaphore(%arg20 : memref<!tpu.dma_semaphore, #tpu.memory_space<semaphore_mem>>)
      %dma_start3A_688 = arith.constant 2 : i32
      %dma_start3A_689 = arith.constant 2 : i32
      %dma_start3A_690 = arith.constant 0 : i32
      %dma_start3A_691 = arith.constant 0 : i32
      %dma_start3A_692 = tpu.memref_slice %arg15[%dma_start3A_689, %dma_start3A_690, %dma_start3A_691] : memref<4x128x16xf32, #tpu.memory_space<vmem>> -> memref<1x128x16xf32, #tpu.memory_space<vmem>>
      %dma_start3A_693 = tpu.memref_squeeze %dma_start3A_692 : memref<1x128x16xf32, #tpu.memory_space<vmem>> -> memref<128x16xf32, #tpu.memory_space<vmem>>
      %dma_start3A_694 = arith.constant 0 : i32
      %dma_start3A_695 = tpu.memref_slice %arg11[%dma_start3A_688, %dma_start3A_694] : memref<4x128xi32, #tpu.memory_space<vmem>> -> memref<1x128xi32, #tpu.memory_space<vmem>>
      %dma_start3A_696 = tpu.memref_squeeze %dma_start3A_695 : memref<1x128xi32, #tpu.memory_space<vmem>> -> memref<128xi32, #tpu.memory_space<vmem>>
      %dma_start3A_697 = arith.constant 0 : i32
      %dma_start3A_698 = arith.constant 0 : i32
      %dma_start3A_699 = tpu.memref_slice %arg6[%dma_start3A_697, %dma_start3A_698] : memref<200704x16xf32, #tpu.memory_space<hbm>> -> memref<200704x16xf32, #tpu.memory_space<hbm>>
      tpu.enqueue_indirect_dma source(%dma_start3A_699 : memref<200704x16xf32, #tpu.memory_space<hbm>>) target(%dma_start3A_693 : memref<128x16xf32, #tpu.memory_space<vmem>>) offsets(%dma_start3A_696 : memref<128xi32, #tpu.memory_space<vmem>>) semaphore(%arg20 : memref<!tpu.dma_semaphore, #tpu.memory_space<semaphore_mem>>)
      %dma_start3A_700 = arith.constant 3 : i32
      %dma_start3A_701 = arith.constant 3 : i32
      %dma_start3A_702 = arith.constant 0 : i32
      %dma_start3A_703 = arith.constant 0 : i32
      %dma_start3A_704 = tpu.memref_slice %arg15[%dma_start3A_701, %dma_start3A_702, %dma_start3A_703] : memref<4x128x16xf32, #tpu.memory_space<vmem>> -> memref<1x128x16xf32, #tpu.memory_space<vmem>>
      %dma_start3A_705 = tpu.memref_squeeze %dma_start3A_704 : memref<1x128x16xf32, #tpu.memory_space<vmem>> -> memref<128x16xf32, #tpu.memory_space<vmem>>
      %dma_start3A_706 = arith.constant 0 : i32
      %dma_start3A_707 = tpu.memref_slice %arg11[%dma_start3A_700, %dma_start3A_706] : memref<4x128xi32, #tpu.memory_space<vmem>> -> memref<1x128xi32, #tpu.memory_space<vmem>>
      %dma_start3A_708 = tpu.memref_squeeze %dma_start3A_707 : memref<1x128xi32, #tpu.memory_space<vmem>> -> memref<128xi32, #tpu.memory_space<vmem>>
      %dma_start3A_709 = arith.constant 0 : i32
      %dma_start3A_710 = arith.constant 0 : i32
      %dma_start3A_711 = tpu.memref_slice %arg6[%dma_start3A_709, %dma_start3A_710] : memref<200704x16xf32, #tpu.memory_space<hbm>> -> memref<200704x16xf32, #tpu.memory_space<hbm>>
      tpu.enqueue_indirect_dma source(%dma_start3A_711 : memref<200704x16xf32, #tpu.memory_space<hbm>>) target(%dma_start3A_705 : memref<128x16xf32, #tpu.memory_space<vmem>>) offsets(%dma_start3A_708 : memref<128xi32, #tpu.memory_space<vmem>>) semaphore(%arg20 : memref<!tpu.dma_semaphore, #tpu.memory_space<semaphore_mem>>)
      %dma_wait3A_712 = arith.constant 0 : i32
      %dma_wait3A_713 = arith.constant 0 : i32
      %dma_wait3A_714 = tpu.memref_slice %arg2[%dma_wait3A_712, %dma_wait3A_713] : memref<12544x128xi32, #tpu.memory_space<hbm>> -> memref<4x128xi32, #tpu.memory_space<hbm>>
      %dma_wait3A_715 = arith.constant 0 : i32
      %dma_wait3A_716 = arith.constant 0 : i32
      %dma_wait3A_717 = tpu.memref_slice %arg2[%dma_wait3A_715, %dma_wait3A_716] : memref<12544x128xi32, #tpu.memory_space<hbm>> -> memref<4x128xi32, #tpu.memory_space<hbm>>
      tpu.wait_dma2 semaphore(%arg25 : memref<!tpu.dma_semaphore, #tpu.memory_space<semaphore_mem>>) src(%dma_wait3A_717 : memref<4x128xi32, #tpu.memory_space<hbm>>) dst(%arg12 : memref<4x128xi32, #tpu.memory_space<vmem>>)
      %dma_wait3A_718 = arith.constant 0 : i32
      %dma_wait3A_719 = arith.constant 0 : i32
      %dma_wait3A_720 = tpu.memref_slice %arg3[%dma_wait3A_718, %dma_wait3A_719] : memref<12544x128xi32, #tpu.memory_space<hbm>> -> memref<4x128xi32, #tpu.memory_space<hbm>>
      %dma_wait3A_721 = arith.constant 0 : i32
      %dma_wait3A_722 = arith.constant 0 : i32
      %dma_wait3A_723 = tpu.memref_slice %arg3[%dma_wait3A_721, %dma_wait3A_722] : memref<12544x128xi32, #tpu.memory_space<hbm>> -> memref<4x128xi32, #tpu.memory_space<hbm>>
      tpu.wait_dma2 semaphore(%arg27 : memref<!tpu.dma_semaphore, #tpu.memory_space<semaphore_mem>>) src(%dma_wait3A_723 : memref<4x128xi32, #tpu.memory_space<hbm>>) dst(%arg14 : memref<4x128xi32, #tpu.memory_space<vmem>>)
      %scan3A_724 = arith.constant 0 : i32
      %scan3A_725 = arith.constant 4 : i32
      %scan3A_726 = arith.addi %scan3A_724, %scan3A_725 : i32
      %scan3A_727 = arith.constant 1 : i32
      scf.for %scan3A_1125 = %scan3A_724 to %scan3A_726 step %scan3A_727  : i32 {
        %mul3A_1126 = arith.constant 1 : i32
        %mul3A_1127 = arith.muli %scan3A_1125, %mul3A_1126 : i32
        %add3A_1128 = arith.constant 0 : i32
        %add3A_1129 = arith.addi %add3A_1128, %mul3A_1127 : i32
        %scan3A_1130 = arith.constant 0 : i32
        %scan3A_1131 = arith.constant 8 : i32
        %scan3A_1132 = arith.addi %scan3A_1130, %scan3A_1131 : i32
        %scan3A_1133 = arith.constant 1 : i32
        scf.for %scan3A_1135 = %scan3A_1130 to %scan3A_1132 step %scan3A_1133  : i32 {
          %mul3A_1136 = arith.constant 1 : i32
          %mul3A_1137 = arith.muli %scan3A_1135, %mul3A_1136 : i32
          %add3A_1138 = arith.constant 0 : i32
          %add3A_1139 = arith.addi %add3A_1138, %mul3A_1137 : i32
          %mul3A_1140 = arith.constant 16 : i32
          %mul3A_1141 = arith.muli %add3A_1139, %mul3A_1140 : i32
          %get3A = arith.index_cast %add3A_1129 : i32 to index
          %get3A_1142 = arith.index_cast %mul3A_1141 : i32 to index
          %get3A_1143 = tpu.vector_load %arg12[%get3A, %get3A_1142] {strides = array<i32>} : memref<4x128xi32, #tpu.memory_space<vmem>>, vector<16xi32>,
          %add3A_1144 = vector.broadcast %mul3A_0 : i32 to vector<16xi32>
          %add3A_1145 = arith.addi %get3A_1143, %add3A_1144 : vector<16xi32>
          %swap3A = arith.index_cast %add3A_1129 : i32 to index
          %swap3A_1146 = arith.index_cast %mul3A_1141 : i32 to index
          %swap3A_1147 = tpu.vector_load %arg12[%swap3A, %swap3A_1146] {strides = array<i32>} : memref<4x128xi32, #tpu.memory_space<vmem>>, vector<16xi32>,
          tpu.vector_store %arg12[%swap3A, %swap3A_1146], %add3A_1145 {strides = array<i32>} : memref<4x128xi32, #tpu.memory_space<vmem>>, vector<16xi32>,
        }
        %scan3A_1134 = arith.constant 8 : i32
      }
      %scan3A_728 = arith.constant 4 : i32
      %dma_start3A_729 = arith.constant 0 : i32
      %dma_start3A_730 = arith.constant 0 : i32
      %dma_start3A_731 = arith.constant 0 : i32
      %dma_start3A_732 = arith.constant 0 : i32
      %dma_start3A_733 = tpu.memref_slice %arg16[%dma_start3A_730, %dma_start3A_731, %dma_start3A_732] : memref<4x128x16xf32, #tpu.memory_space<vmem>> -> memref<1x128x16xf32, #tpu.memory_space<vmem>>
      %dma_start3A_734 = tpu.memref_squeeze %dma_start3A_733 : memref<1x128x16xf32, #tpu.memory_space<vmem>> -> memref<128x16xf32, #tpu.memory_space<vmem>>
      %dma_start3A_735 = arith.constant 0 : i32
      %dma_start3A_736 = tpu.memref_slice %arg12[%dma_start3A_729, %dma_start3A_735] : memref<4x128xi32, #tpu.memory_space<vmem>> -> memref<1x128xi32, #tpu.memory_space<vmem>>
      %dma_start3A_737 = tpu.memref_squeeze %dma_start3A_736 : memref<1x128xi32, #tpu.memory_space<vmem>> -> memref<128xi32, #tpu.memory_space<vmem>>
      %dma_start3A_738 = arith.constant 0 : i32
      %dma_start3A_739 = arith.constant 0 : i32
      %dma_start3A_740 = tpu.memref_slice %arg6[%dma_start3A_738, %dma_start3A_739] : memref<200704x16xf32, #tpu.memory_space<hbm>> -> memref<200704x16xf32, #tpu.memory_space<hbm>>
      tpu.enqueue_indirect_dma source(%dma_start3A_740 : memref<200704x16xf32, #tpu.memory_space<hbm>>) target(%dma_start3A_734 : memref<128x16xf32, #tpu.memory_space<vmem>>) offsets(%dma_start3A_737 : memref<128xi32, #tpu.memory_space<vmem>>) semaphore(%arg21 : memref<!tpu.dma_semaphore, #tpu.memory_space<semaphore_mem>>)
      %dma_start3A_741 = arith.constant 1 : i32
      %dma_start3A_742 = arith.constant 1 : i32
      %dma_start3A_743 = arith.constant 0 : i32
      %dma_start3A_744 = arith.constant 0 : i32
      %dma_start3A_745 = tpu.memref_slice %arg16[%dma_start3A_742, %dma_start3A_743, %dma_start3A_744] : memref<4x128x16xf32, #tpu.memory_space<vmem>> -> memref<1x128x16xf32, #tpu.memory_space<vmem>>
      %dma_start3A_746 = tpu.memref_squeeze %dma_start3A_745 : memref<1x128x16xf32, #tpu.memory_space<vmem>> -> memref<128x16xf32, #tpu.memory_space<vmem>>
      %dma_start3A_747 = arith.constant 0 : i32
      %dma_start3A_748 = tpu.memref_slice %arg12[%dma_start3A_741, %dma_start3A_747] : memref<4x128xi32, #tpu.memory_space<vmem>> -> memref<1x128xi32, #tpu.memory_space<vmem>>
      %dma_start3A_749 = tpu.memref_squeeze %dma_start3A_748 : memref<1x128xi32, #tpu.memory_space<vmem>> -> memref<128xi32, #tpu.memory_space<vmem>>
      %dma_start3A_750 = arith.constant 0 : i32
      %dma_start3A_751 = arith.constant 0 : i32
      %dma_start3A_752 = tpu.memref_slice %arg6[%dma_start3A_750, %dma_start3A_751] : memref<200704x16xf32, #tpu.memory_space<hbm>> -> memref<200704x16xf32, #tpu.memory_space<hbm>>
      tpu.enqueue_indirect_dma source(%dma_start3A_752 : memref<200704x16xf32, #tpu.memory_space<hbm>>) target(%dma_start3A_746 : memref<128x16xf32, #tpu.memory_space<vmem>>) offsets(%dma_start3A_749 : memref<128xi32, #tpu.memory_space<vmem>>) semaphore(%arg21 : memref<!tpu.dma_semaphore, #tpu.memory_space<semaphore_mem>>)
      %dma_start3A_753 = arith.constant 2 : i32
      %dma_start3A_754 = arith.constant 2 : i32
      %dma_start3A_755 = arith.constant 0 : i32
      %dma_start3A_756 = arith.constant 0 : i32
      %dma_start3A_757 = tpu.memref_slice %arg16[%dma_start3A_754, %dma_start3A_755, %dma_start3A_756] : memref<4x128x16xf32, #tpu.memory_space<vmem>> -> memref<1x128x16xf32, #tpu.memory_space<vmem>>
      %dma_start3A_758 = tpu.memref_squeeze %dma_start3A_757 : memref<1x128x16xf32, #tpu.memory_space<vmem>> -> memref<128x16xf32, #tpu.memory_space<vmem>>
      %dma_start3A_759 = arith.constant 0 : i32
      %dma_start3A_760 = tpu.memref_slice %arg12[%dma_start3A_753, %dma_start3A_759] : memref<4x128xi32, #tpu.memory_space<vmem>> -> memref<1x128xi32, #tpu.memory_space<vmem>>
      %dma_start3A_761 = tpu.memref_squeeze %dma_start3A_760 : memref<1x128xi32, #tpu.memory_space<vmem>> -> memref<128xi32, #tpu.memory_space<vmem>>
      %dma_start3A_762 = arith.constant 0 : i32
      %dma_start3A_763 = arith.constant 0 : i32
      %dma_start3A_764 = tpu.memref_slice %arg6[%dma_start3A_762, %dma_start3A_763] : memref<200704x16xf32, #tpu.memory_space<hbm>> -> memref<200704x16xf32, #tpu.memory_space<hbm>>
      tpu.enqueue_indirect_dma source(%dma_start3A_764 : memref<200704x16xf32, #tpu.memory_space<hbm>>) target(%dma_start3A_758 : memref<128x16xf32, #tpu.memory_space<vmem>>) offsets(%dma_start3A_761 : memref<128xi32, #tpu.memory_space<vmem>>) semaphore(%arg21 : memref<!tpu.dma_semaphore, #tpu.memory_space<semaphore_mem>>)
      %dma_start3A_765 = arith.constant 3 : i32
      %dma_start3A_766 = arith.constant 3 : i32
      %dma_start3A_767 = arith.constant 0 : i32
      %dma_start3A_768 = arith.constant 0 : i32
      %dma_start3A_769 = tpu.memref_slice %arg16[%dma_start3A_766, %dma_start3A_767, %dma_start3A_768] : memref<4x128x16xf32, #tpu.memory_space<vmem>> -> memref<1x128x16xf32, #tpu.memory_space<vmem>>
      %dma_start3A_770 = tpu.memref_squeeze %dma_start3A_769 : memref<1x128x16xf32, #tpu.memory_space<vmem>> -> memref<128x16xf32, #tpu.memory_space<vmem>>
      %dma_start3A_771 = arith.constant 0 : i32
      %dma_start3A_772 = tpu.memref_slice %arg12[%dma_start3A_765, %dma_start3A_771] : memref<4x128xi32, #tpu.memory_space<vmem>> -> memref<1x128xi32, #tpu.memory_space<vmem>>
      %dma_start3A_773 = tpu.memref_squeeze %dma_start3A_772 : memref<1x128xi32, #tpu.memory_space<vmem>> -> memref<128xi32, #tpu.memory_space<vmem>>
      %dma_start3A_774 = arith.constant 0 : i32
      %dma_start3A_775 = arith.constant 0 : i32
      %dma_start3A_776 = tpu.memref_slice %arg6[%dma_start3A_774, %dma_start3A_775] : memref<200704x16xf32, #tpu.memory_space<hbm>> -> memref<200704x16xf32, #tpu.memory_space<hbm>>
      tpu.enqueue_indirect_dma source(%dma_start3A_776 : memref<200704x16xf32, #tpu.memory_space<hbm>>) target(%dma_start3A_770 : memref<128x16xf32, #tpu.memory_space<vmem>>) offsets(%dma_start3A_773 : memref<128xi32, #tpu.memory_space<vmem>>) semaphore(%arg21 : memref<!tpu.dma_semaphore, #tpu.memory_space<semaphore_mem>>)
      %dma_wait3A_777 = arith.constant 0 : i32
      %dma_wait3A_778 = arith.constant 0 : i32
      %dma_wait3A_779 = arith.constant 0 : i32
      %dma_wait3A_780 = arith.constant 0 : i32
      %dma_wait3A_781 = tpu.memref_slice %arg15[%dma_wait3A_778, %dma_wait3A_779, %dma_wait3A_780] : memref<4x128x16xf32, #tpu.memory_space<vmem>> -> memref<1x128x16xf32, #tpu.memory_space<vmem>>
      %dma_wait3A_782 = tpu.memref_squeeze %dma_wait3A_781 : memref<1x128x16xf32, #tpu.memory_space<vmem>> -> memref<128x16xf32, #tpu.memory_space<vmem>>
      %dma_wait3A_783 = arith.constant 0 : i32
      %dma_wait3A_784 = tpu.memref_slice %arg11[%dma_wait3A_777, %dma_wait3A_783] : memref<4x128xi32, #tpu.memory_space<vmem>> -> memref<1x128xi32, #tpu.memory_space<vmem>>
      %dma_wait3A_785 = tpu.memref_squeeze %dma_wait3A_784 : memref<1x128xi32, #tpu.memory_space<vmem>> -> memref<128xi32, #tpu.memory_space<vmem>>
      %dma_wait3A_786 = arith.constant 0 : i32
      %dma_wait3A_787 = arith.constant 0 : i32
      %dma_wait3A_788 = tpu.memref_slice %arg6[%dma_wait3A_786, %dma_wait3A_787] : memref<200704x16xf32, #tpu.memory_space<hbm>> -> memref<200704x16xf32, #tpu.memory_space<hbm>>
      tpu.wait_indirect_dma semaphore(%arg20 : memref<!tpu.dma_semaphore, #tpu.memory_space<semaphore_mem>>) src(%dma_wait3A_788 : memref<200704x16xf32, #tpu.memory_space<hbm>>) dst(%dma_wait3A_782 : memref<128x16xf32, #tpu.memory_space<vmem>>)
      %dma_wait3A_789 = arith.constant 1 : i32
      %dma_wait3A_790 = arith.constant 1 : i32
      %dma_wait3A_791 = arith.constant 0 : i32
      %dma_wait3A_792 = arith.constant 0 : i32
      %dma_wait3A_793 = tpu.memref_slice %arg15[%dma_wait3A_790, %dma_wait3A_791, %dma_wait3A_792] : memref<4x128x16xf32, #tpu.memory_space<vmem>> -> memref<1x128x16xf32, #tpu.memory_space<vmem>>
      %dma_wait3A_794 = tpu.memref_squeeze %dma_wait3A_793 : memref<1x128x16xf32, #tpu.memory_space<vmem>> -> memref<128x16xf32, #tpu.memory_space<vmem>>
      %dma_wait3A_795 = arith.constant 0 : i32
      %dma_wait3A_796 = tpu.memref_slice %arg11[%dma_wait3A_789, %dma_wait3A_795] : memref<4x128xi32, #tpu.memory_space<vmem>> -> memref<1x128xi32, #tpu.memory_space<vmem>>
      %dma_wait3A_797 = tpu.memref_squeeze %dma_wait3A_796 : memref<1x128xi32, #tpu.memory_space<vmem>> -> memref<128xi32, #tpu.memory_space<vmem>>
      %dma_wait3A_798 = arith.constant 0 : i32
      %dma_wait3A_799 = arith.constant 0 : i32
      %dma_wait3A_800 = tpu.memref_slice %arg6[%dma_wait3A_798, %dma_wait3A_799] : memref<200704x16xf32, #tpu.memory_space<hbm>> -> memref<200704x16xf32, #tpu.memory_space<hbm>>
      tpu.wait_indirect_dma semaphore(%arg20 : memref<!tpu.dma_semaphore, #tpu.memory_space<semaphore_mem>>) src(%dma_wait3A_800 : memref<200704x16xf32, #tpu.memory_space<hbm>>) dst(%dma_wait3A_794 : memref<128x16xf32, #tpu.memory_space<vmem>>)
      %dma_wait3A_801 = arith.constant 2 : i32
      %dma_wait3A_802 = arith.constant 2 : i32
      %dma_wait3A_803 = arith.constant 0 : i32
      %dma_wait3A_804 = arith.constant 0 : i32
      %dma_wait3A_805 = tpu.memref_slice %arg15[%dma_wait3A_802, %dma_wait3A_803, %dma_wait3A_804] : memref<4x128x16xf32, #tpu.memory_space<vmem>> -> memref<1x128x16xf32, #tpu.memory_space<vmem>>
      %dma_wait3A_806 = tpu.memref_squeeze %dma_wait3A_805 : memref<1x128x16xf32, #tpu.memory_space<vmem>> -> memref<128x16xf32, #tpu.memory_space<vmem>>
      %dma_wait3A_807 = arith.constant 0 : i32
      %dma_wait3A_808 = tpu.memref_slice %arg11[%dma_wait3A_801, %dma_wait3A_807] : memref<4x128xi32, #tpu.memory_space<vmem>> -> memref<1x128xi32, #tpu.memory_space<vmem>>
      %dma_wait3A_809 = tpu.memref_squeeze %dma_wait3A_808 : memref<1x128xi32, #tpu.memory_space<vmem>> -> memref<128xi32, #tpu.memory_space<vmem>>
      %dma_wait3A_810 = arith.constant 0 : i32
      %dma_wait3A_811 = arith.constant 0 : i32
      %dma_wait3A_812 = tpu.memref_slice %arg6[%dma_wait3A_810, %dma_wait3A_811] : memref<200704x16xf32, #tpu.memory_space<hbm>> -> memref<200704x16xf32, #tpu.memory_space<hbm>>
      tpu.wait_indirect_dma semaphore(%arg20 : memref<!tpu.dma_semaphore, #tpu.memory_space<semaphore_mem>>) src(%dma_wait3A_812 : memref<200704x16xf32, #tpu.memory_space<hbm>>) dst(%dma_wait3A_806 : memref<128x16xf32, #tpu.memory_space<vmem>>)
      %dma_wait3A_813 = arith.constant 3 : i32
      %dma_wait3A_814 = arith.constant 3 : i32
      %dma_wait3A_815 = arith.constant 0 : i32
      %dma_wait3A_816 = arith.constant 0 : i32
      %dma_wait3A_817 = tpu.memref_slice %arg15[%dma_wait3A_814, %dma_wait3A_815, %dma_wait3A_816] : memref<4x128x16xf32, #tpu.memory_space<vmem>> -> memref<1x128x16xf32, #tpu.memory_space<vmem>>
      %dma_wait3A_818 = tpu.memref_squeeze %dma_wait3A_817 : memref<1x128x16xf32, #tpu.memory_space<vmem>> -> memref<128x16xf32, #tpu.memory_space<vmem>>
      %dma_wait3A_819 = arith.constant 0 : i32
      %dma_wait3A_820 = tpu.memref_slice %arg11[%dma_wait3A_813, %dma_wait3A_819] : memref<4x128xi32, #tpu.memory_space<vmem>> -> memref<1x128xi32, #tpu.memory_space<vmem>>
      %dma_wait3A_821 = tpu.memref_squeeze %dma_wait3A_820 : memref<1x128xi32, #tpu.memory_space<vmem>> -> memref<128xi32, #tpu.memory_space<vmem>>
      %dma_wait3A_822 = arith.constant 0 : i32
      %dma_wait3A_823 = arith.constant 0 : i32
      %dma_wait3A_824 = tpu.memref_slice %arg6[%dma_wait3A_822, %dma_wait3A_823] : memref<200704x16xf32, #tpu.memory_space<hbm>> -> memref<200704x16xf32, #tpu.memory_space<hbm>>
      tpu.wait_indirect_dma semaphore(%arg20 : memref<!tpu.dma_semaphore, #tpu.memory_space<semaphore_mem>>) src(%dma_wait3A_824 : memref<200704x16xf32, #tpu.memory_space<hbm>>) dst(%dma_wait3A_818 : memref<128x16xf32, #tpu.memory_space<vmem>>)
      %dma_start3A_825 = arith.constant 0 : i32
      %dma_start3A_826 = arith.constant 0 : i32
      %dma_start3A_827 = arith.constant 0 : i32
      %dma_start3A_828 = arith.constant 0 : i32
      %dma_start3A_829 = tpu.memref_slice %arg15[%dma_start3A_825, %dma_start3A_827, %dma_start3A_828] : memref<4x128x16xf32, #tpu.memory_space<vmem>> -> memref<1x128x16xf32, #tpu.memory_space<vmem>>
      %dma_start3A_830 = tpu.memref_squeeze %dma_start3A_829 : memref<1x128x16xf32, #tpu.memory_space<vmem>> -> memref<128x16xf32, #tpu.memory_space<vmem>>
      %dma_start3A_831 = arith.constant 0 : i32
      %dma_start3A_832 = tpu.memref_slice %arg13[%dma_start3A_826, %dma_start3A_831] : memref<4x128xi32, #tpu.memory_space<vmem>> -> memref<1x128xi32, #tpu.memory_space<vmem>>
      %dma_start3A_833 = tpu.memref_squeeze %dma_start3A_832 : memref<1x128xi32, #tpu.memory_space<vmem>> -> memref<128xi32, #tpu.memory_space<vmem>>
      %dma_start3A_834 = arith.constant 0 : i32
      %dma_start3A_835 = arith.constant 0 : i32
      %dma_start3A_836 = tpu.memref_slice %arg9[%dma_start3A_834, %dma_start3A_835] : memref<100352x16xf32, #tpu.memory_space<vmem_shared>> -> memref<100352x16xf32, #tpu.memory_space<vmem_shared>>
      tpu.enqueue_indirect_dma source(%dma_start3A_830 : memref<128x16xf32, #tpu.memory_space<vmem>>) target(%dma_start3A_836 : memref<100352x16xf32, #tpu.memory_space<vmem_shared>>) offsets(%dma_start3A_833 : memref<128xi32, #tpu.memory_space<vmem>>) semaphore(%arg22 : memref<!tpu.dma_semaphore, #tpu.memory_space<semaphore_mem>>) {add = true}
      %dma_start3A_837 = arith.constant 1 : i32
      %dma_start3A_838 = arith.constant 1 : i32
      %dma_start3A_839 = arith.constant 0 : i32
      %dma_start3A_840 = arith.constant 0 : i32
      %dma_start3A_841 = tpu.memref_slice %arg15[%dma_start3A_837, %dma_start3A_839, %dma_start3A_840] : memref<4x128x16xf32, #tpu.memory_space<vmem>> -> memref<1x128x16xf32, #tpu.memory_space<vmem>>
      %dma_start3A_842 = tpu.memref_squeeze %dma_start3A_841 : memref<1x128x16xf32, #tpu.memory_space<vmem>> -> memref<128x16xf32, #tpu.memory_space<vmem>>
      %dma_start3A_843 = arith.constant 0 : i32
      %dma_start3A_844 = tpu.memref_slice %arg13[%dma_start3A_838, %dma_start3A_843] : memref<4x128xi32, #tpu.memory_space<vmem>> -> memref<1x128xi32, #tpu.memory_space<vmem>>
      %dma_start3A_845 = tpu.memref_squeeze %dma_start3A_844 : memref<1x128xi32, #tpu.memory_space<vmem>> -> memref<128xi32, #tpu.memory_space<vmem>>
      %dma_start3A_846 = arith.constant 0 : i32
      %dma_start3A_847 = arith.constant 0 : i32
      %dma_start3A_848 = tpu.memref_slice %arg9[%dma_start3A_846, %dma_start3A_847] : memref<100352x16xf32, #tpu.memory_space<vmem_shared>> -> memref<100352x16xf32, #tpu.memory_space<vmem_shared>>
      tpu.enqueue_indirect_dma source(%dma_start3A_842 : memref<128x16xf32, #tpu.memory_space<vmem>>) target(%dma_start3A_848 : memref<100352x16xf32, #tpu.memory_space<vmem_shared>>) offsets(%dma_start3A_845 : memref<128xi32, #tpu.memory_space<vmem>>) semaphore(%arg22 : memref<!tpu.dma_semaphore, #tpu.memory_space<semaphore_mem>>) {add = true}
      %dma_start3A_849 = arith.constant 2 : i32
      %dma_start3A_850 = arith.constant 2 : i32
      %dma_start3A_851 = arith.constant 0 : i32
      %dma_start3A_852 = arith.constant 0 : i32
      %dma_start3A_853 = tpu.memref_slice %arg15[%dma_start3A_849, %dma_start3A_851, %dma_start3A_852] : memref<4x128x16xf32, #tpu.memory_space<vmem>> -> memref<1x128x16xf32, #tpu.memory_space<vmem>>
      %dma_start3A_854 = tpu.memref_squeeze %dma_start3A_853 : memref<1x128x16xf32, #tpu.memory_space<vmem>> -> memref<128x16xf32, #tpu.memory_space<vmem>>
      %dma_start3A_855 = arith.constant 0 : i32
      %dma_start3A_856 = tpu.memref_slice %arg13[%dma_start3A_850, %dma_start3A_855] : memref<4x128xi32, #tpu.memory_space<vmem>> -> memref<1x128xi32, #tpu.memory_space<vmem>>
      %dma_start3A_857 = tpu.memref_squeeze %dma_start3A_856 : memref<1x128xi32, #tpu.memory_space<vmem>> -> memref<128xi32, #tpu.memory_space<vmem>>
      %dma_start3A_858 = arith.constant 0 : i32
      %dma_start3A_859 = arith.constant 0 : i32
      %dma_start3A_860 = tpu.memref_slice %arg9[%dma_start3A_858, %dma_start3A_859] : memref<100352x16xf32, #tpu.memory_space<vmem_shared>> -> memref<100352x16xf32, #tpu.memory_space<vmem_shared>>
      tpu.enqueue_indirect_dma source(%dma_start3A_854 : memref<128x16xf32, #tpu.memory_space<vmem>>) target(%dma_start3A_860 : memref<100352x16xf32, #tpu.memory_space<vmem_shared>>) offsets(%dma_start3A_857 : memref<128xi32, #tpu.memory_space<vmem>>) semaphore(%arg22 : memref<!tpu.dma_semaphore, #tpu.memory_space<semaphore_mem>>) {add = true}
      %dma_start3A_861 = arith.constant 3 : i32
      %dma_start3A_862 = arith.constant 3 : i32
      %dma_start3A_863 = arith.constant 0 : i32
      %dma_start3A_864 = arith.constant 0 : i32
      %dma_start3A_865 = tpu.memref_slice %arg15[%dma_start3A_861, %dma_start3A_863, %dma_start3A_864] : memref<4x128x16xf32, #tpu.memory_space<vmem>> -> memref<1x128x16xf32, #tpu.memory_space<vmem>>
      %dma_start3A_866 = tpu.memref_squeeze %dma_start3A_865 : memref<1x128x16xf32, #tpu.memory_space<vmem>> -> memref<128x16xf32, #tpu.memory_space<vmem>>
      %dma_start3A_867 = arith.constant 0 : i32
      %dma_start3A_868 = tpu.memref_slice %arg13[%dma_start3A_862, %dma_start3A_867] : memref<4x128xi32, #tpu.memory_space<vmem>> -> memref<1x128xi32, #tpu.memory_space<vmem>>
      %dma_start3A_869 = tpu.memref_squeeze %dma_start3A_868 : memref<1x128xi32, #tpu.memory_space<vmem>> -> memref<128xi32, #tpu.memory_space<vmem>>
      %dma_start3A_870 = arith.constant 0 : i32
      %dma_start3A_871 = arith.constant 0 : i32
      %dma_start3A_872 = tpu.memref_slice %arg9[%dma_start3A_870, %dma_start3A_871] : memref<100352x16xf32, #tpu.memory_space<vmem_shared>> -> memref<100352x16xf32, #tpu.memory_space<vmem_shared>>
      tpu.enqueue_indirect_dma source(%dma_start3A_866 : memref<128x16xf32, #tpu.memory_space<vmem>>) target(%dma_start3A_872 : memref<100352x16xf32, #tpu.memory_space<vmem_shared>>) offsets(%dma_start3A_869 : memref<128xi32, #tpu.memory_space<vmem>>) semaphore(%arg22 : memref<!tpu.dma_semaphore, #tpu.memory_space<semaphore_mem>>) {add = true}
      %mul3A_873 = arith.constant 2 : i32
      %mul3A_874 = arith.muli %mul3A_873, %add3A_646 : i32
      %add3A_875 = arith.constant 2 : i32
      %add3A_876 = arith.addi %mul3A_874, %add3A_875 : i32
      %add3A_877 = arith.constant 0 : i32
      %add3A_878 = arith.addi %add3A_876, %add3A_877 : i32
      %mul3A_879 = arith.constant 4 : i32
      %mul3A_880 = arith.muli %add3A_878, %mul3A_879 : i32
      %add3A_881 = arith.addi %mul3A_4, %mul3A_880 : i32
      %min3A_882 = arith.constant 12540 : i32
      %min3A_883 = arith.minsi %add3A_881, %min3A_882 : i32
      %dma_start3A_884 = arith.constant 0 : i32
      %dma_start3A_885 = tpu.memref_slice %arg2[%min3A_883, %dma_start3A_884] : memref<12544x128xi32, #tpu.memory_space<hbm>> -> memref<4x128xi32, #tpu.memory_space<hbm>>
      %dma_start3A_886 = arith.constant 0 : i32
      %dma_start3A_887 = tpu.memref_slice %arg2[%min3A_883, %dma_start3A_886] : memref<12544x128xi32, #tpu.memory_space<hbm>> -> memref<4x128xi32, #tpu.memory_space<hbm>>
      tpu.enqueue_dma source(%dma_start3A_887 : memref<4x128xi32, #tpu.memory_space<hbm>>) target(%arg11 : memref<4x128xi32, #tpu.memory_space<vmem>>) target_semaphore(%arg24 : memref<!tpu.dma_semaphore, #tpu.memory_space<semaphore_mem>>)
      %dma_wait3A_888 = arith.constant 0 : i32
      %dma_wait3A_889 = arith.constant 0 : i32
      %dma_wait3A_890 = arith.constant 0 : i32
      %dma_wait3A_891 = arith.constant 0 : i32
      %dma_wait3A_892 = tpu.memref_slice %arg16[%dma_wait3A_889, %dma_wait3A_890, %dma_wait3A_891] : memref<4x128x16xf32, #tpu.memory_space<vmem>> -> memref<1x128x16xf32, #tpu.memory_space<vmem>>
      %dma_wait3A_893 = tpu.memref_squeeze %dma_wait3A_892 : memref<1x128x16xf32, #tpu.memory_space<vmem>> -> memref<128x16xf32, #tpu.memory_space<vmem>>
      %dma_wait3A_894 = arith.constant 0 : i32
      %dma_wait3A_895 = tpu.memref_slice %arg12[%dma_wait3A_888, %dma_wait3A_894] : memref<4x128xi32, #tpu.memory_space<vmem>> -> memref<1x128xi32, #tpu.memory_space<vmem>>
      %dma_wait3A_896 = tpu.memref_squeeze %dma_wait3A_895 : memref<1x128xi32, #tpu.memory_space<vmem>> -> memref<128xi32, #tpu.memory_space<vmem>>
      %dma_wait3A_897 = arith.constant 0 : i32
      %dma_wait3A_898 = arith.constant 0 : i32
      %dma_wait3A_899 = tpu.memref_slice %arg6[%dma_wait3A_897, %dma_wait3A_898] : memref<200704x16xf32, #tpu.memory_space<hbm>> -> memref<200704x16xf32, #tpu.memory_space<hbm>>
      tpu.wait_indirect_dma semaphore(%arg21 : memref<!tpu.dma_semaphore, #tpu.memory_space<semaphore_mem>>) src(%dma_wait3A_899 : memref<200704x16xf32, #tpu.memory_space<hbm>>) dst(%dma_wait3A_893 : memref<128x16xf32, #tpu.memory_space<vmem>>)
      %dma_wait3A_900 = arith.constant 1 : i32
      %dma_wait3A_901 = arith.constant 1 : i32
      %dma_wait3A_902 = arith.constant 0 : i32
      %dma_wait3A_903 = arith.constant 0 : i32
      %dma_wait3A_904 = tpu.memref_slice %arg16[%dma_wait3A_901, %dma_wait3A_902, %dma_wait3A_903] : memref<4x128x16xf32, #tpu.memory_space<vmem>> -> memref<1x128x16xf32, #tpu.memory_space<vmem>>
      %dma_wait3A_905 = tpu.memref_squeeze %dma_wait3A_904 : memref<1x128x16xf32, #tpu.memory_space<vmem>> -> memref<128x16xf32, #tpu.memory_space<vmem>>
      %dma_wait3A_906 = arith.constant 0 : i32
      %dma_wait3A_907 = tpu.memref_slice %arg12[%dma_wait3A_900, %dma_wait3A_906] : memref<4x128xi32, #tpu.memory_space<vmem>> -> memref<1x128xi32, #tpu.memory_space<vmem>>
      %dma_wait3A_908 = tpu.memref_squeeze %dma_wait3A_907 : memref<1x128xi32, #tpu.memory_space<vmem>> -> memref<128xi32, #tpu.memory_space<vmem>>
      %dma_wait3A_909 = arith.constant 0 : i32
      %dma_wait3A_910 = arith.constant 0 : i32
      %dma_wait3A_911 = tpu.memref_slice %arg6[%dma_wait3A_909, %dma_wait3A_910] : memref<200704x16xf32, #tpu.memory_space<hbm>> -> memref<200704x16xf32, #tpu.memory_space<hbm>>
      tpu.wait_indirect_dma semaphore(%arg21 : memref<!tpu.dma_semaphore, #tpu.memory_space<semaphore_mem>>) src(%dma_wait3A_911 : memref<200704x16xf32, #tpu.memory_space<hbm>>) dst(%dma_wait3A_905 : memref<128x16xf32, #tpu.memory_space<vmem>>)
      %dma_wait3A_912 = arith.constant 2 : i32
      %dma_wait3A_913 = arith.constant 2 : i32
      %dma_wait3A_914 = arith.constant 0 : i32
      %dma_wait3A_915 = arith.constant 0 : i32
      %dma_wait3A_916 = tpu.memref_slice %arg16[%dma_wait3A_913, %dma_wait3A_914, %dma_wait3A_915] : memref<4x128x16xf32, #tpu.memory_space<vmem>> -> memref<1x128x16xf32, #tpu.memory_space<vmem>>
      %dma_wait3A_917 = tpu.memref_squeeze %dma_wait3A_916 : memref<1x128x16xf32, #tpu.memory_space<vmem>> -> memref<128x16xf32, #tpu.memory_space<vmem>>
      %dma_wait3A_918 = arith.constant 0 : i32
      %dma_wait3A_919 = tpu.memref_slice %arg12[%dma_wait3A_912, %dma_wait3A_918] : memref<4x128xi32, #tpu.memory_space<vmem>> -> memref<1x128xi32, #tpu.memory_space<vmem>>
      %dma_wait3A_920 = tpu.memref_squeeze %dma_wait3A_919 : memref<1x128xi32, #tpu.memory_space<vmem>> -> memref<128xi32, #tpu.memory_space<vmem>>
      %dma_wait3A_921 = arith.constant 0 : i32
      %dma_wait3A_922 = arith.constant 0 : i32
      %dma_wait3A_923 = tpu.memref_slice %arg6[%dma_wait3A_921, %dma_wait3A_922] : memref<200704x16xf32, #tpu.memory_space<hbm>> -> memref<200704x16xf32, #tpu.memory_space<hbm>>
      tpu.wait_indirect_dma semaphore(%arg21 : memref<!tpu.dma_semaphore, #tpu.memory_space<semaphore_mem>>) src(%dma_wait3A_923 : memref<200704x16xf32, #tpu.memory_space<hbm>>) dst(%dma_wait3A_917 : memref<128x16xf32, #tpu.memory_space<vmem>>)
      %dma_wait3A_924 = arith.constant 3 : i32
      %dma_wait3A_925 = arith.constant 3 : i32
      %dma_wait3A_926 = arith.constant 0 : i32
      %dma_wait3A_927 = arith.constant 0 : i32
      %dma_wait3A_928 = tpu.memref_slice %arg16[%dma_wait3A_925, %dma_wait3A_926, %dma_wait3A_927] : memref<4x128x16xf32, #tpu.memory_space<vmem>> -> memref<1x128x16xf32, #tpu.memory_space<vmem>>
      %dma_wait3A_929 = tpu.memref_squeeze %dma_wait3A_928 : memref<1x128x16xf32, #tpu.memory_space<vmem>> -> memref<128x16xf32, #tpu.memory_space<vmem>>
      %dma_wait3A_930 = arith.constant 0 : i32
      %dma_wait3A_931 = tpu.memref_slice %arg12[%dma_wait3A_924, %dma_wait3A_930] : memref<4x128xi32, #tpu.memory_space<vmem>> -> memref<1x128xi32, #tpu.memory_space<vmem>>
      %dma_wait3A_932 = tpu.memref_squeeze %dma_wait3A_931 : memref<1x128xi32, #tpu.memory_space<vmem>> -> memref<128xi32, #tpu.memory_space<vmem>>
      %dma_wait3A_933 = arith.constant 0 : i32
      %dma_wait3A_934 = arith.constant 0 : i32
      %dma_wait3A_935 = tpu.memref_slice %arg6[%dma_wait3A_933, %dma_wait3A_934] : memref<200704x16xf32, #tpu.memory_space<hbm>> -> memref<200704x16xf32, #tpu.memory_space<hbm>>
      tpu.wait_indirect_dma semaphore(%arg21 : memref<!tpu.dma_semaphore, #tpu.memory_space<semaphore_mem>>) src(%dma_wait3A_935 : memref<200704x16xf32, #tpu.memory_space<hbm>>) dst(%dma_wait3A_929 : memref<128x16xf32, #tpu.memory_space<vmem>>)
      %dma_start3A_936 = arith.constant 0 : i32
      %dma_start3A_937 = arith.constant 0 : i32
      %dma_start3A_938 = arith.constant 0 : i32
      %dma_start3A_939 = arith.constant 0 : i32
      %dma_start3A_940 = tpu.memref_slice %arg16[%dma_start3A_936, %dma_start3A_938, %dma_start3A_939] : memref<4x128x16xf32, #tpu.memory_space<vmem>> -> memref<1x128x16xf32, #tpu.memory_space<vmem>>
      %dma_start3A_941 = tpu.memref_squeeze %dma_start3A_940 : memref<1x128x16xf32, #tpu.memory_space<vmem>> -> memref<128x16xf32, #tpu.memory_space<vmem>>
      %dma_start3A_942 = arith.constant 0 : i32
      %dma_start3A_943 = tpu.memref_slice %arg14[%dma_start3A_937, %dma_start3A_942] : memref<4x128xi32, #tpu.memory_space<vmem>> -> memref<1x128xi32, #tpu.memory_space<vmem>>
      %dma_start3A_944 = tpu.memref_squeeze %dma_start3A_943 : memref<1x128xi32, #tpu.memory_space<vmem>> -> memref<128xi32, #tpu.memory_space<vmem>>
      %dma_start3A_945 = arith.constant 0 : i32
      %dma_start3A_946 = arith.constant 0 : i32
      %dma_start3A_947 = tpu.memref_slice %arg9[%dma_start3A_945, %dma_start3A_946] : memref<100352x16xf32, #tpu.memory_space<vmem_shared>> -> memref<100352x16xf32, #tpu.memory_space<vmem_shared>>
      tpu.enqueue_indirect_dma source(%dma_start3A_941 : memref<128x16xf32, #tpu.memory_space<vmem>>) target(%dma_start3A_947 : memref<100352x16xf32, #tpu.memory_space<vmem_shared>>) offsets(%dma_start3A_944 : memref<128xi32, #tpu.memory_space<vmem>>) semaphore(%arg23 : memref<!tpu.dma_semaphore, #tpu.memory_space<semaphore_mem>>) {add = true}
      %dma_start3A_948 = arith.constant 1 : i32
      %dma_start3A_949 = arith.constant 1 : i32
      %dma_start3A_950 = arith.constant 0 : i32
      %dma_start3A_951 = arith.constant 0 : i32
      %dma_start3A_952 = tpu.memref_slice %arg16[%dma_start3A_948, %dma_start3A_950, %dma_start3A_951] : memref<4x128x16xf32, #tpu.memory_space<vmem>> -> memref<1x128x16xf32, #tpu.memory_space<vmem>>
      %dma_start3A_953 = tpu.memref_squeeze %dma_start3A_952 : memref<1x128x16xf32, #tpu.memory_space<vmem>> -> memref<128x16xf32, #tpu.memory_space<vmem>>
      %dma_start3A_954 = arith.constant 0 : i32
      %dma_start3A_955 = tpu.memref_slice %arg14[%dma_start3A_949, %dma_start3A_954] : memref<4x128xi32, #tpu.memory_space<vmem>> -> memref<1x128xi32, #tpu.memory_space<vmem>>
      %dma_start3A_956 = tpu.memref_squeeze %dma_start3A_955 : memref<1x128xi32, #tpu.memory_space<vmem>> -> memref<128xi32, #tpu.memory_space<vmem>>
      %dma_start3A_957 = arith.constant 0 : i32
      %dma_start3A_958 = arith.constant 0 : i32
      %dma_start3A_959 = tpu.memref_slice %arg9[%dma_start3A_957, %dma_start3A_958] : memref<100352x16xf32, #tpu.memory_space<vmem_shared>> -> memref<100352x16xf32, #tpu.memory_space<vmem_shared>>
      tpu.enqueue_indirect_dma source(%dma_start3A_953 : memref<128x16xf32, #tpu.memory_space<vmem>>) target(%dma_start3A_959 : memref<100352x16xf32, #tpu.memory_space<vmem_shared>>) offsets(%dma_start3A_956 : memref<128xi32, #tpu.memory_space<vmem>>) semaphore(%arg23 : memref<!tpu.dma_semaphore, #tpu.memory_space<semaphore_mem>>) {add = true}
      %dma_start3A_960 = arith.constant 2 : i32
      %dma_start3A_961 = arith.constant 2 : i32
      %dma_start3A_962 = arith.constant 0 : i32
      %dma_start3A_963 = arith.constant 0 : i32
      %dma_start3A_964 = tpu.memref_slice %arg16[%dma_start3A_960, %dma_start3A_962, %dma_start3A_963] : memref<4x128x16xf32, #tpu.memory_space<vmem>> -> memref<1x128x16xf32, #tpu.memory_space<vmem>>
      %dma_start3A_965 = tpu.memref_squeeze %dma_start3A_964 : memref<1x128x16xf32, #tpu.memory_space<vmem>> -> memref<128x16xf32, #tpu.memory_space<vmem>>
      %dma_start3A_966 = arith.constant 0 : i32
      %dma_start3A_967 = tpu.memref_slice %arg14[%dma_start3A_961, %dma_start3A_966] : memref<4x128xi32, #tpu.memory_space<vmem>> -> memref<1x128xi32, #tpu.memory_space<vmem>>
      %dma_start3A_968 = tpu.memref_squeeze %dma_start3A_967 : memref<1x128xi32, #tpu.memory_space<vmem>> -> memref<128xi32, #tpu.memory_space<vmem>>
      %dma_start3A_969 = arith.constant 0 : i32
      %dma_start3A_970 = arith.constant 0 : i32
      %dma_start3A_971 = tpu.memref_slice %arg9[%dma_start3A_969, %dma_start3A_970] : memref<100352x16xf32, #tpu.memory_space<vmem_shared>> -> memref<100352x16xf32, #tpu.memory_space<vmem_shared>>
      tpu.enqueue_indirect_dma source(%dma_start3A_965 : memref<128x16xf32, #tpu.memory_space<vmem>>) target(%dma_start3A_971 : memref<100352x16xf32, #tpu.memory_space<vmem_shared>>) offsets(%dma_start3A_968 : memref<128xi32, #tpu.memory_space<vmem>>) semaphore(%arg23 : memref<!tpu.dma_semaphore, #tpu.memory_space<semaphore_mem>>) {add = true}
      %dma_start3A_972 = arith.constant 3 : i32
      %dma_start3A_973 = arith.constant 3 : i32
      %dma_start3A_974 = arith.constant 0 : i32
      %dma_start3A_975 = arith.constant 0 : i32
      %dma_start3A_976 = tpu.memref_slice %arg16[%dma_start3A_972, %dma_start3A_974, %dma_start3A_975] : memref<4x128x16xf32, #tpu.memory_space<vmem>> -> memref<1x128x16xf32, #tpu.memory_space<vmem>>
      %dma_start3A_977 = tpu.memref_squeeze %dma_start3A_976 : memref<1x128x16xf32, #tpu.memory_space<vmem>> -> memref<128x16xf32, #tpu.memory_space<vmem>>
      %dma_start3A_978 = arith.constant 0 : i32
      %dma_start3A_979 = tpu.memref_slice %arg14[%dma_start3A_973, %dma_start3A_978] : memref<4x128xi32, #tpu.memory_space<vmem>> -> memref<1x128xi32, #tpu.memory_space<vmem>>
      %dma_start3A_980 = tpu.memref_squeeze %dma_start3A_979 : memref<1x128xi32, #tpu.memory_space<vmem>> -> memref<128xi32, #tpu.memory_space<vmem>>
      %dma_start3A_981 = arith.constant 0 : i32
      %dma_start3A_982 = arith.constant 0 : i32
      %dma_start3A_983 = tpu.memref_slice %arg9[%dma_start3A_981, %dma_start3A_982] : memref<100352x16xf32, #tpu.memory_space<vmem_shared>> -> memref<100352x16xf32, #tpu.memory_space<vmem_shared>>
      tpu.enqueue_indirect_dma source(%dma_start3A_977 : memref<128x16xf32, #tpu.memory_space<vmem>>) target(%dma_start3A_983 : memref<100352x16xf32, #tpu.memory_space<vmem_shared>>) offsets(%dma_start3A_980 : memref<128xi32, #tpu.memory_space<vmem>>) semaphore(%arg23 : memref<!tpu.dma_semaphore, #tpu.memory_space<semaphore_mem>>) {add = true}
      %mul3A_984 = arith.constant 2 : i32
      %mul3A_985 = arith.muli %mul3A_984, %add3A_646 : i32
      %add3A_986 = arith.constant 2 : i32
      %add3A_987 = arith.addi %mul3A_985, %add3A_986 : i32
      %add3A_988 = arith.constant 1 : i32
      %add3A_989 = arith.addi %add3A_987, %add3A_988 : i32
      %mul3A_990 = arith.constant 4 : i32
      %mul3A_991 = arith.muli %add3A_989, %mul3A_990 : i32
      %add3A_992 = arith.addi %mul3A_4, %mul3A_991 : i32
      %min3A_993 = arith.constant 12540 : i32
      %min3A_994 = arith.minsi %add3A_992, %min3A_993 : i32
      %dma_start3A_995 = arith.constant 0 : i32
      %dma_start3A_996 = tpu.memref_slice %arg2[%min3A_994, %dma_start3A_995] : memref<12544x128xi32, #tpu.memory_space<hbm>> -> memref<4x128xi32, #tpu.memory_space<hbm>>
      %dma_start3A_997 = arith.constant 0 : i32
      %dma_start3A_998 = tpu.memref_slice %arg2[%min3A_994, %dma_start3A_997] : memref<12544x128xi32, #tpu.memory_space<hbm>> -> memref<4x128xi32, #tpu.memory_space<hbm>>
      tpu.enqueue_dma source(%dma_start3A_998 : memref<4x128xi32, #tpu.memory_space<hbm>>) target(%arg12 : memref<4x128xi32, #tpu.memory_space<vmem>>) target_semaphore(%arg25 : memref<!tpu.dma_semaphore, #tpu.memory_space<semaphore_mem>>)
      %dma_wait3A_999 = arith.constant 0 : i32
      %dma_wait3A_1000 = arith.constant 0 : i32
      %dma_wait3A_1001 = arith.constant 0 : i32
      %dma_wait3A_1002 = arith.constant 0 : i32
      %dma_wait3A_1003 = tpu.memref_slice %arg15[%dma_wait3A_999, %dma_wait3A_1001, %dma_wait3A_1002] : memref<4x128x16xf32, #tpu.memory_space<vmem>> -> memref<1x128x16xf32, #tpu.memory_space<vmem>>
      %dma_wait3A_1004 = tpu.memref_squeeze %dma_wait3A_1003 : memref<1x128x16xf32, #tpu.memory_space<vmem>> -> memref<128x16xf32, #tpu.memory_space<vmem>>
      %dma_wait3A_1005 = arith.constant 0 : i32
      %dma_wait3A_1006 = tpu.memref_slice %arg13[%dma_wait3A_1000, %dma_wait3A_1005] : memref<4x128xi32, #tpu.memory_space<vmem>> -> memref<1x128xi32, #tpu.memory_space<vmem>>
      %dma_wait3A_1007 = tpu.memref_squeeze %dma_wait3A_1006 : memref<1x128xi32, #tpu.memory_space<vmem>> -> memref<128xi32, #tpu.memory_space<vmem>>
      %dma_wait3A_1008 = arith.constant 0 : i32
      %dma_wait3A_1009 = arith.constant 0 : i32
      %dma_wait3A_1010 = tpu.memref_slice %arg9[%dma_wait3A_1008, %dma_wait3A_1009] : memref<100352x16xf32, #tpu.memory_space<vmem_shared>> -> memref<100352x16xf32, #tpu.memory_space<vmem_shared>>
      tpu.wait_indirect_dma semaphore(%arg22 : memref<!tpu.dma_semaphore, #tpu.memory_space<semaphore_mem>>) src(%dma_wait3A_1004 : memref<128x16xf32, #tpu.memory_space<vmem>>) dst(%dma_wait3A_1010 : memref<100352x16xf32, #tpu.memory_space<vmem_shared>>)
      %dma_wait3A_1011 = arith.constant 1 : i32
      %dma_wait3A_1012 = arith.constant 1 : i32
      %dma_wait3A_1013 = arith.constant 0 : i32
      %dma_wait3A_1014 = arith.constant 0 : i32
      %dma_wait3A_1015 = tpu.memref_slice %arg15[%dma_wait3A_1011, %dma_wait3A_1013, %dma_wait3A_1014] : memref<4x128x16xf32, #tpu.memory_space<vmem>> -> memref<1x128x16xf32, #tpu.memory_space<vmem>>
      %dma_wait3A_1016 = tpu.memref_squeeze %dma_wait3A_1015 : memref<1x128x16xf32, #tpu.memory_space<vmem>> -> memref<128x16xf32, #tpu.memory_space<vmem>>
      %dma_wait3A_1017 = arith.constant 0 : i32
      %dma_wait3A_1018 = tpu.memref_slice %arg13[%dma_wait3A_1012, %dma_wait3A_1017] : memref<4x128xi32, #tpu.memory_space<vmem>> -> memref<1x128xi32, #tpu.memory_space<vmem>>
      %dma_wait3A_1019 = tpu.memref_squeeze %dma_wait3A_1018 : memref<1x128xi32, #tpu.memory_space<vmem>> -> memref<128xi32, #tpu.memory_space<vmem>>
      %dma_wait3A_1020 = arith.constant 0 : i32
      %dma_wait3A_1021 = arith.constant 0 : i32
      %dma_wait3A_1022 = tpu.memref_slice %arg9[%dma_wait3A_1020, %dma_wait3A_1021] : memref<100352x16xf32, #tpu.memory_space<vmem_shared>> -> memref<100352x16xf32, #tpu.memory_space<vmem_shared>>
      tpu.wait_indirect_dma semaphore(%arg22 : memref<!tpu.dma_semaphore, #tpu.memory_space<semaphore_mem>>) src(%dma_wait3A_1016 : memref<128x16xf32, #tpu.memory_space<vmem>>) dst(%dma_wait3A_1022 : memref<100352x16xf32, #tpu.memory_space<vmem_shared>>)
      %dma_wait3A_1023 = arith.constant 2 : i32
      %dma_wait3A_1024 = arith.constant 2 : i32
      %dma_wait3A_1025 = arith.constant 0 : i32
      %dma_wait3A_1026 = arith.constant 0 : i32
      %dma_wait3A_1027 = tpu.memref_slice %arg15[%dma_wait3A_1023, %dma_wait3A_1025, %dma_wait3A_1026] : memref<4x128x16xf32, #tpu.memory_space<vmem>> -> memref<1x128x16xf32, #tpu.memory_space<vmem>>
      %dma_wait3A_1028 = tpu.memref_squeeze %dma_wait3A_1027 : memref<1x128x16xf32, #tpu.memory_space<vmem>> -> memref<128x16xf32, #tpu.memory_space<vmem>>
      %dma_wait3A_1029 = arith.constant 0 : i32
      %dma_wait3A_1030 = tpu.memref_slice %arg13[%dma_wait3A_1024, %dma_wait3A_1029] : memref<4x128xi32, #tpu.memory_space<vmem>> -> memref<1x128xi32, #tpu.memory_space<vmem>>
      %dma_wait3A_1031 = tpu.memref_squeeze %dma_wait3A_1030 : memref<1x128xi32, #tpu.memory_space<vmem>> -> memref<128xi32, #tpu.memory_space<vmem>>
      %dma_wait3A_1032 = arith.constant 0 : i32
      %dma_wait3A_1033 = arith.constant 0 : i32
      %dma_wait3A_1034 = tpu.memref_slice %arg9[%dma_wait3A_1032, %dma_wait3A_1033] : memref<100352x16xf32, #tpu.memory_space<vmem_shared>> -> memref<100352x16xf32, #tpu.memory_space<vmem_shared>>
      tpu.wait_indirect_dma semaphore(%arg22 : memref<!tpu.dma_semaphore, #tpu.memory_space<semaphore_mem>>) src(%dma_wait3A_1028 : memref<128x16xf32, #tpu.memory_space<vmem>>) dst(%dma_wait3A_1034 : memref<100352x16xf32, #tpu.memory_space<vmem_shared>>)
      %dma_wait3A_1035 = arith.constant 3 : i32
      %dma_wait3A_1036 = arith.constant 3 : i32
      %dma_wait3A_1037 = arith.constant 0 : i32
      %dma_wait3A_1038 = arith.constant 0 : i32
      %dma_wait3A_1039 = tpu.memref_slice %arg15[%dma_wait3A_1035, %dma_wait3A_1037, %dma_wait3A_1038] : memref<4x128x16xf32, #tpu.memory_space<vmem>> -> memref<1x128x16xf32, #tpu.memory_space<vmem>>
      %dma_wait3A_1040 = tpu.memref_squeeze %dma_wait3A_1039 : memref<1x128x16xf32, #tpu.memory_space<vmem>> -> memref<128x16xf32, #tpu.memory_space<vmem>>
      %dma_wait3A_1041 = arith.constant 0 : i32
      %dma_wait3A_1042 = tpu.memref_slice %arg13[%dma_wait3A_1036, %dma_wait3A_1041] : memref<4x128xi32, #tpu.memory_space<vmem>> -> memref<1x128xi32, #tpu.memory_space<vmem>>
      %dma_wait3A_1043 = tpu.memref_squeeze %dma_wait3A_1042 : memref<1x128xi32, #tpu.memory_space<vmem>> -> memref<128xi32, #tpu.memory_space<vmem>>
      %dma_wait3A_1044 = arith.constant 0 : i32
      %dma_wait3A_1045 = arith.constant 0 : i32
      %dma_wait3A_1046 = tpu.memref_slice %arg9[%dma_wait3A_1044, %dma_wait3A_1045] : memref<100352x16xf32, #tpu.memory_space<vmem_shared>> -> memref<100352x16xf32, #tpu.memory_space<vmem_shared>>
      tpu.wait_indirect_dma semaphore(%arg22 : memref<!tpu.dma_semaphore, #tpu.memory_space<semaphore_mem>>) src(%dma_wait3A_1040 : memref<128x16xf32, #tpu.memory_space<vmem>>) dst(%dma_wait3A_1046 : memref<100352x16xf32, #tpu.memory_space<vmem_shared>>)
      %mul3A_1047 = arith.constant 2 : i32
      %mul3A_1048 = arith.muli %mul3A_1047, %add3A_646 : i32
      %add3A_1049 = arith.constant 2 : i32
      %add3A_1050 = arith.addi %mul3A_1048, %add3A_1049 : i32
      %add3A_1051 = arith.constant 0 : i32
      %add3A_1052 = arith.addi %add3A_1050, %add3A_1051 : i32
      %mul3A_1053 = arith.constant 4 : i32
      %mul3A_1054 = arith.muli %add3A_1052, %mul3A_1053 : i32
      %add3A_1055 = arith.addi %mul3A_4, %mul3A_1054 : i32
      %min3A_1056 = arith.constant 12540 : i32
      %min3A_1057 = arith.minsi %add3A_1055, %min3A_1056 : i32
      %dma_start3A_1058 = arith.constant 0 : i32
      %dma_start3A_1059 = tpu.memref_slice %arg3[%min3A_1057, %dma_start3A_1058] : memref<12544x128xi32, #tpu.memory_space<hbm>> -> memref<4x128xi32, #tpu.memory_space<hbm>>
      %dma_start3A_1060 = arith.constant 0 : i32
      %dma_start3A_1061 = tpu.memref_slice %arg3[%min3A_1057, %dma_start3A_1060] : memref<12544x128xi32, #tpu.memory_space<hbm>> -> memref<4x128xi32, #tpu.memory_space<hbm>>
      tpu.enqueue_dma source(%dma_start3A_1061 : memref<4x128xi32, #tpu.memory_space<hbm>>) target(%arg13 : memref<4x128xi32, #tpu.memory_space<vmem>>) target_semaphore(%arg26 : memref<!tpu.dma_semaphore, #tpu.memory_space<semaphore_mem>>)
      %dma_wait3A_1062 = arith.constant 0 : i32
      %dma_wait3A_1063 = arith.constant 0 : i32
      %dma_wait3A_1064 = arith.constant 0 : i32
      %dma_wait3A_1065 = arith.constant 0 : i32
      %dma_wait3A_1066 = tpu.memref_slice %arg16[%dma_wait3A_1062, %dma_wait3A_1064, %dma_wait3A_1065] : memref<4x128x16xf32, #tpu.memory_space<vmem>> -> memref<1x128x16xf32, #tpu.memory_space<vmem>>
      %dma_wait3A_1067 = tpu.memref_squeeze %dma_wait3A_1066 : memref<1x128x16xf32, #tpu.memory_space<vmem>> -> memref<128x16xf32, #tpu.memory_space<vmem>>
      %dma_wait3A_1068 = arith.constant 0 : i32
      %dma_wait3A_1069 = tpu.memref_slice %arg14[%dma_wait3A_1063, %dma_wait3A_1068] : memref<4x128xi32, #tpu.memory_space<vmem>> -> memref<1x128xi32, #tpu.memory_space<vmem>>
      %dma_wait3A_1070 = tpu.memref_squeeze %dma_wait3A_1069 : memref<1x128xi32, #tpu.memory_space<vmem>> -> memref<128xi32, #tpu.memory_space<vmem>>
      %dma_wait3A_1071 = arith.constant 0 : i32
      %dma_wait3A_1072 = arith.constant 0 : i32
      %dma_wait3A_1073 = tpu.memref_slice %arg9[%dma_wait3A_1071, %dma_wait3A_1072] : memref<100352x16xf32, #tpu.memory_space<vmem_shared>> -> memref<100352x16xf32, #tpu.memory_space<vmem_shared>>
      tpu.wait_indirect_dma semaphore(%arg23 : memref<!tpu.dma_semaphore, #tpu.memory_space<semaphore_mem>>) src(%dma_wait3A_1067 : memref<128x16xf32, #tpu.memory_space<vmem>>) dst(%dma_wait3A_1073 : memref<100352x16xf32, #tpu.memory_space<vmem_shared>>)
      %dma_wait3A_1074 = arith.constant 1 : i32
      %dma_wait3A_1075 = arith.constant 1 : i32
      %dma_wait3A_1076 = arith.constant 0 : i32
      %dma_wait3A_1077 = arith.constant 0 : i32
      %dma_wait3A_1078 = tpu.memref_slice %arg16[%dma_wait3A_1074, %dma_wait3A_1076, %dma_wait3A_1077] : memref<4x128x16xf32, #tpu.memory_space<vmem>> -> memref<1x128x16xf32, #tpu.memory_space<vmem>>
      %dma_wait3A_1079 = tpu.memref_squeeze %dma_wait3A_1078 : memref<1x128x16xf32, #tpu.memory_space<vmem>> -> memref<128x16xf32, #tpu.memory_space<vmem>>
      %dma_wait3A_1080 = arith.constant 0 : i32
      %dma_wait3A_1081 = tpu.memref_slice %arg14[%dma_wait3A_1075, %dma_wait3A_1080] : memref<4x128xi32, #tpu.memory_space<vmem>> -> memref<1x128xi32, #tpu.memory_space<vmem>>
      %dma_wait3A_1082 = tpu.memref_squeeze %dma_wait3A_1081 : memref<1x128xi32, #tpu.memory_space<vmem>> -> memref<128xi32, #tpu.memory_space<vmem>>
      %dma_wait3A_1083 = arith.constant 0 : i32
      %dma_wait3A_1084 = arith.constant 0 : i32
      %dma_wait3A_1085 = tpu.memref_slice %arg9[%dma_wait3A_1083, %dma_wait3A_1084] : memref<100352x16xf32, #tpu.memory_space<vmem_shared>> -> memref<100352x16xf32, #tpu.memory_space<vmem_shared>>
      tpu.wait_indirect_dma semaphore(%arg23 : memref<!tpu.dma_semaphore, #tpu.memory_space<semaphore_mem>>) src(%dma_wait3A_1079 : memref<128x16xf32, #tpu.memory_space<vmem>>) dst(%dma_wait3A_1085 : memref<100352x16xf32, #tpu.memory_space<vmem_shared>>)
      %dma_wait3A_1086 = arith.constant 2 : i32
      %dma_wait3A_1087 = arith.constant 2 : i32
      %dma_wait3A_1088 = arith.constant 0 : i32
      %dma_wait3A_1089 = arith.constant 0 : i32
      %dma_wait3A_1090 = tpu.memref_slice %arg16[%dma_wait3A_1086, %dma_wait3A_1088, %dma_wait3A_1089] : memref<4x128x16xf32, #tpu.memory_space<vmem>> -> memref<1x128x16xf32, #tpu.memory_space<vmem>>
      %dma_wait3A_1091 = tpu.memref_squeeze %dma_wait3A_1090 : memref<1x128x16xf32, #tpu.memory_space<vmem>> -> memref<128x16xf32, #tpu.memory_space<vmem>>
      %dma_wait3A_1092 = arith.constant 0 : i32
      %dma_wait3A_1093 = tpu.memref_slice %arg14[%dma_wait3A_1087, %dma_wait3A_1092] : memref<4x128xi32, #tpu.memory_space<vmem>> -> memref<1x128xi32, #tpu.memory_space<vmem>>
      %dma_wait3A_1094 = tpu.memref_squeeze %dma_wait3A_1093 : memref<1x128xi32, #tpu.memory_space<vmem>> -> memref<128xi32, #tpu.memory_space<vmem>>
      %dma_wait3A_1095 = arith.constant 0 : i32
      %dma_wait3A_1096 = arith.constant 0 : i32
      %dma_wait3A_1097 = tpu.memref_slice %arg9[%dma_wait3A_1095, %dma_wait3A_1096] : memref<100352x16xf32, #tpu.memory_space<vmem_shared>> -> memref<100352x16xf32, #tpu.memory_space<vmem_shared>>
      tpu.wait_indirect_dma semaphore(%arg23 : memref<!tpu.dma_semaphore, #tpu.memory_space<semaphore_mem>>) src(%dma_wait3A_1091 : memref<128x16xf32, #tpu.memory_space<vmem>>) dst(%dma_wait3A_1097 : memref<100352x16xf32, #tpu.memory_space<vmem_shared>>)
      %dma_wait3A_1098 = arith.constant 3 : i32
      %dma_wait3A_1099 = arith.constant 3 : i32
      %dma_wait3A_1100 = arith.constant 0 : i32
      %dma_wait3A_1101 = arith.constant 0 : i32
      %dma_wait3A_1102 = tpu.memref_slice %arg16[%dma_wait3A_1098, %dma_wait3A_1100, %dma_wait3A_1101] : memref<4x128x16xf32, #tpu.memory_space<vmem>> -> memref<1x128x16xf32, #tpu.memory_space<vmem>>
      %dma_wait3A_1103 = tpu.memref_squeeze %dma_wait3A_1102 : memref<1x128x16xf32, #tpu.memory_space<vmem>> -> memref<128x16xf32, #tpu.memory_space<vmem>>
      %dma_wait3A_1104 = arith.constant 0 : i32
      %dma_wait3A_1105 = tpu.memref_slice %arg14[%dma_wait3A_1099, %dma_wait3A_1104] : memref<4x128xi32, #tpu.memory_space<vmem>> -> memref<1x128xi32, #tpu.memory_space<vmem>>
      %dma_wait3A_1106 = tpu.memref_squeeze %dma_wait3A_1105 : memref<1x128xi32, #tpu.memory_space<vmem>> -> memref<128xi32, #tpu.memory_space<vmem>>
      %dma_wait3A_1107 = arith.constant 0 : i32
      %dma_wait3A_1108 = arith.constant 0 : i32
      %dma_wait3A_1109 = tpu.memref_slice %arg9[%dma_wait3A_1107, %dma_wait3A_1108] : memref<100352x16xf32, #tpu.memory_space<vmem_shared>> -> memref<100352x16xf32, #tpu.memory_space<vmem_shared>>
      tpu.wait_indirect_dma semaphore(%arg23 : memref<!tpu.dma_semaphore, #tpu.memory_space<semaphore_mem>>) src(%dma_wait3A_1103 : memref<128x16xf32, #tpu.memory_space<vmem>>) dst(%dma_wait3A_1109 : memref<100352x16xf32, #tpu.memory_space<vmem_shared>>)
      %mul3A_1110 = arith.constant 2 : i32
      %mul3A_1111 = arith.muli %mul3A_1110, %add3A_646 : i32
      %add3A_1112 = arith.constant 2 : i32
      %add3A_1113 = arith.addi %mul3A_1111, %add3A_1112 : i32
      %add3A_1114 = arith.constant 1 : i32
      %add3A_1115 = arith.addi %add3A_1113, %add3A_1114 : i32
      %mul3A_1116 = arith.constant 4 : i32
      %mul3A_1117 = arith.muli %add3A_1115, %mul3A_1116 : i32
      %add3A_1118 = arith.addi %mul3A_4, %mul3A_1117 : i32
      %min3A_1119 = arith.constant 12540 : i32
      %min3A_1120 = arith.minsi %add3A_1118, %min3A_1119 : i32
      %dma_start3A_1121 = arith.constant 0 : i32
      %dma_start3A_1122 = tpu.memref_slice %arg3[%min3A_1120, %dma_start3A_1121] : memref<12544x128xi32, #tpu.memory_space<hbm>> -> memref<4x128xi32, #tpu.memory_space<hbm>>
      %dma_start3A_1123 = arith.constant 0 : i32
      %dma_start3A_1124 = tpu.memref_slice %arg3[%min3A_1120, %dma_start3A_1123] : memref<12544x128xi32, #tpu.memory_space<hbm>> -> memref<4x128xi32, #tpu.memory_space<hbm>>
      tpu.enqueue_dma source(%dma_start3A_1124 : memref<4x128xi32, #tpu.memory_space<hbm>>) target(%arg14 : memref<4x128xi32, #tpu.memory_space<vmem>>) target_semaphore(%arg27 : memref<!tpu.dma_semaphore, #tpu.memory_space<semaphore_mem>>)
    }
    %scan3A_201 = arith.constant 98 : i32
    %dma_wait3A_202 = arith.constant 0 : i32
    %dma_wait3A_203 = arith.constant 0 : i32
    %dma_wait3A_204 = tpu.memref_slice %arg2[%dma_wait3A_202, %dma_wait3A_203] : memref<12544x128xi32, #tpu.memory_space<hbm>> -> memref<4x128xi32, #tpu.memory_space<hbm>>
    %dma_wait3A_205 = arith.constant 0 : i32
    %dma_wait3A_206 = arith.constant 0 : i32
    %dma_wait3A_207 = tpu.memref_slice %arg2[%dma_wait3A_205, %dma_wait3A_206] : memref<12544x128xi32, #tpu.memory_space<hbm>> -> memref<4x128xi32, #tpu.memory_space<hbm>>
    tpu.wait_dma2 semaphore(%arg24 : memref<!tpu.dma_semaphore, #tpu.memory_space<semaphore_mem>>) src(%dma_wait3A_207 : memref<4x128xi32, #tpu.memory_space<hbm>>) dst(%arg11 : memref<4x128xi32, #tpu.memory_space<vmem>>)
    %dma_wait3A_208 = arith.constant 0 : i32
    %dma_wait3A_209 = arith.constant 0 : i32
    %dma_wait3A_210 = tpu.memref_slice %arg3[%dma_wait3A_208, %dma_wait3A_209] : memref<12544x128xi32, #tpu.memory_space<hbm>> -> memref<4x128xi32, #tpu.memory_space<hbm>>
    %dma_wait3A_211 = arith.constant 0 : i32
    %dma_wait3A_212 = arith.constant 0 : i32
    %dma_wait3A_213 = tpu.memref_slice %arg3[%dma_wait3A_211, %dma_wait3A_212] : memref<12544x128xi32, #tpu.memory_space<hbm>> -> memref<4x128xi32, #tpu.memory_space<hbm>>
    tpu.wait_dma2 semaphore(%arg26 : memref<!tpu.dma_semaphore, #tpu.memory_space<semaphore_mem>>) src(%dma_wait3A_213 : memref<4x128xi32, #tpu.memory_space<hbm>>) dst(%arg13 : memref<4x128xi32, #tpu.memory_space<vmem>>)
    %dma_wait3A_214 = arith.constant 0 : i32
    %dma_wait3A_215 = arith.constant 0 : i32
    %dma_wait3A_216 = tpu.memref_slice %arg2[%dma_wait3A_214, %dma_wait3A_215] : memref<12544x128xi32, #tpu.memory_space<hbm>> -> memref<4x128xi32, #tpu.memory_space<hbm>>
    %dma_wait3A_217 = arith.constant 0 : i32
    %dma_wait3A_218 = arith.constant 0 : i32
    %dma_wait3A_219 = tpu.memref_slice %arg2[%dma_wait3A_217, %dma_wait3A_218] : memref<12544x128xi32, #tpu.memory_space<hbm>> -> memref<4x128xi32, #tpu.memory_space<hbm>>
    tpu.wait_dma2 semaphore(%arg25 : memref<!tpu.dma_semaphore, #tpu.memory_space<semaphore_mem>>) src(%dma_wait3A_219 : memref<4x128xi32, #tpu.memory_space<hbm>>) dst(%arg12 : memref<4x128xi32, #tpu.memory_space<vmem>>)
    %dma_wait3A_220 = arith.constant 0 : i32
    %dma_wait3A_221 = arith.constant 0 : i32
    %dma_wait3A_222 = tpu.memref_slice %arg3[%dma_wait3A_220, %dma_wait3A_221] : memref<12544x128xi32, #tpu.memory_space<hbm>> -> memref<4x128xi32, #tpu.memory_space<hbm>>
    %dma_wait3A_223 = arith.constant 0 : i32
    %dma_wait3A_224 = arith.constant 0 : i32
    %dma_wait3A_225 = tpu.memref_slice %arg3[%dma_wait3A_223, %dma_wait3A_224] : memref<12544x128xi32, #tpu.memory_space<hbm>> -> memref<4x128xi32, #tpu.memory_space<hbm>>
    tpu.wait_dma2 semaphore(%arg27 : memref<!tpu.dma_semaphore, #tpu.memory_space<semaphore_mem>>) src(%dma_wait3A_225 : memref<4x128xi32, #tpu.memory_space<hbm>>) dst(%arg14 : memref<4x128xi32, #tpu.memory_space<vmem>>)
    "tpu.trace_stop"() : () -> ()
    %barrier3A_226 = arith.constant 0 : index
    tpu.barrier barrier_id(%barrier3A_226)
    "tpu.trace_start"() <{level = 10 : i32, message = "ph_post0"}> : () -> ()
    %scan3A_227 = arith.constant 3 : i32
    %scan3A_228 = arith.constant 0 : i32
    %scan3A_229 = arith.constant 128 : i32
    %scan3A_230 = arith.addi %scan3A_228, %scan3A_229 : i32
    %scan3A_231 = arith.constant 1 : i32
    scf.for %scan3A_642 = %scan3A_228 to %scan3A_230 step %scan3A_231  : i32 {
      %mul3A_643 = arith.constant 1 : i32
      %mul3A_644 = arith.muli %scan3A_642, %mul3A_643 : i32
      %add3A_645 = arith.constant 0 : i32
      %add3A_646 = arith.addi %add3A_645, %mul3A_644 : i32
      %swap3A = arith.constant 0 : i32
      %swap3A_647 = arith.constant 0 : i32
      %swap3A_648 = tpu.memref_slice %arg15[%scan3A_227, %swap3A, %swap3A_647] : memref<4x128x16xf32, #tpu.memory_space<vmem>> -> memref<1x128x16xf32, #tpu.memory_space<vmem>>
      %swap3A_649 = tpu.memref_squeeze %swap3A_648 : memref<1x128x16xf32, #tpu.memory_space<vmem>> -> memref<128x16xf32, #tpu.memory_space<vmem>>
      %swap3A_650 = arith.index_cast %add3A_646 : i32 to index
      %swap3A_651 = arith.constant 0 : index
      %swap3A_652 = tpu.vector_load %swap3A_649[%swap3A_650, %swap3A_651] {strides = array<i32>} : memref<128x16xf32, #tpu.memory_space<vmem>>, vector<16xf32>,
      tpu.vector_store %swap3A_649[%swap3A_650, %swap3A_651], %broadcast_in_dim3A_7 {strides = array<i32>} : memref<128x16xf32, #tpu.memory_space<vmem>>, vector<16xf32>,
    }
    %scan3A_232 = arith.constant 128 : i32
    %add3A_233 = arith.constant 0 : i32
    %add3A_234 = arith.addi %mul3A_2, %add3A_233 : i32
    %add3A_235 = arith.addi %mul3A_0, %add3A_234 : i32
    %dma_start3A_236 = arith.constant 2 : i32
    %dma_start3A_237 = arith.constant 0 : i32
    %dma_start3A_238 = arith.constant 0 : i32
    %dma_start3A_239 = tpu.memref_slice %arg15[%dma_start3A_236, %dma_start3A_237, %dma_start3A_238] : memref<4x128x16xf32, #tpu.memory_space<vmem>> -> memref<1x128x16xf32, #tpu.memory_space<vmem>>
    %dma_start3A_240 = tpu.memref_squeeze %dma_start3A_239 : memref<1x128x16xf32, #tpu.memory_space<vmem>> -> memref<128x16xf32, #tpu.memory_space<vmem>>
    %dma_start3A_241 = arith.constant 0 : i32
    %dma_start3A_242 = tpu.memref_slice %arg5[%add3A_235, %dma_start3A_241] : memref<200704x16xf32, #tpu.memory_space<hbm>> -> memref<128x16xf32, #tpu.memory_space<hbm>>
    %dma_start3A_243 = arith.constant 0 : i32
    %dma_start3A_244 = arith.constant 0 : i32
    %dma_start3A_245 = tpu.memref_slice %arg15[%dma_start3A_236, %dma_start3A_243, %dma_start3A_244] : memref<4x128x16xf32, #tpu.memory_space<vmem>> -> memref<1x128x16xf32, #tpu.memory_space<vmem>>
    %dma_start3A_246 = tpu.memref_squeeze %dma_start3A_245 : memref<1x128x16xf32, #tpu.memory_space<vmem>> -> memref<128x16xf32, #tpu.memory_space<vmem>>
    %dma_start3A_247 = arith.constant 0 : i32
    %dma_start3A_248 = tpu.memref_slice %arg5[%add3A_235, %dma_start3A_247] : memref<200704x16xf32, #tpu.memory_space<hbm>> -> memref<128x16xf32, #tpu.memory_space<hbm>>
    tpu.enqueue_dma source(%dma_start3A_248 : memref<128x16xf32, #tpu.memory_space<hbm>>) target(%dma_start3A_246 : memref<128x16xf32, #tpu.memory_space<vmem>>) target_semaphore(%arg28 : memref<!tpu.dma_semaphore, #tpu.memory_space<semaphore_mem>>)
    %run_scoped3A = arith.constant 0 : i32
    "tpu.region"() ({
      %run_scoped3A_642 = tpu.sem_alloc : memref<!tpu.dma_semaphore, #tpu.memory_space<semaphore_mem>>
      %dma_start3A_643 = arith.constant 0 : i32
      %dma_start3A_644 = arith.constant 0 : i32
      %dma_start3A_645 = tpu.memref_slice %arg15[%run_scoped3A, %dma_start3A_643, %dma_start3A_644] : memref<4x128x16xf32, #tpu.memory_space<vmem>> -> memref<1x128x16xf32, #tpu.memory_space<vmem>>
      %dma_start3A_646 = tpu.memref_squeeze %dma_start3A_645 : memref<1x128x16xf32, #tpu.memory_space<vmem>> -> memref<128x16xf32, #tpu.memory_space<vmem>>
      %dma_start3A_647 = arith.constant 0 : i32
      %dma_start3A_648 = tpu.memref_slice %arg9[%add3A_234, %dma_start3A_647] : memref<100352x16xf32, #tpu.memory_space<vmem_shared>> -> memref<128x16xf32, #tpu.memory_space<vmem_shared>>
      %dma_start3A_649 = arith.constant 0 : i32
      %dma_start3A_650 = arith.constant 0 : i32
      %dma_start3A_651 = tpu.memref_slice %arg15[%run_scoped3A, %dma_start3A_649, %dma_start3A_650] : memref<4x128x16xf32, #tpu.memory_space<vmem>> -> memref<1x128x16xf32, #tpu.memory_space<vmem>>
      %dma_start3A_652 = tpu.memref_squeeze %dma_start3A_651 : memref<1x128x16xf32, #tpu.memory_space<vmem>> -> memref<128x16xf32, #tpu.memory_space<vmem>>
      %dma_start3A_653 = arith.constant 0 : i32
      %dma_start3A_654 = tpu.memref_slice %arg9[%add3A_234, %dma_start3A_653] : memref<100352x16xf32, #tpu.memory_space<vmem_shared>> -> memref<128x16xf32, #tpu.memory_space<vmem_shared>>
      tpu.enqueue_dma source(%dma_start3A_654 : memref<128x16xf32, #tpu.memory_space<vmem_shared>>) target(%dma_start3A_652 : memref<128x16xf32, #tpu.memory_space<vmem>>) target_semaphore(%run_scoped3A_642 : memref<!tpu.dma_semaphore, #tpu.memory_space<semaphore_mem>>)
      %dma_wait3A_655 = arith.constant 0 : i32
      %dma_wait3A_656 = arith.constant 0 : i32
      %dma_wait3A_657 = tpu.memref_slice %arg15[%run_scoped3A, %dma_wait3A_655, %dma_wait3A_656] : memref<4x128x16xf32, #tpu.memory_space<vmem>> -> memref<1x128x16xf32, #tpu.memory_space<vmem>>
      %dma_wait3A_658 = tpu.memref_squeeze %dma_wait3A_657 : memref<1x128x16xf32, #tpu.memory_space<vmem>> -> memref<128x16xf32, #tpu.memory_space<vmem>>
      %dma_wait3A_659 = arith.constant 0 : i32
      %dma_wait3A_660 = tpu.memref_slice %arg9[%add3A_234, %dma_wait3A_659] : memref<100352x16xf32, #tpu.memory_space<vmem_shared>> -> memref<128x16xf32, #tpu.memory_space<vmem_shared>>
      %dma_wait3A_661 = arith.constant 0 : i32
      %dma_wait3A_662 = arith.constant 0 : i32
      %dma_wait3A_663 = tpu.memref_slice %arg15[%run_scoped3A, %dma_wait3A_661, %dma_wait3A_662] : memref<4x128x16xf32, #tpu.memory_space<vmem>> -> memref<1x128x16xf32, #tpu.memory_space<vmem>>
      %dma_wait3A_664 = tpu.memref_squeeze %dma_wait3A_663 : memref<1x128x16xf32, #tpu.memory_space<vmem>> -> memref<128x16xf32, #tpu.memory_space<vmem>>
      %dma_wait3A_665 = arith.constant 0 : i32
      %dma_wait3A_666 = tpu.memref_slice %arg9[%add3A_234, %dma_wait3A_665] : memref<100352x16xf32, #tpu.memory_space<vmem_shared>> -> memref<128x16xf32, #tpu.memory_space<vmem_shared>>
      tpu.wait_dma2 semaphore(%run_scoped3A_642 : memref<!tpu.dma_semaphore, #tpu.memory_space<semaphore_mem>>) src(%dma_wait3A_666 : memref<128x16xf32, #tpu.memory_space<vmem_shared>>) dst(%dma_wait3A_664 : memref<128x16xf32, #tpu.memory_space<vmem>>)
      tpu.yield
    }) : () -> ()
    "tpu.region"() ({
      %run_scoped3A_642 = tpu.sem_alloc : memref<!tpu.dma_semaphore, #tpu.memory_space<semaphore_mem>>
      %dma_start3A_643 = tpu.memref_slice %arg10[%add3A_234] : memref<100352xf32, #tpu.memory_space<vmem_shared>> -> memref<128xf32, #tpu.memory_space<vmem_shared>>
      %dma_start3A_644 = tpu.memref_slice %arg10[%add3A_234] : memref<100352xf32, #tpu.memory_space<vmem_shared>> -> memref<128xf32, #tpu.memory_space<vmem_shared>>
      tpu.enqueue_dma source(%dma_start3A_644 : memref<128xf32, #tpu.memory_space<vmem_shared>>) target(%arg19 : memref<128xf32, #tpu.memory_space<vmem>>) target_semaphore(%run_scoped3A_642 : memref<!tpu.dma_semaphore, #tpu.memory_space<semaphore_mem>>)
      %dma_wait3A_645 = tpu.memref_slice %arg10[%add3A_234] : memref<100352xf32, #tpu.memory_space<vmem_shared>> -> memref<128xf32, #tpu.memory_space<vmem_shared>>
      %dma_wait3A_646 = tpu.memref_slice %arg10[%add3A_234] : memref<100352xf32, #tpu.memory_space<vmem_shared>> -> memref<128xf32, #tpu.memory_space<vmem_shared>>
      tpu.wait_dma2 semaphore(%run_scoped3A_642 : memref<!tpu.dma_semaphore, #tpu.memory_space<semaphore_mem>>) src(%dma_wait3A_646 : memref<128xf32, #tpu.memory_space<vmem_shared>>) dst(%arg19 : memref<128xf32, #tpu.memory_space<vmem>>)
      tpu.yield
    }) : () -> ()
    %run_scoped3A_249 = arith.constant 3 : i32
    "tpu.region"() ({
      %run_scoped3A_642 = tpu.sem_alloc : memref<!tpu.dma_semaphore, #tpu.memory_space<semaphore_mem>>
      %dma_start3A_643 = arith.constant 0 : i32
      %dma_start3A_644 = arith.constant 0 : i32
      %dma_start3A_645 = tpu.memref_slice %arg15[%run_scoped3A_249, %dma_start3A_643, %dma_start3A_644] : memref<4x128x16xf32, #tpu.memory_space<vmem>> -> memref<1x128x16xf32, #tpu.memory_space<vmem>>
      %dma_start3A_646 = tpu.memref_squeeze %dma_start3A_645 : memref<1x128x16xf32, #tpu.memory_space<vmem>> -> memref<128x16xf32, #tpu.memory_space<vmem>>
      %dma_start3A_647 = arith.constant 0 : i32
      %dma_start3A_648 = tpu.memref_slice %arg9[%add3A_234, %dma_start3A_647] : memref<100352x16xf32, #tpu.memory_space<vmem_shared>> -> memref<128x16xf32, #tpu.memory_space<vmem_shared>>
      %dma_start3A_649 = arith.constant 0 : i32
      %dma_start3A_650 = tpu.memref_slice %arg9[%add3A_234, %dma_start3A_649] : memref<100352x16xf32, #tpu.memory_space<vmem_shared>> -> memref<128x16xf32, #tpu.memory_space<vmem_shared>>
      %dma_start3A_651 = arith.constant 0 : i32
      %dma_start3A_652 = arith.constant 0 : i32
      %dma_start3A_653 = tpu.memref_slice %arg15[%run_scoped3A_249, %dma_start3A_651, %dma_start3A_652] : memref<4x128x16xf32, #tpu.memory_space<vmem>> -> memref<1x128x16xf32, #tpu.memory_space<vmem>>
      %dma_start3A_654 = tpu.memref_squeeze %dma_start3A_653 : memref<1x128x16xf32, #tpu.memory_space<vmem>> -> memref<128x16xf32, #tpu.memory_space<vmem>>
      tpu.enqueue_dma source(%dma_start3A_654 : memref<128x16xf32, #tpu.memory_space<vmem>>) target(%dma_start3A_650 : memref<128x16xf32, #tpu.memory_space<vmem_shared>>) target_semaphore(%run_scoped3A_642 : memref<!tpu.dma_semaphore, #tpu.memory_space<semaphore_mem>>)
      %dma_wait3A_655 = arith.constant 0 : i32
      %dma_wait3A_656 = arith.constant 0 : i32
      %dma_wait3A_657 = tpu.memref_slice %arg15[%run_scoped3A_249, %dma_wait3A_655, %dma_wait3A_656] : memref<4x128x16xf32, #tpu.memory_space<vmem>> -> memref<1x128x16xf32, #tpu.memory_space<vmem>>
      %dma_wait3A_658 = tpu.memref_squeeze %dma_wait3A_657 : memref<1x128x16xf32, #tpu.memory_space<vmem>> -> memref<128x16xf32, #tpu.memory_space<vmem>>
      %dma_wait3A_659 = arith.constant 0 : i32
      %dma_wait3A_660 = tpu.memref_slice %arg9[%add3A_234, %dma_wait3A_659] : memref<100352x16xf32, #tpu.memory_space<vmem_shared>> -> memref<128x16xf32, #tpu.memory_space<vmem_shared>>
      %dma_wait3A_661 = arith.constant 0 : i32
      %dma_wait3A_662 = tpu.memref_slice %arg9[%add3A_234, %dma_wait3A_661] : memref<100352x16xf32, #tpu.memory_space<vmem_shared>> -> memref<128x16xf32, #tpu.memory_space<vmem_shared>>
      %dma_wait3A_663 = arith.constant 0 : i32
      %dma_wait3A_664 = arith.constant 0 : i32
      %dma_wait3A_665 = tpu.memref_slice %arg15[%run_scoped3A_249, %dma_wait3A_663, %dma_wait3A_664] : memref<4x128x16xf32, #tpu.memory_space<vmem>> -> memref<1x128x16xf32, #tpu.memory_space<vmem>>
      %dma_wait3A_666 = tpu.memref_squeeze %dma_wait3A_665 : memref<1x128x16xf32, #tpu.memory_space<vmem>> -> memref<128x16xf32, #tpu.memory_space<vmem>>
      tpu.wait_dma2 semaphore(%run_scoped3A_642 : memref<!tpu.dma_semaphore, #tpu.memory_space<semaphore_mem>>) src(%dma_wait3A_666 : memref<128x16xf32, #tpu.memory_space<vmem>>) dst(%dma_wait3A_662 : memref<128x16xf32, #tpu.memory_space<vmem_shared>>)
      tpu.yield
    }) : () -> ()
    %dma_wait3A_250 = arith.constant 2 : i32
    %dma_wait3A_251 = arith.constant 0 : i32
    %dma_wait3A_252 = arith.constant 0 : i32
    %dma_wait3A_253 = tpu.memref_slice %arg15[%dma_wait3A_250, %dma_wait3A_251, %dma_wait3A_252] : memref<4x128x16xf32, #tpu.memory_space<vmem>> -> memref<1x128x16xf32, #tpu.memory_space<vmem>>
    %dma_wait3A_254 = tpu.memref_squeeze %dma_wait3A_253 : memref<1x128x16xf32, #tpu.memory_space<vmem>> -> memref<128x16xf32, #tpu.memory_space<vmem>>
    %dma_wait3A_255 = arith.constant 0 : i32
    %dma_wait3A_256 = tpu.memref_slice %arg5[%add3A_235, %dma_wait3A_255] : memref<200704x16xf32, #tpu.memory_space<hbm>> -> memref<128x16xf32, #tpu.memory_space<hbm>>
    %dma_wait3A_257 = arith.constant 0 : i32
    %dma_wait3A_258 = arith.constant 0 : i32
    %dma_wait3A_259 = tpu.memref_slice %arg15[%dma_wait3A_250, %dma_wait3A_257, %dma_wait3A_258] : memref<4x128x16xf32, #tpu.memory_space<vmem>> -> memref<1x128x16xf32, #tpu.memory_space<vmem>>
    %dma_wait3A_260 = tpu.memref_squeeze %dma_wait3A_259 : memref<1x128x16xf32, #tpu.memory_space<vmem>> -> memref<128x16xf32, #tpu.memory_space<vmem>>
    %dma_wait3A_261 = arith.constant 0 : i32
    %dma_wait3A_262 = tpu.memref_slice %arg5[%add3A_235, %dma_wait3A_261] : memref<200704x16xf32, #tpu.memory_space<hbm>> -> memref<128x16xf32, #tpu.memory_space<hbm>>
    tpu.wait_dma2 semaphore(%arg28 : memref<!tpu.dma_semaphore, #tpu.memory_space<semaphore_mem>>) src(%dma_wait3A_262 : memref<128x16xf32, #tpu.memory_space<hbm>>) dst(%dma_wait3A_260 : memref<128x16xf32, #tpu.memory_space<vmem>>)
    %scan3A_263 = arith.constant 0 : i32
    %scan3A_264 = arith.constant 2 : i32
    %scan3A_265 = arith.constant 0 : i32
    %scan3A_266 = arith.constant 128 : i32
    %scan3A_267 = arith.addi %scan3A_265, %scan3A_266 : i32
    %scan3A_268 = arith.constant 1 : i32
    scf.for %scan3A_642 = %scan3A_265 to %scan3A_267 step %scan3A_268  : i32 {
      %mul3A_643 = arith.constant 1 : i32
      %mul3A_644 = arith.muli %scan3A_642, %mul3A_643 : i32
      %add3A_645 = arith.constant 0 : i32
      %add3A_646 = arith.addi %add3A_645, %mul3A_644 : i32
      %broadcast_in_dim3A_647 = vector.broadcast %add3A_646 : i32 to vector<16xi32>
      %gather3A = tpu.vector_load_idx %arg19[%broadcast_in_dim3A_647] : memref<128xf32, #tpu.memory_space<vmem>>[vector<16xi32>], vector<16xf32>,
      %get3A = arith.constant 0 : i32
      %get3A_648 = arith.constant 0 : i32
      %get3A_649 = tpu.memref_slice %arg15[%scan3A_263, %get3A, %get3A_648] : memref<4x128x16xf32, #tpu.memory_space<vmem>> -> memref<1x128x16xf32, #tpu.memory_space<vmem>>
      %get3A_650 = tpu.memref_squeeze %get3A_649 : memref<1x128x16xf32, #tpu.memory_space<vmem>> -> memref<128x16xf32, #tpu.memory_space<vmem>>
      %get3A_651 = arith.index_cast %add3A_646 : i32 to index
      %get3A_652 = arith.constant 0 : index
      %get3A_653 = tpu.vector_load %get3A_650[%get3A_651, %get3A_652] {strides = array<i32>} : memref<128x16xf32, #tpu.memory_space<vmem>>, vector<16xf32>,
      %mul3A_654 = arith.mulf %gather3A, %get3A_653 : vector<16xf32>
      %get3A_655 = arith.constant 0 : i32
      %get3A_656 = arith.constant 0 : i32
      %get3A_657 = tpu.memref_slice %arg15[%scan3A_264, %get3A_655, %get3A_656] : memref<4x128x16xf32, #tpu.memory_space<vmem>> -> memref<1x128x16xf32, #tpu.memory_space<vmem>>
      %get3A_658 = tpu.memref_squeeze %get3A_657 : memref<1x128x16xf32, #tpu.memory_space<vmem>> -> memref<128x16xf32, #tpu.memory_space<vmem>>
      %get3A_659 = arith.index_cast %add3A_646 : i32 to index
      %get3A_660 = arith.constant 0 : index
      %get3A_661 = tpu.vector_load %get3A_658[%get3A_659, %get3A_660] {strides = array<i32>} : memref<128x16xf32, #tpu.memory_space<vmem>>, vector<16xf32>,
      %add3A_662 = arith.addf %get3A_661, %mul3A_654 : vector<16xf32>
      %swap3A = arith.constant 0 : i32
      %swap3A_663 = arith.constant 0 : i32
      %swap3A_664 = tpu.memref_slice %arg15[%scan3A_264, %swap3A, %swap3A_663] : memref<4x128x16xf32, #tpu.memory_space<vmem>> -> memref<1x128x16xf32, #tpu.memory_space<vmem>>
      %swap3A_665 = tpu.memref_squeeze %swap3A_664 : memref<1x128x16xf32, #tpu.memory_space<vmem>> -> memref<128x16xf32, #tpu.memory_space<vmem>>
      %swap3A_666 = arith.index_cast %add3A_646 : i32 to index
      %swap3A_667 = arith.constant 0 : index
      %swap3A_668 = tpu.vector_load %swap3A_665[%swap3A_666, %swap3A_667] {strides = array<i32>} : memref<128x16xf32, #tpu.memory_space<vmem>>, vector<16xf32>,
      tpu.vector_store %swap3A_665[%swap3A_666, %swap3A_667], %add3A_662 {strides = array<i32>} : memref<128x16xf32, #tpu.memory_space<vmem>>, vector<16xf32>,
      %mul3A_669 = arith.mulf %gather3A, %mul3A_654 : vector<16xf32>
      %swap3A_670 = arith.constant 0 : i32
      %swap3A_671 = arith.constant 0 : i32
      %swap3A_672 = tpu.memref_slice %arg15[%scan3A_263, %swap3A_670, %swap3A_671] : memref<4x128x16xf32, #tpu.memory_space<vmem>> -> memref<1x128x16xf32, #tpu.memory_space<vmem>>
      %swap3A_673 = tpu.memref_squeeze %swap3A_672 : memref<1x128x16xf32, #tpu.memory_space<vmem>> -> memref<128x16xf32, #tpu.memory_space<vmem>>
      %swap3A_674 = arith.index_cast %add3A_646 : i32 to index
      %swap3A_675 = arith.constant 0 : index
      %swap3A_676 = tpu.vector_load %swap3A_673[%swap3A_674, %swap3A_675] {strides = array<i32>} : memref<128x16xf32, #tpu.memory_space<vmem>>, vector<16xf32>,
      tpu.vector_store %swap3A_673[%swap3A_674, %swap3A_675], %mul3A_669 {strides = array<i32>} : memref<128x16xf32, #tpu.memory_space<vmem>>, vector<16xf32>,
    }
    %scan3A_269 = arith.constant 128 : i32
    %add3A_270 = arith.addi %mul3A_0, %add3A_234 : i32
    %dma_start3A_271 = arith.constant 2 : i32
    %dma_start3A_272 = arith.constant 0 : i32
    %dma_start3A_273 = arith.constant 0 : i32
    %dma_start3A_274 = tpu.memref_slice %arg15[%dma_start3A_271, %dma_start3A_272, %dma_start3A_273] : memref<4x128x16xf32, #tpu.memory_space<vmem>> -> memref<1x128x16xf32, #tpu.memory_space<vmem>>
    %dma_start3A_275 = tpu.memref_squeeze %dma_start3A_274 : memref<1x128x16xf32, #tpu.memory_space<vmem>> -> memref<128x16xf32, #tpu.memory_space<vmem>>
    %dma_start3A_276 = arith.constant 0 : i32
    %dma_start3A_277 = tpu.memref_slice %arg5[%add3A_270, %dma_start3A_276] : memref<200704x16xf32, #tpu.memory_space<hbm>> -> memref<128x16xf32, #tpu.memory_space<hbm>>
    %dma_start3A_278 = arith.constant 0 : i32
    %dma_start3A_279 = tpu.memref_slice %arg5[%add3A_270, %dma_start3A_278] : memref<200704x16xf32, #tpu.memory_space<hbm>> -> memref<128x16xf32, #tpu.memory_space<hbm>>
    %dma_start3A_280 = arith.constant 0 : i32
    %dma_start3A_281 = arith.constant 0 : i32
    %dma_start3A_282 = tpu.memref_slice %arg15[%dma_start3A_271, %dma_start3A_280, %dma_start3A_281] : memref<4x128x16xf32, #tpu.memory_space<vmem>> -> memref<1x128x16xf32, #tpu.memory_space<vmem>>
    %dma_start3A_283 = tpu.memref_squeeze %dma_start3A_282 : memref<1x128x16xf32, #tpu.memory_space<vmem>> -> memref<128x16xf32, #tpu.memory_space<vmem>>
    tpu.enqueue_dma source(%dma_start3A_283 : memref<128x16xf32, #tpu.memory_space<vmem>>) target(%dma_start3A_279 : memref<128x16xf32, #tpu.memory_space<hbm>>) target_semaphore(%arg29 : memref<!tpu.dma_semaphore, #tpu.memory_space<semaphore_mem>>)
    %add3A_284 = arith.addi %mul3A_0, %add3A_234 : i32
    %dma_start3A_285 = arith.constant 0 : i32
    %dma_start3A_286 = arith.constant 0 : i32
    %dma_start3A_287 = arith.constant 0 : i32
    %dma_start3A_288 = tpu.memref_slice %arg15[%dma_start3A_285, %dma_start3A_286, %dma_start3A_287] : memref<4x128x16xf32, #tpu.memory_space<vmem>> -> memref<1x128x16xf32, #tpu.memory_space<vmem>>
    %dma_start3A_289 = tpu.memref_squeeze %dma_start3A_288 : memref<1x128x16xf32, #tpu.memory_space<vmem>> -> memref<128x16xf32, #tpu.memory_space<vmem>>
    %dma_start3A_290 = arith.constant 0 : i32
    %dma_start3A_291 = tpu.memref_slice %arg7[%add3A_284, %dma_start3A_290] : memref<200704x16xf32, #tpu.memory_space<hbm>> -> memref<128x16xf32, #tpu.memory_space<hbm>>
    %dma_start3A_292 = arith.constant 0 : i32
    %dma_start3A_293 = tpu.memref_slice %arg7[%add3A_284, %dma_start3A_292] : memref<200704x16xf32, #tpu.memory_space<hbm>> -> memref<128x16xf32, #tpu.memory_space<hbm>>
    %dma_start3A_294 = arith.constant 0 : i32
    %dma_start3A_295 = arith.constant 0 : i32
    %dma_start3A_296 = tpu.memref_slice %arg15[%dma_start3A_285, %dma_start3A_294, %dma_start3A_295] : memref<4x128x16xf32, #tpu.memory_space<vmem>> -> memref<1x128x16xf32, #tpu.memory_space<vmem>>
    %dma_start3A_297 = tpu.memref_squeeze %dma_start3A_296 : memref<1x128x16xf32, #tpu.memory_space<vmem>> -> memref<128x16xf32, #tpu.memory_space<vmem>>
    tpu.enqueue_dma source(%dma_start3A_297 : memref<128x16xf32, #tpu.memory_space<vmem>>) target(%dma_start3A_293 : memref<128x16xf32, #tpu.memory_space<hbm>>) target_semaphore(%arg29 : memref<!tpu.dma_semaphore, #tpu.memory_space<semaphore_mem>>)
    %scan3A_298 = arith.constant 2 : i32
    %scan3A_299 = arith.constant 0 : i32
    %scan3A_300 = arith.constant 3 : i32
    %scan3A_301 = arith.constant 0 : i32
    %scan3A_302 = arith.constant 48 : i32
    %scan3A_303 = arith.addi %scan3A_301, %scan3A_302 : i32
    %scan3A_304 = arith.constant 1 : i32
    scf.for %scan3A_642 = %scan3A_301 to %scan3A_303 step %scan3A_304  : i32 {
      %mul3A_643 = arith.constant 1 : i32
      %mul3A_644 = arith.muli %scan3A_642, %mul3A_643 : i32
      %add3A_645 = arith.constant 1 : i32
      %add3A_646 = arith.addi %add3A_645, %mul3A_644 : i32
      %mul3A_647 = arith.constant 128 : i32
      %mul3A_648 = arith.muli %add3A_646, %mul3A_647 : i32
      %add3A_649 = arith.addi %mul3A_2, %mul3A_648 : i32
      %dma_wait3A_650 = arith.constant 0 : i32
      %dma_wait3A_651 = arith.constant 0 : i32
      %dma_wait3A_652 = tpu.memref_slice %arg15[%scan3A_298, %dma_wait3A_650, %dma_wait3A_651] : memref<4x128x16xf32, #tpu.memory_space<vmem>> -> memref<1x128x16xf32, #tpu.memory_space<vmem>>
      %dma_wait3A_653 = tpu.memref_squeeze %dma_wait3A_652 : memref<1x128x16xf32, #tpu.memory_space<vmem>> -> memref<128x16xf32, #tpu.memory_space<vmem>>
      %dma_wait3A_654 = arith.constant 0 : i32
      %dma_wait3A_655 = tpu.memref_slice %arg5[%mul3A_0, %dma_wait3A_654] : memref<200704x16xf32, #tpu.memory_space<hbm>> -> memref<128x16xf32, #tpu.memory_space<hbm>>
      %dma_wait3A_656 = arith.constant 0 : i32
      %dma_wait3A_657 = tpu.memref_slice %arg5[%mul3A_0, %dma_wait3A_656] : memref<200704x16xf32, #tpu.memory_space<hbm>> -> memref<128x16xf32, #tpu.memory_space<hbm>>
      %dma_wait3A_658 = arith.constant 0 : i32
      %dma_wait3A_659 = arith.constant 0 : i32
      %dma_wait3A_660 = tpu.memref_slice %arg15[%scan3A_298, %dma_wait3A_658, %dma_wait3A_659] : memref<4x128x16xf32, #tpu.memory_space<vmem>> -> memref<1x128x16xf32, #tpu.memory_space<vmem>>
      %dma_wait3A_661 = tpu.memref_squeeze %dma_wait3A_660 : memref<1x128x16xf32, #tpu.memory_space<vmem>> -> memref<128x16xf32, #tpu.memory_space<vmem>>
      tpu.wait_dma2 semaphore(%arg29 : memref<!tpu.dma_semaphore, #tpu.memory_space<semaphore_mem>>) src(%dma_wait3A_661 : memref<128x16xf32, #tpu.memory_space<vmem>>) dst(%dma_wait3A_657 : memref<128x16xf32, #tpu.memory_space<hbm>>)
      %dma_wait3A_662 = arith.constant 0 : i32
      %dma_wait3A_663 = arith.constant 0 : i32
      %dma_wait3A_664 = tpu.memref_slice %arg15[%scan3A_298, %dma_wait3A_662, %dma_wait3A_663] : memref<4x128x16xf32, #tpu.memory_space<vmem>> -> memref<1x128x16xf32, #tpu.memory_space<vmem>>
      %dma_wait3A_665 = tpu.memref_squeeze %dma_wait3A_664 : memref<1x128x16xf32, #tpu.memory_space<vmem>> -> memref<128x16xf32, #tpu.memory_space<vmem>>
      %dma_wait3A_666 = arith.constant 0 : i32
      %dma_wait3A_667 = tpu.memref_slice %arg5[%mul3A_0, %dma_wait3A_666] : memref<200704x16xf32, #tpu.memory_space<hbm>> -> memref<128x16xf32, #tpu.memory_space<hbm>>
      %dma_wait3A_668 = arith.constant 0 : i32
      %dma_wait3A_669 = tpu.memref_slice %arg5[%mul3A_0, %dma_wait3A_668] : memref<200704x16xf32, #tpu.memory_space<hbm>> -> memref<128x16xf32, #tpu.memory_space<hbm>>
      %dma_wait3A_670 = arith.constant 0 : i32
      %dma_wait3A_671 = arith.constant 0 : i32
      %dma_wait3A_672 = tpu.memref_slice %arg15[%scan3A_298, %dma_wait3A_670, %dma_wait3A_671] : memref<4x128x16xf32, #tpu.memory_space<vmem>> -> memref<1x128x16xf32, #tpu.memory_space<vmem>>
      %dma_wait3A_673 = tpu.memref_squeeze %dma_wait3A_672 : memref<1x128x16xf32, #tpu.memory_space<vmem>> -> memref<128x16xf32, #tpu.memory_space<vmem>>
      tpu.wait_dma2 semaphore(%arg29 : memref<!tpu.dma_semaphore, #tpu.memory_space<semaphore_mem>>) src(%dma_wait3A_673 : memref<128x16xf32, #tpu.memory_space<vmem>>) dst(%dma_wait3A_669 : memref<128x16xf32, #tpu.memory_space<hbm>>)
      %add3A_674 = arith.addi %mul3A_0, %add3A_649 : i32
      %dma_start3A_675 = arith.constant 0 : i32
      %dma_start3A_676 = arith.constant 0 : i32
      %dma_start3A_677 = tpu.memref_slice %arg15[%scan3A_298, %dma_start3A_675, %dma_start3A_676] : memref<4x128x16xf32, #tpu.memory_space<vmem>> -> memref<1x128x16xf32, #tpu.memory_space<vmem>>
      %dma_start3A_678 = tpu.memref_squeeze %dma_start3A_677 : memref<1x128x16xf32, #tpu.memory_space<vmem>> -> memref<128x16xf32, #tpu.memory_space<vmem>>
      %dma_start3A_679 = arith.constant 0 : i32
      %dma_start3A_680 = tpu.memref_slice %arg5[%add3A_674, %dma_start3A_679] : memref<200704x16xf32, #tpu.memory_space<hbm>> -> memref<128x16xf32, #tpu.memory_space<hbm>>
      %dma_start3A_681 = arith.constant 0 : i32
      %dma_start3A_682 = arith.constant 0 : i32
      %dma_start3A_683 = tpu.memref_slice %arg15[%scan3A_298, %dma_start3A_681, %dma_start3A_682] : memref<4x128x16xf32, #tpu.memory_space<vmem>> -> memref<1x128x16xf32, #tpu.memory_space<vmem>>
      %dma_start3A_684 = tpu.memref_squeeze %dma_start3A_683 : memref<1x128x16xf32, #tpu.memory_space<vmem>> -> memref<128x16xf32, #tpu.memory_space<vmem>>
      %dma_start3A_685 = arith.constant 0 : i32
      %dma_start3A_686 = tpu.memref_slice %arg5[%add3A_674, %dma_start3A_685] : memref<200704x16xf32, #tpu.memory_space<hbm>> -> memref<128x16xf32, #tpu.memory_space<hbm>>
      tpu.enqueue_dma source(%dma_start3A_686 : memref<128x16xf32, #tpu.memory_space<hbm>>) target(%dma_start3A_684 : memref<128x16xf32, #tpu.memory_space<vmem>>) target_semaphore(%arg28 : memref<!tpu.dma_semaphore, #tpu.memory_space<semaphore_mem>>)
      "tpu.region"() ({
        %run_scoped3A_730 = tpu.sem_alloc : memref<!tpu.dma_semaphore, #tpu.memory_space<semaphore_mem>>
        %dma_start3A_731 = arith.constant 0 : i32
        %dma_start3A_732 = arith.constant 0 : i32
        %dma_start3A_733 = tpu.memref_slice %arg15[%scan3A_299, %dma_start3A_731, %dma_start3A_732] : memref<4x128x16xf32, #tpu.memory_space<vmem>> -> memref<1x128x16xf32, #tpu.memory_space<vmem>>
        %dma_start3A_734 = tpu.memref_squeeze %dma_start3A_733 : memref<1x128x16xf32, #tpu.memory_space<vmem>> -> memref<128x16xf32, #tpu.memory_space<vmem>>
        %dma_start3A_735 = arith.constant 0 : i32
        %dma_start3A_736 = tpu.memref_slice %arg9[%add3A_649, %dma_start3A_735] : memref<100352x16xf32, #tpu.memory_space<vmem_shared>> -> memref<128x16xf32, #tpu.memory_space<vmem_shared>>
        %dma_start3A_737 = arith.constant 0 : i32
        %dma_start3A_738 = arith.constant 0 : i32
        %dma_start3A_739 = tpu.memref_slice %arg15[%scan3A_299, %dma_start3A_737, %dma_start3A_738] : memref<4x128x16xf32, #tpu.memory_space<vmem>> -> memref<1x128x16xf32, #tpu.memory_space<vmem>>
        %dma_start3A_740 = tpu.memref_squeeze %dma_start3A_739 : memref<1x128x16xf32, #tpu.memory_space<vmem>> -> memref<128x16xf32, #tpu.memory_space<vmem>>
        %dma_start3A_741 = arith.constant 0 : i32
        %dma_start3A_742 = tpu.memref_slice %arg9[%add3A_649, %dma_start3A_741] : memref<100352x16xf32, #tpu.memory_space<vmem_shared>> -> memref<128x16xf32, #tpu.memory_space<vmem_shared>>
        tpu.enqueue_dma source(%dma_start3A_742 : memref<128x16xf32, #tpu.memory_space<vmem_shared>>) target(%dma_start3A_740 : memref<128x16xf32, #tpu.memory_space<vmem>>) target_semaphore(%run_scoped3A_730 : memref<!tpu.dma_semaphore, #tpu.memory_space<semaphore_mem>>)
        %dma_wait3A_743 = arith.constant 0 : i32
        %dma_wait3A_744 = arith.constant 0 : i32
        %dma_wait3A_745 = tpu.memref_slice %arg15[%scan3A_299, %dma_wait3A_743, %dma_wait3A_744] : memref<4x128x16xf32, #tpu.memory_space<vmem>> -> memref<1x128x16xf32, #tpu.memory_space<vmem>>
        %dma_wait3A_746 = tpu.memref_squeeze %dma_wait3A_745 : memref<1x128x16xf32, #tpu.memory_space<vmem>> -> memref<128x16xf32, #tpu.memory_space<vmem>>
        %dma_wait3A_747 = arith.constant 0 : i32
        %dma_wait3A_748 = tpu.memref_slice %arg9[%add3A_649, %dma_wait3A_747] : memref<100352x16xf32, #tpu.memory_space<vmem_shared>> -> memref<128x16xf32, #tpu.memory_space<vmem_shared>>
        %dma_wait3A_749 = arith.constant 0 : i32
        %dma_wait3A_750 = arith.constant 0 : i32
        %dma_wait3A_751 = tpu.memref_slice %arg15[%scan3A_299, %dma_wait3A_749, %dma_wait3A_750] : memref<4x128x16xf32, #tpu.memory_space<vmem>> -> memref<1x128x16xf32, #tpu.memory_space<vmem>>
        %dma_wait3A_752 = tpu.memref_squeeze %dma_wait3A_751 : memref<1x128x16xf32, #tpu.memory_space<vmem>> -> memref<128x16xf32, #tpu.memory_space<vmem>>
        %dma_wait3A_753 = arith.constant 0 : i32
        %dma_wait3A_754 = tpu.memref_slice %arg9[%add3A_649, %dma_wait3A_753] : memref<100352x16xf32, #tpu.memory_space<vmem_shared>> -> memref<128x16xf32, #tpu.memory_space<vmem_shared>>
        tpu.wait_dma2 semaphore(%run_scoped3A_730 : memref<!tpu.dma_semaphore, #tpu.memory_space<semaphore_mem>>) src(%dma_wait3A_754 : memref<128x16xf32, #tpu.memory_space<vmem_shared>>) dst(%dma_wait3A_752 : memref<128x16xf32, #tpu.memory_space<vmem>>)
        tpu.yield
      }) : () -> ()
      "tpu.region"() ({
        %run_scoped3A_730 = tpu.sem_alloc : memref<!tpu.dma_semaphore, #tpu.memory_space<semaphore_mem>>
        %dma_start3A_731 = tpu.memref_slice %arg10[%add3A_649] : memref<100352xf32, #tpu.memory_space<vmem_shared>> -> memref<128xf32, #tpu.memory_space<vmem_shared>>
        %dma_start3A_732 = tpu.memref_slice %arg10[%add3A_649] : memref<100352xf32, #tpu.memory_space<vmem_shared>> -> memref<128xf32, #tpu.memory_space<vmem_shared>>
        tpu.enqueue_dma source(%dma_start3A_732 : memref<128xf32, #tpu.memory_space<vmem_shared>>) target(%arg19 : memref<128xf32, #tpu.memory_space<vmem>>) target_semaphore(%run_scoped3A_730 : memref<!tpu.dma_semaphore, #tpu.memory_space<semaphore_mem>>)
        %dma_wait3A_733 = tpu.memref_slice %arg10[%add3A_649] : memref<100352xf32, #tpu.memory_space<vmem_shared>> -> memref<128xf32, #tpu.memory_space<vmem_shared>>
        %dma_wait3A_734 = tpu.memref_slice %arg10[%add3A_649] : memref<100352xf32, #tpu.memory_space<vmem_shared>> -> memref<128xf32, #tpu.memory_space<vmem_shared>>
        tpu.wait_dma2 semaphore(%run_scoped3A_730 : memref<!tpu.dma_semaphore, #tpu.memory_space<semaphore_mem>>) src(%dma_wait3A_734 : memref<128xf32, #tpu.memory_space<vmem_shared>>) dst(%arg19 : memref<128xf32, #tpu.memory_space<vmem>>)
        tpu.yield
      }) : () -> ()
      "tpu.region"() ({
        %run_scoped3A_730 = tpu.sem_alloc : memref<!tpu.dma_semaphore, #tpu.memory_space<semaphore_mem>>
        %dma_start3A_731 = arith.constant 0 : i32
        %dma_start3A_732 = arith.constant 0 : i32
        %dma_start3A_733 = tpu.memref_slice %arg15[%scan3A_300, %dma_start3A_731, %dma_start3A_732] : memref<4x128x16xf32, #tpu.memory_space<vmem>> -> memref<1x128x16xf32, #tpu.memory_space<vmem>>
        %dma_start3A_734 = tpu.memref_squeeze %dma_start3A_733 : memref<1x128x16xf32, #tpu.memory_space<vmem>> -> memref<128x16xf32, #tpu.memory_space<vmem>>
        %dma_start3A_735 = arith.constant 0 : i32
        %dma_start3A_736 = tpu.memref_slice %arg9[%add3A_649, %dma_start3A_735] : memref<100352x16xf32, #tpu.memory_space<vmem_shared>> -> memref<128x16xf32, #tpu.memory_space<vmem_shared>>
        %dma_start3A_737 = arith.constant 0 : i32
        %dma_start3A_738 = tpu.memref_slice %arg9[%add3A_649, %dma_start3A_737] : memref<100352x16xf32, #tpu.memory_space<vmem_shared>> -> memref<128x16xf32, #tpu.memory_space<vmem_shared>>
        %dma_start3A_739 = arith.constant 0 : i32
        %dma_start3A_740 = arith.constant 0 : i32
        %dma_start3A_741 = tpu.memref_slice %arg15[%scan3A_300, %dma_start3A_739, %dma_start3A_740] : memref<4x128x16xf32, #tpu.memory_space<vmem>> -> memref<1x128x16xf32, #tpu.memory_space<vmem>>
        %dma_start3A_742 = tpu.memref_squeeze %dma_start3A_741 : memref<1x128x16xf32, #tpu.memory_space<vmem>> -> memref<128x16xf32, #tpu.memory_space<vmem>>
        tpu.enqueue_dma source(%dma_start3A_742 : memref<128x16xf32, #tpu.memory_space<vmem>>) target(%dma_start3A_738 : memref<128x16xf32, #tpu.memory_space<vmem_shared>>) target_semaphore(%run_scoped3A_730 : memref<!tpu.dma_semaphore, #tpu.memory_space<semaphore_mem>>)
        %dma_wait3A_743 = arith.constant 0 : i32
        %dma_wait3A_744 = arith.constant 0 : i32
        %dma_wait3A_745 = tpu.memref_slice %arg15[%scan3A_300, %dma_wait3A_743, %dma_wait3A_744] : memref<4x128x16xf32, #tpu.memory_space<vmem>> -> memref<1x128x16xf32, #tpu.memory_space<vmem>>
        %dma_wait3A_746 = tpu.memref_squeeze %dma_wait3A_745 : memref<1x128x16xf32, #tpu.memory_space<vmem>> -> memref<128x16xf32, #tpu.memory_space<vmem>>
        %dma_wait3A_747 = arith.constant 0 : i32
        %dma_wait3A_748 = tpu.memref_slice %arg9[%add3A_649, %dma_wait3A_747] : memref<100352x16xf32, #tpu.memory_space<vmem_shared>> -> memref<128x16xf32, #tpu.memory_space<vmem_shared>>
        %dma_wait3A_749 = arith.constant 0 : i32
        %dma_wait3A_750 = tpu.memref_slice %arg9[%add3A_649, %dma_wait3A_749] : memref<100352x16xf32, #tpu.memory_space<vmem_shared>> -> memref<128x16xf32, #tpu.memory_space<vmem_shared>>
        %dma_wait3A_751 = arith.constant 0 : i32
        %dma_wait3A_752 = arith.constant 0 : i32
        %dma_wait3A_753 = tpu.memref_slice %arg15[%scan3A_300, %dma_wait3A_751, %dma_wait3A_752] : memref<4x128x16xf32, #tpu.memory_space<vmem>> -> memref<1x128x16xf32, #tpu.memory_space<vmem>>
        %dma_wait3A_754 = tpu.memref_squeeze %dma_wait3A_753 : memref<1x128x16xf32, #tpu.memory_space<vmem>> -> memref<128x16xf32, #tpu.memory_space<vmem>>
        tpu.wait_dma2 semaphore(%run_scoped3A_730 : memref<!tpu.dma_semaphore, #tpu.memory_space<semaphore_mem>>) src(%dma_wait3A_754 : memref<128x16xf32, #tpu.memory_space<vmem>>) dst(%dma_wait3A_750 : memref<128x16xf32, #tpu.memory_space<vmem_shared>>)
        tpu.yield
      }) : () -> ()
      %dma_wait3A_687 = arith.constant 0 : i32
      %dma_wait3A_688 = arith.constant 0 : i32
      %dma_wait3A_689 = tpu.memref_slice %arg15[%scan3A_298, %dma_wait3A_687, %dma_wait3A_688] : memref<4x128x16xf32, #tpu.memory_space<vmem>> -> memref<1x128x16xf32, #tpu.memory_space<vmem>>
      %dma_wait3A_690 = tpu.memref_squeeze %dma_wait3A_689 : memref<1x128x16xf32, #tpu.memory_space<vmem>> -> memref<128x16xf32, #tpu.memory_space<vmem>>
      %dma_wait3A_691 = arith.constant 0 : i32
      %dma_wait3A_692 = tpu.memref_slice %arg5[%add3A_674, %dma_wait3A_691] : memref<200704x16xf32, #tpu.memory_space<hbm>> -> memref<128x16xf32, #tpu.memory_space<hbm>>
      %dma_wait3A_693 = arith.constant 0 : i32
      %dma_wait3A_694 = arith.constant 0 : i32
      %dma_wait3A_695 = tpu.memref_slice %arg15[%scan3A_298, %dma_wait3A_693, %dma_wait3A_694] : memref<4x128x16xf32, #tpu.memory_space<vmem>> -> memref<1x128x16xf32, #tpu.memory_space<vmem>>
      %dma_wait3A_696 = tpu.memref_squeeze %dma_wait3A_695 : memref<1x128x16xf32, #tpu.memory_space<vmem>> -> memref<128x16xf32, #tpu.memory_space<vmem>>
      %dma_wait3A_697 = arith.constant 0 : i32
      %dma_wait3A_698 = tpu.memref_slice %arg5[%add3A_674, %dma_wait3A_697] : memref<200704x16xf32, #tpu.memory_space<hbm>> -> memref<128x16xf32, #tpu.memory_space<hbm>>
      tpu.wait_dma2 semaphore(%arg28 : memref<!tpu.dma_semaphore, #tpu.memory_space<semaphore_mem>>) src(%dma_wait3A_698 : memref<128x16xf32, #tpu.memory_space<hbm>>) dst(%dma_wait3A_696 : memref<128x16xf32, #tpu.memory_space<vmem>>)
      %scan3A_699 = arith.constant 0 : i32
      %scan3A_700 = arith.constant 128 : i32
      %scan3A_701 = arith.addi %scan3A_699, %scan3A_700 : i32
      %scan3A_702 = arith.constant 1 : i32
      scf.for %scan3A_730 = %scan3A_699 to %scan3A_701 step %scan3A_702  : i32 {
        %mul3A_731 = arith.constant 1 : i32
        %mul3A_732 = arith.muli %scan3A_730, %mul3A_731 : i32
        %add3A_733 = arith.constant 0 : i32
        %add3A_734 = arith.addi %add3A_733, %mul3A_732 : i32
        %broadcast_in_dim3A_735 = vector.broadcast %add3A_734 : i32 to vector<16xi32>
        %gather3A = tpu.vector_load_idx %arg19[%broadcast_in_dim3A_735] : memref<128xf32, #tpu.memory_space<vmem>>[vector<16xi32>], vector<16xf32>,
        %get3A = arith.constant 0 : i32
        %get3A_736 = arith.constant 0 : i32
        %get3A_737 = tpu.memref_slice %arg15[%scan3A_299, %get3A, %get3A_736] : memref<4x128x16xf32, #tpu.memory_space<vmem>> -> memref<1x128x16xf32, #tpu.memory_space<vmem>>
        %get3A_738 = tpu.memref_squeeze %get3A_737 : memref<1x128x16xf32, #tpu.memory_space<vmem>> -> memref<128x16xf32, #tpu.memory_space<vmem>>
        %get3A_739 = arith.index_cast %add3A_734 : i32 to index
        %get3A_740 = arith.constant 0 : index
        %get3A_741 = tpu.vector_load %get3A_738[%get3A_739, %get3A_740] {strides = array<i32>} : memref<128x16xf32, #tpu.memory_space<vmem>>, vector<16xf32>,
        %mul3A_742 = arith.mulf %gather3A, %get3A_741 : vector<16xf32>
        %get3A_743 = arith.constant 0 : i32
        %get3A_744 = arith.constant 0 : i32
        %get3A_745 = tpu.memref_slice %arg15[%scan3A_298, %get3A_743, %get3A_744] : memref<4x128x16xf32, #tpu.memory_space<vmem>> -> memref<1x128x16xf32, #tpu.memory_space<vmem>>
        %get3A_746 = tpu.memref_squeeze %get3A_745 : memref<1x128x16xf32, #tpu.memory_space<vmem>> -> memref<128x16xf32, #tpu.memory_space<vmem>>
        %get3A_747 = arith.index_cast %add3A_734 : i32 to index
        %get3A_748 = arith.constant 0 : index
        %get3A_749 = tpu.vector_load %get3A_746[%get3A_747, %get3A_748] {strides = array<i32>} : memref<128x16xf32, #tpu.memory_space<vmem>>, vector<16xf32>,
        %add3A_750 = arith.addf %get3A_749, %mul3A_742 : vector<16xf32>
        %swap3A = arith.constant 0 : i32
        %swap3A_751 = arith.constant 0 : i32
        %swap3A_752 = tpu.memref_slice %arg15[%scan3A_298, %swap3A, %swap3A_751] : memref<4x128x16xf32, #tpu.memory_space<vmem>> -> memref<1x128x16xf32, #tpu.memory_space<vmem>>
        %swap3A_753 = tpu.memref_squeeze %swap3A_752 : memref<1x128x16xf32, #tpu.memory_space<vmem>> -> memref<128x16xf32, #tpu.memory_space<vmem>>
        %swap3A_754 = arith.index_cast %add3A_734 : i32 to index
        %swap3A_755 = arith.constant 0 : index
        %swap3A_756 = tpu.vector_load %swap3A_753[%swap3A_754, %swap3A_755] {strides = array<i32>} : memref<128x16xf32, #tpu.memory_space<vmem>>, vector<16xf32>,
        tpu.vector_store %swap3A_753[%swap3A_754, %swap3A_755], %add3A_750 {strides = array<i32>} : memref<128x16xf32, #tpu.memory_space<vmem>>, vector<16xf32>,
        %mul3A_757 = arith.mulf %gather3A, %mul3A_742 : vector<16xf32>
        %swap3A_758 = arith.constant 0 : i32
        %swap3A_759 = arith.constant 0 : i32
        %swap3A_760 = tpu.memref_slice %arg15[%scan3A_299, %swap3A_758, %swap3A_759] : memref<4x128x16xf32, #tpu.memory_space<vmem>> -> memref<1x128x16xf32, #tpu.memory_space<vmem>>
        %swap3A_761 = tpu.memref_squeeze %swap3A_760 : memref<1x128x16xf32, #tpu.memory_space<vmem>> -> memref<128x16xf32, #tpu.memory_space<vmem>>
        %swap3A_762 = arith.index_cast %add3A_734 : i32 to index
        %swap3A_763 = arith.constant 0 : index
        %swap3A_764 = tpu.vector_load %swap3A_761[%swap3A_762, %swap3A_763] {strides = array<i32>} : memref<128x16xf32, #tpu.memory_space<vmem>>, vector<16xf32>,
        tpu.vector_store %swap3A_761[%swap3A_762, %swap3A_763], %mul3A_757 {strides = array<i32>} : memref<128x16xf32, #tpu.memory_space<vmem>>, vector<16xf32>,
      }
      %scan3A_703 = arith.constant 128 : i32
      %add3A_704 = arith.addi %mul3A_0, %add3A_649 : i32
      %dma_start3A_705 = arith.constant 0 : i32
      %dma_start3A_706 = arith.constant 0 : i32
      %dma_start3A_707 = tpu.memref_slice %arg15[%scan3A_298, %dma_start3A_705, %dma_start3A_706] : memref<4x128x16xf32, #tpu.memory_space<vmem>> -> memref<1x128x16xf32, #tpu.memory_space<vmem>>
      %dma_start3A_708 = tpu.memref_squeeze %dma_start3A_707 : memref<1x128x16xf32, #tpu.memory_space<vmem>> -> memref<128x16xf32, #tpu.memory_space<vmem>>
      %dma_start3A_709 = arith.constant 0 : i32
      %dma_start3A_710 = tpu.memref_slice %arg5[%add3A_704, %dma_start3A_709] : memref<200704x16xf32, #tpu.memory_space<hbm>> -> memref<128x16xf32, #tpu.memory_space<hbm>>
      %dma_start3A_711 = arith.constant 0 : i32
      %dma_start3A_712 = tpu.memref_slice %arg5[%add3A_704, %dma_start3A_711] : memref<200704x16xf32, #tpu.memory_space<hbm>> -> memref<128x16xf32, #tpu.memory_space<hbm>>
      %dma_start3A_713 = arith.constant 0 : i32
      %dma_start3A_714 = arith.constant 0 : i32
      %dma_start3A_715 = tpu.memref_slice %arg15[%scan3A_298, %dma_start3A_713, %dma_start3A_714] : memref<4x128x16xf32, #tpu.memory_space<vmem>> -> memref<1x128x16xf32, #tpu.memory_space<vmem>>
      %dma_start3A_716 = tpu.memref_squeeze %dma_start3A_715 : memref<1x128x16xf32, #tpu.memory_space<vmem>> -> memref<128x16xf32, #tpu.memory_space<vmem>>
      tpu.enqueue_dma source(%dma_start3A_716 : memref<128x16xf32, #tpu.memory_space<vmem>>) target(%dma_start3A_712 : memref<128x16xf32, #tpu.memory_space<hbm>>) target_semaphore(%arg29 : memref<!tpu.dma_semaphore, #tpu.memory_space<semaphore_mem>>)
      %add3A_717 = arith.addi %mul3A_0, %add3A_649 : i32
      %dma_start3A_718 = arith.constant 0 : i32
      %dma_start3A_719 = arith.constant 0 : i32
      %dma_start3A_720 = tpu.memref_slice %arg15[%scan3A_299, %dma_start3A_718, %dma_start3A_719] : memref<4x128x16xf32, #tpu.memory_space<vmem>> -> memref<1x128x16xf32, #tpu.memory_space<vmem>>
      %dma_start3A_721 = tpu.memref_squeeze %dma_start3A_720 : memref<1x128x16xf32, #tpu.memory_space<vmem>> -> memref<128x16xf32, #tpu.memory_space<vmem>>
      %dma_start3A_722 = arith.constant 0 : i32
      %dma_start3A_723 = tpu.memref_slice %arg7[%add3A_717, %dma_start3A_722] : memref<200704x16xf32, #tpu.memory_space<hbm>> -> memref<128x16xf32, #tpu.memory_space<hbm>>
      %dma_start3A_724 = arith.constant 0 : i32
      %dma_start3A_725 = tpu.memref_slice %arg7[%add3A_717, %dma_start3A_724] : memref<200704x16xf32, #tpu.memory_space<hbm>> -> memref<128x16xf32, #tpu.memory_space<hbm>>
      %dma_start3A_726 = arith.constant 0 : i32
      %dma_start3A_727 = arith.constant 0 : i32
      %dma_start3A_728 = tpu.memref_slice %arg15[%scan3A_299, %dma_start3A_726, %dma_start3A_727] : memref<4x128x16xf32, #tpu.memory_space<vmem>> -> memref<1x128x16xf32, #tpu.memory_space<vmem>>
      %dma_start3A_729 = tpu.memref_squeeze %dma_start3A_728 : memref<1x128x16xf32, #tpu.memory_space<vmem>> -> memref<128x16xf32, #tpu.memory_space<vmem>>
      tpu.enqueue_dma source(%dma_start3A_729 : memref<128x16xf32, #tpu.memory_space<vmem>>) target(%dma_start3A_725 : memref<128x16xf32, #tpu.memory_space<hbm>>) target_semaphore(%arg29 : memref<!tpu.dma_semaphore, #tpu.memory_space<semaphore_mem>>)
    }
    %scan3A_305 = arith.constant 48 : i32
    %dma_wait3A_306 = arith.constant 2 : i32
    %dma_wait3A_307 = arith.constant 0 : i32
    %dma_wait3A_308 = arith.constant 0 : i32
    %dma_wait3A_309 = tpu.memref_slice %arg15[%dma_wait3A_306, %dma_wait3A_307, %dma_wait3A_308] : memref<4x128x16xf32, #tpu.memory_space<vmem>> -> memref<1x128x16xf32, #tpu.memory_space<vmem>>
    %dma_wait3A_310 = tpu.memref_squeeze %dma_wait3A_309 : memref<1x128x16xf32, #tpu.memory_space<vmem>> -> memref<128x16xf32, #tpu.memory_space<vmem>>
    %dma_wait3A_311 = arith.constant 0 : i32
    %dma_wait3A_312 = tpu.memref_slice %arg5[%mul3A_0, %dma_wait3A_311] : memref<200704x16xf32, #tpu.memory_space<hbm>> -> memref<128x16xf32, #tpu.memory_space<hbm>>
    %dma_wait3A_313 = arith.constant 0 : i32
    %dma_wait3A_314 = tpu.memref_slice %arg5[%mul3A_0, %dma_wait3A_313] : memref<200704x16xf32, #tpu.memory_space<hbm>> -> memref<128x16xf32, #tpu.memory_space<hbm>>
    %dma_wait3A_315 = arith.constant 0 : i32
    %dma_wait3A_316 = arith.constant 0 : i32
    %dma_wait3A_317 = tpu.memref_slice %arg15[%dma_wait3A_306, %dma_wait3A_315, %dma_wait3A_316] : memref<4x128x16xf32, #tpu.memory_space<vmem>> -> memref<1x128x16xf32, #tpu.memory_space<vmem>>
    %dma_wait3A_318 = tpu.memref_squeeze %dma_wait3A_317 : memref<1x128x16xf32, #tpu.memory_space<vmem>> -> memref<128x16xf32, #tpu.memory_space<vmem>>
    tpu.wait_dma2 semaphore(%arg29 : memref<!tpu.dma_semaphore, #tpu.memory_space<semaphore_mem>>) src(%dma_wait3A_318 : memref<128x16xf32, #tpu.memory_space<vmem>>) dst(%dma_wait3A_314 : memref<128x16xf32, #tpu.memory_space<hbm>>)
    %dma_wait3A_319 = arith.constant 2 : i32
    %dma_wait3A_320 = arith.constant 0 : i32
    %dma_wait3A_321 = arith.constant 0 : i32
    %dma_wait3A_322 = tpu.memref_slice %arg15[%dma_wait3A_319, %dma_wait3A_320, %dma_wait3A_321] : memref<4x128x16xf32, #tpu.memory_space<vmem>> -> memref<1x128x16xf32, #tpu.memory_space<vmem>>
    %dma_wait3A_323 = tpu.memref_squeeze %dma_wait3A_322 : memref<1x128x16xf32, #tpu.memory_space<vmem>> -> memref<128x16xf32, #tpu.memory_space<vmem>>
    %dma_wait3A_324 = arith.constant 0 : i32
    %dma_wait3A_325 = tpu.memref_slice %arg5[%mul3A_0, %dma_wait3A_324] : memref<200704x16xf32, #tpu.memory_space<hbm>> -> memref<128x16xf32, #tpu.memory_space<hbm>>
    %dma_wait3A_326 = arith.constant 0 : i32
    %dma_wait3A_327 = tpu.memref_slice %arg5[%mul3A_0, %dma_wait3A_326] : memref<200704x16xf32, #tpu.memory_space<hbm>> -> memref<128x16xf32, #tpu.memory_space<hbm>>
    %dma_wait3A_328 = arith.constant 0 : i32
    %dma_wait3A_329 = arith.constant 0 : i32
    %dma_wait3A_330 = tpu.memref_slice %arg15[%dma_wait3A_319, %dma_wait3A_328, %dma_wait3A_329] : memref<4x128x16xf32, #tpu.memory_space<vmem>> -> memref<1x128x16xf32, #tpu.memory_space<vmem>>
    %dma_wait3A_331 = tpu.memref_squeeze %dma_wait3A_330 : memref<1x128x16xf32, #tpu.memory_space<vmem>> -> memref<128x16xf32, #tpu.memory_space<vmem>>
    tpu.wait_dma2 semaphore(%arg29 : memref<!tpu.dma_semaphore, #tpu.memory_space<semaphore_mem>>) src(%dma_wait3A_331 : memref<128x16xf32, #tpu.memory_space<vmem>>) dst(%dma_wait3A_327 : memref<128x16xf32, #tpu.memory_space<hbm>>)
    "tpu.trace_stop"() : () -> ()
    %barrier3A_332 = arith.constant 0 : index
    tpu.barrier barrier_id(%barrier3A_332)
    "tpu.trace_start"() <{level = 10 : i32, message = "ph_edges1"}> : () -> ()
    %add3A_333 = arith.constant 0 : i32
    %add3A_334 = arith.addi %mul3A_4, %add3A_333 : i32
    %min3A_335 = arith.constant 12540 : i32
    %min3A_336 = arith.minsi %add3A_334, %min3A_335 : i32
    %dma_start3A_337 = arith.constant 0 : i32
    %dma_start3A_338 = tpu.memref_slice %arg2[%min3A_336, %dma_start3A_337] : memref<12544x128xi32, #tpu.memory_space<hbm>> -> memref<4x128xi32, #tpu.memory_space<hbm>>
    %dma_start3A_339 = arith.constant 0 : i32
    %dma_start3A_340 = tpu.memref_slice %arg2[%min3A_336, %dma_start3A_339] : memref<12544x128xi32, #tpu.memory_space<hbm>> -> memref<4x128xi32, #tpu.memory_space<hbm>>
    tpu.enqueue_dma source(%dma_start3A_340 : memref<4x128xi32, #tpu.memory_space<hbm>>) target(%arg11 : memref<4x128xi32, #tpu.memory_space<vmem>>) target_semaphore(%arg24 : memref<!tpu.dma_semaphore, #tpu.memory_space<semaphore_mem>>)
    %add3A_341 = arith.constant 0 : i32
    %add3A_342 = arith.addi %mul3A_4, %add3A_341 : i32
    %min3A_343 = arith.constant 12540 : i32
    %min3A_344 = arith.minsi %add3A_342, %min3A_343 : i32
    %dma_start3A_345 = arith.constant 0 : i32
    %dma_start3A_346 = tpu.memref_slice %arg3[%min3A_344, %dma_start3A_345] : memref<12544x128xi32, #tpu.memory_space<hbm>> -> memref<4x128xi32, #tpu.memory_space<hbm>>
    %dma_start3A_347 = arith.constant 0 : i32
    %dma_start3A_348 = tpu.memref_slice %arg3[%min3A_344, %dma_start3A_347] : memref<12544x128xi32, #tpu.memory_space<hbm>> -> memref<4x128xi32, #tpu.memory_space<hbm>>
    tpu.enqueue_dma source(%dma_start3A_348 : memref<4x128xi32, #tpu.memory_space<hbm>>) target(%arg13 : memref<4x128xi32, #tpu.memory_space<vmem>>) target_semaphore(%arg26 : memref<!tpu.dma_semaphore, #tpu.memory_space<semaphore_mem>>)
    %add3A_349 = arith.constant 4 : i32
    %add3A_350 = arith.addi %mul3A_4, %add3A_349 : i32
    %min3A_351 = arith.constant 12540 : i32
    %min3A_352 = arith.minsi %add3A_350, %min3A_351 : i32
    %dma_start3A_353 = arith.constant 0 : i32
    %dma_start3A_354 = tpu.memref_slice %arg2[%min3A_352, %dma_start3A_353] : memref<12544x128xi32, #tpu.memory_space<hbm>> -> memref<4x128xi32, #tpu.memory_space<hbm>>
    %dma_start3A_355 = arith.constant 0 : i32
    %dma_start3A_356 = tpu.memref_slice %arg2[%min3A_352, %dma_start3A_355] : memref<12544x128xi32, #tpu.memory_space<hbm>> -> memref<4x128xi32, #tpu.memory_space<hbm>>
    tpu.enqueue_dma source(%dma_start3A_356 : memref<4x128xi32, #tpu.memory_space<hbm>>) target(%arg12 : memref<4x128xi32, #tpu.memory_space<vmem>>) target_semaphore(%arg25 : memref<!tpu.dma_semaphore, #tpu.memory_space<semaphore_mem>>)
    %add3A_357 = arith.constant 4 : i32
    %add3A_358 = arith.addi %mul3A_4, %add3A_357 : i32
    %min3A_359 = arith.constant 12540 : i32
    %min3A_360 = arith.minsi %add3A_358, %min3A_359 : i32
    %dma_start3A_361 = arith.constant 0 : i32
    %dma_start3A_362 = tpu.memref_slice %arg3[%min3A_360, %dma_start3A_361] : memref<12544x128xi32, #tpu.memory_space<hbm>> -> memref<4x128xi32, #tpu.memory_space<hbm>>
    %dma_start3A_363 = arith.constant 0 : i32
    %dma_start3A_364 = tpu.memref_slice %arg3[%min3A_360, %dma_start3A_363] : memref<12544x128xi32, #tpu.memory_space<hbm>> -> memref<4x128xi32, #tpu.memory_space<hbm>>
    tpu.enqueue_dma source(%dma_start3A_364 : memref<4x128xi32, #tpu.memory_space<hbm>>) target(%arg14 : memref<4x128xi32, #tpu.memory_space<vmem>>) target_semaphore(%arg27 : memref<!tpu.dma_semaphore, #tpu.memory_space<semaphore_mem>>)
    %scan3A_365 = arith.constant 0 : i32
    %scan3A_366 = arith.constant 98 : i32
    %scan3A_367 = arith.addi %scan3A_365, %scan3A_366 : i32
    %scan3A_368 = arith.constant 1 : i32
    scf.for %scan3A_642 = %scan3A_365 to %scan3A_367 step %scan3A_368  : i32 {
      %mul3A_643 = arith.constant 1 : i32
      %mul3A_644 = arith.muli %scan3A_642, %mul3A_643 : i32
      %add3A_645 = arith.constant 0 : i32
      %add3A_646 = arith.addi %add3A_645, %mul3A_644 : i32
      %dma_wait3A_647 = arith.constant 0 : i32
      %dma_wait3A_648 = arith.constant 0 : i32
      %dma_wait3A_649 = tpu.memref_slice %arg2[%dma_wait3A_647, %dma_wait3A_648] : memref<12544x128xi32, #tpu.memory_space<hbm>> -> memref<4x128xi32, #tpu.memory_space<hbm>>
      %dma_wait3A_650 = arith.constant 0 : i32
      %dma_wait3A_651 = arith.constant 0 : i32
      %dma_wait3A_652 = tpu.memref_slice %arg2[%dma_wait3A_650, %dma_wait3A_651] : memref<12544x128xi32, #tpu.memory_space<hbm>> -> memref<4x128xi32, #tpu.memory_space<hbm>>
      tpu.wait_dma2 semaphore(%arg24 : memref<!tpu.dma_semaphore, #tpu.memory_space<semaphore_mem>>) src(%dma_wait3A_652 : memref<4x128xi32, #tpu.memory_space<hbm>>) dst(%arg11 : memref<4x128xi32, #tpu.memory_space<vmem>>)
      %dma_wait3A_653 = arith.constant 0 : i32
      %dma_wait3A_654 = arith.constant 0 : i32
      %dma_wait3A_655 = tpu.memref_slice %arg3[%dma_wait3A_653, %dma_wait3A_654] : memref<12544x128xi32, #tpu.memory_space<hbm>> -> memref<4x128xi32, #tpu.memory_space<hbm>>
      %dma_wait3A_656 = arith.constant 0 : i32
      %dma_wait3A_657 = arith.constant 0 : i32
      %dma_wait3A_658 = tpu.memref_slice %arg3[%dma_wait3A_656, %dma_wait3A_657] : memref<12544x128xi32, #tpu.memory_space<hbm>> -> memref<4x128xi32, #tpu.memory_space<hbm>>
      tpu.wait_dma2 semaphore(%arg26 : memref<!tpu.dma_semaphore, #tpu.memory_space<semaphore_mem>>) src(%dma_wait3A_658 : memref<4x128xi32, #tpu.memory_space<hbm>>) dst(%arg13 : memref<4x128xi32, #tpu.memory_space<vmem>>)
      %scan3A_659 = arith.constant 0 : i32
      %scan3A_660 = arith.constant 4 : i32
      %scan3A_661 = arith.addi %scan3A_659, %scan3A_660 : i32
      %scan3A_662 = arith.constant 1 : i32
      scf.for %scan3A_1125 = %scan3A_659 to %scan3A_661 step %scan3A_662  : i32 {
        %mul3A_1126 = arith.constant 1 : i32
        %mul3A_1127 = arith.muli %scan3A_1125, %mul3A_1126 : i32
        %add3A_1128 = arith.constant 0 : i32
        %add3A_1129 = arith.addi %add3A_1128, %mul3A_1127 : i32
        %scan3A_1130 = arith.constant 0 : i32
        %scan3A_1131 = arith.constant 8 : i32
        %scan3A_1132 = arith.addi %scan3A_1130, %scan3A_1131 : i32
        %scan3A_1133 = arith.constant 1 : i32
        scf.for %scan3A_1135 = %scan3A_1130 to %scan3A_1132 step %scan3A_1133  : i32 {
          %mul3A_1136 = arith.constant 1 : i32
          %mul3A_1137 = arith.muli %scan3A_1135, %mul3A_1136 : i32
          %add3A_1138 = arith.constant 0 : i32
          %add3A_1139 = arith.addi %add3A_1138, %mul3A_1137 : i32
          %mul3A_1140 = arith.constant 16 : i32
          %mul3A_1141 = arith.muli %add3A_1139, %mul3A_1140 : i32
          %get3A = arith.index_cast %add3A_1129 : i32 to index
          %get3A_1142 = arith.index_cast %mul3A_1141 : i32 to index
          %get3A_1143 = tpu.vector_load %arg11[%get3A, %get3A_1142] {strides = array<i32>} : memref<4x128xi32, #tpu.memory_space<vmem>>, vector<16xi32>,
          %add3A_1144 = vector.broadcast %mul3A_0 : i32 to vector<16xi32>
          %add3A_1145 = arith.addi %get3A_1143, %add3A_1144 : vector<16xi32>
          %swap3A = arith.index_cast %add3A_1129 : i32 to index
          %swap3A_1146 = arith.index_cast %mul3A_1141 : i32 to index
          %swap3A_1147 = tpu.vector_load %arg11[%swap3A, %swap3A_1146] {strides = array<i32>} : memref<4x128xi32, #tpu.memory_space<vmem>>, vector<16xi32>,
          tpu.vector_store %arg11[%swap3A, %swap3A_1146], %add3A_1145 {strides = array<i32>} : memref<4x128xi32, #tpu.memory_space<vmem>>, vector<16xi32>,
        }
        %scan3A_1134 = arith.constant 8 : i32
      }
      %scan3A_663 = arith.constant 4 : i32
      %dma_start3A_664 = arith.constant 0 : i32
      %dma_start3A_665 = arith.constant 0 : i32
      %dma_start3A_666 = arith.constant 0 : i32
      %dma_start3A_667 = arith.constant 0 : i32
      %dma_start3A_668 = tpu.memref_slice %arg15[%dma_start3A_665, %dma_start3A_666, %dma_start3A_667] : memref<4x128x16xf32, #tpu.memory_space<vmem>> -> memref<1x128x16xf32, #tpu.memory_space<vmem>>
      %dma_start3A_669 = tpu.memref_squeeze %dma_start3A_668 : memref<1x128x16xf32, #tpu.memory_space<vmem>> -> memref<128x16xf32, #tpu.memory_space<vmem>>
      %dma_start3A_670 = arith.constant 0 : i32
      %dma_start3A_671 = tpu.memref_slice %arg11[%dma_start3A_664, %dma_start3A_670] : memref<4x128xi32, #tpu.memory_space<vmem>> -> memref<1x128xi32, #tpu.memory_space<vmem>>
      %dma_start3A_672 = tpu.memref_squeeze %dma_start3A_671 : memref<1x128xi32, #tpu.memory_space<vmem>> -> memref<128xi32, #tpu.memory_space<vmem>>
      %dma_start3A_673 = arith.constant 0 : i32
      %dma_start3A_674 = arith.constant 0 : i32
      %dma_start3A_675 = tpu.memref_slice %arg7[%dma_start3A_673, %dma_start3A_674] : memref<200704x16xf32, #tpu.memory_space<hbm>> -> memref<200704x16xf32, #tpu.memory_space<hbm>>
      tpu.enqueue_indirect_dma source(%dma_start3A_675 : memref<200704x16xf32, #tpu.memory_space<hbm>>) target(%dma_start3A_669 : memref<128x16xf32, #tpu.memory_space<vmem>>) offsets(%dma_start3A_672 : memref<128xi32, #tpu.memory_space<vmem>>) semaphore(%arg20 : memref<!tpu.dma_semaphore, #tpu.memory_space<semaphore_mem>>)
      %dma_start3A_676 = arith.constant 1 : i32
      %dma_start3A_677 = arith.constant 1 : i32
      %dma_start3A_678 = arith.constant 0 : i32
      %dma_start3A_679 = arith.constant 0 : i32
      %dma_start3A_680 = tpu.memref_slice %arg15[%dma_start3A_677, %dma_start3A_678, %dma_start3A_679] : memref<4x128x16xf32, #tpu.memory_space<vmem>> -> memref<1x128x16xf32, #tpu.memory_space<vmem>>
      %dma_start3A_681 = tpu.memref_squeeze %dma_start3A_680 : memref<1x128x16xf32, #tpu.memory_space<vmem>> -> memref<128x16xf32, #tpu.memory_space<vmem>>
      %dma_start3A_682 = arith.constant 0 : i32
      %dma_start3A_683 = tpu.memref_slice %arg11[%dma_start3A_676, %dma_start3A_682] : memref<4x128xi32, #tpu.memory_space<vmem>> -> memref<1x128xi32, #tpu.memory_space<vmem>>
      %dma_start3A_684 = tpu.memref_squeeze %dma_start3A_683 : memref<1x128xi32, #tpu.memory_space<vmem>> -> memref<128xi32, #tpu.memory_space<vmem>>
      %dma_start3A_685 = arith.constant 0 : i32
      %dma_start3A_686 = arith.constant 0 : i32
      %dma_start3A_687 = tpu.memref_slice %arg7[%dma_start3A_685, %dma_start3A_686] : memref<200704x16xf32, #tpu.memory_space<hbm>> -> memref<200704x16xf32, #tpu.memory_space<hbm>>
      tpu.enqueue_indirect_dma source(%dma_start3A_687 : memref<200704x16xf32, #tpu.memory_space<hbm>>) target(%dma_start3A_681 : memref<128x16xf32, #tpu.memory_space<vmem>>) offsets(%dma_start3A_684 : memref<128xi32, #tpu.memory_space<vmem>>) semaphore(%arg20 : memref<!tpu.dma_semaphore, #tpu.memory_space<semaphore_mem>>)
      %dma_start3A_688 = arith.constant 2 : i32
      %dma_start3A_689 = arith.constant 2 : i32
      %dma_start3A_690 = arith.constant 0 : i32
      %dma_start3A_691 = arith.constant 0 : i32
      %dma_start3A_692 = tpu.memref_slice %arg15[%dma_start3A_689, %dma_start3A_690, %dma_start3A_691] : memref<4x128x16xf32, #tpu.memory_space<vmem>> -> memref<1x128x16xf32, #tpu.memory_space<vmem>>
      %dma_start3A_693 = tpu.memref_squeeze %dma_start3A_692 : memref<1x128x16xf32, #tpu.memory_space<vmem>> -> memref<128x16xf32, #tpu.memory_space<vmem>>
      %dma_start3A_694 = arith.constant 0 : i32
      %dma_start3A_695 = tpu.memref_slice %arg11[%dma_start3A_688, %dma_start3A_694] : memref<4x128xi32, #tpu.memory_space<vmem>> -> memref<1x128xi32, #tpu.memory_space<vmem>>
      %dma_start3A_696 = tpu.memref_squeeze %dma_start3A_695 : memref<1x128xi32, #tpu.memory_space<vmem>> -> memref<128xi32, #tpu.memory_space<vmem>>
      %dma_start3A_697 = arith.constant 0 : i32
      %dma_start3A_698 = arith.constant 0 : i32
      %dma_start3A_699 = tpu.memref_slice %arg7[%dma_start3A_697, %dma_start3A_698] : memref<200704x16xf32, #tpu.memory_space<hbm>> -> memref<200704x16xf32, #tpu.memory_space<hbm>>
      tpu.enqueue_indirect_dma source(%dma_start3A_699 : memref<200704x16xf32, #tpu.memory_space<hbm>>) target(%dma_start3A_693 : memref<128x16xf32, #tpu.memory_space<vmem>>) offsets(%dma_start3A_696 : memref<128xi32, #tpu.memory_space<vmem>>) semaphore(%arg20 : memref<!tpu.dma_semaphore, #tpu.memory_space<semaphore_mem>>)
      %dma_start3A_700 = arith.constant 3 : i32
      %dma_start3A_701 = arith.constant 3 : i32
      %dma_start3A_702 = arith.constant 0 : i32
      %dma_start3A_703 = arith.constant 0 : i32
      %dma_start3A_704 = tpu.memref_slice %arg15[%dma_start3A_701, %dma_start3A_702, %dma_start3A_703] : memref<4x128x16xf32, #tpu.memory_space<vmem>> -> memref<1x128x16xf32, #tpu.memory_space<vmem>>
      %dma_start3A_705 = tpu.memref_squeeze %dma_start3A_704 : memref<1x128x16xf32, #tpu.memory_space<vmem>> -> memref<128x16xf32, #tpu.memory_space<vmem>>
      %dma_start3A_706 = arith.constant 0 : i32
      %dma_start3A_707 = tpu.memref_slice %arg11[%dma_start3A_700, %dma_start3A_706] : memref<4x128xi32, #tpu.memory_space<vmem>> -> memref<1x128xi32, #tpu.memory_space<vmem>>
      %dma_start3A_708 = tpu.memref_squeeze %dma_start3A_707 : memref<1x128xi32, #tpu.memory_space<vmem>> -> memref<128xi32, #tpu.memory_space<vmem>>
      %dma_start3A_709 = arith.constant 0 : i32
      %dma_start3A_710 = arith.constant 0 : i32
      %dma_start3A_711 = tpu.memref_slice %arg7[%dma_start3A_709, %dma_start3A_710] : memref<200704x16xf32, #tpu.memory_space<hbm>> -> memref<200704x16xf32, #tpu.memory_space<hbm>>
      tpu.enqueue_indirect_dma source(%dma_start3A_711 : memref<200704x16xf32, #tpu.memory_space<hbm>>) target(%dma_start3A_705 : memref<128x16xf32, #tpu.memory_space<vmem>>) offsets(%dma_start3A_708 : memref<128xi32, #tpu.memory_space<vmem>>) semaphore(%arg20 : memref<!tpu.dma_semaphore, #tpu.memory_space<semaphore_mem>>)
      %dma_wait3A_712 = arith.constant 0 : i32
      %dma_wait3A_713 = arith.constant 0 : i32
      %dma_wait3A_714 = tpu.memref_slice %arg2[%dma_wait3A_712, %dma_wait3A_713] : memref<12544x128xi32, #tpu.memory_space<hbm>> -> memref<4x128xi32, #tpu.memory_space<hbm>>
      %dma_wait3A_715 = arith.constant 0 : i32
      %dma_wait3A_716 = arith.constant 0 : i32
      %dma_wait3A_717 = tpu.memref_slice %arg2[%dma_wait3A_715, %dma_wait3A_716] : memref<12544x128xi32, #tpu.memory_space<hbm>> -> memref<4x128xi32, #tpu.memory_space<hbm>>
      tpu.wait_dma2 semaphore(%arg25 : memref<!tpu.dma_semaphore, #tpu.memory_space<semaphore_mem>>) src(%dma_wait3A_717 : memref<4x128xi32, #tpu.memory_space<hbm>>) dst(%arg12 : memref<4x128xi32, #tpu.memory_space<vmem>>)
      %dma_wait3A_718 = arith.constant 0 : i32
      %dma_wait3A_719 = arith.constant 0 : i32
      %dma_wait3A_720 = tpu.memref_slice %arg3[%dma_wait3A_718, %dma_wait3A_719] : memref<12544x128xi32, #tpu.memory_space<hbm>> -> memref<4x128xi32, #tpu.memory_space<hbm>>
      %dma_wait3A_721 = arith.constant 0 : i32
      %dma_wait3A_722 = arith.constant 0 : i32
      %dma_wait3A_723 = tpu.memref_slice %arg3[%dma_wait3A_721, %dma_wait3A_722] : memref<12544x128xi32, #tpu.memory_space<hbm>> -> memref<4x128xi32, #tpu.memory_space<hbm>>
      tpu.wait_dma2 semaphore(%arg27 : memref<!tpu.dma_semaphore, #tpu.memory_space<semaphore_mem>>) src(%dma_wait3A_723 : memref<4x128xi32, #tpu.memory_space<hbm>>) dst(%arg14 : memref<4x128xi32, #tpu.memory_space<vmem>>)
      %scan3A_724 = arith.constant 0 : i32
      %scan3A_725 = arith.constant 4 : i32
      %scan3A_726 = arith.addi %scan3A_724, %scan3A_725 : i32
      %scan3A_727 = arith.constant 1 : i32
      scf.for %scan3A_1125 = %scan3A_724 to %scan3A_726 step %scan3A_727  : i32 {
        %mul3A_1126 = arith.constant 1 : i32
        %mul3A_1127 = arith.muli %scan3A_1125, %mul3A_1126 : i32
        %add3A_1128 = arith.constant 0 : i32
        %add3A_1129 = arith.addi %add3A_1128, %mul3A_1127 : i32
        %scan3A_1130 = arith.constant 0 : i32
        %scan3A_1131 = arith.constant 8 : i32
        %scan3A_1132 = arith.addi %scan3A_1130, %scan3A_1131 : i32
        %scan3A_1133 = arith.constant 1 : i32
        scf.for %scan3A_1135 = %scan3A_1130 to %scan3A_1132 step %scan3A_1133  : i32 {
          %mul3A_1136 = arith.constant 1 : i32
          %mul3A_1137 = arith.muli %scan3A_1135, %mul3A_1136 : i32
          %add3A_1138 = arith.constant 0 : i32
          %add3A_1139 = arith.addi %add3A_1138, %mul3A_1137 : i32
          %mul3A_1140 = arith.constant 16 : i32
          %mul3A_1141 = arith.muli %add3A_1139, %mul3A_1140 : i32
          %get3A = arith.index_cast %add3A_1129 : i32 to index
          %get3A_1142 = arith.index_cast %mul3A_1141 : i32 to index
          %get3A_1143 = tpu.vector_load %arg12[%get3A, %get3A_1142] {strides = array<i32>} : memref<4x128xi32, #tpu.memory_space<vmem>>, vector<16xi32>,
          %add3A_1144 = vector.broadcast %mul3A_0 : i32 to vector<16xi32>
          %add3A_1145 = arith.addi %get3A_1143, %add3A_1144 : vector<16xi32>
          %swap3A = arith.index_cast %add3A_1129 : i32 to index
          %swap3A_1146 = arith.index_cast %mul3A_1141 : i32 to index
          %swap3A_1147 = tpu.vector_load %arg12[%swap3A, %swap3A_1146] {strides = array<i32>} : memref<4x128xi32, #tpu.memory_space<vmem>>, vector<16xi32>,
          tpu.vector_store %arg12[%swap3A, %swap3A_1146], %add3A_1145 {strides = array<i32>} : memref<4x128xi32, #tpu.memory_space<vmem>>, vector<16xi32>,
        }
        %scan3A_1134 = arith.constant 8 : i32
      }
      %scan3A_728 = arith.constant 4 : i32
      %dma_start3A_729 = arith.constant 0 : i32
      %dma_start3A_730 = arith.constant 0 : i32
      %dma_start3A_731 = arith.constant 0 : i32
      %dma_start3A_732 = arith.constant 0 : i32
      %dma_start3A_733 = tpu.memref_slice %arg16[%dma_start3A_730, %dma_start3A_731, %dma_start3A_732] : memref<4x128x16xf32, #tpu.memory_space<vmem>> -> memref<1x128x16xf32, #tpu.memory_space<vmem>>
      %dma_start3A_734 = tpu.memref_squeeze %dma_start3A_733 : memref<1x128x16xf32, #tpu.memory_space<vmem>> -> memref<128x16xf32, #tpu.memory_space<vmem>>
      %dma_start3A_735 = arith.constant 0 : i32
      %dma_start3A_736 = tpu.memref_slice %arg12[%dma_start3A_729, %dma_start3A_735] : memref<4x128xi32, #tpu.memory_space<vmem>> -> memref<1x128xi32, #tpu.memory_space<vmem>>
      %dma_start3A_737 = tpu.memref_squeeze %dma_start3A_736 : memref<1x128xi32, #tpu.memory_space<vmem>> -> memref<128xi32, #tpu.memory_space<vmem>>
      %dma_start3A_738 = arith.constant 0 : i32
      %dma_start3A_739 = arith.constant 0 : i32
      %dma_start3A_740 = tpu.memref_slice %arg7[%dma_start3A_738, %dma_start3A_739] : memref<200704x16xf32, #tpu.memory_space<hbm>> -> memref<200704x16xf32, #tpu.memory_space<hbm>>
      tpu.enqueue_indirect_dma source(%dma_start3A_740 : memref<200704x16xf32, #tpu.memory_space<hbm>>) target(%dma_start3A_734 : memref<128x16xf32, #tpu.memory_space<vmem>>) offsets(%dma_start3A_737 : memref<128xi32, #tpu.memory_space<vmem>>) semaphore(%arg21 : memref<!tpu.dma_semaphore, #tpu.memory_space<semaphore_mem>>)
      %dma_start3A_741 = arith.constant 1 : i32
      %dma_start3A_742 = arith.constant 1 : i32
      %dma_start3A_743 = arith.constant 0 : i32
      %dma_start3A_744 = arith.constant 0 : i32
      %dma_start3A_745 = tpu.memref_slice %arg16[%dma_start3A_742, %dma_start3A_743, %dma_start3A_744] : memref<4x128x16xf32, #tpu.memory_space<vmem>> -> memref<1x128x16xf32, #tpu.memory_space<vmem>>
      %dma_start3A_746 = tpu.memref_squeeze %dma_start3A_745 : memref<1x128x16xf32, #tpu.memory_space<vmem>> -> memref<128x16xf32, #tpu.memory_space<vmem>>
      %dma_start3A_747 = arith.constant 0 : i32
      %dma_start3A_748 = tpu.memref_slice %arg12[%dma_start3A_741, %dma_start3A_747] : memref<4x128xi32, #tpu.memory_space<vmem>> -> memref<1x128xi32, #tpu.memory_space<vmem>>
      %dma_start3A_749 = tpu.memref_squeeze %dma_start3A_748 : memref<1x128xi32, #tpu.memory_space<vmem>> -> memref<128xi32, #tpu.memory_space<vmem>>
      %dma_start3A_750 = arith.constant 0 : i32
      %dma_start3A_751 = arith.constant 0 : i32
      %dma_start3A_752 = tpu.memref_slice %arg7[%dma_start3A_750, %dma_start3A_751] : memref<200704x16xf32, #tpu.memory_space<hbm>> -> memref<200704x16xf32, #tpu.memory_space<hbm>>
      tpu.enqueue_indirect_dma source(%dma_start3A_752 : memref<200704x16xf32, #tpu.memory_space<hbm>>) target(%dma_start3A_746 : memref<128x16xf32, #tpu.memory_space<vmem>>) offsets(%dma_start3A_749 : memref<128xi32, #tpu.memory_space<vmem>>) semaphore(%arg21 : memref<!tpu.dma_semaphore, #tpu.memory_space<semaphore_mem>>)
      %dma_start3A_753 = arith.constant 2 : i32
      %dma_start3A_754 = arith.constant 2 : i32
      %dma_start3A_755 = arith.constant 0 : i32
      %dma_start3A_756 = arith.constant 0 : i32
      %dma_start3A_757 = tpu.memref_slice %arg16[%dma_start3A_754, %dma_start3A_755, %dma_start3A_756] : memref<4x128x16xf32, #tpu.memory_space<vmem>> -> memref<1x128x16xf32, #tpu.memory_space<vmem>>
      %dma_start3A_758 = tpu.memref_squeeze %dma_start3A_757 : memref<1x128x16xf32, #tpu.memory_space<vmem>> -> memref<128x16xf32, #tpu.memory_space<vmem>>
      %dma_start3A_759 = arith.constant 0 : i32
      %dma_start3A_760 = tpu.memref_slice %arg12[%dma_start3A_753, %dma_start3A_759] : memref<4x128xi32, #tpu.memory_space<vmem>> -> memref<1x128xi32, #tpu.memory_space<vmem>>
      %dma_start3A_761 = tpu.memref_squeeze %dma_start3A_760 : memref<1x128xi32, #tpu.memory_space<vmem>> -> memref<128xi32, #tpu.memory_space<vmem>>
      %dma_start3A_762 = arith.constant 0 : i32
      %dma_start3A_763 = arith.constant 0 : i32
      %dma_start3A_764 = tpu.memref_slice %arg7[%dma_start3A_762, %dma_start3A_763] : memref<200704x16xf32, #tpu.memory_space<hbm>> -> memref<200704x16xf32, #tpu.memory_space<hbm>>
      tpu.enqueue_indirect_dma source(%dma_start3A_764 : memref<200704x16xf32, #tpu.memory_space<hbm>>) target(%dma_start3A_758 : memref<128x16xf32, #tpu.memory_space<vmem>>) offsets(%dma_start3A_761 : memref<128xi32, #tpu.memory_space<vmem>>) semaphore(%arg21 : memref<!tpu.dma_semaphore, #tpu.memory_space<semaphore_mem>>)
      %dma_start3A_765 = arith.constant 3 : i32
      %dma_start3A_766 = arith.constant 3 : i32
      %dma_start3A_767 = arith.constant 0 : i32
      %dma_start3A_768 = arith.constant 0 : i32
      %dma_start3A_769 = tpu.memref_slice %arg16[%dma_start3A_766, %dma_start3A_767, %dma_start3A_768] : memref<4x128x16xf32, #tpu.memory_space<vmem>> -> memref<1x128x16xf32, #tpu.memory_space<vmem>>
      %dma_start3A_770 = tpu.memref_squeeze %dma_start3A_769 : memref<1x128x16xf32, #tpu.memory_space<vmem>> -> memref<128x16xf32, #tpu.memory_space<vmem>>
      %dma_start3A_771 = arith.constant 0 : i32
      %dma_start3A_772 = tpu.memref_slice %arg12[%dma_start3A_765, %dma_start3A_771] : memref<4x128xi32, #tpu.memory_space<vmem>> -> memref<1x128xi32, #tpu.memory_space<vmem>>
      %dma_start3A_773 = tpu.memref_squeeze %dma_start3A_772 : memref<1x128xi32, #tpu.memory_space<vmem>> -> memref<128xi32, #tpu.memory_space<vmem>>
      %dma_start3A_774 = arith.constant 0 : i32
      %dma_start3A_775 = arith.constant 0 : i32
      %dma_start3A_776 = tpu.memref_slice %arg7[%dma_start3A_774, %dma_start3A_775] : memref<200704x16xf32, #tpu.memory_space<hbm>> -> memref<200704x16xf32, #tpu.memory_space<hbm>>
      tpu.enqueue_indirect_dma source(%dma_start3A_776 : memref<200704x16xf32, #tpu.memory_space<hbm>>) target(%dma_start3A_770 : memref<128x16xf32, #tpu.memory_space<vmem>>) offsets(%dma_start3A_773 : memref<128xi32, #tpu.memory_space<vmem>>) semaphore(%arg21 : memref<!tpu.dma_semaphore, #tpu.memory_space<semaphore_mem>>)
      %dma_wait3A_777 = arith.constant 0 : i32
      %dma_wait3A_778 = arith.constant 0 : i32
      %dma_wait3A_779 = arith.constant 0 : i32
      %dma_wait3A_780 = arith.constant 0 : i32
      %dma_wait3A_781 = tpu.memref_slice %arg15[%dma_wait3A_778, %dma_wait3A_779, %dma_wait3A_780] : memref<4x128x16xf32, #tpu.memory_space<vmem>> -> memref<1x128x16xf32, #tpu.memory_space<vmem>>
      %dma_wait3A_782 = tpu.memref_squeeze %dma_wait3A_781 : memref<1x128x16xf32, #tpu.memory_space<vmem>> -> memref<128x16xf32, #tpu.memory_space<vmem>>
      %dma_wait3A_783 = arith.constant 0 : i32
      %dma_wait3A_784 = tpu.memref_slice %arg11[%dma_wait3A_777, %dma_wait3A_783] : memref<4x128xi32, #tpu.memory_space<vmem>> -> memref<1x128xi32, #tpu.memory_space<vmem>>
      %dma_wait3A_785 = tpu.memref_squeeze %dma_wait3A_784 : memref<1x128xi32, #tpu.memory_space<vmem>> -> memref<128xi32, #tpu.memory_space<vmem>>
      %dma_wait3A_786 = arith.constant 0 : i32
      %dma_wait3A_787 = arith.constant 0 : i32
      %dma_wait3A_788 = tpu.memref_slice %arg7[%dma_wait3A_786, %dma_wait3A_787] : memref<200704x16xf32, #tpu.memory_space<hbm>> -> memref<200704x16xf32, #tpu.memory_space<hbm>>
      tpu.wait_indirect_dma semaphore(%arg20 : memref<!tpu.dma_semaphore, #tpu.memory_space<semaphore_mem>>) src(%dma_wait3A_788 : memref<200704x16xf32, #tpu.memory_space<hbm>>) dst(%dma_wait3A_782 : memref<128x16xf32, #tpu.memory_space<vmem>>)
      %dma_wait3A_789 = arith.constant 1 : i32
      %dma_wait3A_790 = arith.constant 1 : i32
      %dma_wait3A_791 = arith.constant 0 : i32
      %dma_wait3A_792 = arith.constant 0 : i32
      %dma_wait3A_793 = tpu.memref_slice %arg15[%dma_wait3A_790, %dma_wait3A_791, %dma_wait3A_792] : memref<4x128x16xf32, #tpu.memory_space<vmem>> -> memref<1x128x16xf32, #tpu.memory_space<vmem>>
      %dma_wait3A_794 = tpu.memref_squeeze %dma_wait3A_793 : memref<1x128x16xf32, #tpu.memory_space<vmem>> -> memref<128x16xf32, #tpu.memory_space<vmem>>
      %dma_wait3A_795 = arith.constant 0 : i32
      %dma_wait3A_796 = tpu.memref_slice %arg11[%dma_wait3A_789, %dma_wait3A_795] : memref<4x128xi32, #tpu.memory_space<vmem>> -> memref<1x128xi32, #tpu.memory_space<vmem>>
      %dma_wait3A_797 = tpu.memref_squeeze %dma_wait3A_796 : memref<1x128xi32, #tpu.memory_space<vmem>> -> memref<128xi32, #tpu.memory_space<vmem>>
      %dma_wait3A_798 = arith.constant 0 : i32
      %dma_wait3A_799 = arith.constant 0 : i32
      %dma_wait3A_800 = tpu.memref_slice %arg7[%dma_wait3A_798, %dma_wait3A_799] : memref<200704x16xf32, #tpu.memory_space<hbm>> -> memref<200704x16xf32, #tpu.memory_space<hbm>>
      tpu.wait_indirect_dma semaphore(%arg20 : memref<!tpu.dma_semaphore, #tpu.memory_space<semaphore_mem>>) src(%dma_wait3A_800 : memref<200704x16xf32, #tpu.memory_space<hbm>>) dst(%dma_wait3A_794 : memref<128x16xf32, #tpu.memory_space<vmem>>)
      %dma_wait3A_801 = arith.constant 2 : i32
      %dma_wait3A_802 = arith.constant 2 : i32
      %dma_wait3A_803 = arith.constant 0 : i32
      %dma_wait3A_804 = arith.constant 0 : i32
      %dma_wait3A_805 = tpu.memref_slice %arg15[%dma_wait3A_802, %dma_wait3A_803, %dma_wait3A_804] : memref<4x128x16xf32, #tpu.memory_space<vmem>> -> memref<1x128x16xf32, #tpu.memory_space<vmem>>
      %dma_wait3A_806 = tpu.memref_squeeze %dma_wait3A_805 : memref<1x128x16xf32, #tpu.memory_space<vmem>> -> memref<128x16xf32, #tpu.memory_space<vmem>>
      %dma_wait3A_807 = arith.constant 0 : i32
      %dma_wait3A_808 = tpu.memref_slice %arg11[%dma_wait3A_801, %dma_wait3A_807] : memref<4x128xi32, #tpu.memory_space<vmem>> -> memref<1x128xi32, #tpu.memory_space<vmem>>
      %dma_wait3A_809 = tpu.memref_squeeze %dma_wait3A_808 : memref<1x128xi32, #tpu.memory_space<vmem>> -> memref<128xi32, #tpu.memory_space<vmem>>
      %dma_wait3A_810 = arith.constant 0 : i32
      %dma_wait3A_811 = arith.constant 0 : i32
      %dma_wait3A_812 = tpu.memref_slice %arg7[%dma_wait3A_810, %dma_wait3A_811] : memref<200704x16xf32, #tpu.memory_space<hbm>> -> memref<200704x16xf32, #tpu.memory_space<hbm>>
      tpu.wait_indirect_dma semaphore(%arg20 : memref<!tpu.dma_semaphore, #tpu.memory_space<semaphore_mem>>) src(%dma_wait3A_812 : memref<200704x16xf32, #tpu.memory_space<hbm>>) dst(%dma_wait3A_806 : memref<128x16xf32, #tpu.memory_space<vmem>>)
      %dma_wait3A_813 = arith.constant 3 : i32
      %dma_wait3A_814 = arith.constant 3 : i32
      %dma_wait3A_815 = arith.constant 0 : i32
      %dma_wait3A_816 = arith.constant 0 : i32
      %dma_wait3A_817 = tpu.memref_slice %arg15[%dma_wait3A_814, %dma_wait3A_815, %dma_wait3A_816] : memref<4x128x16xf32, #tpu.memory_space<vmem>> -> memref<1x128x16xf32, #tpu.memory_space<vmem>>
      %dma_wait3A_818 = tpu.memref_squeeze %dma_wait3A_817 : memref<1x128x16xf32, #tpu.memory_space<vmem>> -> memref<128x16xf32, #tpu.memory_space<vmem>>
      %dma_wait3A_819 = arith.constant 0 : i32
      %dma_wait3A_820 = tpu.memref_slice %arg11[%dma_wait3A_813, %dma_wait3A_819] : memref<4x128xi32, #tpu.memory_space<vmem>> -> memref<1x128xi32, #tpu.memory_space<vmem>>
      %dma_wait3A_821 = tpu.memref_squeeze %dma_wait3A_820 : memref<1x128xi32, #tpu.memory_space<vmem>> -> memref<128xi32, #tpu.memory_space<vmem>>
      %dma_wait3A_822 = arith.constant 0 : i32
      %dma_wait3A_823 = arith.constant 0 : i32
      %dma_wait3A_824 = tpu.memref_slice %arg7[%dma_wait3A_822, %dma_wait3A_823] : memref<200704x16xf32, #tpu.memory_space<hbm>> -> memref<200704x16xf32, #tpu.memory_space<hbm>>
      tpu.wait_indirect_dma semaphore(%arg20 : memref<!tpu.dma_semaphore, #tpu.memory_space<semaphore_mem>>) src(%dma_wait3A_824 : memref<200704x16xf32, #tpu.memory_space<hbm>>) dst(%dma_wait3A_818 : memref<128x16xf32, #tpu.memory_space<vmem>>)
      %dma_start3A_825 = arith.constant 0 : i32
      %dma_start3A_826 = arith.constant 0 : i32
      %dma_start3A_827 = arith.constant 0 : i32
      %dma_start3A_828 = arith.constant 0 : i32
      %dma_start3A_829 = tpu.memref_slice %arg15[%dma_start3A_825, %dma_start3A_827, %dma_start3A_828] : memref<4x128x16xf32, #tpu.memory_space<vmem>> -> memref<1x128x16xf32, #tpu.memory_space<vmem>>
      %dma_start3A_830 = tpu.memref_squeeze %dma_start3A_829 : memref<1x128x16xf32, #tpu.memory_space<vmem>> -> memref<128x16xf32, #tpu.memory_space<vmem>>
      %dma_start3A_831 = arith.constant 0 : i32
      %dma_start3A_832 = tpu.memref_slice %arg13[%dma_start3A_826, %dma_start3A_831] : memref<4x128xi32, #tpu.memory_space<vmem>> -> memref<1x128xi32, #tpu.memory_space<vmem>>
      %dma_start3A_833 = tpu.memref_squeeze %dma_start3A_832 : memref<1x128xi32, #tpu.memory_space<vmem>> -> memref<128xi32, #tpu.memory_space<vmem>>
      %dma_start3A_834 = arith.constant 0 : i32
      %dma_start3A_835 = arith.constant 0 : i32
      %dma_start3A_836 = tpu.memref_slice %arg9[%dma_start3A_834, %dma_start3A_835] : memref<100352x16xf32, #tpu.memory_space<vmem_shared>> -> memref<100352x16xf32, #tpu.memory_space<vmem_shared>>
      tpu.enqueue_indirect_dma source(%dma_start3A_830 : memref<128x16xf32, #tpu.memory_space<vmem>>) target(%dma_start3A_836 : memref<100352x16xf32, #tpu.memory_space<vmem_shared>>) offsets(%dma_start3A_833 : memref<128xi32, #tpu.memory_space<vmem>>) semaphore(%arg22 : memref<!tpu.dma_semaphore, #tpu.memory_space<semaphore_mem>>) {add = true}
      %dma_start3A_837 = arith.constant 1 : i32
      %dma_start3A_838 = arith.constant 1 : i32
      %dma_start3A_839 = arith.constant 0 : i32
      %dma_start3A_840 = arith.constant 0 : i32
      %dma_start3A_841 = tpu.memref_slice %arg15[%dma_start3A_837, %dma_start3A_839, %dma_start3A_840] : memref<4x128x16xf32, #tpu.memory_space<vmem>> -> memref<1x128x16xf32, #tpu.memory_space<vmem>>
      %dma_start3A_842 = tpu.memref_squeeze %dma_start3A_841 : memref<1x128x16xf32, #tpu.memory_space<vmem>> -> memref<128x16xf32, #tpu.memory_space<vmem>>
      %dma_start3A_843 = arith.constant 0 : i32
      %dma_start3A_844 = tpu.memref_slice %arg13[%dma_start3A_838, %dma_start3A_843] : memref<4x128xi32, #tpu.memory_space<vmem>> -> memref<1x128xi32, #tpu.memory_space<vmem>>
      %dma_start3A_845 = tpu.memref_squeeze %dma_start3A_844 : memref<1x128xi32, #tpu.memory_space<vmem>> -> memref<128xi32, #tpu.memory_space<vmem>>
      %dma_start3A_846 = arith.constant 0 : i32
      %dma_start3A_847 = arith.constant 0 : i32
      %dma_start3A_848 = tpu.memref_slice %arg9[%dma_start3A_846, %dma_start3A_847] : memref<100352x16xf32, #tpu.memory_space<vmem_shared>> -> memref<100352x16xf32, #tpu.memory_space<vmem_shared>>
      tpu.enqueue_indirect_dma source(%dma_start3A_842 : memref<128x16xf32, #tpu.memory_space<vmem>>) target(%dma_start3A_848 : memref<100352x16xf32, #tpu.memory_space<vmem_shared>>) offsets(%dma_start3A_845 : memref<128xi32, #tpu.memory_space<vmem>>) semaphore(%arg22 : memref<!tpu.dma_semaphore, #tpu.memory_space<semaphore_mem>>) {add = true}
      %dma_start3A_849 = arith.constant 2 : i32
      %dma_start3A_850 = arith.constant 2 : i32
      %dma_start3A_851 = arith.constant 0 : i32
      %dma_start3A_852 = arith.constant 0 : i32
      %dma_start3A_853 = tpu.memref_slice %arg15[%dma_start3A_849, %dma_start3A_851, %dma_start3A_852] : memref<4x128x16xf32, #tpu.memory_space<vmem>> -> memref<1x128x16xf32, #tpu.memory_space<vmem>>
      %dma_start3A_854 = tpu.memref_squeeze %dma_start3A_853 : memref<1x128x16xf32, #tpu.memory_space<vmem>> -> memref<128x16xf32, #tpu.memory_space<vmem>>
      %dma_start3A_855 = arith.constant 0 : i32
      %dma_start3A_856 = tpu.memref_slice %arg13[%dma_start3A_850, %dma_start3A_855] : memref<4x128xi32, #tpu.memory_space<vmem>> -> memref<1x128xi32, #tpu.memory_space<vmem>>
      %dma_start3A_857 = tpu.memref_squeeze %dma_start3A_856 : memref<1x128xi32, #tpu.memory_space<vmem>> -> memref<128xi32, #tpu.memory_space<vmem>>
      %dma_start3A_858 = arith.constant 0 : i32
      %dma_start3A_859 = arith.constant 0 : i32
      %dma_start3A_860 = tpu.memref_slice %arg9[%dma_start3A_858, %dma_start3A_859] : memref<100352x16xf32, #tpu.memory_space<vmem_shared>> -> memref<100352x16xf32, #tpu.memory_space<vmem_shared>>
      tpu.enqueue_indirect_dma source(%dma_start3A_854 : memref<128x16xf32, #tpu.memory_space<vmem>>) target(%dma_start3A_860 : memref<100352x16xf32, #tpu.memory_space<vmem_shared>>) offsets(%dma_start3A_857 : memref<128xi32, #tpu.memory_space<vmem>>) semaphore(%arg22 : memref<!tpu.dma_semaphore, #tpu.memory_space<semaphore_mem>>) {add = true}
      %dma_start3A_861 = arith.constant 3 : i32
      %dma_start3A_862 = arith.constant 3 : i32
      %dma_start3A_863 = arith.constant 0 : i32
      %dma_start3A_864 = arith.constant 0 : i32
      %dma_start3A_865 = tpu.memref_slice %arg15[%dma_start3A_861, %dma_start3A_863, %dma_start3A_864] : memref<4x128x16xf32, #tpu.memory_space<vmem>> -> memref<1x128x16xf32, #tpu.memory_space<vmem>>
      %dma_start3A_866 = tpu.memref_squeeze %dma_start3A_865 : memref<1x128x16xf32, #tpu.memory_space<vmem>> -> memref<128x16xf32, #tpu.memory_space<vmem>>
      %dma_start3A_867 = arith.constant 0 : i32
      %dma_start3A_868 = tpu.memref_slice %arg13[%dma_start3A_862, %dma_start3A_867] : memref<4x128xi32, #tpu.memory_space<vmem>> -> memref<1x128xi32, #tpu.memory_space<vmem>>
      %dma_start3A_869 = tpu.memref_squeeze %dma_start3A_868 : memref<1x128xi32, #tpu.memory_space<vmem>> -> memref<128xi32, #tpu.memory_space<vmem>>
      %dma_start3A_870 = arith.constant 0 : i32
      %dma_start3A_871 = arith.constant 0 : i32
      %dma_start3A_872 = tpu.memref_slice %arg9[%dma_start3A_870, %dma_start3A_871] : memref<100352x16xf32, #tpu.memory_space<vmem_shared>> -> memref<100352x16xf32, #tpu.memory_space<vmem_shared>>
      tpu.enqueue_indirect_dma source(%dma_start3A_866 : memref<128x16xf32, #tpu.memory_space<vmem>>) target(%dma_start3A_872 : memref<100352x16xf32, #tpu.memory_space<vmem_shared>>) offsets(%dma_start3A_869 : memref<128xi32, #tpu.memory_space<vmem>>) semaphore(%arg22 : memref<!tpu.dma_semaphore, #tpu.memory_space<semaphore_mem>>) {add = true}
      %mul3A_873 = arith.constant 2 : i32
      %mul3A_874 = arith.muli %mul3A_873, %add3A_646 : i32
      %add3A_875 = arith.constant 2 : i32
      %add3A_876 = arith.addi %mul3A_874, %add3A_875 : i32
      %add3A_877 = arith.constant 0 : i32
      %add3A_878 = arith.addi %add3A_876, %add3A_877 : i32
      %mul3A_879 = arith.constant 4 : i32
      %mul3A_880 = arith.muli %add3A_878, %mul3A_879 : i32
      %add3A_881 = arith.addi %mul3A_4, %mul3A_880 : i32
      %min3A_882 = arith.constant 12540 : i32
      %min3A_883 = arith.minsi %add3A_881, %min3A_882 : i32
      %dma_start3A_884 = arith.constant 0 : i32
      %dma_start3A_885 = tpu.memref_slice %arg2[%min3A_883, %dma_start3A_884] : memref<12544x128xi32, #tpu.memory_space<hbm>> -> memref<4x128xi32, #tpu.memory_space<hbm>>
      %dma_start3A_886 = arith.constant 0 : i32
      %dma_start3A_887 = tpu.memref_slice %arg2[%min3A_883, %dma_start3A_886] : memref<12544x128xi32, #tpu.memory_space<hbm>> -> memref<4x128xi32, #tpu.memory_space<hbm>>
      tpu.enqueue_dma source(%dma_start3A_887 : memref<4x128xi32, #tpu.memory_space<hbm>>) target(%arg11 : memref<4x128xi32, #tpu.memory_space<vmem>>) target_semaphore(%arg24 : memref<!tpu.dma_semaphore, #tpu.memory_space<semaphore_mem>>)
      %dma_wait3A_888 = arith.constant 0 : i32
      %dma_wait3A_889 = arith.constant 0 : i32
      %dma_wait3A_890 = arith.constant 0 : i32
      %dma_wait3A_891 = arith.constant 0 : i32
      %dma_wait3A_892 = tpu.memref_slice %arg16[%dma_wait3A_889, %dma_wait3A_890, %dma_wait3A_891] : memref<4x128x16xf32, #tpu.memory_space<vmem>> -> memref<1x128x16xf32, #tpu.memory_space<vmem>>
      %dma_wait3A_893 = tpu.memref_squeeze %dma_wait3A_892 : memref<1x128x16xf32, #tpu.memory_space<vmem>> -> memref<128x16xf32, #tpu.memory_space<vmem>>
      %dma_wait3A_894 = arith.constant 0 : i32
      %dma_wait3A_895 = tpu.memref_slice %arg12[%dma_wait3A_888, %dma_wait3A_894] : memref<4x128xi32, #tpu.memory_space<vmem>> -> memref<1x128xi32, #tpu.memory_space<vmem>>
      %dma_wait3A_896 = tpu.memref_squeeze %dma_wait3A_895 : memref<1x128xi32, #tpu.memory_space<vmem>> -> memref<128xi32, #tpu.memory_space<vmem>>
      %dma_wait3A_897 = arith.constant 0 : i32
      %dma_wait3A_898 = arith.constant 0 : i32
      %dma_wait3A_899 = tpu.memref_slice %arg7[%dma_wait3A_897, %dma_wait3A_898] : memref<200704x16xf32, #tpu.memory_space<hbm>> -> memref<200704x16xf32, #tpu.memory_space<hbm>>
      tpu.wait_indirect_dma semaphore(%arg21 : memref<!tpu.dma_semaphore, #tpu.memory_space<semaphore_mem>>) src(%dma_wait3A_899 : memref<200704x16xf32, #tpu.memory_space<hbm>>) dst(%dma_wait3A_893 : memref<128x16xf32, #tpu.memory_space<vmem>>)
      %dma_wait3A_900 = arith.constant 1 : i32
      %dma_wait3A_901 = arith.constant 1 : i32
      %dma_wait3A_902 = arith.constant 0 : i32
      %dma_wait3A_903 = arith.constant 0 : i32
      %dma_wait3A_904 = tpu.memref_slice %arg16[%dma_wait3A_901, %dma_wait3A_902, %dma_wait3A_903] : memref<4x128x16xf32, #tpu.memory_space<vmem>> -> memref<1x128x16xf32, #tpu.memory_space<vmem>>
      %dma_wait3A_905 = tpu.memref_squeeze %dma_wait3A_904 : memref<1x128x16xf32, #tpu.memory_space<vmem>> -> memref<128x16xf32, #tpu.memory_space<vmem>>
      %dma_wait3A_906 = arith.constant 0 : i32
      %dma_wait3A_907 = tpu.memref_slice %arg12[%dma_wait3A_900, %dma_wait3A_906] : memref<4x128xi32, #tpu.memory_space<vmem>> -> memref<1x128xi32, #tpu.memory_space<vmem>>
      %dma_wait3A_908 = tpu.memref_squeeze %dma_wait3A_907 : memref<1x128xi32, #tpu.memory_space<vmem>> -> memref<128xi32, #tpu.memory_space<vmem>>
      %dma_wait3A_909 = arith.constant 0 : i32
      %dma_wait3A_910 = arith.constant 0 : i32
      %dma_wait3A_911 = tpu.memref_slice %arg7[%dma_wait3A_909, %dma_wait3A_910] : memref<200704x16xf32, #tpu.memory_space<hbm>> -> memref<200704x16xf32, #tpu.memory_space<hbm>>
      tpu.wait_indirect_dma semaphore(%arg21 : memref<!tpu.dma_semaphore, #tpu.memory_space<semaphore_mem>>) src(%dma_wait3A_911 : memref<200704x16xf32, #tpu.memory_space<hbm>>) dst(%dma_wait3A_905 : memref<128x16xf32, #tpu.memory_space<vmem>>)
      %dma_wait3A_912 = arith.constant 2 : i32
      %dma_wait3A_913 = arith.constant 2 : i32
      %dma_wait3A_914 = arith.constant 0 : i32
      %dma_wait3A_915 = arith.constant 0 : i32
      %dma_wait3A_916 = tpu.memref_slice %arg16[%dma_wait3A_913, %dma_wait3A_914, %dma_wait3A_915] : memref<4x128x16xf32, #tpu.memory_space<vmem>> -> memref<1x128x16xf32, #tpu.memory_space<vmem>>
      %dma_wait3A_917 = tpu.memref_squeeze %dma_wait3A_916 : memref<1x128x16xf32, #tpu.memory_space<vmem>> -> memref<128x16xf32, #tpu.memory_space<vmem>>
      %dma_wait3A_918 = arith.constant 0 : i32
      %dma_wait3A_919 = tpu.memref_slice %arg12[%dma_wait3A_912, %dma_wait3A_918] : memref<4x128xi32, #tpu.memory_space<vmem>> -> memref<1x128xi32, #tpu.memory_space<vmem>>
      %dma_wait3A_920 = tpu.memref_squeeze %dma_wait3A_919 : memref<1x128xi32, #tpu.memory_space<vmem>> -> memref<128xi32, #tpu.memory_space<vmem>>
      %dma_wait3A_921 = arith.constant 0 : i32
      %dma_wait3A_922 = arith.constant 0 : i32
      %dma_wait3A_923 = tpu.memref_slice %arg7[%dma_wait3A_921, %dma_wait3A_922] : memref<200704x16xf32, #tpu.memory_space<hbm>> -> memref<200704x16xf32, #tpu.memory_space<hbm>>
      tpu.wait_indirect_dma semaphore(%arg21 : memref<!tpu.dma_semaphore, #tpu.memory_space<semaphore_mem>>) src(%dma_wait3A_923 : memref<200704x16xf32, #tpu.memory_space<hbm>>) dst(%dma_wait3A_917 : memref<128x16xf32, #tpu.memory_space<vmem>>)
      %dma_wait3A_924 = arith.constant 3 : i32
      %dma_wait3A_925 = arith.constant 3 : i32
      %dma_wait3A_926 = arith.constant 0 : i32
      %dma_wait3A_927 = arith.constant 0 : i32
      %dma_wait3A_928 = tpu.memref_slice %arg16[%dma_wait3A_925, %dma_wait3A_926, %dma_wait3A_927] : memref<4x128x16xf32, #tpu.memory_space<vmem>> -> memref<1x128x16xf32, #tpu.memory_space<vmem>>
      %dma_wait3A_929 = tpu.memref_squeeze %dma_wait3A_928 : memref<1x128x16xf32, #tpu.memory_space<vmem>> -> memref<128x16xf32, #tpu.memory_space<vmem>>
      %dma_wait3A_930 = arith.constant 0 : i32
      %dma_wait3A_931 = tpu.memref_slice %arg12[%dma_wait3A_924, %dma_wait3A_930] : memref<4x128xi32, #tpu.memory_space<vmem>> -> memref<1x128xi32, #tpu.memory_space<vmem>>
      %dma_wait3A_932 = tpu.memref_squeeze %dma_wait3A_931 : memref<1x128xi32, #tpu.memory_space<vmem>> -> memref<128xi32, #tpu.memory_space<vmem>>
      %dma_wait3A_933 = arith.constant 0 : i32
      %dma_wait3A_934 = arith.constant 0 : i32
      %dma_wait3A_935 = tpu.memref_slice %arg7[%dma_wait3A_933, %dma_wait3A_934] : memref<200704x16xf32, #tpu.memory_space<hbm>> -> memref<200704x16xf32, #tpu.memory_space<hbm>>
      tpu.wait_indirect_dma semaphore(%arg21 : memref<!tpu.dma_semaphore, #tpu.memory_space<semaphore_mem>>) src(%dma_wait3A_935 : memref<200704x16xf32, #tpu.memory_space<hbm>>) dst(%dma_wait3A_929 : memref<128x16xf32, #tpu.memory_space<vmem>>)
      %dma_start3A_936 = arith.constant 0 : i32
      %dma_start3A_937 = arith.constant 0 : i32
      %dma_start3A_938 = arith.constant 0 : i32
      %dma_start3A_939 = arith.constant 0 : i32
      %dma_start3A_940 = tpu.memref_slice %arg16[%dma_start3A_936, %dma_start3A_938, %dma_start3A_939] : memref<4x128x16xf32, #tpu.memory_space<vmem>> -> memref<1x128x16xf32, #tpu.memory_space<vmem>>
      %dma_start3A_941 = tpu.memref_squeeze %dma_start3A_940 : memref<1x128x16xf32, #tpu.memory_space<vmem>> -> memref<128x16xf32, #tpu.memory_space<vmem>>
      %dma_start3A_942 = arith.constant 0 : i32
      %dma_start3A_943 = tpu.memref_slice %arg14[%dma_start3A_937, %dma_start3A_942] : memref<4x128xi32, #tpu.memory_space<vmem>> -> memref<1x128xi32, #tpu.memory_space<vmem>>
      %dma_start3A_944 = tpu.memref_squeeze %dma_start3A_943 : memref<1x128xi32, #tpu.memory_space<vmem>> -> memref<128xi32, #tpu.memory_space<vmem>>
      %dma_start3A_945 = arith.constant 0 : i32
      %dma_start3A_946 = arith.constant 0 : i32
      %dma_start3A_947 = tpu.memref_slice %arg9[%dma_start3A_945, %dma_start3A_946] : memref<100352x16xf32, #tpu.memory_space<vmem_shared>> -> memref<100352x16xf32, #tpu.memory_space<vmem_shared>>
      tpu.enqueue_indirect_dma source(%dma_start3A_941 : memref<128x16xf32, #tpu.memory_space<vmem>>) target(%dma_start3A_947 : memref<100352x16xf32, #tpu.memory_space<vmem_shared>>) offsets(%dma_start3A_944 : memref<128xi32, #tpu.memory_space<vmem>>) semaphore(%arg23 : memref<!tpu.dma_semaphore, #tpu.memory_space<semaphore_mem>>) {add = true}
      %dma_start3A_948 = arith.constant 1 : i32
      %dma_start3A_949 = arith.constant 1 : i32
      %dma_start3A_950 = arith.constant 0 : i32
      %dma_start3A_951 = arith.constant 0 : i32
      %dma_start3A_952 = tpu.memref_slice %arg16[%dma_start3A_948, %dma_start3A_950, %dma_start3A_951] : memref<4x128x16xf32, #tpu.memory_space<vmem>> -> memref<1x128x16xf32, #tpu.memory_space<vmem>>
      %dma_start3A_953 = tpu.memref_squeeze %dma_start3A_952 : memref<1x128x16xf32, #tpu.memory_space<vmem>> -> memref<128x16xf32, #tpu.memory_space<vmem>>
      %dma_start3A_954 = arith.constant 0 : i32
      %dma_start3A_955 = tpu.memref_slice %arg14[%dma_start3A_949, %dma_start3A_954] : memref<4x128xi32, #tpu.memory_space<vmem>> -> memref<1x128xi32, #tpu.memory_space<vmem>>
      %dma_start3A_956 = tpu.memref_squeeze %dma_start3A_955 : memref<1x128xi32, #tpu.memory_space<vmem>> -> memref<128xi32, #tpu.memory_space<vmem>>
      %dma_start3A_957 = arith.constant 0 : i32
      %dma_start3A_958 = arith.constant 0 : i32
      %dma_start3A_959 = tpu.memref_slice %arg9[%dma_start3A_957, %dma_start3A_958] : memref<100352x16xf32, #tpu.memory_space<vmem_shared>> -> memref<100352x16xf32, #tpu.memory_space<vmem_shared>>
      tpu.enqueue_indirect_dma source(%dma_start3A_953 : memref<128x16xf32, #tpu.memory_space<vmem>>) target(%dma_start3A_959 : memref<100352x16xf32, #tpu.memory_space<vmem_shared>>) offsets(%dma_start3A_956 : memref<128xi32, #tpu.memory_space<vmem>>) semaphore(%arg23 : memref<!tpu.dma_semaphore, #tpu.memory_space<semaphore_mem>>) {add = true}
      %dma_start3A_960 = arith.constant 2 : i32
      %dma_start3A_961 = arith.constant 2 : i32
      %dma_start3A_962 = arith.constant 0 : i32
      %dma_start3A_963 = arith.constant 0 : i32
      %dma_start3A_964 = tpu.memref_slice %arg16[%dma_start3A_960, %dma_start3A_962, %dma_start3A_963] : memref<4x128x16xf32, #tpu.memory_space<vmem>> -> memref<1x128x16xf32, #tpu.memory_space<vmem>>
      %dma_start3A_965 = tpu.memref_squeeze %dma_start3A_964 : memref<1x128x16xf32, #tpu.memory_space<vmem>> -> memref<128x16xf32, #tpu.memory_space<vmem>>
      %dma_start3A_966 = arith.constant 0 : i32
      %dma_start3A_967 = tpu.memref_slice %arg14[%dma_start3A_961, %dma_start3A_966] : memref<4x128xi32, #tpu.memory_space<vmem>> -> memref<1x128xi32, #tpu.memory_space<vmem>>
      %dma_start3A_968 = tpu.memref_squeeze %dma_start3A_967 : memref<1x128xi32, #tpu.memory_space<vmem>> -> memref<128xi32, #tpu.memory_space<vmem>>
      %dma_start3A_969 = arith.constant 0 : i32
      %dma_start3A_970 = arith.constant 0 : i32
      %dma_start3A_971 = tpu.memref_slice %arg9[%dma_start3A_969, %dma_start3A_970] : memref<100352x16xf32, #tpu.memory_space<vmem_shared>> -> memref<100352x16xf32, #tpu.memory_space<vmem_shared>>
      tpu.enqueue_indirect_dma source(%dma_start3A_965 : memref<128x16xf32, #tpu.memory_space<vmem>>) target(%dma_start3A_971 : memref<100352x16xf32, #tpu.memory_space<vmem_shared>>) offsets(%dma_start3A_968 : memref<128xi32, #tpu.memory_space<vmem>>) semaphore(%arg23 : memref<!tpu.dma_semaphore, #tpu.memory_space<semaphore_mem>>) {add = true}
      %dma_start3A_972 = arith.constant 3 : i32
      %dma_start3A_973 = arith.constant 3 : i32
      %dma_start3A_974 = arith.constant 0 : i32
      %dma_start3A_975 = arith.constant 0 : i32
      %dma_start3A_976 = tpu.memref_slice %arg16[%dma_start3A_972, %dma_start3A_974, %dma_start3A_975] : memref<4x128x16xf32, #tpu.memory_space<vmem>> -> memref<1x128x16xf32, #tpu.memory_space<vmem>>
      %dma_start3A_977 = tpu.memref_squeeze %dma_start3A_976 : memref<1x128x16xf32, #tpu.memory_space<vmem>> -> memref<128x16xf32, #tpu.memory_space<vmem>>
      %dma_start3A_978 = arith.constant 0 : i32
      %dma_start3A_979 = tpu.memref_slice %arg14[%dma_start3A_973, %dma_start3A_978] : memref<4x128xi32, #tpu.memory_space<vmem>> -> memref<1x128xi32, #tpu.memory_space<vmem>>
      %dma_start3A_980 = tpu.memref_squeeze %dma_start3A_979 : memref<1x128xi32, #tpu.memory_space<vmem>> -> memref<128xi32, #tpu.memory_space<vmem>>
      %dma_start3A_981 = arith.constant 0 : i32
      %dma_start3A_982 = arith.constant 0 : i32
      %dma_start3A_983 = tpu.memref_slice %arg9[%dma_start3A_981, %dma_start3A_982] : memref<100352x16xf32, #tpu.memory_space<vmem_shared>> -> memref<100352x16xf32, #tpu.memory_space<vmem_shared>>
      tpu.enqueue_indirect_dma source(%dma_start3A_977 : memref<128x16xf32, #tpu.memory_space<vmem>>) target(%dma_start3A_983 : memref<100352x16xf32, #tpu.memory_space<vmem_shared>>) offsets(%dma_start3A_980 : memref<128xi32, #tpu.memory_space<vmem>>) semaphore(%arg23 : memref<!tpu.dma_semaphore, #tpu.memory_space<semaphore_mem>>) {add = true}
      %mul3A_984 = arith.constant 2 : i32
      %mul3A_985 = arith.muli %mul3A_984, %add3A_646 : i32
      %add3A_986 = arith.constant 2 : i32
      %add3A_987 = arith.addi %mul3A_985, %add3A_986 : i32
      %add3A_988 = arith.constant 1 : i32
      %add3A_989 = arith.addi %add3A_987, %add3A_988 : i32
      %mul3A_990 = arith.constant 4 : i32
      %mul3A_991 = arith.muli %add3A_989, %mul3A_990 : i32
      %add3A_992 = arith.addi %mul3A_4, %mul3A_991 : i32
      %min3A_993 = arith.constant 12540 : i32
      %min3A_994 = arith.minsi %add3A_992, %min3A_993 : i32
      %dma_start3A_995 = arith.constant 0 : i32
      %dma_start3A_996 = tpu.memref_slice %arg2[%min3A_994, %dma_start3A_995] : memref<12544x128xi32, #tpu.memory_space<hbm>> -> memref<4x128xi32, #tpu.memory_space<hbm>>
      %dma_start3A_997 = arith.constant 0 : i32
      %dma_start3A_998 = tpu.memref_slice %arg2[%min3A_994, %dma_start3A_997] : memref<12544x128xi32, #tpu.memory_space<hbm>> -> memref<4x128xi32, #tpu.memory_space<hbm>>
      tpu.enqueue_dma source(%dma_start3A_998 : memref<4x128xi32, #tpu.memory_space<hbm>>) target(%arg12 : memref<4x128xi32, #tpu.memory_space<vmem>>) target_semaphore(%arg25 : memref<!tpu.dma_semaphore, #tpu.memory_space<semaphore_mem>>)
      %dma_wait3A_999 = arith.constant 0 : i32
      %dma_wait3A_1000 = arith.constant 0 : i32
      %dma_wait3A_1001 = arith.constant 0 : i32
      %dma_wait3A_1002 = arith.constant 0 : i32
      %dma_wait3A_1003 = tpu.memref_slice %arg15[%dma_wait3A_999, %dma_wait3A_1001, %dma_wait3A_1002] : memref<4x128x16xf32, #tpu.memory_space<vmem>> -> memref<1x128x16xf32, #tpu.memory_space<vmem>>
      %dma_wait3A_1004 = tpu.memref_squeeze %dma_wait3A_1003 : memref<1x128x16xf32, #tpu.memory_space<vmem>> -> memref<128x16xf32, #tpu.memory_space<vmem>>
      %dma_wait3A_1005 = arith.constant 0 : i32
      %dma_wait3A_1006 = tpu.memref_slice %arg13[%dma_wait3A_1000, %dma_wait3A_1005] : memref<4x128xi32, #tpu.memory_space<vmem>> -> memref<1x128xi32, #tpu.memory_space<vmem>>
      %dma_wait3A_1007 = tpu.memref_squeeze %dma_wait3A_1006 : memref<1x128xi32, #tpu.memory_space<vmem>> -> memref<128xi32, #tpu.memory_space<vmem>>
      %dma_wait3A_1008 = arith.constant 0 : i32
      %dma_wait3A_1009 = arith.constant 0 : i32
      %dma_wait3A_1010 = tpu.memref_slice %arg9[%dma_wait3A_1008, %dma_wait3A_1009] : memref<100352x16xf32, #tpu.memory_space<vmem_shared>> -> memref<100352x16xf32, #tpu.memory_space<vmem_shared>>
      tpu.wait_indirect_dma semaphore(%arg22 : memref<!tpu.dma_semaphore, #tpu.memory_space<semaphore_mem>>) src(%dma_wait3A_1004 : memref<128x16xf32, #tpu.memory_space<vmem>>) dst(%dma_wait3A_1010 : memref<100352x16xf32, #tpu.memory_space<vmem_shared>>)
      %dma_wait3A_1011 = arith.constant 1 : i32
      %dma_wait3A_1012 = arith.constant 1 : i32
      %dma_wait3A_1013 = arith.constant 0 : i32
      %dma_wait3A_1014 = arith.constant 0 : i32
      %dma_wait3A_1015 = tpu.memref_slice %arg15[%dma_wait3A_1011, %dma_wait3A_1013, %dma_wait3A_1014] : memref<4x128x16xf32, #tpu.memory_space<vmem>> -> memref<1x128x16xf32, #tpu.memory_space<vmem>>
      %dma_wait3A_1016 = tpu.memref_squeeze %dma_wait3A_1015 : memref<1x128x16xf32, #tpu.memory_space<vmem>> -> memref<128x16xf32, #tpu.memory_space<vmem>>
      %dma_wait3A_1017 = arith.constant 0 : i32
      %dma_wait3A_1018 = tpu.memref_slice %arg13[%dma_wait3A_1012, %dma_wait3A_1017] : memref<4x128xi32, #tpu.memory_space<vmem>> -> memref<1x128xi32, #tpu.memory_space<vmem>>
      %dma_wait3A_1019 = tpu.memref_squeeze %dma_wait3A_1018 : memref<1x128xi32, #tpu.memory_space<vmem>> -> memref<128xi32, #tpu.memory_space<vmem>>
      %dma_wait3A_1020 = arith.constant 0 : i32
      %dma_wait3A_1021 = arith.constant 0 : i32
      %dma_wait3A_1022 = tpu.memref_slice %arg9[%dma_wait3A_1020, %dma_wait3A_1021] : memref<100352x16xf32, #tpu.memory_space<vmem_shared>> -> memref<100352x16xf32, #tpu.memory_space<vmem_shared>>
      tpu.wait_indirect_dma semaphore(%arg22 : memref<!tpu.dma_semaphore, #tpu.memory_space<semaphore_mem>>) src(%dma_wait3A_1016 : memref<128x16xf32, #tpu.memory_space<vmem>>) dst(%dma_wait3A_1022 : memref<100352x16xf32, #tpu.memory_space<vmem_shared>>)
      %dma_wait3A_1023 = arith.constant 2 : i32
      %dma_wait3A_1024 = arith.constant 2 : i32
      %dma_wait3A_1025 = arith.constant 0 : i32
      %dma_wait3A_1026 = arith.constant 0 : i32
      %dma_wait3A_1027 = tpu.memref_slice %arg15[%dma_wait3A_1023, %dma_wait3A_1025, %dma_wait3A_1026] : memref<4x128x16xf32, #tpu.memory_space<vmem>> -> memref<1x128x16xf32, #tpu.memory_space<vmem>>
      %dma_wait3A_1028 = tpu.memref_squeeze %dma_wait3A_1027 : memref<1x128x16xf32, #tpu.memory_space<vmem>> -> memref<128x16xf32, #tpu.memory_space<vmem>>
      %dma_wait3A_1029 = arith.constant 0 : i32
      %dma_wait3A_1030 = tpu.memref_slice %arg13[%dma_wait3A_1024, %dma_wait3A_1029] : memref<4x128xi32, #tpu.memory_space<vmem>> -> memref<1x128xi32, #tpu.memory_space<vmem>>
      %dma_wait3A_1031 = tpu.memref_squeeze %dma_wait3A_1030 : memref<1x128xi32, #tpu.memory_space<vmem>> -> memref<128xi32, #tpu.memory_space<vmem>>
      %dma_wait3A_1032 = arith.constant 0 : i32
      %dma_wait3A_1033 = arith.constant 0 : i32
      %dma_wait3A_1034 = tpu.memref_slice %arg9[%dma_wait3A_1032, %dma_wait3A_1033] : memref<100352x16xf32, #tpu.memory_space<vmem_shared>> -> memref<100352x16xf32, #tpu.memory_space<vmem_shared>>
      tpu.wait_indirect_dma semaphore(%arg22 : memref<!tpu.dma_semaphore, #tpu.memory_space<semaphore_mem>>) src(%dma_wait3A_1028 : memref<128x16xf32, #tpu.memory_space<vmem>>) dst(%dma_wait3A_1034 : memref<100352x16xf32, #tpu.memory_space<vmem_shared>>)
      %dma_wait3A_1035 = arith.constant 3 : i32
      %dma_wait3A_1036 = arith.constant 3 : i32
      %dma_wait3A_1037 = arith.constant 0 : i32
      %dma_wait3A_1038 = arith.constant 0 : i32
      %dma_wait3A_1039 = tpu.memref_slice %arg15[%dma_wait3A_1035, %dma_wait3A_1037, %dma_wait3A_1038] : memref<4x128x16xf32, #tpu.memory_space<vmem>> -> memref<1x128x16xf32, #tpu.memory_space<vmem>>
      %dma_wait3A_1040 = tpu.memref_squeeze %dma_wait3A_1039 : memref<1x128x16xf32, #tpu.memory_space<vmem>> -> memref<128x16xf32, #tpu.memory_space<vmem>>
      %dma_wait3A_1041 = arith.constant 0 : i32
      %dma_wait3A_1042 = tpu.memref_slice %arg13[%dma_wait3A_1036, %dma_wait3A_1041] : memref<4x128xi32, #tpu.memory_space<vmem>> -> memref<1x128xi32, #tpu.memory_space<vmem>>
      %dma_wait3A_1043 = tpu.memref_squeeze %dma_wait3A_1042 : memref<1x128xi32, #tpu.memory_space<vmem>> -> memref<128xi32, #tpu.memory_space<vmem>>
      %dma_wait3A_1044 = arith.constant 0 : i32
      %dma_wait3A_1045 = arith.constant 0 : i32
      %dma_wait3A_1046 = tpu.memref_slice %arg9[%dma_wait3A_1044, %dma_wait3A_1045] : memref<100352x16xf32, #tpu.memory_space<vmem_shared>> -> memref<100352x16xf32, #tpu.memory_space<vmem_shared>>
      tpu.wait_indirect_dma semaphore(%arg22 : memref<!tpu.dma_semaphore, #tpu.memory_space<semaphore_mem>>) src(%dma_wait3A_1040 : memref<128x16xf32, #tpu.memory_space<vmem>>) dst(%dma_wait3A_1046 : memref<100352x16xf32, #tpu.memory_space<vmem_shared>>)
      %mul3A_1047 = arith.constant 2 : i32
      %mul3A_1048 = arith.muli %mul3A_1047, %add3A_646 : i32
      %add3A_1049 = arith.constant 2 : i32
      %add3A_1050 = arith.addi %mul3A_1048, %add3A_1049 : i32
      %add3A_1051 = arith.constant 0 : i32
      %add3A_1052 = arith.addi %add3A_1050, %add3A_1051 : i32
      %mul3A_1053 = arith.constant 4 : i32
      %mul3A_1054 = arith.muli %add3A_1052, %mul3A_1053 : i32
      %add3A_1055 = arith.addi %mul3A_4, %mul3A_1054 : i32
      %min3A_1056 = arith.constant 12540 : i32
      %min3A_1057 = arith.minsi %add3A_1055, %min3A_1056 : i32
      %dma_start3A_1058 = arith.constant 0 : i32
      %dma_start3A_1059 = tpu.memref_slice %arg3[%min3A_1057, %dma_start3A_1058] : memref<12544x128xi32, #tpu.memory_space<hbm>> -> memref<4x128xi32, #tpu.memory_space<hbm>>
      %dma_start3A_1060 = arith.constant 0 : i32
      %dma_start3A_1061 = tpu.memref_slice %arg3[%min3A_1057, %dma_start3A_1060] : memref<12544x128xi32, #tpu.memory_space<hbm>> -> memref<4x128xi32, #tpu.memory_space<hbm>>
      tpu.enqueue_dma source(%dma_start3A_1061 : memref<4x128xi32, #tpu.memory_space<hbm>>) target(%arg13 : memref<4x128xi32, #tpu.memory_space<vmem>>) target_semaphore(%arg26 : memref<!tpu.dma_semaphore, #tpu.memory_space<semaphore_mem>>)
      %dma_wait3A_1062 = arith.constant 0 : i32
      %dma_wait3A_1063 = arith.constant 0 : i32
      %dma_wait3A_1064 = arith.constant 0 : i32
      %dma_wait3A_1065 = arith.constant 0 : i32
      %dma_wait3A_1066 = tpu.memref_slice %arg16[%dma_wait3A_1062, %dma_wait3A_1064, %dma_wait3A_1065] : memref<4x128x16xf32, #tpu.memory_space<vmem>> -> memref<1x128x16xf32, #tpu.memory_space<vmem>>
      %dma_wait3A_1067 = tpu.memref_squeeze %dma_wait3A_1066 : memref<1x128x16xf32, #tpu.memory_space<vmem>> -> memref<128x16xf32, #tpu.memory_space<vmem>>
      %dma_wait3A_1068 = arith.constant 0 : i32
      %dma_wait3A_1069 = tpu.memref_slice %arg14[%dma_wait3A_1063, %dma_wait3A_1068] : memref<4x128xi32, #tpu.memory_space<vmem>> -> memref<1x128xi32, #tpu.memory_space<vmem>>
      %dma_wait3A_1070 = tpu.memref_squeeze %dma_wait3A_1069 : memref<1x128xi32, #tpu.memory_space<vmem>> -> memref<128xi32, #tpu.memory_space<vmem>>
      %dma_wait3A_1071 = arith.constant 0 : i32
      %dma_wait3A_1072 = arith.constant 0 : i32
      %dma_wait3A_1073 = tpu.memref_slice %arg9[%dma_wait3A_1071, %dma_wait3A_1072] : memref<100352x16xf32, #tpu.memory_space<vmem_shared>> -> memref<100352x16xf32, #tpu.memory_space<vmem_shared>>
      tpu.wait_indirect_dma semaphore(%arg23 : memref<!tpu.dma_semaphore, #tpu.memory_space<semaphore_mem>>) src(%dma_wait3A_1067 : memref<128x16xf32, #tpu.memory_space<vmem>>) dst(%dma_wait3A_1073 : memref<100352x16xf32, #tpu.memory_space<vmem_shared>>)
      %dma_wait3A_1074 = arith.constant 1 : i32
      %dma_wait3A_1075 = arith.constant 1 : i32
      %dma_wait3A_1076 = arith.constant 0 : i32
      %dma_wait3A_1077 = arith.constant 0 : i32
      %dma_wait3A_1078 = tpu.memref_slice %arg16[%dma_wait3A_1074, %dma_wait3A_1076, %dma_wait3A_1077] : memref<4x128x16xf32, #tpu.memory_space<vmem>> -> memref<1x128x16xf32, #tpu.memory_space<vmem>>
      %dma_wait3A_1079 = tpu.memref_squeeze %dma_wait3A_1078 : memref<1x128x16xf32, #tpu.memory_space<vmem>> -> memref<128x16xf32, #tpu.memory_space<vmem>>
      %dma_wait3A_1080 = arith.constant 0 : i32
      %dma_wait3A_1081 = tpu.memref_slice %arg14[%dma_wait3A_1075, %dma_wait3A_1080] : memref<4x128xi32, #tpu.memory_space<vmem>> -> memref<1x128xi32, #tpu.memory_space<vmem>>
      %dma_wait3A_1082 = tpu.memref_squeeze %dma_wait3A_1081 : memref<1x128xi32, #tpu.memory_space<vmem>> -> memref<128xi32, #tpu.memory_space<vmem>>
      %dma_wait3A_1083 = arith.constant 0 : i32
      %dma_wait3A_1084 = arith.constant 0 : i32
      %dma_wait3A_1085 = tpu.memref_slice %arg9[%dma_wait3A_1083, %dma_wait3A_1084] : memref<100352x16xf32, #tpu.memory_space<vmem_shared>> -> memref<100352x16xf32, #tpu.memory_space<vmem_shared>>
      tpu.wait_indirect_dma semaphore(%arg23 : memref<!tpu.dma_semaphore, #tpu.memory_space<semaphore_mem>>) src(%dma_wait3A_1079 : memref<128x16xf32, #tpu.memory_space<vmem>>) dst(%dma_wait3A_1085 : memref<100352x16xf32, #tpu.memory_space<vmem_shared>>)
      %dma_wait3A_1086 = arith.constant 2 : i32
      %dma_wait3A_1087 = arith.constant 2 : i32
      %dma_wait3A_1088 = arith.constant 0 : i32
      %dma_wait3A_1089 = arith.constant 0 : i32
      %dma_wait3A_1090 = tpu.memref_slice %arg16[%dma_wait3A_1086, %dma_wait3A_1088, %dma_wait3A_1089] : memref<4x128x16xf32, #tpu.memory_space<vmem>> -> memref<1x128x16xf32, #tpu.memory_space<vmem>>
      %dma_wait3A_1091 = tpu.memref_squeeze %dma_wait3A_1090 : memref<1x128x16xf32, #tpu.memory_space<vmem>> -> memref<128x16xf32, #tpu.memory_space<vmem>>
      %dma_wait3A_1092 = arith.constant 0 : i32
      %dma_wait3A_1093 = tpu.memref_slice %arg14[%dma_wait3A_1087, %dma_wait3A_1092] : memref<4x128xi32, #tpu.memory_space<vmem>> -> memref<1x128xi32, #tpu.memory_space<vmem>>
      %dma_wait3A_1094 = tpu.memref_squeeze %dma_wait3A_1093 : memref<1x128xi32, #tpu.memory_space<vmem>> -> memref<128xi32, #tpu.memory_space<vmem>>
      %dma_wait3A_1095 = arith.constant 0 : i32
      %dma_wait3A_1096 = arith.constant 0 : i32
      %dma_wait3A_1097 = tpu.memref_slice %arg9[%dma_wait3A_1095, %dma_wait3A_1096] : memref<100352x16xf32, #tpu.memory_space<vmem_shared>> -> memref<100352x16xf32, #tpu.memory_space<vmem_shared>>
      tpu.wait_indirect_dma semaphore(%arg23 : memref<!tpu.dma_semaphore, #tpu.memory_space<semaphore_mem>>) src(%dma_wait3A_1091 : memref<128x16xf32, #tpu.memory_space<vmem>>) dst(%dma_wait3A_1097 : memref<100352x16xf32, #tpu.memory_space<vmem_shared>>)
      %dma_wait3A_1098 = arith.constant 3 : i32
      %dma_wait3A_1099 = arith.constant 3 : i32
      %dma_wait3A_1100 = arith.constant 0 : i32
      %dma_wait3A_1101 = arith.constant 0 : i32
      %dma_wait3A_1102 = tpu.memref_slice %arg16[%dma_wait3A_1098, %dma_wait3A_1100, %dma_wait3A_1101] : memref<4x128x16xf32, #tpu.memory_space<vmem>> -> memref<1x128x16xf32, #tpu.memory_space<vmem>>
      %dma_wait3A_1103 = tpu.memref_squeeze %dma_wait3A_1102 : memref<1x128x16xf32, #tpu.memory_space<vmem>> -> memref<128x16xf32, #tpu.memory_space<vmem>>
      %dma_wait3A_1104 = arith.constant 0 : i32
      %dma_wait3A_1105 = tpu.memref_slice %arg14[%dma_wait3A_1099, %dma_wait3A_1104] : memref<4x128xi32, #tpu.memory_space<vmem>> -> memref<1x128xi32, #tpu.memory_space<vmem>>
      %dma_wait3A_1106 = tpu.memref_squeeze %dma_wait3A_1105 : memref<1x128xi32, #tpu.memory_space<vmem>> -> memref<128xi32, #tpu.memory_space<vmem>>
      %dma_wait3A_1107 = arith.constant 0 : i32
      %dma_wait3A_1108 = arith.constant 0 : i32
      %dma_wait3A_1109 = tpu.memref_slice %arg9[%dma_wait3A_1107, %dma_wait3A_1108] : memref<100352x16xf32, #tpu.memory_space<vmem_shared>> -> memref<100352x16xf32, #tpu.memory_space<vmem_shared>>
      tpu.wait_indirect_dma semaphore(%arg23 : memref<!tpu.dma_semaphore, #tpu.memory_space<semaphore_mem>>) src(%dma_wait3A_1103 : memref<128x16xf32, #tpu.memory_space<vmem>>) dst(%dma_wait3A_1109 : memref<100352x16xf32, #tpu.memory_space<vmem_shared>>)
      %mul3A_1110 = arith.constant 2 : i32
      %mul3A_1111 = arith.muli %mul3A_1110, %add3A_646 : i32
      %add3A_1112 = arith.constant 2 : i32
      %add3A_1113 = arith.addi %mul3A_1111, %add3A_1112 : i32
      %add3A_1114 = arith.constant 1 : i32
      %add3A_1115 = arith.addi %add3A_1113, %add3A_1114 : i32
      %mul3A_1116 = arith.constant 4 : i32
      %mul3A_1117 = arith.muli %add3A_1115, %mul3A_1116 : i32
      %add3A_1118 = arith.addi %mul3A_4, %mul3A_1117 : i32
      %min3A_1119 = arith.constant 12540 : i32
      %min3A_1120 = arith.minsi %add3A_1118, %min3A_1119 : i32
      %dma_start3A_1121 = arith.constant 0 : i32
      %dma_start3A_1122 = tpu.memref_slice %arg3[%min3A_1120, %dma_start3A_1121] : memref<12544x128xi32, #tpu.memory_space<hbm>> -> memref<4x128xi32, #tpu.memory_space<hbm>>
      %dma_start3A_1123 = arith.constant 0 : i32
      %dma_start3A_1124 = tpu.memref_slice %arg3[%min3A_1120, %dma_start3A_1123] : memref<12544x128xi32, #tpu.memory_space<hbm>> -> memref<4x128xi32, #tpu.memory_space<hbm>>
      tpu.enqueue_dma source(%dma_start3A_1124 : memref<4x128xi32, #tpu.memory_space<hbm>>) target(%arg14 : memref<4x128xi32, #tpu.memory_space<vmem>>) target_semaphore(%arg27 : memref<!tpu.dma_semaphore, #tpu.memory_space<semaphore_mem>>)
    }
    %scan3A_369 = arith.constant 98 : i32
    %dma_wait3A_370 = arith.constant 0 : i32
    %dma_wait3A_371 = arith.constant 0 : i32
    %dma_wait3A_372 = tpu.memref_slice %arg2[%dma_wait3A_370, %dma_wait3A_371] : memref<12544x128xi32, #tpu.memory_space<hbm>> -> memref<4x128xi32, #tpu.memory_space<hbm>>
    %dma_wait3A_373 = arith.constant 0 : i32
    %dma_wait3A_374 = arith.constant 0 : i32
    %dma_wait3A_375 = tpu.memref_slice %arg2[%dma_wait3A_373, %dma_wait3A_374] : memref<12544x128xi32, #tpu.memory_space<hbm>> -> memref<4x128xi32, #tpu.memory_space<hbm>>
    tpu.wait_dma2 semaphore(%arg24 : memref<!tpu.dma_semaphore, #tpu.memory_space<semaphore_mem>>) src(%dma_wait3A_375 : memref<4x128xi32, #tpu.memory_space<hbm>>) dst(%arg11 : memref<4x128xi32, #tpu.memory_space<vmem>>)
    %dma_wait3A_376 = arith.constant 0 : i32
    %dma_wait3A_377 = arith.constant 0 : i32
    %dma_wait3A_378 = tpu.memref_slice %arg3[%dma_wait3A_376, %dma_wait3A_377] : memref<12544x128xi32, #tpu.memory_space<hbm>> -> memref<4x128xi32, #tpu.memory_space<hbm>>
    %dma_wait3A_379 = arith.constant 0 : i32
    %dma_wait3A_380 = arith.constant 0 : i32
    %dma_wait3A_381 = tpu.memref_slice %arg3[%dma_wait3A_379, %dma_wait3A_380] : memref<12544x128xi32, #tpu.memory_space<hbm>> -> memref<4x128xi32, #tpu.memory_space<hbm>>
    tpu.wait_dma2 semaphore(%arg26 : memref<!tpu.dma_semaphore, #tpu.memory_space<semaphore_mem>>) src(%dma_wait3A_381 : memref<4x128xi32, #tpu.memory_space<hbm>>) dst(%arg13 : memref<4x128xi32, #tpu.memory_space<vmem>>)
    %dma_wait3A_382 = arith.constant 0 : i32
    %dma_wait3A_383 = arith.constant 0 : i32
    %dma_wait3A_384 = tpu.memref_slice %arg2[%dma_wait3A_382, %dma_wait3A_383] : memref<12544x128xi32, #tpu.memory_space<hbm>> -> memref<4x128xi32, #tpu.memory_space<hbm>>
    %dma_wait3A_385 = arith.constant 0 : i32
    %dma_wait3A_386 = arith.constant 0 : i32
    %dma_wait3A_387 = tpu.memref_slice %arg2[%dma_wait3A_385, %dma_wait3A_386] : memref<12544x128xi32, #tpu.memory_space<hbm>> -> memref<4x128xi32, #tpu.memory_space<hbm>>
    tpu.wait_dma2 semaphore(%arg25 : memref<!tpu.dma_semaphore, #tpu.memory_space<semaphore_mem>>) src(%dma_wait3A_387 : memref<4x128xi32, #tpu.memory_space<hbm>>) dst(%arg12 : memref<4x128xi32, #tpu.memory_space<vmem>>)
    %dma_wait3A_388 = arith.constant 0 : i32
    %dma_wait3A_389 = arith.constant 0 : i32
    %dma_wait3A_390 = tpu.memref_slice %arg3[%dma_wait3A_388, %dma_wait3A_389] : memref<12544x128xi32, #tpu.memory_space<hbm>> -> memref<4x128xi32, #tpu.memory_space<hbm>>
    %dma_wait3A_391 = arith.constant 0 : i32
    %dma_wait3A_392 = arith.constant 0 : i32
    %dma_wait3A_393 = tpu.memref_slice %arg3[%dma_wait3A_391, %dma_wait3A_392] : memref<12544x128xi32, #tpu.memory_space<hbm>> -> memref<4x128xi32, #tpu.memory_space<hbm>>
    tpu.wait_dma2 semaphore(%arg27 : memref<!tpu.dma_semaphore, #tpu.memory_space<semaphore_mem>>) src(%dma_wait3A_393 : memref<4x128xi32, #tpu.memory_space<hbm>>) dst(%arg14 : memref<4x128xi32, #tpu.memory_space<vmem>>)
    "tpu.trace_stop"() : () -> ()
    %barrier3A_394 = arith.constant 0 : index
    tpu.barrier barrier_id(%barrier3A_394)
    "tpu.trace_start"() <{level = 10 : i32, message = "ph_post1"}> : () -> ()
    %scan3A_395 = arith.constant 3 : i32
    %scan3A_396 = arith.constant 0 : i32
    %scan3A_397 = arith.constant 128 : i32
    %scan3A_398 = arith.addi %scan3A_396, %scan3A_397 : i32
    %scan3A_399 = arith.constant 1 : i32
    scf.for %scan3A_642 = %scan3A_396 to %scan3A_398 step %scan3A_399  : i32 {
      %mul3A_643 = arith.constant 1 : i32
      %mul3A_644 = arith.muli %scan3A_642, %mul3A_643 : i32
      %add3A_645 = arith.constant 0 : i32
      %add3A_646 = arith.addi %add3A_645, %mul3A_644 : i32
      %swap3A = arith.constant 0 : i32
      %swap3A_647 = arith.constant 0 : i32
      %swap3A_648 = tpu.memref_slice %arg15[%scan3A_395, %swap3A, %swap3A_647] : memref<4x128x16xf32, #tpu.memory_space<vmem>> -> memref<1x128x16xf32, #tpu.memory_space<vmem>>
      %swap3A_649 = tpu.memref_squeeze %swap3A_648 : memref<1x128x16xf32, #tpu.memory_space<vmem>> -> memref<128x16xf32, #tpu.memory_space<vmem>>
      %swap3A_650 = arith.index_cast %add3A_646 : i32 to index
      %swap3A_651 = arith.constant 0 : index
      %swap3A_652 = tpu.vector_load %swap3A_649[%swap3A_650, %swap3A_651] {strides = array<i32>} : memref<128x16xf32, #tpu.memory_space<vmem>>, vector<16xf32>,
      tpu.vector_store %swap3A_649[%swap3A_650, %swap3A_651], %broadcast_in_dim3A_7 {strides = array<i32>} : memref<128x16xf32, #tpu.memory_space<vmem>>, vector<16xf32>,
    }
    %scan3A_400 = arith.constant 128 : i32
    %add3A_401 = arith.constant 0 : i32
    %add3A_402 = arith.addi %mul3A_2, %add3A_401 : i32
    %add3A_403 = arith.addi %mul3A_0, %add3A_402 : i32
    %dma_start3A_404 = arith.constant 2 : i32
    %dma_start3A_405 = arith.constant 0 : i32
    %dma_start3A_406 = arith.constant 0 : i32
    %dma_start3A_407 = tpu.memref_slice %arg15[%dma_start3A_404, %dma_start3A_405, %dma_start3A_406] : memref<4x128x16xf32, #tpu.memory_space<vmem>> -> memref<1x128x16xf32, #tpu.memory_space<vmem>>
    %dma_start3A_408 = tpu.memref_squeeze %dma_start3A_407 : memref<1x128x16xf32, #tpu.memory_space<vmem>> -> memref<128x16xf32, #tpu.memory_space<vmem>>
    %dma_start3A_409 = arith.constant 0 : i32
    %dma_start3A_410 = tpu.memref_slice %arg5[%add3A_403, %dma_start3A_409] : memref<200704x16xf32, #tpu.memory_space<hbm>> -> memref<128x16xf32, #tpu.memory_space<hbm>>
    %dma_start3A_411 = arith.constant 0 : i32
    %dma_start3A_412 = arith.constant 0 : i32
    %dma_start3A_413 = tpu.memref_slice %arg15[%dma_start3A_404, %dma_start3A_411, %dma_start3A_412] : memref<4x128x16xf32, #tpu.memory_space<vmem>> -> memref<1x128x16xf32, #tpu.memory_space<vmem>>
    %dma_start3A_414 = tpu.memref_squeeze %dma_start3A_413 : memref<1x128x16xf32, #tpu.memory_space<vmem>> -> memref<128x16xf32, #tpu.memory_space<vmem>>
    %dma_start3A_415 = arith.constant 0 : i32
    %dma_start3A_416 = tpu.memref_slice %arg5[%add3A_403, %dma_start3A_415] : memref<200704x16xf32, #tpu.memory_space<hbm>> -> memref<128x16xf32, #tpu.memory_space<hbm>>
    tpu.enqueue_dma source(%dma_start3A_416 : memref<128x16xf32, #tpu.memory_space<hbm>>) target(%dma_start3A_414 : memref<128x16xf32, #tpu.memory_space<vmem>>) target_semaphore(%arg28 : memref<!tpu.dma_semaphore, #tpu.memory_space<semaphore_mem>>)
    %run_scoped3A_417 = arith.constant 0 : i32
    "tpu.region"() ({
      %run_scoped3A_642 = tpu.sem_alloc : memref<!tpu.dma_semaphore, #tpu.memory_space<semaphore_mem>>
      %dma_start3A_643 = arith.constant 0 : i32
      %dma_start3A_644 = arith.constant 0 : i32
      %dma_start3A_645 = tpu.memref_slice %arg15[%run_scoped3A_417, %dma_start3A_643, %dma_start3A_644] : memref<4x128x16xf32, #tpu.memory_space<vmem>> -> memref<1x128x16xf32, #tpu.memory_space<vmem>>
      %dma_start3A_646 = tpu.memref_squeeze %dma_start3A_645 : memref<1x128x16xf32, #tpu.memory_space<vmem>> -> memref<128x16xf32, #tpu.memory_space<vmem>>
      %dma_start3A_647 = arith.constant 0 : i32
      %dma_start3A_648 = tpu.memref_slice %arg9[%add3A_402, %dma_start3A_647] : memref<100352x16xf32, #tpu.memory_space<vmem_shared>> -> memref<128x16xf32, #tpu.memory_space<vmem_shared>>
      %dma_start3A_649 = arith.constant 0 : i32
      %dma_start3A_650 = arith.constant 0 : i32
      %dma_start3A_651 = tpu.memref_slice %arg15[%run_scoped3A_417, %dma_start3A_649, %dma_start3A_650] : memref<4x128x16xf32, #tpu.memory_space<vmem>> -> memref<1x128x16xf32, #tpu.memory_space<vmem>>
      %dma_start3A_652 = tpu.memref_squeeze %dma_start3A_651 : memref<1x128x16xf32, #tpu.memory_space<vmem>> -> memref<128x16xf32, #tpu.memory_space<vmem>>
      %dma_start3A_653 = arith.constant 0 : i32
      %dma_start3A_654 = tpu.memref_slice %arg9[%add3A_402, %dma_start3A_653] : memref<100352x16xf32, #tpu.memory_space<vmem_shared>> -> memref<128x16xf32, #tpu.memory_space<vmem_shared>>
      tpu.enqueue_dma source(%dma_start3A_654 : memref<128x16xf32, #tpu.memory_space<vmem_shared>>) target(%dma_start3A_652 : memref<128x16xf32, #tpu.memory_space<vmem>>) target_semaphore(%run_scoped3A_642 : memref<!tpu.dma_semaphore, #tpu.memory_space<semaphore_mem>>)
      %dma_wait3A_655 = arith.constant 0 : i32
      %dma_wait3A_656 = arith.constant 0 : i32
      %dma_wait3A_657 = tpu.memref_slice %arg15[%run_scoped3A_417, %dma_wait3A_655, %dma_wait3A_656] : memref<4x128x16xf32, #tpu.memory_space<vmem>> -> memref<1x128x16xf32, #tpu.memory_space<vmem>>
      %dma_wait3A_658 = tpu.memref_squeeze %dma_wait3A_657 : memref<1x128x16xf32, #tpu.memory_space<vmem>> -> memref<128x16xf32, #tpu.memory_space<vmem>>
      %dma_wait3A_659 = arith.constant 0 : i32
      %dma_wait3A_660 = tpu.memref_slice %arg9[%add3A_402, %dma_wait3A_659] : memref<100352x16xf32, #tpu.memory_space<vmem_shared>> -> memref<128x16xf32, #tpu.memory_space<vmem_shared>>
      %dma_wait3A_661 = arith.constant 0 : i32
      %dma_wait3A_662 = arith.constant 0 : i32
      %dma_wait3A_663 = tpu.memref_slice %arg15[%run_scoped3A_417, %dma_wait3A_661, %dma_wait3A_662] : memref<4x128x16xf32, #tpu.memory_space<vmem>> -> memref<1x128x16xf32, #tpu.memory_space<vmem>>
      %dma_wait3A_664 = tpu.memref_squeeze %dma_wait3A_663 : memref<1x128x16xf32, #tpu.memory_space<vmem>> -> memref<128x16xf32, #tpu.memory_space<vmem>>
      %dma_wait3A_665 = arith.constant 0 : i32
      %dma_wait3A_666 = tpu.memref_slice %arg9[%add3A_402, %dma_wait3A_665] : memref<100352x16xf32, #tpu.memory_space<vmem_shared>> -> memref<128x16xf32, #tpu.memory_space<vmem_shared>>
      tpu.wait_dma2 semaphore(%run_scoped3A_642 : memref<!tpu.dma_semaphore, #tpu.memory_space<semaphore_mem>>) src(%dma_wait3A_666 : memref<128x16xf32, #tpu.memory_space<vmem_shared>>) dst(%dma_wait3A_664 : memref<128x16xf32, #tpu.memory_space<vmem>>)
      tpu.yield
    }) : () -> ()
    "tpu.region"() ({
      %run_scoped3A_642 = tpu.sem_alloc : memref<!tpu.dma_semaphore, #tpu.memory_space<semaphore_mem>>
      %dma_start3A_643 = tpu.memref_slice %arg10[%add3A_402] : memref<100352xf32, #tpu.memory_space<vmem_shared>> -> memref<128xf32, #tpu.memory_space<vmem_shared>>
      %dma_start3A_644 = tpu.memref_slice %arg10[%add3A_402] : memref<100352xf32, #tpu.memory_space<vmem_shared>> -> memref<128xf32, #tpu.memory_space<vmem_shared>>
      tpu.enqueue_dma source(%dma_start3A_644 : memref<128xf32, #tpu.memory_space<vmem_shared>>) target(%arg19 : memref<128xf32, #tpu.memory_space<vmem>>) target_semaphore(%run_scoped3A_642 : memref<!tpu.dma_semaphore, #tpu.memory_space<semaphore_mem>>)
      %dma_wait3A_645 = tpu.memref_slice %arg10[%add3A_402] : memref<100352xf32, #tpu.memory_space<vmem_shared>> -> memref<128xf32, #tpu.memory_space<vmem_shared>>
      %dma_wait3A_646 = tpu.memref_slice %arg10[%add3A_402] : memref<100352xf32, #tpu.memory_space<vmem_shared>> -> memref<128xf32, #tpu.memory_space<vmem_shared>>
      tpu.wait_dma2 semaphore(%run_scoped3A_642 : memref<!tpu.dma_semaphore, #tpu.memory_space<semaphore_mem>>) src(%dma_wait3A_646 : memref<128xf32, #tpu.memory_space<vmem_shared>>) dst(%arg19 : memref<128xf32, #tpu.memory_space<vmem>>)
      tpu.yield
    }) : () -> ()
    %run_scoped3A_418 = arith.constant 3 : i32
    "tpu.region"() ({
      %run_scoped3A_642 = tpu.sem_alloc : memref<!tpu.dma_semaphore, #tpu.memory_space<semaphore_mem>>
      %dma_start3A_643 = arith.constant 0 : i32
      %dma_start3A_644 = arith.constant 0 : i32
      %dma_start3A_645 = tpu.memref_slice %arg15[%run_scoped3A_418, %dma_start3A_643, %dma_start3A_644] : memref<4x128x16xf32, #tpu.memory_space<vmem>> -> memref<1x128x16xf32, #tpu.memory_space<vmem>>
      %dma_start3A_646 = tpu.memref_squeeze %dma_start3A_645 : memref<1x128x16xf32, #tpu.memory_space<vmem>> -> memref<128x16xf32, #tpu.memory_space<vmem>>
      %dma_start3A_647 = arith.constant 0 : i32
      %dma_start3A_648 = tpu.memref_slice %arg9[%add3A_402, %dma_start3A_647] : memref<100352x16xf32, #tpu.memory_space<vmem_shared>> -> memref<128x16xf32, #tpu.memory_space<vmem_shared>>
      %dma_start3A_649 = arith.constant 0 : i32
      %dma_start3A_650 = tpu.memref_slice %arg9[%add3A_402, %dma_start3A_649] : memref<100352x16xf32, #tpu.memory_space<vmem_shared>> -> memref<128x16xf32, #tpu.memory_space<vmem_shared>>
      %dma_start3A_651 = arith.constant 0 : i32
      %dma_start3A_652 = arith.constant 0 : i32
      %dma_start3A_653 = tpu.memref_slice %arg15[%run_scoped3A_418, %dma_start3A_651, %dma_start3A_652] : memref<4x128x16xf32, #tpu.memory_space<vmem>> -> memref<1x128x16xf32, #tpu.memory_space<vmem>>
      %dma_start3A_654 = tpu.memref_squeeze %dma_start3A_653 : memref<1x128x16xf32, #tpu.memory_space<vmem>> -> memref<128x16xf32, #tpu.memory_space<vmem>>
      tpu.enqueue_dma source(%dma_start3A_654 : memref<128x16xf32, #tpu.memory_space<vmem>>) target(%dma_start3A_650 : memref<128x16xf32, #tpu.memory_space<vmem_shared>>) target_semaphore(%run_scoped3A_642 : memref<!tpu.dma_semaphore, #tpu.memory_space<semaphore_mem>>)
      %dma_wait3A_655 = arith.constant 0 : i32
      %dma_wait3A_656 = arith.constant 0 : i32
      %dma_wait3A_657 = tpu.memref_slice %arg15[%run_scoped3A_418, %dma_wait3A_655, %dma_wait3A_656] : memref<4x128x16xf32, #tpu.memory_space<vmem>> -> memref<1x128x16xf32, #tpu.memory_space<vmem>>
      %dma_wait3A_658 = tpu.memref_squeeze %dma_wait3A_657 : memref<1x128x16xf32, #tpu.memory_space<vmem>> -> memref<128x16xf32, #tpu.memory_space<vmem>>
      %dma_wait3A_659 = arith.constant 0 : i32
      %dma_wait3A_660 = tpu.memref_slice %arg9[%add3A_402, %dma_wait3A_659] : memref<100352x16xf32, #tpu.memory_space<vmem_shared>> -> memref<128x16xf32, #tpu.memory_space<vmem_shared>>
      %dma_wait3A_661 = arith.constant 0 : i32
      %dma_wait3A_662 = tpu.memref_slice %arg9[%add3A_402, %dma_wait3A_661] : memref<100352x16xf32, #tpu.memory_space<vmem_shared>> -> memref<128x16xf32, #tpu.memory_space<vmem_shared>>
      %dma_wait3A_663 = arith.constant 0 : i32
      %dma_wait3A_664 = arith.constant 0 : i32
      %dma_wait3A_665 = tpu.memref_slice %arg15[%run_scoped3A_418, %dma_wait3A_663, %dma_wait3A_664] : memref<4x128x16xf32, #tpu.memory_space<vmem>> -> memref<1x128x16xf32, #tpu.memory_space<vmem>>
      %dma_wait3A_666 = tpu.memref_squeeze %dma_wait3A_665 : memref<1x128x16xf32, #tpu.memory_space<vmem>> -> memref<128x16xf32, #tpu.memory_space<vmem>>
      tpu.wait_dma2 semaphore(%run_scoped3A_642 : memref<!tpu.dma_semaphore, #tpu.memory_space<semaphore_mem>>) src(%dma_wait3A_666 : memref<128x16xf32, #tpu.memory_space<vmem>>) dst(%dma_wait3A_662 : memref<128x16xf32, #tpu.memory_space<vmem_shared>>)
      tpu.yield
    }) : () -> ()
    %dma_wait3A_419 = arith.constant 2 : i32
    %dma_wait3A_420 = arith.constant 0 : i32
    %dma_wait3A_421 = arith.constant 0 : i32
    %dma_wait3A_422 = tpu.memref_slice %arg15[%dma_wait3A_419, %dma_wait3A_420, %dma_wait3A_421] : memref<4x128x16xf32, #tpu.memory_space<vmem>> -> memref<1x128x16xf32, #tpu.memory_space<vmem>>
    %dma_wait3A_423 = tpu.memref_squeeze %dma_wait3A_422 : memref<1x128x16xf32, #tpu.memory_space<vmem>> -> memref<128x16xf32, #tpu.memory_space<vmem>>
    %dma_wait3A_424 = arith.constant 0 : i32
    %dma_wait3A_425 = tpu.memref_slice %arg5[%add3A_403, %dma_wait3A_424] : memref<200704x16xf32, #tpu.memory_space<hbm>> -> memref<128x16xf32, #tpu.memory_space<hbm>>
    %dma_wait3A_426 = arith.constant 0 : i32
    %dma_wait3A_427 = arith.constant 0 : i32
    %dma_wait3A_428 = tpu.memref_slice %arg15[%dma_wait3A_419, %dma_wait3A_426, %dma_wait3A_427] : memref<4x128x16xf32, #tpu.memory_space<vmem>> -> memref<1x128x16xf32, #tpu.memory_space<vmem>>
    %dma_wait3A_429 = tpu.memref_squeeze %dma_wait3A_428 : memref<1x128x16xf32, #tpu.memory_space<vmem>> -> memref<128x16xf32, #tpu.memory_space<vmem>>
    %dma_wait3A_430 = arith.constant 0 : i32
    %dma_wait3A_431 = tpu.memref_slice %arg5[%add3A_403, %dma_wait3A_430] : memref<200704x16xf32, #tpu.memory_space<hbm>> -> memref<128x16xf32, #tpu.memory_space<hbm>>
    tpu.wait_dma2 semaphore(%arg28 : memref<!tpu.dma_semaphore, #tpu.memory_space<semaphore_mem>>) src(%dma_wait3A_431 : memref<128x16xf32, #tpu.memory_space<hbm>>) dst(%dma_wait3A_429 : memref<128x16xf32, #tpu.memory_space<vmem>>)
    %scan3A_432 = arith.constant 0 : i32
    %scan3A_433 = arith.constant 2 : i32
    %scan3A_434 = arith.constant 0 : i32
    %scan3A_435 = arith.constant 128 : i32
    %scan3A_436 = arith.addi %scan3A_434, %scan3A_435 : i32
    %scan3A_437 = arith.constant 1 : i32
    scf.for %scan3A_642 = %scan3A_434 to %scan3A_436 step %scan3A_437  : i32 {
      %mul3A_643 = arith.constant 1 : i32
      %mul3A_644 = arith.muli %scan3A_642, %mul3A_643 : i32
      %add3A_645 = arith.constant 0 : i32
      %add3A_646 = arith.addi %add3A_645, %mul3A_644 : i32
      %broadcast_in_dim3A_647 = vector.broadcast %add3A_646 : i32 to vector<16xi32>
      %gather3A = tpu.vector_load_idx %arg19[%broadcast_in_dim3A_647] : memref<128xf32, #tpu.memory_space<vmem>>[vector<16xi32>], vector<16xf32>,
      %get3A = arith.constant 0 : i32
      %get3A_648 = arith.constant 0 : i32
      %get3A_649 = tpu.memref_slice %arg15[%scan3A_432, %get3A, %get3A_648] : memref<4x128x16xf32, #tpu.memory_space<vmem>> -> memref<1x128x16xf32, #tpu.memory_space<vmem>>
      %get3A_650 = tpu.memref_squeeze %get3A_649 : memref<1x128x16xf32, #tpu.memory_space<vmem>> -> memref<128x16xf32, #tpu.memory_space<vmem>>
      %get3A_651 = arith.index_cast %add3A_646 : i32 to index
      %get3A_652 = arith.constant 0 : index
      %get3A_653 = tpu.vector_load %get3A_650[%get3A_651, %get3A_652] {strides = array<i32>} : memref<128x16xf32, #tpu.memory_space<vmem>>, vector<16xf32>,
      %mul3A_654 = arith.mulf %gather3A, %get3A_653 : vector<16xf32>
      %get3A_655 = arith.constant 0 : i32
      %get3A_656 = arith.constant 0 : i32
      %get3A_657 = tpu.memref_slice %arg15[%scan3A_433, %get3A_655, %get3A_656] : memref<4x128x16xf32, #tpu.memory_space<vmem>> -> memref<1x128x16xf32, #tpu.memory_space<vmem>>
      %get3A_658 = tpu.memref_squeeze %get3A_657 : memref<1x128x16xf32, #tpu.memory_space<vmem>> -> memref<128x16xf32, #tpu.memory_space<vmem>>
      %get3A_659 = arith.index_cast %add3A_646 : i32 to index
      %get3A_660 = arith.constant 0 : index
      %get3A_661 = tpu.vector_load %get3A_658[%get3A_659, %get3A_660] {strides = array<i32>} : memref<128x16xf32, #tpu.memory_space<vmem>>, vector<16xf32>,
      %add3A_662 = arith.addf %get3A_661, %mul3A_654 : vector<16xf32>
      %swap3A = arith.constant 0 : i32
      %swap3A_663 = arith.constant 0 : i32
      %swap3A_664 = tpu.memref_slice %arg15[%scan3A_433, %swap3A, %swap3A_663] : memref<4x128x16xf32, #tpu.memory_space<vmem>> -> memref<1x128x16xf32, #tpu.memory_space<vmem>>
      %swap3A_665 = tpu.memref_squeeze %swap3A_664 : memref<1x128x16xf32, #tpu.memory_space<vmem>> -> memref<128x16xf32, #tpu.memory_space<vmem>>
      %swap3A_666 = arith.index_cast %add3A_646 : i32 to index
      %swap3A_667 = arith.constant 0 : index
      %swap3A_668 = tpu.vector_load %swap3A_665[%swap3A_666, %swap3A_667] {strides = array<i32>} : memref<128x16xf32, #tpu.memory_space<vmem>>, vector<16xf32>,
      tpu.vector_store %swap3A_665[%swap3A_666, %swap3A_667], %add3A_662 {strides = array<i32>} : memref<128x16xf32, #tpu.memory_space<vmem>>, vector<16xf32>,
      %mul3A_669 = arith.mulf %gather3A, %mul3A_654 : vector<16xf32>
      %swap3A_670 = arith.constant 0 : i32
      %swap3A_671 = arith.constant 0 : i32
      %swap3A_672 = tpu.memref_slice %arg15[%scan3A_432, %swap3A_670, %swap3A_671] : memref<4x128x16xf32, #tpu.memory_space<vmem>> -> memref<1x128x16xf32, #tpu.memory_space<vmem>>
      %swap3A_673 = tpu.memref_squeeze %swap3A_672 : memref<1x128x16xf32, #tpu.memory_space<vmem>> -> memref<128x16xf32, #tpu.memory_space<vmem>>
      %swap3A_674 = arith.index_cast %add3A_646 : i32 to index
      %swap3A_675 = arith.constant 0 : index
      %swap3A_676 = tpu.vector_load %swap3A_673[%swap3A_674, %swap3A_675] {strides = array<i32>} : memref<128x16xf32, #tpu.memory_space<vmem>>, vector<16xf32>,
      tpu.vector_store %swap3A_673[%swap3A_674, %swap3A_675], %mul3A_669 {strides = array<i32>} : memref<128x16xf32, #tpu.memory_space<vmem>>, vector<16xf32>,
    }
    %scan3A_438 = arith.constant 128 : i32
    %add3A_439 = arith.addi %mul3A_0, %add3A_402 : i32
    %dma_start3A_440 = arith.constant 2 : i32
    %dma_start3A_441 = arith.constant 0 : i32
    %dma_start3A_442 = arith.constant 0 : i32
    %dma_start3A_443 = tpu.memref_slice %arg15[%dma_start3A_440, %dma_start3A_441, %dma_start3A_442] : memref<4x128x16xf32, #tpu.memory_space<vmem>> -> memref<1x128x16xf32, #tpu.memory_space<vmem>>
    %dma_start3A_444 = tpu.memref_squeeze %dma_start3A_443 : memref<1x128x16xf32, #tpu.memory_space<vmem>> -> memref<128x16xf32, #tpu.memory_space<vmem>>
    %dma_start3A_445 = arith.constant 0 : i32
    %dma_start3A_446 = tpu.memref_slice %arg5[%add3A_439, %dma_start3A_445] : memref<200704x16xf32, #tpu.memory_space<hbm>> -> memref<128x16xf32, #tpu.memory_space<hbm>>
    %dma_start3A_447 = arith.constant 0 : i32
    %dma_start3A_448 = tpu.memref_slice %arg5[%add3A_439, %dma_start3A_447] : memref<200704x16xf32, #tpu.memory_space<hbm>> -> memref<128x16xf32, #tpu.memory_space<hbm>>
    %dma_start3A_449 = arith.constant 0 : i32
    %dma_start3A_450 = arith.constant 0 : i32
    %dma_start3A_451 = tpu.memref_slice %arg15[%dma_start3A_440, %dma_start3A_449, %dma_start3A_450] : memref<4x128x16xf32, #tpu.memory_space<vmem>> -> memref<1x128x16xf32, #tpu.memory_space<vmem>>
    %dma_start3A_452 = tpu.memref_squeeze %dma_start3A_451 : memref<1x128x16xf32, #tpu.memory_space<vmem>> -> memref<128x16xf32, #tpu.memory_space<vmem>>
    tpu.enqueue_dma source(%dma_start3A_452 : memref<128x16xf32, #tpu.memory_space<vmem>>) target(%dma_start3A_448 : memref<128x16xf32, #tpu.memory_space<hbm>>) target_semaphore(%arg29 : memref<!tpu.dma_semaphore, #tpu.memory_space<semaphore_mem>>)
    %add3A_453 = arith.addi %mul3A_0, %add3A_402 : i32
    %dma_start3A_454 = arith.constant 0 : i32
    %dma_start3A_455 = arith.constant 0 : i32
    %dma_start3A_456 = arith.constant 0 : i32
    %dma_start3A_457 = tpu.memref_slice %arg15[%dma_start3A_454, %dma_start3A_455, %dma_start3A_456] : memref<4x128x16xf32, #tpu.memory_space<vmem>> -> memref<1x128x16xf32, #tpu.memory_space<vmem>>
    %dma_start3A_458 = tpu.memref_squeeze %dma_start3A_457 : memref<1x128x16xf32, #tpu.memory_space<vmem>> -> memref<128x16xf32, #tpu.memory_space<vmem>>
    %dma_start3A_459 = arith.constant 0 : i32
    %dma_start3A_460 = tpu.memref_slice %arg8[%add3A_453, %dma_start3A_459] : memref<200704x16xf32, #tpu.memory_space<hbm>> -> memref<128x16xf32, #tpu.memory_space<hbm>>
    %dma_start3A_461 = arith.constant 0 : i32
    %dma_start3A_462 = tpu.memref_slice %arg8[%add3A_453, %dma_start3A_461] : memref<200704x16xf32, #tpu.memory_space<hbm>> -> memref<128x16xf32, #tpu.memory_space<hbm>>
    %dma_start3A_463 = arith.constant 0 : i32
    %dma_start3A_464 = arith.constant 0 : i32
    %dma_start3A_465 = tpu.memref_slice %arg15[%dma_start3A_454, %dma_start3A_463, %dma_start3A_464] : memref<4x128x16xf32, #tpu.memory_space<vmem>> -> memref<1x128x16xf32, #tpu.memory_space<vmem>>
    %dma_start3A_466 = tpu.memref_squeeze %dma_start3A_465 : memref<1x128x16xf32, #tpu.memory_space<vmem>> -> memref<128x16xf32, #tpu.memory_space<vmem>>
    tpu.enqueue_dma source(%dma_start3A_466 : memref<128x16xf32, #tpu.memory_space<vmem>>) target(%dma_start3A_462 : memref<128x16xf32, #tpu.memory_space<hbm>>) target_semaphore(%arg29 : memref<!tpu.dma_semaphore, #tpu.memory_space<semaphore_mem>>)
    %scan3A_467 = arith.constant 2 : i32
    %scan3A_468 = arith.constant 0 : i32
    %scan3A_469 = arith.constant 3 : i32
    %scan3A_470 = arith.constant 0 : i32
    %scan3A_471 = arith.constant 48 : i32
    %scan3A_472 = arith.addi %scan3A_470, %scan3A_471 : i32
    %scan3A_473 = arith.constant 1 : i32
    scf.for %scan3A_642 = %scan3A_470 to %scan3A_472 step %scan3A_473  : i32 {
      %mul3A_643 = arith.constant 1 : i32
      %mul3A_644 = arith.muli %scan3A_642, %mul3A_643 : i32
      %add3A_645 = arith.constant 1 : i32
      %add3A_646 = arith.addi %add3A_645, %mul3A_644 : i32
      %mul3A_647 = arith.constant 128 : i32
      %mul3A_648 = arith.muli %add3A_646, %mul3A_647 : i32
      %add3A_649 = arith.addi %mul3A_2, %mul3A_648 : i32
      %dma_wait3A_650 = arith.constant 0 : i32
      %dma_wait3A_651 = arith.constant 0 : i32
      %dma_wait3A_652 = tpu.memref_slice %arg15[%scan3A_467, %dma_wait3A_650, %dma_wait3A_651] : memref<4x128x16xf32, #tpu.memory_space<vmem>> -> memref<1x128x16xf32, #tpu.memory_space<vmem>>
      %dma_wait3A_653 = tpu.memref_squeeze %dma_wait3A_652 : memref<1x128x16xf32, #tpu.memory_space<vmem>> -> memref<128x16xf32, #tpu.memory_space<vmem>>
      %dma_wait3A_654 = arith.constant 0 : i32
      %dma_wait3A_655 = tpu.memref_slice %arg5[%mul3A_0, %dma_wait3A_654] : memref<200704x16xf32, #tpu.memory_space<hbm>> -> memref<128x16xf32, #tpu.memory_space<hbm>>
      %dma_wait3A_656 = arith.constant 0 : i32
      %dma_wait3A_657 = tpu.memref_slice %arg5[%mul3A_0, %dma_wait3A_656] : memref<200704x16xf32, #tpu.memory_space<hbm>> -> memref<128x16xf32, #tpu.memory_space<hbm>>
      %dma_wait3A_658 = arith.constant 0 : i32
      %dma_wait3A_659 = arith.constant 0 : i32
      %dma_wait3A_660 = tpu.memref_slice %arg15[%scan3A_467, %dma_wait3A_658, %dma_wait3A_659] : memref<4x128x16xf32, #tpu.memory_space<vmem>> -> memref<1x128x16xf32, #tpu.memory_space<vmem>>
      %dma_wait3A_661 = tpu.memref_squeeze %dma_wait3A_660 : memref<1x128x16xf32, #tpu.memory_space<vmem>> -> memref<128x16xf32, #tpu.memory_space<vmem>>
      tpu.wait_dma2 semaphore(%arg29 : memref<!tpu.dma_semaphore, #tpu.memory_space<semaphore_mem>>) src(%dma_wait3A_661 : memref<128x16xf32, #tpu.memory_space<vmem>>) dst(%dma_wait3A_657 : memref<128x16xf32, #tpu.memory_space<hbm>>)
      %dma_wait3A_662 = arith.constant 0 : i32
      %dma_wait3A_663 = arith.constant 0 : i32
      %dma_wait3A_664 = tpu.memref_slice %arg15[%scan3A_467, %dma_wait3A_662, %dma_wait3A_663] : memref<4x128x16xf32, #tpu.memory_space<vmem>> -> memref<1x128x16xf32, #tpu.memory_space<vmem>>
      %dma_wait3A_665 = tpu.memref_squeeze %dma_wait3A_664 : memref<1x128x16xf32, #tpu.memory_space<vmem>> -> memref<128x16xf32, #tpu.memory_space<vmem>>
      %dma_wait3A_666 = arith.constant 0 : i32
      %dma_wait3A_667 = tpu.memref_slice %arg5[%mul3A_0, %dma_wait3A_666] : memref<200704x16xf32, #tpu.memory_space<hbm>> -> memref<128x16xf32, #tpu.memory_space<hbm>>
      %dma_wait3A_668 = arith.constant 0 : i32
      %dma_wait3A_669 = tpu.memref_slice %arg5[%mul3A_0, %dma_wait3A_668] : memref<200704x16xf32, #tpu.memory_space<hbm>> -> memref<128x16xf32, #tpu.memory_space<hbm>>
      %dma_wait3A_670 = arith.constant 0 : i32
      %dma_wait3A_671 = arith.constant 0 : i32
      %dma_wait3A_672 = tpu.memref_slice %arg15[%scan3A_467, %dma_wait3A_670, %dma_wait3A_671] : memref<4x128x16xf32, #tpu.memory_space<vmem>> -> memref<1x128x16xf32, #tpu.memory_space<vmem>>
      %dma_wait3A_673 = tpu.memref_squeeze %dma_wait3A_672 : memref<1x128x16xf32, #tpu.memory_space<vmem>> -> memref<128x16xf32, #tpu.memory_space<vmem>>
      tpu.wait_dma2 semaphore(%arg29 : memref<!tpu.dma_semaphore, #tpu.memory_space<semaphore_mem>>) src(%dma_wait3A_673 : memref<128x16xf32, #tpu.memory_space<vmem>>) dst(%dma_wait3A_669 : memref<128x16xf32, #tpu.memory_space<hbm>>)
      %add3A_674 = arith.addi %mul3A_0, %add3A_649 : i32
      %dma_start3A_675 = arith.constant 0 : i32
      %dma_start3A_676 = arith.constant 0 : i32
      %dma_start3A_677 = tpu.memref_slice %arg15[%scan3A_467, %dma_start3A_675, %dma_start3A_676] : memref<4x128x16xf32, #tpu.memory_space<vmem>> -> memref<1x128x16xf32, #tpu.memory_space<vmem>>
      %dma_start3A_678 = tpu.memref_squeeze %dma_start3A_677 : memref<1x128x16xf32, #tpu.memory_space<vmem>> -> memref<128x16xf32, #tpu.memory_space<vmem>>
      %dma_start3A_679 = arith.constant 0 : i32
      %dma_start3A_680 = tpu.memref_slice %arg5[%add3A_674, %dma_start3A_679] : memref<200704x16xf32, #tpu.memory_space<hbm>> -> memref<128x16xf32, #tpu.memory_space<hbm>>
      %dma_start3A_681 = arith.constant 0 : i32
      %dma_start3A_682 = arith.constant 0 : i32
      %dma_start3A_683 = tpu.memref_slice %arg15[%scan3A_467, %dma_start3A_681, %dma_start3A_682] : memref<4x128x16xf32, #tpu.memory_space<vmem>> -> memref<1x128x16xf32, #tpu.memory_space<vmem>>
      %dma_start3A_684 = tpu.memref_squeeze %dma_start3A_683 : memref<1x128x16xf32, #tpu.memory_space<vmem>> -> memref<128x16xf32, #tpu.memory_space<vmem>>
      %dma_start3A_685 = arith.constant 0 : i32
      %dma_start3A_686 = tpu.memref_slice %arg5[%add3A_674, %dma_start3A_685] : memref<200704x16xf32, #tpu.memory_space<hbm>> -> memref<128x16xf32, #tpu.memory_space<hbm>>
      tpu.enqueue_dma source(%dma_start3A_686 : memref<128x16xf32, #tpu.memory_space<hbm>>) target(%dma_start3A_684 : memref<128x16xf32, #tpu.memory_space<vmem>>) target_semaphore(%arg28 : memref<!tpu.dma_semaphore, #tpu.memory_space<semaphore_mem>>)
      "tpu.region"() ({
        %run_scoped3A_730 = tpu.sem_alloc : memref<!tpu.dma_semaphore, #tpu.memory_space<semaphore_mem>>
        %dma_start3A_731 = arith.constant 0 : i32
        %dma_start3A_732 = arith.constant 0 : i32
        %dma_start3A_733 = tpu.memref_slice %arg15[%scan3A_468, %dma_start3A_731, %dma_start3A_732] : memref<4x128x16xf32, #tpu.memory_space<vmem>> -> memref<1x128x16xf32, #tpu.memory_space<vmem>>
        %dma_start3A_734 = tpu.memref_squeeze %dma_start3A_733 : memref<1x128x16xf32, #tpu.memory_space<vmem>> -> memref<128x16xf32, #tpu.memory_space<vmem>>
        %dma_start3A_735 = arith.constant 0 : i32
        %dma_start3A_736 = tpu.memref_slice %arg9[%add3A_649, %dma_start3A_735] : memref<100352x16xf32, #tpu.memory_space<vmem_shared>> -> memref<128x16xf32, #tpu.memory_space<vmem_shared>>
        %dma_start3A_737 = arith.constant 0 : i32
        %dma_start3A_738 = arith.constant 0 : i32
        %dma_start3A_739 = tpu.memref_slice %arg15[%scan3A_468, %dma_start3A_737, %dma_start3A_738] : memref<4x128x16xf32, #tpu.memory_space<vmem>> -> memref<1x128x16xf32, #tpu.memory_space<vmem>>
        %dma_start3A_740 = tpu.memref_squeeze %dma_start3A_739 : memref<1x128x16xf32, #tpu.memory_space<vmem>> -> memref<128x16xf32, #tpu.memory_space<vmem>>
        %dma_start3A_741 = arith.constant 0 : i32
        %dma_start3A_742 = tpu.memref_slice %arg9[%add3A_649, %dma_start3A_741] : memref<100352x16xf32, #tpu.memory_space<vmem_shared>> -> memref<128x16xf32, #tpu.memory_space<vmem_shared>>
        tpu.enqueue_dma source(%dma_start3A_742 : memref<128x16xf32, #tpu.memory_space<vmem_shared>>) target(%dma_start3A_740 : memref<128x16xf32, #tpu.memory_space<vmem>>) target_semaphore(%run_scoped3A_730 : memref<!tpu.dma_semaphore, #tpu.memory_space<semaphore_mem>>)
        %dma_wait3A_743 = arith.constant 0 : i32
        %dma_wait3A_744 = arith.constant 0 : i32
        %dma_wait3A_745 = tpu.memref_slice %arg15[%scan3A_468, %dma_wait3A_743, %dma_wait3A_744] : memref<4x128x16xf32, #tpu.memory_space<vmem>> -> memref<1x128x16xf32, #tpu.memory_space<vmem>>
        %dma_wait3A_746 = tpu.memref_squeeze %dma_wait3A_745 : memref<1x128x16xf32, #tpu.memory_space<vmem>> -> memref<128x16xf32, #tpu.memory_space<vmem>>
        %dma_wait3A_747 = arith.constant 0 : i32
        %dma_wait3A_748 = tpu.memref_slice %arg9[%add3A_649, %dma_wait3A_747] : memref<100352x16xf32, #tpu.memory_space<vmem_shared>> -> memref<128x16xf32, #tpu.memory_space<vmem_shared>>
        %dma_wait3A_749 = arith.constant 0 : i32
        %dma_wait3A_750 = arith.constant 0 : i32
        %dma_wait3A_751 = tpu.memref_slice %arg15[%scan3A_468, %dma_wait3A_749, %dma_wait3A_750] : memref<4x128x16xf32, #tpu.memory_space<vmem>> -> memref<1x128x16xf32, #tpu.memory_space<vmem>>
        %dma_wait3A_752 = tpu.memref_squeeze %dma_wait3A_751 : memref<1x128x16xf32, #tpu.memory_space<vmem>> -> memref<128x16xf32, #tpu.memory_space<vmem>>
        %dma_wait3A_753 = arith.constant 0 : i32
        %dma_wait3A_754 = tpu.memref_slice %arg9[%add3A_649, %dma_wait3A_753] : memref<100352x16xf32, #tpu.memory_space<vmem_shared>> -> memref<128x16xf32, #tpu.memory_space<vmem_shared>>
        tpu.wait_dma2 semaphore(%run_scoped3A_730 : memref<!tpu.dma_semaphore, #tpu.memory_space<semaphore_mem>>) src(%dma_wait3A_754 : memref<128x16xf32, #tpu.memory_space<vmem_shared>>) dst(%dma_wait3A_752 : memref<128x16xf32, #tpu.memory_space<vmem>>)
        tpu.yield
      }) : () -> ()
      "tpu.region"() ({
        %run_scoped3A_730 = tpu.sem_alloc : memref<!tpu.dma_semaphore, #tpu.memory_space<semaphore_mem>>
        %dma_start3A_731 = tpu.memref_slice %arg10[%add3A_649] : memref<100352xf32, #tpu.memory_space<vmem_shared>> -> memref<128xf32, #tpu.memory_space<vmem_shared>>
        %dma_start3A_732 = tpu.memref_slice %arg10[%add3A_649] : memref<100352xf32, #tpu.memory_space<vmem_shared>> -> memref<128xf32, #tpu.memory_space<vmem_shared>>
        tpu.enqueue_dma source(%dma_start3A_732 : memref<128xf32, #tpu.memory_space<vmem_shared>>) target(%arg19 : memref<128xf32, #tpu.memory_space<vmem>>) target_semaphore(%run_scoped3A_730 : memref<!tpu.dma_semaphore, #tpu.memory_space<semaphore_mem>>)
        %dma_wait3A_733 = tpu.memref_slice %arg10[%add3A_649] : memref<100352xf32, #tpu.memory_space<vmem_shared>> -> memref<128xf32, #tpu.memory_space<vmem_shared>>
        %dma_wait3A_734 = tpu.memref_slice %arg10[%add3A_649] : memref<100352xf32, #tpu.memory_space<vmem_shared>> -> memref<128xf32, #tpu.memory_space<vmem_shared>>
        tpu.wait_dma2 semaphore(%run_scoped3A_730 : memref<!tpu.dma_semaphore, #tpu.memory_space<semaphore_mem>>) src(%dma_wait3A_734 : memref<128xf32, #tpu.memory_space<vmem_shared>>) dst(%arg19 : memref<128xf32, #tpu.memory_space<vmem>>)
        tpu.yield
      }) : () -> ()
      "tpu.region"() ({
        %run_scoped3A_730 = tpu.sem_alloc : memref<!tpu.dma_semaphore, #tpu.memory_space<semaphore_mem>>
        %dma_start3A_731 = arith.constant 0 : i32
        %dma_start3A_732 = arith.constant 0 : i32
        %dma_start3A_733 = tpu.memref_slice %arg15[%scan3A_469, %dma_start3A_731, %dma_start3A_732] : memref<4x128x16xf32, #tpu.memory_space<vmem>> -> memref<1x128x16xf32, #tpu.memory_space<vmem>>
        %dma_start3A_734 = tpu.memref_squeeze %dma_start3A_733 : memref<1x128x16xf32, #tpu.memory_space<vmem>> -> memref<128x16xf32, #tpu.memory_space<vmem>>
        %dma_start3A_735 = arith.constant 0 : i32
        %dma_start3A_736 = tpu.memref_slice %arg9[%add3A_649, %dma_start3A_735] : memref<100352x16xf32, #tpu.memory_space<vmem_shared>> -> memref<128x16xf32, #tpu.memory_space<vmem_shared>>
        %dma_start3A_737 = arith.constant 0 : i32
        %dma_start3A_738 = tpu.memref_slice %arg9[%add3A_649, %dma_start3A_737] : memref<100352x16xf32, #tpu.memory_space<vmem_shared>> -> memref<128x16xf32, #tpu.memory_space<vmem_shared>>
        %dma_start3A_739 = arith.constant 0 : i32
        %dma_start3A_740 = arith.constant 0 : i32
        %dma_start3A_741 = tpu.memref_slice %arg15[%scan3A_469, %dma_start3A_739, %dma_start3A_740] : memref<4x128x16xf32, #tpu.memory_space<vmem>> -> memref<1x128x16xf32, #tpu.memory_space<vmem>>
        %dma_start3A_742 = tpu.memref_squeeze %dma_start3A_741 : memref<1x128x16xf32, #tpu.memory_space<vmem>> -> memref<128x16xf32, #tpu.memory_space<vmem>>
        tpu.enqueue_dma source(%dma_start3A_742 : memref<128x16xf32, #tpu.memory_space<vmem>>) target(%dma_start3A_738 : memref<128x16xf32, #tpu.memory_space<vmem_shared>>) target_semaphore(%run_scoped3A_730 : memref<!tpu.dma_semaphore, #tpu.memory_space<semaphore_mem>>)
        %dma_wait3A_743 = arith.constant 0 : i32
        %dma_wait3A_744 = arith.constant 0 : i32
        %dma_wait3A_745 = tpu.memref_slice %arg15[%scan3A_469, %dma_wait3A_743, %dma_wait3A_744] : memref<4x128x16xf32, #tpu.memory_space<vmem>> -> memref<1x128x16xf32, #tpu.memory_space<vmem>>
        %dma_wait3A_746 = tpu.memref_squeeze %dma_wait3A_745 : memref<1x128x16xf32, #tpu.memory_space<vmem>> -> memref<128x16xf32, #tpu.memory_space<vmem>>
        %dma_wait3A_747 = arith.constant 0 : i32
        %dma_wait3A_748 = tpu.memref_slice %arg9[%add3A_649, %dma_wait3A_747] : memref<100352x16xf32, #tpu.memory_space<vmem_shared>> -> memref<128x16xf32, #tpu.memory_space<vmem_shared>>
        %dma_wait3A_749 = arith.constant 0 : i32
        %dma_wait3A_750 = tpu.memref_slice %arg9[%add3A_649, %dma_wait3A_749] : memref<100352x16xf32, #tpu.memory_space<vmem_shared>> -> memref<128x16xf32, #tpu.memory_space<vmem_shared>>
        %dma_wait3A_751 = arith.constant 0 : i32
        %dma_wait3A_752 = arith.constant 0 : i32
        %dma_wait3A_753 = tpu.memref_slice %arg15[%scan3A_469, %dma_wait3A_751, %dma_wait3A_752] : memref<4x128x16xf32, #tpu.memory_space<vmem>> -> memref<1x128x16xf32, #tpu.memory_space<vmem>>
        %dma_wait3A_754 = tpu.memref_squeeze %dma_wait3A_753 : memref<1x128x16xf32, #tpu.memory_space<vmem>> -> memref<128x16xf32, #tpu.memory_space<vmem>>
        tpu.wait_dma2 semaphore(%run_scoped3A_730 : memref<!tpu.dma_semaphore, #tpu.memory_space<semaphore_mem>>) src(%dma_wait3A_754 : memref<128x16xf32, #tpu.memory_space<vmem>>) dst(%dma_wait3A_750 : memref<128x16xf32, #tpu.memory_space<vmem_shared>>)
        tpu.yield
      }) : () -> ()
      %dma_wait3A_687 = arith.constant 0 : i32
      %dma_wait3A_688 = arith.constant 0 : i32
      %dma_wait3A_689 = tpu.memref_slice %arg15[%scan3A_467, %dma_wait3A_687, %dma_wait3A_688] : memref<4x128x16xf32, #tpu.memory_space<vmem>> -> memref<1x128x16xf32, #tpu.memory_space<vmem>>
      %dma_wait3A_690 = tpu.memref_squeeze %dma_wait3A_689 : memref<1x128x16xf32, #tpu.memory_space<vmem>> -> memref<128x16xf32, #tpu.memory_space<vmem>>
      %dma_wait3A_691 = arith.constant 0 : i32
      %dma_wait3A_692 = tpu.memref_slice %arg5[%add3A_674, %dma_wait3A_691] : memref<200704x16xf32, #tpu.memory_space<hbm>> -> memref<128x16xf32, #tpu.memory_space<hbm>>
      %dma_wait3A_693 = arith.constant 0 : i32
      %dma_wait3A_694 = arith.constant 0 : i32
      %dma_wait3A_695 = tpu.memref_slice %arg15[%scan3A_467, %dma_wait3A_693, %dma_wait3A_694] : memref<4x128x16xf32, #tpu.memory_space<vmem>> -> memref<1x128x16xf32, #tpu.memory_space<vmem>>
      %dma_wait3A_696 = tpu.memref_squeeze %dma_wait3A_695 : memref<1x128x16xf32, #tpu.memory_space<vmem>> -> memref<128x16xf32, #tpu.memory_space<vmem>>
      %dma_wait3A_697 = arith.constant 0 : i32
      %dma_wait3A_698 = tpu.memref_slice %arg5[%add3A_674, %dma_wait3A_697] : memref<200704x16xf32, #tpu.memory_space<hbm>> -> memref<128x16xf32, #tpu.memory_space<hbm>>
      tpu.wait_dma2 semaphore(%arg28 : memref<!tpu.dma_semaphore, #tpu.memory_space<semaphore_mem>>) src(%dma_wait3A_698 : memref<128x16xf32, #tpu.memory_space<hbm>>) dst(%dma_wait3A_696 : memref<128x16xf32, #tpu.memory_space<vmem>>)
      %scan3A_699 = arith.constant 0 : i32
      %scan3A_700 = arith.constant 128 : i32
      %scan3A_701 = arith.addi %scan3A_699, %scan3A_700 : i32
      %scan3A_702 = arith.constant 1 : i32
      scf.for %scan3A_730 = %scan3A_699 to %scan3A_701 step %scan3A_702  : i32 {
        %mul3A_731 = arith.constant 1 : i32
        %mul3A_732 = arith.muli %scan3A_730, %mul3A_731 : i32
        %add3A_733 = arith.constant 0 : i32
        %add3A_734 = arith.addi %add3A_733, %mul3A_732 : i32
        %broadcast_in_dim3A_735 = vector.broadcast %add3A_734 : i32 to vector<16xi32>
        %gather3A = tpu.vector_load_idx %arg19[%broadcast_in_dim3A_735] : memref<128xf32, #tpu.memory_space<vmem>>[vector<16xi32>], vector<16xf32>,
        %get3A = arith.constant 0 : i32
        %get3A_736 = arith.constant 0 : i32
        %get3A_737 = tpu.memref_slice %arg15[%scan3A_468, %get3A, %get3A_736] : memref<4x128x16xf32, #tpu.memory_space<vmem>> -> memref<1x128x16xf32, #tpu.memory_space<vmem>>
        %get3A_738 = tpu.memref_squeeze %get3A_737 : memref<1x128x16xf32, #tpu.memory_space<vmem>> -> memref<128x16xf32, #tpu.memory_space<vmem>>
        %get3A_739 = arith.index_cast %add3A_734 : i32 to index
        %get3A_740 = arith.constant 0 : index
        %get3A_741 = tpu.vector_load %get3A_738[%get3A_739, %get3A_740] {strides = array<i32>} : memref<128x16xf32, #tpu.memory_space<vmem>>, vector<16xf32>,
        %mul3A_742 = arith.mulf %gather3A, %get3A_741 : vector<16xf32>
        %get3A_743 = arith.constant 0 : i32
        %get3A_744 = arith.constant 0 : i32
        %get3A_745 = tpu.memref_slice %arg15[%scan3A_467, %get3A_743, %get3A_744] : memref<4x128x16xf32, #tpu.memory_space<vmem>> -> memref<1x128x16xf32, #tpu.memory_space<vmem>>
        %get3A_746 = tpu.memref_squeeze %get3A_745 : memref<1x128x16xf32, #tpu.memory_space<vmem>> -> memref<128x16xf32, #tpu.memory_space<vmem>>
        %get3A_747 = arith.index_cast %add3A_734 : i32 to index
        %get3A_748 = arith.constant 0 : index
        %get3A_749 = tpu.vector_load %get3A_746[%get3A_747, %get3A_748] {strides = array<i32>} : memref<128x16xf32, #tpu.memory_space<vmem>>, vector<16xf32>,
        %add3A_750 = arith.addf %get3A_749, %mul3A_742 : vector<16xf32>
        %swap3A = arith.constant 0 : i32
        %swap3A_751 = arith.constant 0 : i32
        %swap3A_752 = tpu.memref_slice %arg15[%scan3A_467, %swap3A, %swap3A_751] : memref<4x128x16xf32, #tpu.memory_space<vmem>> -> memref<1x128x16xf32, #tpu.memory_space<vmem>>
        %swap3A_753 = tpu.memref_squeeze %swap3A_752 : memref<1x128x16xf32, #tpu.memory_space<vmem>> -> memref<128x16xf32, #tpu.memory_space<vmem>>
        %swap3A_754 = arith.index_cast %add3A_734 : i32 to index
        %swap3A_755 = arith.constant 0 : index
        %swap3A_756 = tpu.vector_load %swap3A_753[%swap3A_754, %swap3A_755] {strides = array<i32>} : memref<128x16xf32, #tpu.memory_space<vmem>>, vector<16xf32>,
        tpu.vector_store %swap3A_753[%swap3A_754, %swap3A_755], %add3A_750 {strides = array<i32>} : memref<128x16xf32, #tpu.memory_space<vmem>>, vector<16xf32>,
        %mul3A_757 = arith.mulf %gather3A, %mul3A_742 : vector<16xf32>
        %swap3A_758 = arith.constant 0 : i32
        %swap3A_759 = arith.constant 0 : i32
        %swap3A_760 = tpu.memref_slice %arg15[%scan3A_468, %swap3A_758, %swap3A_759] : memref<4x128x16xf32, #tpu.memory_space<vmem>> -> memref<1x128x16xf32, #tpu.memory_space<vmem>>
        %swap3A_761 = tpu.memref_squeeze %swap3A_760 : memref<1x128x16xf32, #tpu.memory_space<vmem>> -> memref<128x16xf32, #tpu.memory_space<vmem>>
        %swap3A_762 = arith.index_cast %add3A_734 : i32 to index
        %swap3A_763 = arith.constant 0 : index
        %swap3A_764 = tpu.vector_load %swap3A_761[%swap3A_762, %swap3A_763] {strides = array<i32>} : memref<128x16xf32, #tpu.memory_space<vmem>>, vector<16xf32>,
        tpu.vector_store %swap3A_761[%swap3A_762, %swap3A_763], %mul3A_757 {strides = array<i32>} : memref<128x16xf32, #tpu.memory_space<vmem>>, vector<16xf32>,
      }
      %scan3A_703 = arith.constant 128 : i32
      %add3A_704 = arith.addi %mul3A_0, %add3A_649 : i32
      %dma_start3A_705 = arith.constant 0 : i32
      %dma_start3A_706 = arith.constant 0 : i32
      %dma_start3A_707 = tpu.memref_slice %arg15[%scan3A_467, %dma_start3A_705, %dma_start3A_706] : memref<4x128x16xf32, #tpu.memory_space<vmem>> -> memref<1x128x16xf32, #tpu.memory_space<vmem>>
      %dma_start3A_708 = tpu.memref_squeeze %dma_start3A_707 : memref<1x128x16xf32, #tpu.memory_space<vmem>> -> memref<128x16xf32, #tpu.memory_space<vmem>>
      %dma_start3A_709 = arith.constant 0 : i32
      %dma_start3A_710 = tpu.memref_slice %arg5[%add3A_704, %dma_start3A_709] : memref<200704x16xf32, #tpu.memory_space<hbm>> -> memref<128x16xf32, #tpu.memory_space<hbm>>
      %dma_start3A_711 = arith.constant 0 : i32
      %dma_start3A_712 = tpu.memref_slice %arg5[%add3A_704, %dma_start3A_711] : memref<200704x16xf32, #tpu.memory_space<hbm>> -> memref<128x16xf32, #tpu.memory_space<hbm>>
      %dma_start3A_713 = arith.constant 0 : i32
      %dma_start3A_714 = arith.constant 0 : i32
      %dma_start3A_715 = tpu.memref_slice %arg15[%scan3A_467, %dma_start3A_713, %dma_start3A_714] : memref<4x128x16xf32, #tpu.memory_space<vmem>> -> memref<1x128x16xf32, #tpu.memory_space<vmem>>
      %dma_start3A_716 = tpu.memref_squeeze %dma_start3A_715 : memref<1x128x16xf32, #tpu.memory_space<vmem>> -> memref<128x16xf32, #tpu.memory_space<vmem>>
      tpu.enqueue_dma source(%dma_start3A_716 : memref<128x16xf32, #tpu.memory_space<vmem>>) target(%dma_start3A_712 : memref<128x16xf32, #tpu.memory_space<hbm>>) target_semaphore(%arg29 : memref<!tpu.dma_semaphore, #tpu.memory_space<semaphore_mem>>)
      %add3A_717 = arith.addi %mul3A_0, %add3A_649 : i32
      %dma_start3A_718 = arith.constant 0 : i32
      %dma_start3A_719 = arith.constant 0 : i32
      %dma_start3A_720 = tpu.memref_slice %arg15[%scan3A_468, %dma_start3A_718, %dma_start3A_719] : memref<4x128x16xf32, #tpu.memory_space<vmem>> -> memref<1x128x16xf32, #tpu.memory_space<vmem>>
      %dma_start3A_721 = tpu.memref_squeeze %dma_start3A_720 : memref<1x128x16xf32, #tpu.memory_space<vmem>> -> memref<128x16xf32, #tpu.memory_space<vmem>>
      %dma_start3A_722 = arith.constant 0 : i32
      %dma_start3A_723 = tpu.memref_slice %arg8[%add3A_717, %dma_start3A_722] : memref<200704x16xf32, #tpu.memory_space<hbm>> -> memref<128x16xf32, #tpu.memory_space<hbm>>
      %dma_start3A_724 = arith.constant 0 : i32
      %dma_start3A_725 = tpu.memref_slice %arg8[%add3A_717, %dma_start3A_724] : memref<200704x16xf32, #tpu.memory_space<hbm>> -> memref<128x16xf32, #tpu.memory_space<hbm>>
      %dma_start3A_726 = arith.constant 0 : i32
      %dma_start3A_727 = arith.constant 0 : i32
      %dma_start3A_728 = tpu.memref_slice %arg15[%scan3A_468, %dma_start3A_726, %dma_start3A_727] : memref<4x128x16xf32, #tpu.memory_space<vmem>> -> memref<1x128x16xf32, #tpu.memory_space<vmem>>
      %dma_start3A_729 = tpu.memref_squeeze %dma_start3A_728 : memref<1x128x16xf32, #tpu.memory_space<vmem>> -> memref<128x16xf32, #tpu.memory_space<vmem>>
      tpu.enqueue_dma source(%dma_start3A_729 : memref<128x16xf32, #tpu.memory_space<vmem>>) target(%dma_start3A_725 : memref<128x16xf32, #tpu.memory_space<hbm>>) target_semaphore(%arg29 : memref<!tpu.dma_semaphore, #tpu.memory_space<semaphore_mem>>)
    }
    %scan3A_474 = arith.constant 48 : i32
    %dma_wait3A_475 = arith.constant 2 : i32
    %dma_wait3A_476 = arith.constant 0 : i32
    %dma_wait3A_477 = arith.constant 0 : i32
    %dma_wait3A_478 = tpu.memref_slice %arg15[%dma_wait3A_475, %dma_wait3A_476, %dma_wait3A_477] : memref<4x128x16xf32, #tpu.memory_space<vmem>> -> memref<1x128x16xf32, #tpu.memory_space<vmem>>
    %dma_wait3A_479 = tpu.memref_squeeze %dma_wait3A_478 : memref<1x128x16xf32, #tpu.memory_space<vmem>> -> memref<128x16xf32, #tpu.memory_space<vmem>>
    %dma_wait3A_480 = arith.constant 0 : i32
    %dma_wait3A_481 = tpu.memref_slice %arg5[%mul3A_0, %dma_wait3A_480] : memref<200704x16xf32, #tpu.memory_space<hbm>> -> memref<128x16xf32, #tpu.memory_space<hbm>>
    %dma_wait3A_482 = arith.constant 0 : i32
    %dma_wait3A_483 = tpu.memref_slice %arg5[%mul3A_0, %dma_wait3A_482] : memref<200704x16xf32, #tpu.memory_space<hbm>> -> memref<128x16xf32, #tpu.memory_space<hbm>>
    %dma_wait3A_484 = arith.constant 0 : i32
    %dma_wait3A_485 = arith.constant 0 : i32
    %dma_wait3A_486 = tpu.memref_slice %arg15[%dma_wait3A_475, %dma_wait3A_484, %dma_wait3A_485] : memref<4x128x16xf32, #tpu.memory_space<vmem>> -> memref<1x128x16xf32, #tpu.memory_space<vmem>>
    %dma_wait3A_487 = tpu.memref_squeeze %dma_wait3A_486 : memref<1x128x16xf32, #tpu.memory_space<vmem>> -> memref<128x16xf32, #tpu.memory_space<vmem>>
    tpu.wait_dma2 semaphore(%arg29 : memref<!tpu.dma_semaphore, #tpu.memory_space<semaphore_mem>>) src(%dma_wait3A_487 : memref<128x16xf32, #tpu.memory_space<vmem>>) dst(%dma_wait3A_483 : memref<128x16xf32, #tpu.memory_space<hbm>>)
    %dma_wait3A_488 = arith.constant 2 : i32
    %dma_wait3A_489 = arith.constant 0 : i32
    %dma_wait3A_490 = arith.constant 0 : i32
    %dma_wait3A_491 = tpu.memref_slice %arg15[%dma_wait3A_488, %dma_wait3A_489, %dma_wait3A_490] : memref<4x128x16xf32, #tpu.memory_space<vmem>> -> memref<1x128x16xf32, #tpu.memory_space<vmem>>
    %dma_wait3A_492 = tpu.memref_squeeze %dma_wait3A_491 : memref<1x128x16xf32, #tpu.memory_space<vmem>> -> memref<128x16xf32, #tpu.memory_space<vmem>>
    %dma_wait3A_493 = arith.constant 0 : i32
    %dma_wait3A_494 = tpu.memref_slice %arg5[%mul3A_0, %dma_wait3A_493] : memref<200704x16xf32, #tpu.memory_space<hbm>> -> memref<128x16xf32, #tpu.memory_space<hbm>>
    %dma_wait3A_495 = arith.constant 0 : i32
    %dma_wait3A_496 = tpu.memref_slice %arg5[%mul3A_0, %dma_wait3A_495] : memref<200704x16xf32, #tpu.memory_space<hbm>> -> memref<128x16xf32, #tpu.memory_space<hbm>>
    %dma_wait3A_497 = arith.constant 0 : i32
    %dma_wait3A_498 = arith.constant 0 : i32
    %dma_wait3A_499 = tpu.memref_slice %arg15[%dma_wait3A_488, %dma_wait3A_497, %dma_wait3A_498] : memref<4x128x16xf32, #tpu.memory_space<vmem>> -> memref<1x128x16xf32, #tpu.memory_space<vmem>>
    %dma_wait3A_500 = tpu.memref_squeeze %dma_wait3A_499 : memref<1x128x16xf32, #tpu.memory_space<vmem>> -> memref<128x16xf32, #tpu.memory_space<vmem>>
    tpu.wait_dma2 semaphore(%arg29 : memref<!tpu.dma_semaphore, #tpu.memory_space<semaphore_mem>>) src(%dma_wait3A_500 : memref<128x16xf32, #tpu.memory_space<vmem>>) dst(%dma_wait3A_496 : memref<128x16xf32, #tpu.memory_space<hbm>>)
    "tpu.trace_stop"() : () -> ()
    %barrier3A_501 = arith.constant 0 : index
    tpu.barrier barrier_id(%barrier3A_501)
    "tpu.trace_start"() <{level = 10 : i32, message = "ph_edges2"}> : () -> ()
    %add3A_502 = arith.constant 0 : i32
    %add3A_503 = arith.addi %mul3A_4, %add3A_502 : i32
    %min3A_504 = arith.constant 12540 : i32
    %min3A_505 = arith.minsi %add3A_503, %min3A_504 : i32
    %dma_start3A_506 = arith.constant 0 : i32
    %dma_start3A_507 = tpu.memref_slice %arg2[%min3A_505, %dma_start3A_506] : memref<12544x128xi32, #tpu.memory_space<hbm>> -> memref<4x128xi32, #tpu.memory_space<hbm>>
    %dma_start3A_508 = arith.constant 0 : i32
    %dma_start3A_509 = tpu.memref_slice %arg2[%min3A_505, %dma_start3A_508] : memref<12544x128xi32, #tpu.memory_space<hbm>> -> memref<4x128xi32, #tpu.memory_space<hbm>>
    tpu.enqueue_dma source(%dma_start3A_509 : memref<4x128xi32, #tpu.memory_space<hbm>>) target(%arg11 : memref<4x128xi32, #tpu.memory_space<vmem>>) target_semaphore(%arg24 : memref<!tpu.dma_semaphore, #tpu.memory_space<semaphore_mem>>)
    %add3A_510 = arith.constant 0 : i32
    %add3A_511 = arith.addi %mul3A_4, %add3A_510 : i32
    %min3A_512 = arith.constant 12540 : i32
    %min3A_513 = arith.minsi %add3A_511, %min3A_512 : i32
    %dma_start3A_514 = arith.constant 0 : i32
    %dma_start3A_515 = tpu.memref_slice %arg3[%min3A_513, %dma_start3A_514] : memref<12544x128xi32, #tpu.memory_space<hbm>> -> memref<4x128xi32, #tpu.memory_space<hbm>>
    %dma_start3A_516 = arith.constant 0 : i32
    %dma_start3A_517 = tpu.memref_slice %arg3[%min3A_513, %dma_start3A_516] : memref<12544x128xi32, #tpu.memory_space<hbm>> -> memref<4x128xi32, #tpu.memory_space<hbm>>
    tpu.enqueue_dma source(%dma_start3A_517 : memref<4x128xi32, #tpu.memory_space<hbm>>) target(%arg13 : memref<4x128xi32, #tpu.memory_space<vmem>>) target_semaphore(%arg26 : memref<!tpu.dma_semaphore, #tpu.memory_space<semaphore_mem>>)
    %add3A_518 = arith.constant 4 : i32
    %add3A_519 = arith.addi %mul3A_4, %add3A_518 : i32
    %min3A_520 = arith.constant 12540 : i32
    %min3A_521 = arith.minsi %add3A_519, %min3A_520 : i32
    %dma_start3A_522 = arith.constant 0 : i32
    %dma_start3A_523 = tpu.memref_slice %arg2[%min3A_521, %dma_start3A_522] : memref<12544x128xi32, #tpu.memory_space<hbm>> -> memref<4x128xi32, #tpu.memory_space<hbm>>
    %dma_start3A_524 = arith.constant 0 : i32
    %dma_start3A_525 = tpu.memref_slice %arg2[%min3A_521, %dma_start3A_524] : memref<12544x128xi32, #tpu.memory_space<hbm>> -> memref<4x128xi32, #tpu.memory_space<hbm>>
    tpu.enqueue_dma source(%dma_start3A_525 : memref<4x128xi32, #tpu.memory_space<hbm>>) target(%arg12 : memref<4x128xi32, #tpu.memory_space<vmem>>) target_semaphore(%arg25 : memref<!tpu.dma_semaphore, #tpu.memory_space<semaphore_mem>>)
    %add3A_526 = arith.constant 4 : i32
    %add3A_527 = arith.addi %mul3A_4, %add3A_526 : i32
    %min3A_528 = arith.constant 12540 : i32
    %min3A_529 = arith.minsi %add3A_527, %min3A_528 : i32
    %dma_start3A_530 = arith.constant 0 : i32
    %dma_start3A_531 = tpu.memref_slice %arg3[%min3A_529, %dma_start3A_530] : memref<12544x128xi32, #tpu.memory_space<hbm>> -> memref<4x128xi32, #tpu.memory_space<hbm>>
    %dma_start3A_532 = arith.constant 0 : i32
    %dma_start3A_533 = tpu.memref_slice %arg3[%min3A_529, %dma_start3A_532] : memref<12544x128xi32, #tpu.memory_space<hbm>> -> memref<4x128xi32, #tpu.memory_space<hbm>>
    tpu.enqueue_dma source(%dma_start3A_533 : memref<4x128xi32, #tpu.memory_space<hbm>>) target(%arg14 : memref<4x128xi32, #tpu.memory_space<vmem>>) target_semaphore(%arg27 : memref<!tpu.dma_semaphore, #tpu.memory_space<semaphore_mem>>)
    %scan3A_534 = arith.constant 0 : i32
    %scan3A_535 = arith.constant 98 : i32
    %scan3A_536 = arith.addi %scan3A_534, %scan3A_535 : i32
    %scan3A_537 = arith.constant 1 : i32
    scf.for %scan3A_642 = %scan3A_534 to %scan3A_536 step %scan3A_537  : i32 {
      %mul3A_643 = arith.constant 1 : i32
      %mul3A_644 = arith.muli %scan3A_642, %mul3A_643 : i32
      %add3A_645 = arith.constant 0 : i32
      %add3A_646 = arith.addi %add3A_645, %mul3A_644 : i32
      %dma_wait3A_647 = arith.constant 0 : i32
      %dma_wait3A_648 = arith.constant 0 : i32
      %dma_wait3A_649 = tpu.memref_slice %arg2[%dma_wait3A_647, %dma_wait3A_648] : memref<12544x128xi32, #tpu.memory_space<hbm>> -> memref<4x128xi32, #tpu.memory_space<hbm>>
      %dma_wait3A_650 = arith.constant 0 : i32
      %dma_wait3A_651 = arith.constant 0 : i32
      %dma_wait3A_652 = tpu.memref_slice %arg2[%dma_wait3A_650, %dma_wait3A_651] : memref<12544x128xi32, #tpu.memory_space<hbm>> -> memref<4x128xi32, #tpu.memory_space<hbm>>
      tpu.wait_dma2 semaphore(%arg24 : memref<!tpu.dma_semaphore, #tpu.memory_space<semaphore_mem>>) src(%dma_wait3A_652 : memref<4x128xi32, #tpu.memory_space<hbm>>) dst(%arg11 : memref<4x128xi32, #tpu.memory_space<vmem>>)
      %dma_wait3A_653 = arith.constant 0 : i32
      %dma_wait3A_654 = arith.constant 0 : i32
      %dma_wait3A_655 = tpu.memref_slice %arg3[%dma_wait3A_653, %dma_wait3A_654] : memref<12544x128xi32, #tpu.memory_space<hbm>> -> memref<4x128xi32, #tpu.memory_space<hbm>>
      %dma_wait3A_656 = arith.constant 0 : i32
      %dma_wait3A_657 = arith.constant 0 : i32
      %dma_wait3A_658 = tpu.memref_slice %arg3[%dma_wait3A_656, %dma_wait3A_657] : memref<12544x128xi32, #tpu.memory_space<hbm>> -> memref<4x128xi32, #tpu.memory_space<hbm>>
      tpu.wait_dma2 semaphore(%arg26 : memref<!tpu.dma_semaphore, #tpu.memory_space<semaphore_mem>>) src(%dma_wait3A_658 : memref<4x128xi32, #tpu.memory_space<hbm>>) dst(%arg13 : memref<4x128xi32, #tpu.memory_space<vmem>>)
      %scan3A_659 = arith.constant 0 : i32
      %scan3A_660 = arith.constant 4 : i32
      %scan3A_661 = arith.addi %scan3A_659, %scan3A_660 : i32
      %scan3A_662 = arith.constant 1 : i32
      scf.for %scan3A_1125 = %scan3A_659 to %scan3A_661 step %scan3A_662  : i32 {
        %mul3A_1126 = arith.constant 1 : i32
        %mul3A_1127 = arith.muli %scan3A_1125, %mul3A_1126 : i32
        %add3A_1128 = arith.constant 0 : i32
        %add3A_1129 = arith.addi %add3A_1128, %mul3A_1127 : i32
        %scan3A_1130 = arith.constant 0 : i32
        %scan3A_1131 = arith.constant 8 : i32
        %scan3A_1132 = arith.addi %scan3A_1130, %scan3A_1131 : i32
        %scan3A_1133 = arith.constant 1 : i32
        scf.for %scan3A_1135 = %scan3A_1130 to %scan3A_1132 step %scan3A_1133  : i32 {
          %mul3A_1136 = arith.constant 1 : i32
          %mul3A_1137 = arith.muli %scan3A_1135, %mul3A_1136 : i32
          %add3A_1138 = arith.constant 0 : i32
          %add3A_1139 = arith.addi %add3A_1138, %mul3A_1137 : i32
          %mul3A_1140 = arith.constant 16 : i32
          %mul3A_1141 = arith.muli %add3A_1139, %mul3A_1140 : i32
          %get3A = arith.index_cast %add3A_1129 : i32 to index
          %get3A_1142 = arith.index_cast %mul3A_1141 : i32 to index
          %get3A_1143 = tpu.vector_load %arg11[%get3A, %get3A_1142] {strides = array<i32>} : memref<4x128xi32, #tpu.memory_space<vmem>>, vector<16xi32>,
          %add3A_1144 = vector.broadcast %mul3A_0 : i32 to vector<16xi32>
          %add3A_1145 = arith.addi %get3A_1143, %add3A_1144 : vector<16xi32>
          %swap3A = arith.index_cast %add3A_1129 : i32 to index
          %swap3A_1146 = arith.index_cast %mul3A_1141 : i32 to index
          %swap3A_1147 = tpu.vector_load %arg11[%swap3A, %swap3A_1146] {strides = array<i32>} : memref<4x128xi32, #tpu.memory_space<vmem>>, vector<16xi32>,
          tpu.vector_store %arg11[%swap3A, %swap3A_1146], %add3A_1145 {strides = array<i32>} : memref<4x128xi32, #tpu.memory_space<vmem>>, vector<16xi32>,
        }
        %scan3A_1134 = arith.constant 8 : i32
      }
      %scan3A_663 = arith.constant 4 : i32
      %dma_start3A_664 = arith.constant 0 : i32
      %dma_start3A_665 = arith.constant 0 : i32
      %dma_start3A_666 = arith.constant 0 : i32
      %dma_start3A_667 = arith.constant 0 : i32
      %dma_start3A_668 = tpu.memref_slice %arg15[%dma_start3A_665, %dma_start3A_666, %dma_start3A_667] : memref<4x128x16xf32, #tpu.memory_space<vmem>> -> memref<1x128x16xf32, #tpu.memory_space<vmem>>
      %dma_start3A_669 = tpu.memref_squeeze %dma_start3A_668 : memref<1x128x16xf32, #tpu.memory_space<vmem>> -> memref<128x16xf32, #tpu.memory_space<vmem>>
      %dma_start3A_670 = arith.constant 0 : i32
      %dma_start3A_671 = tpu.memref_slice %arg11[%dma_start3A_664, %dma_start3A_670] : memref<4x128xi32, #tpu.memory_space<vmem>> -> memref<1x128xi32, #tpu.memory_space<vmem>>
      %dma_start3A_672 = tpu.memref_squeeze %dma_start3A_671 : memref<1x128xi32, #tpu.memory_space<vmem>> -> memref<128xi32, #tpu.memory_space<vmem>>
      %dma_start3A_673 = arith.constant 0 : i32
      %dma_start3A_674 = arith.constant 0 : i32
      %dma_start3A_675 = tpu.memref_slice %arg8[%dma_start3A_673, %dma_start3A_674] : memref<200704x16xf32, #tpu.memory_space<hbm>> -> memref<200704x16xf32, #tpu.memory_space<hbm>>
      tpu.enqueue_indirect_dma source(%dma_start3A_675 : memref<200704x16xf32, #tpu.memory_space<hbm>>) target(%dma_start3A_669 : memref<128x16xf32, #tpu.memory_space<vmem>>) offsets(%dma_start3A_672 : memref<128xi32, #tpu.memory_space<vmem>>) semaphore(%arg20 : memref<!tpu.dma_semaphore, #tpu.memory_space<semaphore_mem>>)
      %dma_start3A_676 = arith.constant 1 : i32
      %dma_start3A_677 = arith.constant 1 : i32
      %dma_start3A_678 = arith.constant 0 : i32
      %dma_start3A_679 = arith.constant 0 : i32
      %dma_start3A_680 = tpu.memref_slice %arg15[%dma_start3A_677, %dma_start3A_678, %dma_start3A_679] : memref<4x128x16xf32, #tpu.memory_space<vmem>> -> memref<1x128x16xf32, #tpu.memory_space<vmem>>
      %dma_start3A_681 = tpu.memref_squeeze %dma_start3A_680 : memref<1x128x16xf32, #tpu.memory_space<vmem>> -> memref<128x16xf32, #tpu.memory_space<vmem>>
      %dma_start3A_682 = arith.constant 0 : i32
      %dma_start3A_683 = tpu.memref_slice %arg11[%dma_start3A_676, %dma_start3A_682] : memref<4x128xi32, #tpu.memory_space<vmem>> -> memref<1x128xi32, #tpu.memory_space<vmem>>
      %dma_start3A_684 = tpu.memref_squeeze %dma_start3A_683 : memref<1x128xi32, #tpu.memory_space<vmem>> -> memref<128xi32, #tpu.memory_space<vmem>>
      %dma_start3A_685 = arith.constant 0 : i32
      %dma_start3A_686 = arith.constant 0 : i32
      %dma_start3A_687 = tpu.memref_slice %arg8[%dma_start3A_685, %dma_start3A_686] : memref<200704x16xf32, #tpu.memory_space<hbm>> -> memref<200704x16xf32, #tpu.memory_space<hbm>>
      tpu.enqueue_indirect_dma source(%dma_start3A_687 : memref<200704x16xf32, #tpu.memory_space<hbm>>) target(%dma_start3A_681 : memref<128x16xf32, #tpu.memory_space<vmem>>) offsets(%dma_start3A_684 : memref<128xi32, #tpu.memory_space<vmem>>) semaphore(%arg20 : memref<!tpu.dma_semaphore, #tpu.memory_space<semaphore_mem>>)
      %dma_start3A_688 = arith.constant 2 : i32
      %dma_start3A_689 = arith.constant 2 : i32
      %dma_start3A_690 = arith.constant 0 : i32
      %dma_start3A_691 = arith.constant 0 : i32
      %dma_start3A_692 = tpu.memref_slice %arg15[%dma_start3A_689, %dma_start3A_690, %dma_start3A_691] : memref<4x128x16xf32, #tpu.memory_space<vmem>> -> memref<1x128x16xf32, #tpu.memory_space<vmem>>
      %dma_start3A_693 = tpu.memref_squeeze %dma_start3A_692 : memref<1x128x16xf32, #tpu.memory_space<vmem>> -> memref<128x16xf32, #tpu.memory_space<vmem>>
      %dma_start3A_694 = arith.constant 0 : i32
      %dma_start3A_695 = tpu.memref_slice %arg11[%dma_start3A_688, %dma_start3A_694] : memref<4x128xi32, #tpu.memory_space<vmem>> -> memref<1x128xi32, #tpu.memory_space<vmem>>
      %dma_start3A_696 = tpu.memref_squeeze %dma_start3A_695 : memref<1x128xi32, #tpu.memory_space<vmem>> -> memref<128xi32, #tpu.memory_space<vmem>>
      %dma_start3A_697 = arith.constant 0 : i32
      %dma_start3A_698 = arith.constant 0 : i32
      %dma_start3A_699 = tpu.memref_slice %arg8[%dma_start3A_697, %dma_start3A_698] : memref<200704x16xf32, #tpu.memory_space<hbm>> -> memref<200704x16xf32, #tpu.memory_space<hbm>>
      tpu.enqueue_indirect_dma source(%dma_start3A_699 : memref<200704x16xf32, #tpu.memory_space<hbm>>) target(%dma_start3A_693 : memref<128x16xf32, #tpu.memory_space<vmem>>) offsets(%dma_start3A_696 : memref<128xi32, #tpu.memory_space<vmem>>) semaphore(%arg20 : memref<!tpu.dma_semaphore, #tpu.memory_space<semaphore_mem>>)
      %dma_start3A_700 = arith.constant 3 : i32
      %dma_start3A_701 = arith.constant 3 : i32
      %dma_start3A_702 = arith.constant 0 : i32
      %dma_start3A_703 = arith.constant 0 : i32
      %dma_start3A_704 = tpu.memref_slice %arg15[%dma_start3A_701, %dma_start3A_702, %dma_start3A_703] : memref<4x128x16xf32, #tpu.memory_space<vmem>> -> memref<1x128x16xf32, #tpu.memory_space<vmem>>
      %dma_start3A_705 = tpu.memref_squeeze %dma_start3A_704 : memref<1x128x16xf32, #tpu.memory_space<vmem>> -> memref<128x16xf32, #tpu.memory_space<vmem>>
      %dma_start3A_706 = arith.constant 0 : i32
      %dma_start3A_707 = tpu.memref_slice %arg11[%dma_start3A_700, %dma_start3A_706] : memref<4x128xi32, #tpu.memory_space<vmem>> -> memref<1x128xi32, #tpu.memory_space<vmem>>
      %dma_start3A_708 = tpu.memref_squeeze %dma_start3A_707 : memref<1x128xi32, #tpu.memory_space<vmem>> -> memref<128xi32, #tpu.memory_space<vmem>>
      %dma_start3A_709 = arith.constant 0 : i32
      %dma_start3A_710 = arith.constant 0 : i32
      %dma_start3A_711 = tpu.memref_slice %arg8[%dma_start3A_709, %dma_start3A_710] : memref<200704x16xf32, #tpu.memory_space<hbm>> -> memref<200704x16xf32, #tpu.memory_space<hbm>>
      tpu.enqueue_indirect_dma source(%dma_start3A_711 : memref<200704x16xf32, #tpu.memory_space<hbm>>) target(%dma_start3A_705 : memref<128x16xf32, #tpu.memory_space<vmem>>) offsets(%dma_start3A_708 : memref<128xi32, #tpu.memory_space<vmem>>) semaphore(%arg20 : memref<!tpu.dma_semaphore, #tpu.memory_space<semaphore_mem>>)
      %dma_wait3A_712 = arith.constant 0 : i32
      %dma_wait3A_713 = arith.constant 0 : i32
      %dma_wait3A_714 = tpu.memref_slice %arg2[%dma_wait3A_712, %dma_wait3A_713] : memref<12544x128xi32, #tpu.memory_space<hbm>> -> memref<4x128xi32, #tpu.memory_space<hbm>>
      %dma_wait3A_715 = arith.constant 0 : i32
      %dma_wait3A_716 = arith.constant 0 : i32
      %dma_wait3A_717 = tpu.memref_slice %arg2[%dma_wait3A_715, %dma_wait3A_716] : memref<12544x128xi32, #tpu.memory_space<hbm>> -> memref<4x128xi32, #tpu.memory_space<hbm>>
      tpu.wait_dma2 semaphore(%arg25 : memref<!tpu.dma_semaphore, #tpu.memory_space<semaphore_mem>>) src(%dma_wait3A_717 : memref<4x128xi32, #tpu.memory_space<hbm>>) dst(%arg12 : memref<4x128xi32, #tpu.memory_space<vmem>>)
      %dma_wait3A_718 = arith.constant 0 : i32
      %dma_wait3A_719 = arith.constant 0 : i32
      %dma_wait3A_720 = tpu.memref_slice %arg3[%dma_wait3A_718, %dma_wait3A_719] : memref<12544x128xi32, #tpu.memory_space<hbm>> -> memref<4x128xi32, #tpu.memory_space<hbm>>
      %dma_wait3A_721 = arith.constant 0 : i32
      %dma_wait3A_722 = arith.constant 0 : i32
      %dma_wait3A_723 = tpu.memref_slice %arg3[%dma_wait3A_721, %dma_wait3A_722] : memref<12544x128xi32, #tpu.memory_space<hbm>> -> memref<4x128xi32, #tpu.memory_space<hbm>>
      tpu.wait_dma2 semaphore(%arg27 : memref<!tpu.dma_semaphore, #tpu.memory_space<semaphore_mem>>) src(%dma_wait3A_723 : memref<4x128xi32, #tpu.memory_space<hbm>>) dst(%arg14 : memref<4x128xi32, #tpu.memory_space<vmem>>)
      %scan3A_724 = arith.constant 0 : i32
      %scan3A_725 = arith.constant 4 : i32
      %scan3A_726 = arith.addi %scan3A_724, %scan3A_725 : i32
      %scan3A_727 = arith.constant 1 : i32
      scf.for %scan3A_1125 = %scan3A_724 to %scan3A_726 step %scan3A_727  : i32 {
        %mul3A_1126 = arith.constant 1 : i32
        %mul3A_1127 = arith.muli %scan3A_1125, %mul3A_1126 : i32
        %add3A_1128 = arith.constant 0 : i32
        %add3A_1129 = arith.addi %add3A_1128, %mul3A_1127 : i32
        %scan3A_1130 = arith.constant 0 : i32
        %scan3A_1131 = arith.constant 8 : i32
        %scan3A_1132 = arith.addi %scan3A_1130, %scan3A_1131 : i32
        %scan3A_1133 = arith.constant 1 : i32
        scf.for %scan3A_1135 = %scan3A_1130 to %scan3A_1132 step %scan3A_1133  : i32 {
          %mul3A_1136 = arith.constant 1 : i32
          %mul3A_1137 = arith.muli %scan3A_1135, %mul3A_1136 : i32
          %add3A_1138 = arith.constant 0 : i32
          %add3A_1139 = arith.addi %add3A_1138, %mul3A_1137 : i32
          %mul3A_1140 = arith.constant 16 : i32
          %mul3A_1141 = arith.muli %add3A_1139, %mul3A_1140 : i32
          %get3A = arith.index_cast %add3A_1129 : i32 to index
          %get3A_1142 = arith.index_cast %mul3A_1141 : i32 to index
          %get3A_1143 = tpu.vector_load %arg12[%get3A, %get3A_1142] {strides = array<i32>} : memref<4x128xi32, #tpu.memory_space<vmem>>, vector<16xi32>,
          %add3A_1144 = vector.broadcast %mul3A_0 : i32 to vector<16xi32>
          %add3A_1145 = arith.addi %get3A_1143, %add3A_1144 : vector<16xi32>
          %swap3A = arith.index_cast %add3A_1129 : i32 to index
          %swap3A_1146 = arith.index_cast %mul3A_1141 : i32 to index
          %swap3A_1147 = tpu.vector_load %arg12[%swap3A, %swap3A_1146] {strides = array<i32>} : memref<4x128xi32, #tpu.memory_space<vmem>>, vector<16xi32>,
          tpu.vector_store %arg12[%swap3A, %swap3A_1146], %add3A_1145 {strides = array<i32>} : memref<4x128xi32, #tpu.memory_space<vmem>>, vector<16xi32>,
        }
        %scan3A_1134 = arith.constant 8 : i32
      }
      %scan3A_728 = arith.constant 4 : i32
      %dma_start3A_729 = arith.constant 0 : i32
      %dma_start3A_730 = arith.constant 0 : i32
      %dma_start3A_731 = arith.constant 0 : i32
      %dma_start3A_732 = arith.constant 0 : i32
      %dma_start3A_733 = tpu.memref_slice %arg16[%dma_start3A_730, %dma_start3A_731, %dma_start3A_732] : memref<4x128x16xf32, #tpu.memory_space<vmem>> -> memref<1x128x16xf32, #tpu.memory_space<vmem>>
      %dma_start3A_734 = tpu.memref_squeeze %dma_start3A_733 : memref<1x128x16xf32, #tpu.memory_space<vmem>> -> memref<128x16xf32, #tpu.memory_space<vmem>>
      %dma_start3A_735 = arith.constant 0 : i32
      %dma_start3A_736 = tpu.memref_slice %arg12[%dma_start3A_729, %dma_start3A_735] : memref<4x128xi32, #tpu.memory_space<vmem>> -> memref<1x128xi32, #tpu.memory_space<vmem>>
      %dma_start3A_737 = tpu.memref_squeeze %dma_start3A_736 : memref<1x128xi32, #tpu.memory_space<vmem>> -> memref<128xi32, #tpu.memory_space<vmem>>
      %dma_start3A_738 = arith.constant 0 : i32
      %dma_start3A_739 = arith.constant 0 : i32
      %dma_start3A_740 = tpu.memref_slice %arg8[%dma_start3A_738, %dma_start3A_739] : memref<200704x16xf32, #tpu.memory_space<hbm>> -> memref<200704x16xf32, #tpu.memory_space<hbm>>
      tpu.enqueue_indirect_dma source(%dma_start3A_740 : memref<200704x16xf32, #tpu.memory_space<hbm>>) target(%dma_start3A_734 : memref<128x16xf32, #tpu.memory_space<vmem>>) offsets(%dma_start3A_737 : memref<128xi32, #tpu.memory_space<vmem>>) semaphore(%arg21 : memref<!tpu.dma_semaphore, #tpu.memory_space<semaphore_mem>>)
      %dma_start3A_741 = arith.constant 1 : i32
      %dma_start3A_742 = arith.constant 1 : i32
      %dma_start3A_743 = arith.constant 0 : i32
      %dma_start3A_744 = arith.constant 0 : i32
      %dma_start3A_745 = tpu.memref_slice %arg16[%dma_start3A_742, %dma_start3A_743, %dma_start3A_744] : memref<4x128x16xf32, #tpu.memory_space<vmem>> -> memref<1x128x16xf32, #tpu.memory_space<vmem>>
      %dma_start3A_746 = tpu.memref_squeeze %dma_start3A_745 : memref<1x128x16xf32, #tpu.memory_space<vmem>> -> memref<128x16xf32, #tpu.memory_space<vmem>>
      %dma_start3A_747 = arith.constant 0 : i32
      %dma_start3A_748 = tpu.memref_slice %arg12[%dma_start3A_741, %dma_start3A_747] : memref<4x128xi32, #tpu.memory_space<vmem>> -> memref<1x128xi32, #tpu.memory_space<vmem>>
      %dma_start3A_749 = tpu.memref_squeeze %dma_start3A_748 : memref<1x128xi32, #tpu.memory_space<vmem>> -> memref<128xi32, #tpu.memory_space<vmem>>
      %dma_start3A_750 = arith.constant 0 : i32
      %dma_start3A_751 = arith.constant 0 : i32
      %dma_start3A_752 = tpu.memref_slice %arg8[%dma_start3A_750, %dma_start3A_751] : memref<200704x16xf32, #tpu.memory_space<hbm>> -> memref<200704x16xf32, #tpu.memory_space<hbm>>
      tpu.enqueue_indirect_dma source(%dma_start3A_752 : memref<200704x16xf32, #tpu.memory_space<hbm>>) target(%dma_start3A_746 : memref<128x16xf32, #tpu.memory_space<vmem>>) offsets(%dma_start3A_749 : memref<128xi32, #tpu.memory_space<vmem>>) semaphore(%arg21 : memref<!tpu.dma_semaphore, #tpu.memory_space<semaphore_mem>>)
      %dma_start3A_753 = arith.constant 2 : i32
      %dma_start3A_754 = arith.constant 2 : i32
      %dma_start3A_755 = arith.constant 0 : i32
      %dma_start3A_756 = arith.constant 0 : i32
      %dma_start3A_757 = tpu.memref_slice %arg16[%dma_start3A_754, %dma_start3A_755, %dma_start3A_756] : memref<4x128x16xf32, #tpu.memory_space<vmem>> -> memref<1x128x16xf32, #tpu.memory_space<vmem>>
      %dma_start3A_758 = tpu.memref_squeeze %dma_start3A_757 : memref<1x128x16xf32, #tpu.memory_space<vmem>> -> memref<128x16xf32, #tpu.memory_space<vmem>>
      %dma_start3A_759 = arith.constant 0 : i32
      %dma_start3A_760 = tpu.memref_slice %arg12[%dma_start3A_753, %dma_start3A_759] : memref<4x128xi32, #tpu.memory_space<vmem>> -> memref<1x128xi32, #tpu.memory_space<vmem>>
      %dma_start3A_761 = tpu.memref_squeeze %dma_start3A_760 : memref<1x128xi32, #tpu.memory_space<vmem>> -> memref<128xi32, #tpu.memory_space<vmem>>
      %dma_start3A_762 = arith.constant 0 : i32
      %dma_start3A_763 = arith.constant 0 : i32
      %dma_start3A_764 = tpu.memref_slice %arg8[%dma_start3A_762, %dma_start3A_763] : memref<200704x16xf32, #tpu.memory_space<hbm>> -> memref<200704x16xf32, #tpu.memory_space<hbm>>
      tpu.enqueue_indirect_dma source(%dma_start3A_764 : memref<200704x16xf32, #tpu.memory_space<hbm>>) target(%dma_start3A_758 : memref<128x16xf32, #tpu.memory_space<vmem>>) offsets(%dma_start3A_761 : memref<128xi32, #tpu.memory_space<vmem>>) semaphore(%arg21 : memref<!tpu.dma_semaphore, #tpu.memory_space<semaphore_mem>>)
      %dma_start3A_765 = arith.constant 3 : i32
      %dma_start3A_766 = arith.constant 3 : i32
      %dma_start3A_767 = arith.constant 0 : i32
      %dma_start3A_768 = arith.constant 0 : i32
      %dma_start3A_769 = tpu.memref_slice %arg16[%dma_start3A_766, %dma_start3A_767, %dma_start3A_768] : memref<4x128x16xf32, #tpu.memory_space<vmem>> -> memref<1x128x16xf32, #tpu.memory_space<vmem>>
      %dma_start3A_770 = tpu.memref_squeeze %dma_start3A_769 : memref<1x128x16xf32, #tpu.memory_space<vmem>> -> memref<128x16xf32, #tpu.memory_space<vmem>>
      %dma_start3A_771 = arith.constant 0 : i32
      %dma_start3A_772 = tpu.memref_slice %arg12[%dma_start3A_765, %dma_start3A_771] : memref<4x128xi32, #tpu.memory_space<vmem>> -> memref<1x128xi32, #tpu.memory_space<vmem>>
      %dma_start3A_773 = tpu.memref_squeeze %dma_start3A_772 : memref<1x128xi32, #tpu.memory_space<vmem>> -> memref<128xi32, #tpu.memory_space<vmem>>
      %dma_start3A_774 = arith.constant 0 : i32
      %dma_start3A_775 = arith.constant 0 : i32
      %dma_start3A_776 = tpu.memref_slice %arg8[%dma_start3A_774, %dma_start3A_775] : memref<200704x16xf32, #tpu.memory_space<hbm>> -> memref<200704x16xf32, #tpu.memory_space<hbm>>
      tpu.enqueue_indirect_dma source(%dma_start3A_776 : memref<200704x16xf32, #tpu.memory_space<hbm>>) target(%dma_start3A_770 : memref<128x16xf32, #tpu.memory_space<vmem>>) offsets(%dma_start3A_773 : memref<128xi32, #tpu.memory_space<vmem>>) semaphore(%arg21 : memref<!tpu.dma_semaphore, #tpu.memory_space<semaphore_mem>>)
      %dma_wait3A_777 = arith.constant 0 : i32
      %dma_wait3A_778 = arith.constant 0 : i32
      %dma_wait3A_779 = arith.constant 0 : i32
      %dma_wait3A_780 = arith.constant 0 : i32
      %dma_wait3A_781 = tpu.memref_slice %arg15[%dma_wait3A_778, %dma_wait3A_779, %dma_wait3A_780] : memref<4x128x16xf32, #tpu.memory_space<vmem>> -> memref<1x128x16xf32, #tpu.memory_space<vmem>>
      %dma_wait3A_782 = tpu.memref_squeeze %dma_wait3A_781 : memref<1x128x16xf32, #tpu.memory_space<vmem>> -> memref<128x16xf32, #tpu.memory_space<vmem>>
      %dma_wait3A_783 = arith.constant 0 : i32
      %dma_wait3A_784 = tpu.memref_slice %arg11[%dma_wait3A_777, %dma_wait3A_783] : memref<4x128xi32, #tpu.memory_space<vmem>> -> memref<1x128xi32, #tpu.memory_space<vmem>>
      %dma_wait3A_785 = tpu.memref_squeeze %dma_wait3A_784 : memref<1x128xi32, #tpu.memory_space<vmem>> -> memref<128xi32, #tpu.memory_space<vmem>>
      %dma_wait3A_786 = arith.constant 0 : i32
      %dma_wait3A_787 = arith.constant 0 : i32
      %dma_wait3A_788 = tpu.memref_slice %arg8[%dma_wait3A_786, %dma_wait3A_787] : memref<200704x16xf32, #tpu.memory_space<hbm>> -> memref<200704x16xf32, #tpu.memory_space<hbm>>
      tpu.wait_indirect_dma semaphore(%arg20 : memref<!tpu.dma_semaphore, #tpu.memory_space<semaphore_mem>>) src(%dma_wait3A_788 : memref<200704x16xf32, #tpu.memory_space<hbm>>) dst(%dma_wait3A_782 : memref<128x16xf32, #tpu.memory_space<vmem>>)
      %dma_wait3A_789 = arith.constant 1 : i32
      %dma_wait3A_790 = arith.constant 1 : i32
      %dma_wait3A_791 = arith.constant 0 : i32
      %dma_wait3A_792 = arith.constant 0 : i32
      %dma_wait3A_793 = tpu.memref_slice %arg15[%dma_wait3A_790, %dma_wait3A_791, %dma_wait3A_792] : memref<4x128x16xf32, #tpu.memory_space<vmem>> -> memref<1x128x16xf32, #tpu.memory_space<vmem>>
      %dma_wait3A_794 = tpu.memref_squeeze %dma_wait3A_793 : memref<1x128x16xf32, #tpu.memory_space<vmem>> -> memref<128x16xf32, #tpu.memory_space<vmem>>
      %dma_wait3A_795 = arith.constant 0 : i32
      %dma_wait3A_796 = tpu.memref_slice %arg11[%dma_wait3A_789, %dma_wait3A_795] : memref<4x128xi32, #tpu.memory_space<vmem>> -> memref<1x128xi32, #tpu.memory_space<vmem>>
      %dma_wait3A_797 = tpu.memref_squeeze %dma_wait3A_796 : memref<1x128xi32, #tpu.memory_space<vmem>> -> memref<128xi32, #tpu.memory_space<vmem>>
      %dma_wait3A_798 = arith.constant 0 : i32
      %dma_wait3A_799 = arith.constant 0 : i32
      %dma_wait3A_800 = tpu.memref_slice %arg8[%dma_wait3A_798, %dma_wait3A_799] : memref<200704x16xf32, #tpu.memory_space<hbm>> -> memref<200704x16xf32, #tpu.memory_space<hbm>>
      tpu.wait_indirect_dma semaphore(%arg20 : memref<!tpu.dma_semaphore, #tpu.memory_space<semaphore_mem>>) src(%dma_wait3A_800 : memref<200704x16xf32, #tpu.memory_space<hbm>>) dst(%dma_wait3A_794 : memref<128x16xf32, #tpu.memory_space<vmem>>)
      %dma_wait3A_801 = arith.constant 2 : i32
      %dma_wait3A_802 = arith.constant 2 : i32
      %dma_wait3A_803 = arith.constant 0 : i32
      %dma_wait3A_804 = arith.constant 0 : i32
      %dma_wait3A_805 = tpu.memref_slice %arg15[%dma_wait3A_802, %dma_wait3A_803, %dma_wait3A_804] : memref<4x128x16xf32, #tpu.memory_space<vmem>> -> memref<1x128x16xf32, #tpu.memory_space<vmem>>
      %dma_wait3A_806 = tpu.memref_squeeze %dma_wait3A_805 : memref<1x128x16xf32, #tpu.memory_space<vmem>> -> memref<128x16xf32, #tpu.memory_space<vmem>>
      %dma_wait3A_807 = arith.constant 0 : i32
      %dma_wait3A_808 = tpu.memref_slice %arg11[%dma_wait3A_801, %dma_wait3A_807] : memref<4x128xi32, #tpu.memory_space<vmem>> -> memref<1x128xi32, #tpu.memory_space<vmem>>
      %dma_wait3A_809 = tpu.memref_squeeze %dma_wait3A_808 : memref<1x128xi32, #tpu.memory_space<vmem>> -> memref<128xi32, #tpu.memory_space<vmem>>
      %dma_wait3A_810 = arith.constant 0 : i32
      %dma_wait3A_811 = arith.constant 0 : i32
      %dma_wait3A_812 = tpu.memref_slice %arg8[%dma_wait3A_810, %dma_wait3A_811] : memref<200704x16xf32, #tpu.memory_space<hbm>> -> memref<200704x16xf32, #tpu.memory_space<hbm>>
      tpu.wait_indirect_dma semaphore(%arg20 : memref<!tpu.dma_semaphore, #tpu.memory_space<semaphore_mem>>) src(%dma_wait3A_812 : memref<200704x16xf32, #tpu.memory_space<hbm>>) dst(%dma_wait3A_806 : memref<128x16xf32, #tpu.memory_space<vmem>>)
      %dma_wait3A_813 = arith.constant 3 : i32
      %dma_wait3A_814 = arith.constant 3 : i32
      %dma_wait3A_815 = arith.constant 0 : i32
      %dma_wait3A_816 = arith.constant 0 : i32
      %dma_wait3A_817 = tpu.memref_slice %arg15[%dma_wait3A_814, %dma_wait3A_815, %dma_wait3A_816] : memref<4x128x16xf32, #tpu.memory_space<vmem>> -> memref<1x128x16xf32, #tpu.memory_space<vmem>>
      %dma_wait3A_818 = tpu.memref_squeeze %dma_wait3A_817 : memref<1x128x16xf32, #tpu.memory_space<vmem>> -> memref<128x16xf32, #tpu.memory_space<vmem>>
      %dma_wait3A_819 = arith.constant 0 : i32
      %dma_wait3A_820 = tpu.memref_slice %arg11[%dma_wait3A_813, %dma_wait3A_819] : memref<4x128xi32, #tpu.memory_space<vmem>> -> memref<1x128xi32, #tpu.memory_space<vmem>>
      %dma_wait3A_821 = tpu.memref_squeeze %dma_wait3A_820 : memref<1x128xi32, #tpu.memory_space<vmem>> -> memref<128xi32, #tpu.memory_space<vmem>>
      %dma_wait3A_822 = arith.constant 0 : i32
      %dma_wait3A_823 = arith.constant 0 : i32
      %dma_wait3A_824 = tpu.memref_slice %arg8[%dma_wait3A_822, %dma_wait3A_823] : memref<200704x16xf32, #tpu.memory_space<hbm>> -> memref<200704x16xf32, #tpu.memory_space<hbm>>
      tpu.wait_indirect_dma semaphore(%arg20 : memref<!tpu.dma_semaphore, #tpu.memory_space<semaphore_mem>>) src(%dma_wait3A_824 : memref<200704x16xf32, #tpu.memory_space<hbm>>) dst(%dma_wait3A_818 : memref<128x16xf32, #tpu.memory_space<vmem>>)
      %dma_start3A_825 = arith.constant 0 : i32
      %dma_start3A_826 = arith.constant 0 : i32
      %dma_start3A_827 = arith.constant 0 : i32
      %dma_start3A_828 = arith.constant 0 : i32
      %dma_start3A_829 = tpu.memref_slice %arg15[%dma_start3A_825, %dma_start3A_827, %dma_start3A_828] : memref<4x128x16xf32, #tpu.memory_space<vmem>> -> memref<1x128x16xf32, #tpu.memory_space<vmem>>
      %dma_start3A_830 = tpu.memref_squeeze %dma_start3A_829 : memref<1x128x16xf32, #tpu.memory_space<vmem>> -> memref<128x16xf32, #tpu.memory_space<vmem>>
      %dma_start3A_831 = arith.constant 0 : i32
      %dma_start3A_832 = tpu.memref_slice %arg13[%dma_start3A_826, %dma_start3A_831] : memref<4x128xi32, #tpu.memory_space<vmem>> -> memref<1x128xi32, #tpu.memory_space<vmem>>
      %dma_start3A_833 = tpu.memref_squeeze %dma_start3A_832 : memref<1x128xi32, #tpu.memory_space<vmem>> -> memref<128xi32, #tpu.memory_space<vmem>>
      %dma_start3A_834 = arith.constant 0 : i32
      %dma_start3A_835 = arith.constant 0 : i32
      %dma_start3A_836 = tpu.memref_slice %arg9[%dma_start3A_834, %dma_start3A_835] : memref<100352x16xf32, #tpu.memory_space<vmem_shared>> -> memref<100352x16xf32, #tpu.memory_space<vmem_shared>>
      tpu.enqueue_indirect_dma source(%dma_start3A_830 : memref<128x16xf32, #tpu.memory_space<vmem>>) target(%dma_start3A_836 : memref<100352x16xf32, #tpu.memory_space<vmem_shared>>) offsets(%dma_start3A_833 : memref<128xi32, #tpu.memory_space<vmem>>) semaphore(%arg22 : memref<!tpu.dma_semaphore, #tpu.memory_space<semaphore_mem>>) {add = true}
      %dma_start3A_837 = arith.constant 1 : i32
      %dma_start3A_838 = arith.constant 1 : i32
      %dma_start3A_839 = arith.constant 0 : i32
      %dma_start3A_840 = arith.constant 0 : i32
      %dma_start3A_841 = tpu.memref_slice %arg15[%dma_start3A_837, %dma_start3A_839, %dma_start3A_840] : memref<4x128x16xf32, #tpu.memory_space<vmem>> -> memref<1x128x16xf32, #tpu.memory_space<vmem>>
      %dma_start3A_842 = tpu.memref_squeeze %dma_start3A_841 : memref<1x128x16xf32, #tpu.memory_space<vmem>> -> memref<128x16xf32, #tpu.memory_space<vmem>>
      %dma_start3A_843 = arith.constant 0 : i32
      %dma_start3A_844 = tpu.memref_slice %arg13[%dma_start3A_838, %dma_start3A_843] : memref<4x128xi32, #tpu.memory_space<vmem>> -> memref<1x128xi32, #tpu.memory_space<vmem>>
      %dma_start3A_845 = tpu.memref_squeeze %dma_start3A_844 : memref<1x128xi32, #tpu.memory_space<vmem>> -> memref<128xi32, #tpu.memory_space<vmem>>
      %dma_start3A_846 = arith.constant 0 : i32
      %dma_start3A_847 = arith.constant 0 : i32
      %dma_start3A_848 = tpu.memref_slice %arg9[%dma_start3A_846, %dma_start3A_847] : memref<100352x16xf32, #tpu.memory_space<vmem_shared>> -> memref<100352x16xf32, #tpu.memory_space<vmem_shared>>
      tpu.enqueue_indirect_dma source(%dma_start3A_842 : memref<128x16xf32, #tpu.memory_space<vmem>>) target(%dma_start3A_848 : memref<100352x16xf32, #tpu.memory_space<vmem_shared>>) offsets(%dma_start3A_845 : memref<128xi32, #tpu.memory_space<vmem>>) semaphore(%arg22 : memref<!tpu.dma_semaphore, #tpu.memory_space<semaphore_mem>>) {add = true}
      %dma_start3A_849 = arith.constant 2 : i32
      %dma_start3A_850 = arith.constant 2 : i32
      %dma_start3A_851 = arith.constant 0 : i32
      %dma_start3A_852 = arith.constant 0 : i32
      %dma_start3A_853 = tpu.memref_slice %arg15[%dma_start3A_849, %dma_start3A_851, %dma_start3A_852] : memref<4x128x16xf32, #tpu.memory_space<vmem>> -> memref<1x128x16xf32, #tpu.memory_space<vmem>>
      %dma_start3A_854 = tpu.memref_squeeze %dma_start3A_853 : memref<1x128x16xf32, #tpu.memory_space<vmem>> -> memref<128x16xf32, #tpu.memory_space<vmem>>
      %dma_start3A_855 = arith.constant 0 : i32
      %dma_start3A_856 = tpu.memref_slice %arg13[%dma_start3A_850, %dma_start3A_855] : memref<4x128xi32, #tpu.memory_space<vmem>> -> memref<1x128xi32, #tpu.memory_space<vmem>>
      %dma_start3A_857 = tpu.memref_squeeze %dma_start3A_856 : memref<1x128xi32, #tpu.memory_space<vmem>> -> memref<128xi32, #tpu.memory_space<vmem>>
      %dma_start3A_858 = arith.constant 0 : i32
      %dma_start3A_859 = arith.constant 0 : i32
      %dma_start3A_860 = tpu.memref_slice %arg9[%dma_start3A_858, %dma_start3A_859] : memref<100352x16xf32, #tpu.memory_space<vmem_shared>> -> memref<100352x16xf32, #tpu.memory_space<vmem_shared>>
      tpu.enqueue_indirect_dma source(%dma_start3A_854 : memref<128x16xf32, #tpu.memory_space<vmem>>) target(%dma_start3A_860 : memref<100352x16xf32, #tpu.memory_space<vmem_shared>>) offsets(%dma_start3A_857 : memref<128xi32, #tpu.memory_space<vmem>>) semaphore(%arg22 : memref<!tpu.dma_semaphore, #tpu.memory_space<semaphore_mem>>) {add = true}
      %dma_start3A_861 = arith.constant 3 : i32
      %dma_start3A_862 = arith.constant 3 : i32
      %dma_start3A_863 = arith.constant 0 : i32
      %dma_start3A_864 = arith.constant 0 : i32
      %dma_start3A_865 = tpu.memref_slice %arg15[%dma_start3A_861, %dma_start3A_863, %dma_start3A_864] : memref<4x128x16xf32, #tpu.memory_space<vmem>> -> memref<1x128x16xf32, #tpu.memory_space<vmem>>
      %dma_start3A_866 = tpu.memref_squeeze %dma_start3A_865 : memref<1x128x16xf32, #tpu.memory_space<vmem>> -> memref<128x16xf32, #tpu.memory_space<vmem>>
      %dma_start3A_867 = arith.constant 0 : i32
      %dma_start3A_868 = tpu.memref_slice %arg13[%dma_start3A_862, %dma_start3A_867] : memref<4x128xi32, #tpu.memory_space<vmem>> -> memref<1x128xi32, #tpu.memory_space<vmem>>
      %dma_start3A_869 = tpu.memref_squeeze %dma_start3A_868 : memref<1x128xi32, #tpu.memory_space<vmem>> -> memref<128xi32, #tpu.memory_space<vmem>>
      %dma_start3A_870 = arith.constant 0 : i32
      %dma_start3A_871 = arith.constant 0 : i32
      %dma_start3A_872 = tpu.memref_slice %arg9[%dma_start3A_870, %dma_start3A_871] : memref<100352x16xf32, #tpu.memory_space<vmem_shared>> -> memref<100352x16xf32, #tpu.memory_space<vmem_shared>>
      tpu.enqueue_indirect_dma source(%dma_start3A_866 : memref<128x16xf32, #tpu.memory_space<vmem>>) target(%dma_start3A_872 : memref<100352x16xf32, #tpu.memory_space<vmem_shared>>) offsets(%dma_start3A_869 : memref<128xi32, #tpu.memory_space<vmem>>) semaphore(%arg22 : memref<!tpu.dma_semaphore, #tpu.memory_space<semaphore_mem>>) {add = true}
      %mul3A_873 = arith.constant 2 : i32
      %mul3A_874 = arith.muli %mul3A_873, %add3A_646 : i32
      %add3A_875 = arith.constant 2 : i32
      %add3A_876 = arith.addi %mul3A_874, %add3A_875 : i32
      %add3A_877 = arith.constant 0 : i32
      %add3A_878 = arith.addi %add3A_876, %add3A_877 : i32
      %mul3A_879 = arith.constant 4 : i32
      %mul3A_880 = arith.muli %add3A_878, %mul3A_879 : i32
      %add3A_881 = arith.addi %mul3A_4, %mul3A_880 : i32
      %min3A_882 = arith.constant 12540 : i32
      %min3A_883 = arith.minsi %add3A_881, %min3A_882 : i32
      %dma_start3A_884 = arith.constant 0 : i32
      %dma_start3A_885 = tpu.memref_slice %arg2[%min3A_883, %dma_start3A_884] : memref<12544x128xi32, #tpu.memory_space<hbm>> -> memref<4x128xi32, #tpu.memory_space<hbm>>
      %dma_start3A_886 = arith.constant 0 : i32
      %dma_start3A_887 = tpu.memref_slice %arg2[%min3A_883, %dma_start3A_886] : memref<12544x128xi32, #tpu.memory_space<hbm>> -> memref<4x128xi32, #tpu.memory_space<hbm>>
      tpu.enqueue_dma source(%dma_start3A_887 : memref<4x128xi32, #tpu.memory_space<hbm>>) target(%arg11 : memref<4x128xi32, #tpu.memory_space<vmem>>) target_semaphore(%arg24 : memref<!tpu.dma_semaphore, #tpu.memory_space<semaphore_mem>>)
      %dma_wait3A_888 = arith.constant 0 : i32
      %dma_wait3A_889 = arith.constant 0 : i32
      %dma_wait3A_890 = arith.constant 0 : i32
      %dma_wait3A_891 = arith.constant 0 : i32
      %dma_wait3A_892 = tpu.memref_slice %arg16[%dma_wait3A_889, %dma_wait3A_890, %dma_wait3A_891] : memref<4x128x16xf32, #tpu.memory_space<vmem>> -> memref<1x128x16xf32, #tpu.memory_space<vmem>>
      %dma_wait3A_893 = tpu.memref_squeeze %dma_wait3A_892 : memref<1x128x16xf32, #tpu.memory_space<vmem>> -> memref<128x16xf32, #tpu.memory_space<vmem>>
      %dma_wait3A_894 = arith.constant 0 : i32
      %dma_wait3A_895 = tpu.memref_slice %arg12[%dma_wait3A_888, %dma_wait3A_894] : memref<4x128xi32, #tpu.memory_space<vmem>> -> memref<1x128xi32, #tpu.memory_space<vmem>>
      %dma_wait3A_896 = tpu.memref_squeeze %dma_wait3A_895 : memref<1x128xi32, #tpu.memory_space<vmem>> -> memref<128xi32, #tpu.memory_space<vmem>>
      %dma_wait3A_897 = arith.constant 0 : i32
      %dma_wait3A_898 = arith.constant 0 : i32
      %dma_wait3A_899 = tpu.memref_slice %arg8[%dma_wait3A_897, %dma_wait3A_898] : memref<200704x16xf32, #tpu.memory_space<hbm>> -> memref<200704x16xf32, #tpu.memory_space<hbm>>
      tpu.wait_indirect_dma semaphore(%arg21 : memref<!tpu.dma_semaphore, #tpu.memory_space<semaphore_mem>>) src(%dma_wait3A_899 : memref<200704x16xf32, #tpu.memory_space<hbm>>) dst(%dma_wait3A_893 : memref<128x16xf32, #tpu.memory_space<vmem>>)
      %dma_wait3A_900 = arith.constant 1 : i32
      %dma_wait3A_901 = arith.constant 1 : i32
      %dma_wait3A_902 = arith.constant 0 : i32
      %dma_wait3A_903 = arith.constant 0 : i32
      %dma_wait3A_904 = tpu.memref_slice %arg16[%dma_wait3A_901, %dma_wait3A_902, %dma_wait3A_903] : memref<4x128x16xf32, #tpu.memory_space<vmem>> -> memref<1x128x16xf32, #tpu.memory_space<vmem>>
      %dma_wait3A_905 = tpu.memref_squeeze %dma_wait3A_904 : memref<1x128x16xf32, #tpu.memory_space<vmem>> -> memref<128x16xf32, #tpu.memory_space<vmem>>
      %dma_wait3A_906 = arith.constant 0 : i32
      %dma_wait3A_907 = tpu.memref_slice %arg12[%dma_wait3A_900, %dma_wait3A_906] : memref<4x128xi32, #tpu.memory_space<vmem>> -> memref<1x128xi32, #tpu.memory_space<vmem>>
      %dma_wait3A_908 = tpu.memref_squeeze %dma_wait3A_907 : memref<1x128xi32, #tpu.memory_space<vmem>> -> memref<128xi32, #tpu.memory_space<vmem>>
      %dma_wait3A_909 = arith.constant 0 : i32
      %dma_wait3A_910 = arith.constant 0 : i32
      %dma_wait3A_911 = tpu.memref_slice %arg8[%dma_wait3A_909, %dma_wait3A_910] : memref<200704x16xf32, #tpu.memory_space<hbm>> -> memref<200704x16xf32, #tpu.memory_space<hbm>>
      tpu.wait_indirect_dma semaphore(%arg21 : memref<!tpu.dma_semaphore, #tpu.memory_space<semaphore_mem>>) src(%dma_wait3A_911 : memref<200704x16xf32, #tpu.memory_space<hbm>>) dst(%dma_wait3A_905 : memref<128x16xf32, #tpu.memory_space<vmem>>)
      %dma_wait3A_912 = arith.constant 2 : i32
      %dma_wait3A_913 = arith.constant 2 : i32
      %dma_wait3A_914 = arith.constant 0 : i32
      %dma_wait3A_915 = arith.constant 0 : i32
      %dma_wait3A_916 = tpu.memref_slice %arg16[%dma_wait3A_913, %dma_wait3A_914, %dma_wait3A_915] : memref<4x128x16xf32, #tpu.memory_space<vmem>> -> memref<1x128x16xf32, #tpu.memory_space<vmem>>
      %dma_wait3A_917 = tpu.memref_squeeze %dma_wait3A_916 : memref<1x128x16xf32, #tpu.memory_space<vmem>> -> memref<128x16xf32, #tpu.memory_space<vmem>>
      %dma_wait3A_918 = arith.constant 0 : i32
      %dma_wait3A_919 = tpu.memref_slice %arg12[%dma_wait3A_912, %dma_wait3A_918] : memref<4x128xi32, #tpu.memory_space<vmem>> -> memref<1x128xi32, #tpu.memory_space<vmem>>
      %dma_wait3A_920 = tpu.memref_squeeze %dma_wait3A_919 : memref<1x128xi32, #tpu.memory_space<vmem>> -> memref<128xi32, #tpu.memory_space<vmem>>
      %dma_wait3A_921 = arith.constant 0 : i32
      %dma_wait3A_922 = arith.constant 0 : i32
      %dma_wait3A_923 = tpu.memref_slice %arg8[%dma_wait3A_921, %dma_wait3A_922] : memref<200704x16xf32, #tpu.memory_space<hbm>> -> memref<200704x16xf32, #tpu.memory_space<hbm>>
      tpu.wait_indirect_dma semaphore(%arg21 : memref<!tpu.dma_semaphore, #tpu.memory_space<semaphore_mem>>) src(%dma_wait3A_923 : memref<200704x16xf32, #tpu.memory_space<hbm>>) dst(%dma_wait3A_917 : memref<128x16xf32, #tpu.memory_space<vmem>>)
      %dma_wait3A_924 = arith.constant 3 : i32
      %dma_wait3A_925 = arith.constant 3 : i32
      %dma_wait3A_926 = arith.constant 0 : i32
      %dma_wait3A_927 = arith.constant 0 : i32
      %dma_wait3A_928 = tpu.memref_slice %arg16[%dma_wait3A_925, %dma_wait3A_926, %dma_wait3A_927] : memref<4x128x16xf32, #tpu.memory_space<vmem>> -> memref<1x128x16xf32, #tpu.memory_space<vmem>>
      %dma_wait3A_929 = tpu.memref_squeeze %dma_wait3A_928 : memref<1x128x16xf32, #tpu.memory_space<vmem>> -> memref<128x16xf32, #tpu.memory_space<vmem>>
      %dma_wait3A_930 = arith.constant 0 : i32
      %dma_wait3A_931 = tpu.memref_slice %arg12[%dma_wait3A_924, %dma_wait3A_930] : memref<4x128xi32, #tpu.memory_space<vmem>> -> memref<1x128xi32, #tpu.memory_space<vmem>>
      %dma_wait3A_932 = tpu.memref_squeeze %dma_wait3A_931 : memref<1x128xi32, #tpu.memory_space<vmem>> -> memref<128xi32, #tpu.memory_space<vmem>>
      %dma_wait3A_933 = arith.constant 0 : i32
      %dma_wait3A_934 = arith.constant 0 : i32
      %dma_wait3A_935 = tpu.memref_slice %arg8[%dma_wait3A_933, %dma_wait3A_934] : memref<200704x16xf32, #tpu.memory_space<hbm>> -> memref<200704x16xf32, #tpu.memory_space<hbm>>
      tpu.wait_indirect_dma semaphore(%arg21 : memref<!tpu.dma_semaphore, #tpu.memory_space<semaphore_mem>>) src(%dma_wait3A_935 : memref<200704x16xf32, #tpu.memory_space<hbm>>) dst(%dma_wait3A_929 : memref<128x16xf32, #tpu.memory_space<vmem>>)
      %dma_start3A_936 = arith.constant 0 : i32
      %dma_start3A_937 = arith.constant 0 : i32
      %dma_start3A_938 = arith.constant 0 : i32
      %dma_start3A_939 = arith.constant 0 : i32
      %dma_start3A_940 = tpu.memref_slice %arg16[%dma_start3A_936, %dma_start3A_938, %dma_start3A_939] : memref<4x128x16xf32, #tpu.memory_space<vmem>> -> memref<1x128x16xf32, #tpu.memory_space<vmem>>
      %dma_start3A_941 = tpu.memref_squeeze %dma_start3A_940 : memref<1x128x16xf32, #tpu.memory_space<vmem>> -> memref<128x16xf32, #tpu.memory_space<vmem>>
      %dma_start3A_942 = arith.constant 0 : i32
      %dma_start3A_943 = tpu.memref_slice %arg14[%dma_start3A_937, %dma_start3A_942] : memref<4x128xi32, #tpu.memory_space<vmem>> -> memref<1x128xi32, #tpu.memory_space<vmem>>
      %dma_start3A_944 = tpu.memref_squeeze %dma_start3A_943 : memref<1x128xi32, #tpu.memory_space<vmem>> -> memref<128xi32, #tpu.memory_space<vmem>>
      %dma_start3A_945 = arith.constant 0 : i32
      %dma_start3A_946 = arith.constant 0 : i32
      %dma_start3A_947 = tpu.memref_slice %arg9[%dma_start3A_945, %dma_start3A_946] : memref<100352x16xf32, #tpu.memory_space<vmem_shared>> -> memref<100352x16xf32, #tpu.memory_space<vmem_shared>>
      tpu.enqueue_indirect_dma source(%dma_start3A_941 : memref<128x16xf32, #tpu.memory_space<vmem>>) target(%dma_start3A_947 : memref<100352x16xf32, #tpu.memory_space<vmem_shared>>) offsets(%dma_start3A_944 : memref<128xi32, #tpu.memory_space<vmem>>) semaphore(%arg23 : memref<!tpu.dma_semaphore, #tpu.memory_space<semaphore_mem>>) {add = true}
      %dma_start3A_948 = arith.constant 1 : i32
      %dma_start3A_949 = arith.constant 1 : i32
      %dma_start3A_950 = arith.constant 0 : i32
      %dma_start3A_951 = arith.constant 0 : i32
      %dma_start3A_952 = tpu.memref_slice %arg16[%dma_start3A_948, %dma_start3A_950, %dma_start3A_951] : memref<4x128x16xf32, #tpu.memory_space<vmem>> -> memref<1x128x16xf32, #tpu.memory_space<vmem>>
      %dma_start3A_953 = tpu.memref_squeeze %dma_start3A_952 : memref<1x128x16xf32, #tpu.memory_space<vmem>> -> memref<128x16xf32, #tpu.memory_space<vmem>>
      %dma_start3A_954 = arith.constant 0 : i32
      %dma_start3A_955 = tpu.memref_slice %arg14[%dma_start3A_949, %dma_start3A_954] : memref<4x128xi32, #tpu.memory_space<vmem>> -> memref<1x128xi32, #tpu.memory_space<vmem>>
      %dma_start3A_956 = tpu.memref_squeeze %dma_start3A_955 : memref<1x128xi32, #tpu.memory_space<vmem>> -> memref<128xi32, #tpu.memory_space<vmem>>
      %dma_start3A_957 = arith.constant 0 : i32
      %dma_start3A_958 = arith.constant 0 : i32
      %dma_start3A_959 = tpu.memref_slice %arg9[%dma_start3A_957, %dma_start3A_958] : memref<100352x16xf32, #tpu.memory_space<vmem_shared>> -> memref<100352x16xf32, #tpu.memory_space<vmem_shared>>
      tpu.enqueue_indirect_dma source(%dma_start3A_953 : memref<128x16xf32, #tpu.memory_space<vmem>>) target(%dma_start3A_959 : memref<100352x16xf32, #tpu.memory_space<vmem_shared>>) offsets(%dma_start3A_956 : memref<128xi32, #tpu.memory_space<vmem>>) semaphore(%arg23 : memref<!tpu.dma_semaphore, #tpu.memory_space<semaphore_mem>>) {add = true}
      %dma_start3A_960 = arith.constant 2 : i32
      %dma_start3A_961 = arith.constant 2 : i32
      %dma_start3A_962 = arith.constant 0 : i32
      %dma_start3A_963 = arith.constant 0 : i32
      %dma_start3A_964 = tpu.memref_slice %arg16[%dma_start3A_960, %dma_start3A_962, %dma_start3A_963] : memref<4x128x16xf32, #tpu.memory_space<vmem>> -> memref<1x128x16xf32, #tpu.memory_space<vmem>>
      %dma_start3A_965 = tpu.memref_squeeze %dma_start3A_964 : memref<1x128x16xf32, #tpu.memory_space<vmem>> -> memref<128x16xf32, #tpu.memory_space<vmem>>
      %dma_start3A_966 = arith.constant 0 : i32
      %dma_start3A_967 = tpu.memref_slice %arg14[%dma_start3A_961, %dma_start3A_966] : memref<4x128xi32, #tpu.memory_space<vmem>> -> memref<1x128xi32, #tpu.memory_space<vmem>>
      %dma_start3A_968 = tpu.memref_squeeze %dma_start3A_967 : memref<1x128xi32, #tpu.memory_space<vmem>> -> memref<128xi32, #tpu.memory_space<vmem>>
      %dma_start3A_969 = arith.constant 0 : i32
      %dma_start3A_970 = arith.constant 0 : i32
      %dma_start3A_971 = tpu.memref_slice %arg9[%dma_start3A_969, %dma_start3A_970] : memref<100352x16xf32, #tpu.memory_space<vmem_shared>> -> memref<100352x16xf32, #tpu.memory_space<vmem_shared>>
      tpu.enqueue_indirect_dma source(%dma_start3A_965 : memref<128x16xf32, #tpu.memory_space<vmem>>) target(%dma_start3A_971 : memref<100352x16xf32, #tpu.memory_space<vmem_shared>>) offsets(%dma_start3A_968 : memref<128xi32, #tpu.memory_space<vmem>>) semaphore(%arg23 : memref<!tpu.dma_semaphore, #tpu.memory_space<semaphore_mem>>) {add = true}
      %dma_start3A_972 = arith.constant 3 : i32
      %dma_start3A_973 = arith.constant 3 : i32
      %dma_start3A_974 = arith.constant 0 : i32
      %dma_start3A_975 = arith.constant 0 : i32
      %dma_start3A_976 = tpu.memref_slice %arg16[%dma_start3A_972, %dma_start3A_974, %dma_start3A_975] : memref<4x128x16xf32, #tpu.memory_space<vmem>> -> memref<1x128x16xf32, #tpu.memory_space<vmem>>
      %dma_start3A_977 = tpu.memref_squeeze %dma_start3A_976 : memref<1x128x16xf32, #tpu.memory_space<vmem>> -> memref<128x16xf32, #tpu.memory_space<vmem>>
      %dma_start3A_978 = arith.constant 0 : i32
      %dma_start3A_979 = tpu.memref_slice %arg14[%dma_start3A_973, %dma_start3A_978] : memref<4x128xi32, #tpu.memory_space<vmem>> -> memref<1x128xi32, #tpu.memory_space<vmem>>
      %dma_start3A_980 = tpu.memref_squeeze %dma_start3A_979 : memref<1x128xi32, #tpu.memory_space<vmem>> -> memref<128xi32, #tpu.memory_space<vmem>>
      %dma_start3A_981 = arith.constant 0 : i32
      %dma_start3A_982 = arith.constant 0 : i32
      %dma_start3A_983 = tpu.memref_slice %arg9[%dma_start3A_981, %dma_start3A_982] : memref<100352x16xf32, #tpu.memory_space<vmem_shared>> -> memref<100352x16xf32, #tpu.memory_space<vmem_shared>>
      tpu.enqueue_indirect_dma source(%dma_start3A_977 : memref<128x16xf32, #tpu.memory_space<vmem>>) target(%dma_start3A_983 : memref<100352x16xf32, #tpu.memory_space<vmem_shared>>) offsets(%dma_start3A_980 : memref<128xi32, #tpu.memory_space<vmem>>) semaphore(%arg23 : memref<!tpu.dma_semaphore, #tpu.memory_space<semaphore_mem>>) {add = true}
      %mul3A_984 = arith.constant 2 : i32
      %mul3A_985 = arith.muli %mul3A_984, %add3A_646 : i32
      %add3A_986 = arith.constant 2 : i32
      %add3A_987 = arith.addi %mul3A_985, %add3A_986 : i32
      %add3A_988 = arith.constant 1 : i32
      %add3A_989 = arith.addi %add3A_987, %add3A_988 : i32
      %mul3A_990 = arith.constant 4 : i32
      %mul3A_991 = arith.muli %add3A_989, %mul3A_990 : i32
      %add3A_992 = arith.addi %mul3A_4, %mul3A_991 : i32
      %min3A_993 = arith.constant 12540 : i32
      %min3A_994 = arith.minsi %add3A_992, %min3A_993 : i32
      %dma_start3A_995 = arith.constant 0 : i32
      %dma_start3A_996 = tpu.memref_slice %arg2[%min3A_994, %dma_start3A_995] : memref<12544x128xi32, #tpu.memory_space<hbm>> -> memref<4x128xi32, #tpu.memory_space<hbm>>
      %dma_start3A_997 = arith.constant 0 : i32
      %dma_start3A_998 = tpu.memref_slice %arg2[%min3A_994, %dma_start3A_997] : memref<12544x128xi32, #tpu.memory_space<hbm>> -> memref<4x128xi32, #tpu.memory_space<hbm>>
      tpu.enqueue_dma source(%dma_start3A_998 : memref<4x128xi32, #tpu.memory_space<hbm>>) target(%arg12 : memref<4x128xi32, #tpu.memory_space<vmem>>) target_semaphore(%arg25 : memref<!tpu.dma_semaphore, #tpu.memory_space<semaphore_mem>>)
      %dma_wait3A_999 = arith.constant 0 : i32
      %dma_wait3A_1000 = arith.constant 0 : i32
      %dma_wait3A_1001 = arith.constant 0 : i32
      %dma_wait3A_1002 = arith.constant 0 : i32
      %dma_wait3A_1003 = tpu.memref_slice %arg15[%dma_wait3A_999, %dma_wait3A_1001, %dma_wait3A_1002] : memref<4x128x16xf32, #tpu.memory_space<vmem>> -> memref<1x128x16xf32, #tpu.memory_space<vmem>>
      %dma_wait3A_1004 = tpu.memref_squeeze %dma_wait3A_1003 : memref<1x128x16xf32, #tpu.memory_space<vmem>> -> memref<128x16xf32, #tpu.memory_space<vmem>>
      %dma_wait3A_1005 = arith.constant 0 : i32
      %dma_wait3A_1006 = tpu.memref_slice %arg13[%dma_wait3A_1000, %dma_wait3A_1005] : memref<4x128xi32, #tpu.memory_space<vmem>> -> memref<1x128xi32, #tpu.memory_space<vmem>>
      %dma_wait3A_1007 = tpu.memref_squeeze %dma_wait3A_1006 : memref<1x128xi32, #tpu.memory_space<vmem>> -> memref<128xi32, #tpu.memory_space<vmem>>
      %dma_wait3A_1008 = arith.constant 0 : i32
      %dma_wait3A_1009 = arith.constant 0 : i32
      %dma_wait3A_1010 = tpu.memref_slice %arg9[%dma_wait3A_1008, %dma_wait3A_1009] : memref<100352x16xf32, #tpu.memory_space<vmem_shared>> -> memref<100352x16xf32, #tpu.memory_space<vmem_shared>>
      tpu.wait_indirect_dma semaphore(%arg22 : memref<!tpu.dma_semaphore, #tpu.memory_space<semaphore_mem>>) src(%dma_wait3A_1004 : memref<128x16xf32, #tpu.memory_space<vmem>>) dst(%dma_wait3A_1010 : memref<100352x16xf32, #tpu.memory_space<vmem_shared>>)
      %dma_wait3A_1011 = arith.constant 1 : i32
      %dma_wait3A_1012 = arith.constant 1 : i32
      %dma_wait3A_1013 = arith.constant 0 : i32
      %dma_wait3A_1014 = arith.constant 0 : i32
      %dma_wait3A_1015 = tpu.memref_slice %arg15[%dma_wait3A_1011, %dma_wait3A_1013, %dma_wait3A_1014] : memref<4x128x16xf32, #tpu.memory_space<vmem>> -> memref<1x128x16xf32, #tpu.memory_space<vmem>>
      %dma_wait3A_1016 = tpu.memref_squeeze %dma_wait3A_1015 : memref<1x128x16xf32, #tpu.memory_space<vmem>> -> memref<128x16xf32, #tpu.memory_space<vmem>>
      %dma_wait3A_1017 = arith.constant 0 : i32
      %dma_wait3A_1018 = tpu.memref_slice %arg13[%dma_wait3A_1012, %dma_wait3A_1017] : memref<4x128xi32, #tpu.memory_space<vmem>> -> memref<1x128xi32, #tpu.memory_space<vmem>>
      %dma_wait3A_1019 = tpu.memref_squeeze %dma_wait3A_1018 : memref<1x128xi32, #tpu.memory_space<vmem>> -> memref<128xi32, #tpu.memory_space<vmem>>
      %dma_wait3A_1020 = arith.constant 0 : i32
      %dma_wait3A_1021 = arith.constant 0 : i32
      %dma_wait3A_1022 = tpu.memref_slice %arg9[%dma_wait3A_1020, %dma_wait3A_1021] : memref<100352x16xf32, #tpu.memory_space<vmem_shared>> -> memref<100352x16xf32, #tpu.memory_space<vmem_shared>>
      tpu.wait_indirect_dma semaphore(%arg22 : memref<!tpu.dma_semaphore, #tpu.memory_space<semaphore_mem>>) src(%dma_wait3A_1016 : memref<128x16xf32, #tpu.memory_space<vmem>>) dst(%dma_wait3A_1022 : memref<100352x16xf32, #tpu.memory_space<vmem_shared>>)
      %dma_wait3A_1023 = arith.constant 2 : i32
      %dma_wait3A_1024 = arith.constant 2 : i32
      %dma_wait3A_1025 = arith.constant 0 : i32
      %dma_wait3A_1026 = arith.constant 0 : i32
      %dma_wait3A_1027 = tpu.memref_slice %arg15[%dma_wait3A_1023, %dma_wait3A_1025, %dma_wait3A_1026] : memref<4x128x16xf32, #tpu.memory_space<vmem>> -> memref<1x128x16xf32, #tpu.memory_space<vmem>>
      %dma_wait3A_1028 = tpu.memref_squeeze %dma_wait3A_1027 : memref<1x128x16xf32, #tpu.memory_space<vmem>> -> memref<128x16xf32, #tpu.memory_space<vmem>>
      %dma_wait3A_1029 = arith.constant 0 : i32
      %dma_wait3A_1030 = tpu.memref_slice %arg13[%dma_wait3A_1024, %dma_wait3A_1029] : memref<4x128xi32, #tpu.memory_space<vmem>> -> memref<1x128xi32, #tpu.memory_space<vmem>>
      %dma_wait3A_1031 = tpu.memref_squeeze %dma_wait3A_1030 : memref<1x128xi32, #tpu.memory_space<vmem>> -> memref<128xi32, #tpu.memory_space<vmem>>
      %dma_wait3A_1032 = arith.constant 0 : i32
      %dma_wait3A_1033 = arith.constant 0 : i32
      %dma_wait3A_1034 = tpu.memref_slice %arg9[%dma_wait3A_1032, %dma_wait3A_1033] : memref<100352x16xf32, #tpu.memory_space<vmem_shared>> -> memref<100352x16xf32, #tpu.memory_space<vmem_shared>>
      tpu.wait_indirect_dma semaphore(%arg22 : memref<!tpu.dma_semaphore, #tpu.memory_space<semaphore_mem>>) src(%dma_wait3A_1028 : memref<128x16xf32, #tpu.memory_space<vmem>>) dst(%dma_wait3A_1034 : memref<100352x16xf32, #tpu.memory_space<vmem_shared>>)
      %dma_wait3A_1035 = arith.constant 3 : i32
      %dma_wait3A_1036 = arith.constant 3 : i32
      %dma_wait3A_1037 = arith.constant 0 : i32
      %dma_wait3A_1038 = arith.constant 0 : i32
      %dma_wait3A_1039 = tpu.memref_slice %arg15[%dma_wait3A_1035, %dma_wait3A_1037, %dma_wait3A_1038] : memref<4x128x16xf32, #tpu.memory_space<vmem>> -> memref<1x128x16xf32, #tpu.memory_space<vmem>>
      %dma_wait3A_1040 = tpu.memref_squeeze %dma_wait3A_1039 : memref<1x128x16xf32, #tpu.memory_space<vmem>> -> memref<128x16xf32, #tpu.memory_space<vmem>>
      %dma_wait3A_1041 = arith.constant 0 : i32
      %dma_wait3A_1042 = tpu.memref_slice %arg13[%dma_wait3A_1036, %dma_wait3A_1041] : memref<4x128xi32, #tpu.memory_space<vmem>> -> memref<1x128xi32, #tpu.memory_space<vmem>>
      %dma_wait3A_1043 = tpu.memref_squeeze %dma_wait3A_1042 : memref<1x128xi32, #tpu.memory_space<vmem>> -> memref<128xi32, #tpu.memory_space<vmem>>
      %dma_wait3A_1044 = arith.constant 0 : i32
      %dma_wait3A_1045 = arith.constant 0 : i32
      %dma_wait3A_1046 = tpu.memref_slice %arg9[%dma_wait3A_1044, %dma_wait3A_1045] : memref<100352x16xf32, #tpu.memory_space<vmem_shared>> -> memref<100352x16xf32, #tpu.memory_space<vmem_shared>>
      tpu.wait_indirect_dma semaphore(%arg22 : memref<!tpu.dma_semaphore, #tpu.memory_space<semaphore_mem>>) src(%dma_wait3A_1040 : memref<128x16xf32, #tpu.memory_space<vmem>>) dst(%dma_wait3A_1046 : memref<100352x16xf32, #tpu.memory_space<vmem_shared>>)
      %mul3A_1047 = arith.constant 2 : i32
      %mul3A_1048 = arith.muli %mul3A_1047, %add3A_646 : i32
      %add3A_1049 = arith.constant 2 : i32
      %add3A_1050 = arith.addi %mul3A_1048, %add3A_1049 : i32
      %add3A_1051 = arith.constant 0 : i32
      %add3A_1052 = arith.addi %add3A_1050, %add3A_1051 : i32
      %mul3A_1053 = arith.constant 4 : i32
      %mul3A_1054 = arith.muli %add3A_1052, %mul3A_1053 : i32
      %add3A_1055 = arith.addi %mul3A_4, %mul3A_1054 : i32
      %min3A_1056 = arith.constant 12540 : i32
      %min3A_1057 = arith.minsi %add3A_1055, %min3A_1056 : i32
      %dma_start3A_1058 = arith.constant 0 : i32
      %dma_start3A_1059 = tpu.memref_slice %arg3[%min3A_1057, %dma_start3A_1058] : memref<12544x128xi32, #tpu.memory_space<hbm>> -> memref<4x128xi32, #tpu.memory_space<hbm>>
      %dma_start3A_1060 = arith.constant 0 : i32
      %dma_start3A_1061 = tpu.memref_slice %arg3[%min3A_1057, %dma_start3A_1060] : memref<12544x128xi32, #tpu.memory_space<hbm>> -> memref<4x128xi32, #tpu.memory_space<hbm>>
      tpu.enqueue_dma source(%dma_start3A_1061 : memref<4x128xi32, #tpu.memory_space<hbm>>) target(%arg13 : memref<4x128xi32, #tpu.memory_space<vmem>>) target_semaphore(%arg26 : memref<!tpu.dma_semaphore, #tpu.memory_space<semaphore_mem>>)
      %dma_wait3A_1062 = arith.constant 0 : i32
      %dma_wait3A_1063 = arith.constant 0 : i32
      %dma_wait3A_1064 = arith.constant 0 : i32
      %dma_wait3A_1065 = arith.constant 0 : i32
      %dma_wait3A_1066 = tpu.memref_slice %arg16[%dma_wait3A_1062, %dma_wait3A_1064, %dma_wait3A_1065] : memref<4x128x16xf32, #tpu.memory_space<vmem>> -> memref<1x128x16xf32, #tpu.memory_space<vmem>>
      %dma_wait3A_1067 = tpu.memref_squeeze %dma_wait3A_1066 : memref<1x128x16xf32, #tpu.memory_space<vmem>> -> memref<128x16xf32, #tpu.memory_space<vmem>>
      %dma_wait3A_1068 = arith.constant 0 : i32
      %dma_wait3A_1069 = tpu.memref_slice %arg14[%dma_wait3A_1063, %dma_wait3A_1068] : memref<4x128xi32, #tpu.memory_space<vmem>> -> memref<1x128xi32, #tpu.memory_space<vmem>>
      %dma_wait3A_1070 = tpu.memref_squeeze %dma_wait3A_1069 : memref<1x128xi32, #tpu.memory_space<vmem>> -> memref<128xi32, #tpu.memory_space<vmem>>
      %dma_wait3A_1071 = arith.constant 0 : i32
      %dma_wait3A_1072 = arith.constant 0 : i32
      %dma_wait3A_1073 = tpu.memref_slice %arg9[%dma_wait3A_1071, %dma_wait3A_1072] : memref<100352x16xf32, #tpu.memory_space<vmem_shared>> -> memref<100352x16xf32, #tpu.memory_space<vmem_shared>>
      tpu.wait_indirect_dma semaphore(%arg23 : memref<!tpu.dma_semaphore, #tpu.memory_space<semaphore_mem>>) src(%dma_wait3A_1067 : memref<128x16xf32, #tpu.memory_space<vmem>>) dst(%dma_wait3A_1073 : memref<100352x16xf32, #tpu.memory_space<vmem_shared>>)
      %dma_wait3A_1074 = arith.constant 1 : i32
      %dma_wait3A_1075 = arith.constant 1 : i32
      %dma_wait3A_1076 = arith.constant 0 : i32
      %dma_wait3A_1077 = arith.constant 0 : i32
      %dma_wait3A_1078 = tpu.memref_slice %arg16[%dma_wait3A_1074, %dma_wait3A_1076, %dma_wait3A_1077] : memref<4x128x16xf32, #tpu.memory_space<vmem>> -> memref<1x128x16xf32, #tpu.memory_space<vmem>>
      %dma_wait3A_1079 = tpu.memref_squeeze %dma_wait3A_1078 : memref<1x128x16xf32, #tpu.memory_space<vmem>> -> memref<128x16xf32, #tpu.memory_space<vmem>>
      %dma_wait3A_1080 = arith.constant 0 : i32
      %dma_wait3A_1081 = tpu.memref_slice %arg14[%dma_wait3A_1075, %dma_wait3A_1080] : memref<4x128xi32, #tpu.memory_space<vmem>> -> memref<1x128xi32, #tpu.memory_space<vmem>>
      %dma_wait3A_1082 = tpu.memref_squeeze %dma_wait3A_1081 : memref<1x128xi32, #tpu.memory_space<vmem>> -> memref<128xi32, #tpu.memory_space<vmem>>
      %dma_wait3A_1083 = arith.constant 0 : i32
      %dma_wait3A_1084 = arith.constant 0 : i32
      %dma_wait3A_1085 = tpu.memref_slice %arg9[%dma_wait3A_1083, %dma_wait3A_1084] : memref<100352x16xf32, #tpu.memory_space<vmem_shared>> -> memref<100352x16xf32, #tpu.memory_space<vmem_shared>>
      tpu.wait_indirect_dma semaphore(%arg23 : memref<!tpu.dma_semaphore, #tpu.memory_space<semaphore_mem>>) src(%dma_wait3A_1079 : memref<128x16xf32, #tpu.memory_space<vmem>>) dst(%dma_wait3A_1085 : memref<100352x16xf32, #tpu.memory_space<vmem_shared>>)
      %dma_wait3A_1086 = arith.constant 2 : i32
      %dma_wait3A_1087 = arith.constant 2 : i32
      %dma_wait3A_1088 = arith.constant 0 : i32
      %dma_wait3A_1089 = arith.constant 0 : i32
      %dma_wait3A_1090 = tpu.memref_slice %arg16[%dma_wait3A_1086, %dma_wait3A_1088, %dma_wait3A_1089] : memref<4x128x16xf32, #tpu.memory_space<vmem>> -> memref<1x128x16xf32, #tpu.memory_space<vmem>>
      %dma_wait3A_1091 = tpu.memref_squeeze %dma_wait3A_1090 : memref<1x128x16xf32, #tpu.memory_space<vmem>> -> memref<128x16xf32, #tpu.memory_space<vmem>>
      %dma_wait3A_1092 = arith.constant 0 : i32
      %dma_wait3A_1093 = tpu.memref_slice %arg14[%dma_wait3A_1087, %dma_wait3A_1092] : memref<4x128xi32, #tpu.memory_space<vmem>> -> memref<1x128xi32, #tpu.memory_space<vmem>>
      %dma_wait3A_1094 = tpu.memref_squeeze %dma_wait3A_1093 : memref<1x128xi32, #tpu.memory_space<vmem>> -> memref<128xi32, #tpu.memory_space<vmem>>
      %dma_wait3A_1095 = arith.constant 0 : i32
      %dma_wait3A_1096 = arith.constant 0 : i32
      %dma_wait3A_1097 = tpu.memref_slice %arg9[%dma_wait3A_1095, %dma_wait3A_1096] : memref<100352x16xf32, #tpu.memory_space<vmem_shared>> -> memref<100352x16xf32, #tpu.memory_space<vmem_shared>>
      tpu.wait_indirect_dma semaphore(%arg23 : memref<!tpu.dma_semaphore, #tpu.memory_space<semaphore_mem>>) src(%dma_wait3A_1091 : memref<128x16xf32, #tpu.memory_space<vmem>>) dst(%dma_wait3A_1097 : memref<100352x16xf32, #tpu.memory_space<vmem_shared>>)
      %dma_wait3A_1098 = arith.constant 3 : i32
      %dma_wait3A_1099 = arith.constant 3 : i32
      %dma_wait3A_1100 = arith.constant 0 : i32
      %dma_wait3A_1101 = arith.constant 0 : i32
      %dma_wait3A_1102 = tpu.memref_slice %arg16[%dma_wait3A_1098, %dma_wait3A_1100, %dma_wait3A_1101] : memref<4x128x16xf32, #tpu.memory_space<vmem>> -> memref<1x128x16xf32, #tpu.memory_space<vmem>>
      %dma_wait3A_1103 = tpu.memref_squeeze %dma_wait3A_1102 : memref<1x128x16xf32, #tpu.memory_space<vmem>> -> memref<128x16xf32, #tpu.memory_space<vmem>>
      %dma_wait3A_1104 = arith.constant 0 : i32
      %dma_wait3A_1105 = tpu.memref_slice %arg14[%dma_wait3A_1099, %dma_wait3A_1104] : memref<4x128xi32, #tpu.memory_space<vmem>> -> memref<1x128xi32, #tpu.memory_space<vmem>>
      %dma_wait3A_1106 = tpu.memref_squeeze %dma_wait3A_1105 : memref<1x128xi32, #tpu.memory_space<vmem>> -> memref<128xi32, #tpu.memory_space<vmem>>
      %dma_wait3A_1107 = arith.constant 0 : i32
      %dma_wait3A_1108 = arith.constant 0 : i32
      %dma_wait3A_1109 = tpu.memref_slice %arg9[%dma_wait3A_1107, %dma_wait3A_1108] : memref<100352x16xf32, #tpu.memory_space<vmem_shared>> -> memref<100352x16xf32, #tpu.memory_space<vmem_shared>>
      tpu.wait_indirect_dma semaphore(%arg23 : memref<!tpu.dma_semaphore, #tpu.memory_space<semaphore_mem>>) src(%dma_wait3A_1103 : memref<128x16xf32, #tpu.memory_space<vmem>>) dst(%dma_wait3A_1109 : memref<100352x16xf32, #tpu.memory_space<vmem_shared>>)
      %mul3A_1110 = arith.constant 2 : i32
      %mul3A_1111 = arith.muli %mul3A_1110, %add3A_646 : i32
      %add3A_1112 = arith.constant 2 : i32
      %add3A_1113 = arith.addi %mul3A_1111, %add3A_1112 : i32
      %add3A_1114 = arith.constant 1 : i32
      %add3A_1115 = arith.addi %add3A_1113, %add3A_1114 : i32
      %mul3A_1116 = arith.constant 4 : i32
      %mul3A_1117 = arith.muli %add3A_1115, %mul3A_1116 : i32
      %add3A_1118 = arith.addi %mul3A_4, %mul3A_1117 : i32
      %min3A_1119 = arith.constant 12540 : i32
      %min3A_1120 = arith.minsi %add3A_1118, %min3A_1119 : i32
      %dma_start3A_1121 = arith.constant 0 : i32
      %dma_start3A_1122 = tpu.memref_slice %arg3[%min3A_1120, %dma_start3A_1121] : memref<12544x128xi32, #tpu.memory_space<hbm>> -> memref<4x128xi32, #tpu.memory_space<hbm>>
      %dma_start3A_1123 = arith.constant 0 : i32
      %dma_start3A_1124 = tpu.memref_slice %arg3[%min3A_1120, %dma_start3A_1123] : memref<12544x128xi32, #tpu.memory_space<hbm>> -> memref<4x128xi32, #tpu.memory_space<hbm>>
      tpu.enqueue_dma source(%dma_start3A_1124 : memref<4x128xi32, #tpu.memory_space<hbm>>) target(%arg14 : memref<4x128xi32, #tpu.memory_space<vmem>>) target_semaphore(%arg27 : memref<!tpu.dma_semaphore, #tpu.memory_space<semaphore_mem>>)
    }
    %scan3A_538 = arith.constant 98 : i32
    %dma_wait3A_539 = arith.constant 0 : i32
    %dma_wait3A_540 = arith.constant 0 : i32
    %dma_wait3A_541 = tpu.memref_slice %arg2[%dma_wait3A_539, %dma_wait3A_540] : memref<12544x128xi32, #tpu.memory_space<hbm>> -> memref<4x128xi32, #tpu.memory_space<hbm>>
    %dma_wait3A_542 = arith.constant 0 : i32
    %dma_wait3A_543 = arith.constant 0 : i32
    %dma_wait3A_544 = tpu.memref_slice %arg2[%dma_wait3A_542, %dma_wait3A_543] : memref<12544x128xi32, #tpu.memory_space<hbm>> -> memref<4x128xi32, #tpu.memory_space<hbm>>
    tpu.wait_dma2 semaphore(%arg24 : memref<!tpu.dma_semaphore, #tpu.memory_space<semaphore_mem>>) src(%dma_wait3A_544 : memref<4x128xi32, #tpu.memory_space<hbm>>) dst(%arg11 : memref<4x128xi32, #tpu.memory_space<vmem>>)
    %dma_wait3A_545 = arith.constant 0 : i32
    %dma_wait3A_546 = arith.constant 0 : i32
    %dma_wait3A_547 = tpu.memref_slice %arg3[%dma_wait3A_545, %dma_wait3A_546] : memref<12544x128xi32, #tpu.memory_space<hbm>> -> memref<4x128xi32, #tpu.memory_space<hbm>>
    %dma_wait3A_548 = arith.constant 0 : i32
    %dma_wait3A_549 = arith.constant 0 : i32
    %dma_wait3A_550 = tpu.memref_slice %arg3[%dma_wait3A_548, %dma_wait3A_549] : memref<12544x128xi32, #tpu.memory_space<hbm>> -> memref<4x128xi32, #tpu.memory_space<hbm>>
    tpu.wait_dma2 semaphore(%arg26 : memref<!tpu.dma_semaphore, #tpu.memory_space<semaphore_mem>>) src(%dma_wait3A_550 : memref<4x128xi32, #tpu.memory_space<hbm>>) dst(%arg13 : memref<4x128xi32, #tpu.memory_space<vmem>>)
    %dma_wait3A_551 = arith.constant 0 : i32
    %dma_wait3A_552 = arith.constant 0 : i32
    %dma_wait3A_553 = tpu.memref_slice %arg2[%dma_wait3A_551, %dma_wait3A_552] : memref<12544x128xi32, #tpu.memory_space<hbm>> -> memref<4x128xi32, #tpu.memory_space<hbm>>
    %dma_wait3A_554 = arith.constant 0 : i32
    %dma_wait3A_555 = arith.constant 0 : i32
    %dma_wait3A_556 = tpu.memref_slice %arg2[%dma_wait3A_554, %dma_wait3A_555] : memref<12544x128xi32, #tpu.memory_space<hbm>> -> memref<4x128xi32, #tpu.memory_space<hbm>>
    tpu.wait_dma2 semaphore(%arg25 : memref<!tpu.dma_semaphore, #tpu.memory_space<semaphore_mem>>) src(%dma_wait3A_556 : memref<4x128xi32, #tpu.memory_space<hbm>>) dst(%arg12 : memref<4x128xi32, #tpu.memory_space<vmem>>)
    %dma_wait3A_557 = arith.constant 0 : i32
    %dma_wait3A_558 = arith.constant 0 : i32
    %dma_wait3A_559 = tpu.memref_slice %arg3[%dma_wait3A_557, %dma_wait3A_558] : memref<12544x128xi32, #tpu.memory_space<hbm>> -> memref<4x128xi32, #tpu.memory_space<hbm>>
    %dma_wait3A_560 = arith.constant 0 : i32
    %dma_wait3A_561 = arith.constant 0 : i32
    %dma_wait3A_562 = tpu.memref_slice %arg3[%dma_wait3A_560, %dma_wait3A_561] : memref<12544x128xi32, #tpu.memory_space<hbm>> -> memref<4x128xi32, #tpu.memory_space<hbm>>
    tpu.wait_dma2 semaphore(%arg27 : memref<!tpu.dma_semaphore, #tpu.memory_space<semaphore_mem>>) src(%dma_wait3A_562 : memref<4x128xi32, #tpu.memory_space<hbm>>) dst(%arg14 : memref<4x128xi32, #tpu.memory_space<vmem>>)
    "tpu.trace_stop"() : () -> ()
    %barrier3A_563 = arith.constant 0 : index
    tpu.barrier barrier_id(%barrier3A_563)
    "tpu.trace_start"() <{level = 10 : i32, message = "ph_post2"}> : () -> ()
    %scan3A_564 = arith.constant 3 : i32
    %scan3A_565 = arith.constant 0 : i32
    %scan3A_566 = arith.constant 128 : i32
    %scan3A_567 = arith.addi %scan3A_565, %scan3A_566 : i32
    %scan3A_568 = arith.constant 1 : i32
    scf.for %scan3A_642 = %scan3A_565 to %scan3A_567 step %scan3A_568  : i32 {
      %mul3A_643 = arith.constant 1 : i32
      %mul3A_644 = arith.muli %scan3A_642, %mul3A_643 : i32
      %add3A_645 = arith.constant 0 : i32
      %add3A_646 = arith.addi %add3A_645, %mul3A_644 : i32
      %swap3A = arith.constant 0 : i32
      %swap3A_647 = arith.constant 0 : i32
      %swap3A_648 = tpu.memref_slice %arg15[%scan3A_564, %swap3A, %swap3A_647] : memref<4x128x16xf32, #tpu.memory_space<vmem>> -> memref<1x128x16xf32, #tpu.memory_space<vmem>>
      %swap3A_649 = tpu.memref_squeeze %swap3A_648 : memref<1x128x16xf32, #tpu.memory_space<vmem>> -> memref<128x16xf32, #tpu.memory_space<vmem>>
      %swap3A_650 = arith.index_cast %add3A_646 : i32 to index
      %swap3A_651 = arith.constant 0 : index
      %swap3A_652 = tpu.vector_load %swap3A_649[%swap3A_650, %swap3A_651] {strides = array<i32>} : memref<128x16xf32, #tpu.memory_space<vmem>>, vector<16xf32>,
      tpu.vector_store %swap3A_649[%swap3A_650, %swap3A_651], %broadcast_in_dim3A_7 {strides = array<i32>} : memref<128x16xf32, #tpu.memory_space<vmem>>, vector<16xf32>,
    }
    %scan3A_569 = arith.constant 128 : i32
    %add3A_570 = arith.constant 0 : i32
    %add3A_571 = arith.addi %mul3A_2, %add3A_570 : i32
    %add3A_572 = arith.addi %mul3A_0, %add3A_571 : i32
    %dma_start3A_573 = arith.constant 2 : i32
    %dma_start3A_574 = arith.constant 0 : i32
    %dma_start3A_575 = arith.constant 0 : i32
    %dma_start3A_576 = tpu.memref_slice %arg15[%dma_start3A_573, %dma_start3A_574, %dma_start3A_575] : memref<4x128x16xf32, #tpu.memory_space<vmem>> -> memref<1x128x16xf32, #tpu.memory_space<vmem>>
    %dma_start3A_577 = tpu.memref_squeeze %dma_start3A_576 : memref<1x128x16xf32, #tpu.memory_space<vmem>> -> memref<128x16xf32, #tpu.memory_space<vmem>>
    %dma_start3A_578 = arith.constant 0 : i32
    %dma_start3A_579 = tpu.memref_slice %arg5[%add3A_572, %dma_start3A_578] : memref<200704x16xf32, #tpu.memory_space<hbm>> -> memref<128x16xf32, #tpu.memory_space<hbm>>
    %dma_start3A_580 = arith.constant 0 : i32
    %dma_start3A_581 = arith.constant 0 : i32
    %dma_start3A_582 = tpu.memref_slice %arg15[%dma_start3A_573, %dma_start3A_580, %dma_start3A_581] : memref<4x128x16xf32, #tpu.memory_space<vmem>> -> memref<1x128x16xf32, #tpu.memory_space<vmem>>
    %dma_start3A_583 = tpu.memref_squeeze %dma_start3A_582 : memref<1x128x16xf32, #tpu.memory_space<vmem>> -> memref<128x16xf32, #tpu.memory_space<vmem>>
    %dma_start3A_584 = arith.constant 0 : i32
    %dma_start3A_585 = tpu.memref_slice %arg5[%add3A_572, %dma_start3A_584] : memref<200704x16xf32, #tpu.memory_space<hbm>> -> memref<128x16xf32, #tpu.memory_space<hbm>>
    tpu.enqueue_dma source(%dma_start3A_585 : memref<128x16xf32, #tpu.memory_space<hbm>>) target(%dma_start3A_583 : memref<128x16xf32, #tpu.memory_space<vmem>>) target_semaphore(%arg28 : memref<!tpu.dma_semaphore, #tpu.memory_space<semaphore_mem>>)
    %run_scoped3A_586 = arith.constant 0 : i32
    "tpu.region"() ({
      %run_scoped3A_642 = tpu.sem_alloc : memref<!tpu.dma_semaphore, #tpu.memory_space<semaphore_mem>>
      %dma_start3A_643 = arith.constant 0 : i32
      %dma_start3A_644 = arith.constant 0 : i32
      %dma_start3A_645 = tpu.memref_slice %arg15[%run_scoped3A_586, %dma_start3A_643, %dma_start3A_644] : memref<4x128x16xf32, #tpu.memory_space<vmem>> -> memref<1x128x16xf32, #tpu.memory_space<vmem>>
      %dma_start3A_646 = tpu.memref_squeeze %dma_start3A_645 : memref<1x128x16xf32, #tpu.memory_space<vmem>> -> memref<128x16xf32, #tpu.memory_space<vmem>>
      %dma_start3A_647 = arith.constant 0 : i32
      %dma_start3A_648 = tpu.memref_slice %arg9[%add3A_571, %dma_start3A_647] : memref<100352x16xf32, #tpu.memory_space<vmem_shared>> -> memref<128x16xf32, #tpu.memory_space<vmem_shared>>
      %dma_start3A_649 = arith.constant 0 : i32
      %dma_start3A_650 = arith.constant 0 : i32
      %dma_start3A_651 = tpu.memref_slice %arg15[%run_scoped3A_586, %dma_start3A_649, %dma_start3A_650] : memref<4x128x16xf32, #tpu.memory_space<vmem>> -> memref<1x128x16xf32, #tpu.memory_space<vmem>>
      %dma_start3A_652 = tpu.memref_squeeze %dma_start3A_651 : memref<1x128x16xf32, #tpu.memory_space<vmem>> -> memref<128x16xf32, #tpu.memory_space<vmem>>
      %dma_start3A_653 = arith.constant 0 : i32
      %dma_start3A_654 = tpu.memref_slice %arg9[%add3A_571, %dma_start3A_653] : memref<100352x16xf32, #tpu.memory_space<vmem_shared>> -> memref<128x16xf32, #tpu.memory_space<vmem_shared>>
      tpu.enqueue_dma source(%dma_start3A_654 : memref<128x16xf32, #tpu.memory_space<vmem_shared>>) target(%dma_start3A_652 : memref<128x16xf32, #tpu.memory_space<vmem>>) target_semaphore(%run_scoped3A_642 : memref<!tpu.dma_semaphore, #tpu.memory_space<semaphore_mem>>)
      %dma_wait3A_655 = arith.constant 0 : i32
      %dma_wait3A_656 = arith.constant 0 : i32
      %dma_wait3A_657 = tpu.memref_slice %arg15[%run_scoped3A_586, %dma_wait3A_655, %dma_wait3A_656] : memref<4x128x16xf32, #tpu.memory_space<vmem>> -> memref<1x128x16xf32, #tpu.memory_space<vmem>>
      %dma_wait3A_658 = tpu.memref_squeeze %dma_wait3A_657 : memref<1x128x16xf32, #tpu.memory_space<vmem>> -> memref<128x16xf32, #tpu.memory_space<vmem>>
      %dma_wait3A_659 = arith.constant 0 : i32
      %dma_wait3A_660 = tpu.memref_slice %arg9[%add3A_571, %dma_wait3A_659] : memref<100352x16xf32, #tpu.memory_space<vmem_shared>> -> memref<128x16xf32, #tpu.memory_space<vmem_shared>>
      %dma_wait3A_661 = arith.constant 0 : i32
      %dma_wait3A_662 = arith.constant 0 : i32
      %dma_wait3A_663 = tpu.memref_slice %arg15[%run_scoped3A_586, %dma_wait3A_661, %dma_wait3A_662] : memref<4x128x16xf32, #tpu.memory_space<vmem>> -> memref<1x128x16xf32, #tpu.memory_space<vmem>>
      %dma_wait3A_664 = tpu.memref_squeeze %dma_wait3A_663 : memref<1x128x16xf32, #tpu.memory_space<vmem>> -> memref<128x16xf32, #tpu.memory_space<vmem>>
      %dma_wait3A_665 = arith.constant 0 : i32
      %dma_wait3A_666 = tpu.memref_slice %arg9[%add3A_571, %dma_wait3A_665] : memref<100352x16xf32, #tpu.memory_space<vmem_shared>> -> memref<128x16xf32, #tpu.memory_space<vmem_shared>>
      tpu.wait_dma2 semaphore(%run_scoped3A_642 : memref<!tpu.dma_semaphore, #tpu.memory_space<semaphore_mem>>) src(%dma_wait3A_666 : memref<128x16xf32, #tpu.memory_space<vmem_shared>>) dst(%dma_wait3A_664 : memref<128x16xf32, #tpu.memory_space<vmem>>)
      tpu.yield
    }) : () -> ()
    "tpu.region"() ({
      %run_scoped3A_642 = tpu.sem_alloc : memref<!tpu.dma_semaphore, #tpu.memory_space<semaphore_mem>>
      %dma_start3A_643 = tpu.memref_slice %arg10[%add3A_571] : memref<100352xf32, #tpu.memory_space<vmem_shared>> -> memref<128xf32, #tpu.memory_space<vmem_shared>>
      %dma_start3A_644 = tpu.memref_slice %arg10[%add3A_571] : memref<100352xf32, #tpu.memory_space<vmem_shared>> -> memref<128xf32, #tpu.memory_space<vmem_shared>>
      tpu.enqueue_dma source(%dma_start3A_644 : memref<128xf32, #tpu.memory_space<vmem_shared>>) target(%arg19 : memref<128xf32, #tpu.memory_space<vmem>>) target_semaphore(%run_scoped3A_642 : memref<!tpu.dma_semaphore, #tpu.memory_space<semaphore_mem>>)
      %dma_wait3A_645 = tpu.memref_slice %arg10[%add3A_571] : memref<100352xf32, #tpu.memory_space<vmem_shared>> -> memref<128xf32, #tpu.memory_space<vmem_shared>>
      %dma_wait3A_646 = tpu.memref_slice %arg10[%add3A_571] : memref<100352xf32, #tpu.memory_space<vmem_shared>> -> memref<128xf32, #tpu.memory_space<vmem_shared>>
      tpu.wait_dma2 semaphore(%run_scoped3A_642 : memref<!tpu.dma_semaphore, #tpu.memory_space<semaphore_mem>>) src(%dma_wait3A_646 : memref<128xf32, #tpu.memory_space<vmem_shared>>) dst(%arg19 : memref<128xf32, #tpu.memory_space<vmem>>)
      tpu.yield
    }) : () -> ()
    %dma_wait3A_587 = arith.constant 2 : i32
    %dma_wait3A_588 = arith.constant 0 : i32
    %dma_wait3A_589 = arith.constant 0 : i32
    %dma_wait3A_590 = tpu.memref_slice %arg15[%dma_wait3A_587, %dma_wait3A_588, %dma_wait3A_589] : memref<4x128x16xf32, #tpu.memory_space<vmem>> -> memref<1x128x16xf32, #tpu.memory_space<vmem>>
    %dma_wait3A_591 = tpu.memref_squeeze %dma_wait3A_590 : memref<1x128x16xf32, #tpu.memory_space<vmem>> -> memref<128x16xf32, #tpu.memory_space<vmem>>
    %dma_wait3A_592 = arith.constant 0 : i32
    %dma_wait3A_593 = tpu.memref_slice %arg5[%add3A_572, %dma_wait3A_592] : memref<200704x16xf32, #tpu.memory_space<hbm>> -> memref<128x16xf32, #tpu.memory_space<hbm>>
    %dma_wait3A_594 = arith.constant 0 : i32
    %dma_wait3A_595 = arith.constant 0 : i32
    %dma_wait3A_596 = tpu.memref_slice %arg15[%dma_wait3A_587, %dma_wait3A_594, %dma_wait3A_595] : memref<4x128x16xf32, #tpu.memory_space<vmem>> -> memref<1x128x16xf32, #tpu.memory_space<vmem>>
    %dma_wait3A_597 = tpu.memref_squeeze %dma_wait3A_596 : memref<1x128x16xf32, #tpu.memory_space<vmem>> -> memref<128x16xf32, #tpu.memory_space<vmem>>
    %dma_wait3A_598 = arith.constant 0 : i32
    %dma_wait3A_599 = tpu.memref_slice %arg5[%add3A_572, %dma_wait3A_598] : memref<200704x16xf32, #tpu.memory_space<hbm>> -> memref<128x16xf32, #tpu.memory_space<hbm>>
    tpu.wait_dma2 semaphore(%arg28 : memref<!tpu.dma_semaphore, #tpu.memory_space<semaphore_mem>>) src(%dma_wait3A_599 : memref<128x16xf32, #tpu.memory_space<hbm>>) dst(%dma_wait3A_597 : memref<128x16xf32, #tpu.memory_space<vmem>>)
    %scan3A_600 = arith.constant 0 : i32
    %scan3A_601 = arith.constant 2 : i32
    %scan3A_602 = arith.constant 0 : i32
    %scan3A_603 = arith.constant 128 : i32
    %scan3A_604 = arith.addi %scan3A_602, %scan3A_603 : i32
    %scan3A_605 = arith.constant 1 : i32
    scf.for %scan3A_642 = %scan3A_602 to %scan3A_604 step %scan3A_605  : i32 {
      %mul3A_643 = arith.constant 1 : i32
      %mul3A_644 = arith.muli %scan3A_642, %mul3A_643 : i32
      %add3A_645 = arith.constant 0 : i32
      %add3A_646 = arith.addi %add3A_645, %mul3A_644 : i32
      %broadcast_in_dim3A_647 = vector.broadcast %add3A_646 : i32 to vector<16xi32>
      %gather3A = tpu.vector_load_idx %arg19[%broadcast_in_dim3A_647] : memref<128xf32, #tpu.memory_space<vmem>>[vector<16xi32>], vector<16xf32>,
      %get3A = arith.constant 0 : i32
      %get3A_648 = arith.constant 0 : i32
      %get3A_649 = tpu.memref_slice %arg15[%scan3A_600, %get3A, %get3A_648] : memref<4x128x16xf32, #tpu.memory_space<vmem>> -> memref<1x128x16xf32, #tpu.memory_space<vmem>>
      %get3A_650 = tpu.memref_squeeze %get3A_649 : memref<1x128x16xf32, #tpu.memory_space<vmem>> -> memref<128x16xf32, #tpu.memory_space<vmem>>
      %get3A_651 = arith.index_cast %add3A_646 : i32 to index
      %get3A_652 = arith.constant 0 : index
      %get3A_653 = tpu.vector_load %get3A_650[%get3A_651, %get3A_652] {strides = array<i32>} : memref<128x16xf32, #tpu.memory_space<vmem>>, vector<16xf32>,
      %mul3A_654 = arith.mulf %gather3A, %get3A_653 : vector<16xf32>
      %get3A_655 = arith.constant 0 : i32
      %get3A_656 = arith.constant 0 : i32
      %get3A_657 = tpu.memref_slice %arg15[%scan3A_601, %get3A_655, %get3A_656] : memref<4x128x16xf32, #tpu.memory_space<vmem>> -> memref<1x128x16xf32, #tpu.memory_space<vmem>>
      %get3A_658 = tpu.memref_squeeze %get3A_657 : memref<1x128x16xf32, #tpu.memory_space<vmem>> -> memref<128x16xf32, #tpu.memory_space<vmem>>
      %get3A_659 = arith.index_cast %add3A_646 : i32 to index
      %get3A_660 = arith.constant 0 : index
      %get3A_661 = tpu.vector_load %get3A_658[%get3A_659, %get3A_660] {strides = array<i32>} : memref<128x16xf32, #tpu.memory_space<vmem>>, vector<16xf32>,
      %add3A_662 = arith.addf %get3A_661, %mul3A_654 : vector<16xf32>
      %mul3A_663 = arith.constant 2.500000e-01 : f32
      %mul3A_664 = vector.broadcast %mul3A_663 : f32 to vector<16xf32>
      %mul3A_665 = arith.mulf %add3A_662, %mul3A_664 : vector<16xf32>
      %swap3A = arith.constant 0 : i32
      %swap3A_666 = arith.constant 0 : i32
      %swap3A_667 = tpu.memref_slice %arg15[%scan3A_601, %swap3A, %swap3A_666] : memref<4x128x16xf32, #tpu.memory_space<vmem>> -> memref<1x128x16xf32, #tpu.memory_space<vmem>>
      %swap3A_668 = tpu.memref_squeeze %swap3A_667 : memref<1x128x16xf32, #tpu.memory_space<vmem>> -> memref<128x16xf32, #tpu.memory_space<vmem>>
      %swap3A_669 = arith.index_cast %add3A_646 : i32 to index
      %swap3A_670 = arith.constant 0 : index
      %swap3A_671 = tpu.vector_load %swap3A_668[%swap3A_669, %swap3A_670] {strides = array<i32>} : memref<128x16xf32, #tpu.memory_space<vmem>>, vector<16xf32>,
      tpu.vector_store %swap3A_668[%swap3A_669, %swap3A_670], %mul3A_665 {strides = array<i32>} : memref<128x16xf32, #tpu.memory_space<vmem>>, vector<16xf32>,
    }
    %scan3A_606 = arith.constant 128 : i32
    %add3A_607 = arith.addi %mul3A_0, %add3A_571 : i32
    %dma_start3A_608 = arith.constant 2 : i32
    %dma_start3A_609 = arith.constant 0 : i32
    %dma_start3A_610 = arith.constant 0 : i32
    %dma_start3A_611 = tpu.memref_slice %arg15[%dma_start3A_608, %dma_start3A_609, %dma_start3A_610] : memref<4x128x16xf32, #tpu.memory_space<vmem>> -> memref<1x128x16xf32, #tpu.memory_space<vmem>>
    %dma_start3A_612 = tpu.memref_squeeze %dma_start3A_611 : memref<1x128x16xf32, #tpu.memory_space<vmem>> -> memref<128x16xf32, #tpu.memory_space<vmem>>
    %dma_start3A_613 = arith.constant 0 : i32
    %dma_start3A_614 = tpu.memref_slice %arg5[%add3A_607, %dma_start3A_613] : memref<200704x16xf32, #tpu.memory_space<hbm>> -> memref<128x16xf32, #tpu.memory_space<hbm>>
    %dma_start3A_615 = arith.constant 0 : i32
    %dma_start3A_616 = tpu.memref_slice %arg5[%add3A_607, %dma_start3A_615] : memref<200704x16xf32, #tpu.memory_space<hbm>> -> memref<128x16xf32, #tpu.memory_space<hbm>>
    %dma_start3A_617 = arith.constant 0 : i32
    %dma_start3A_618 = arith.constant 0 : i32
    %dma_start3A_619 = tpu.memref_slice %arg15[%dma_start3A_608, %dma_start3A_617, %dma_start3A_618] : memref<4x128x16xf32, #tpu.memory_space<vmem>> -> memref<1x128x16xf32, #tpu.memory_space<vmem>>
    %dma_start3A_620 = tpu.memref_squeeze %dma_start3A_619 : memref<1x128x16xf32, #tpu.memory_space<vmem>> -> memref<128x16xf32, #tpu.memory_space<vmem>>
    tpu.enqueue_dma source(%dma_start3A_620 : memref<128x16xf32, #tpu.memory_space<vmem>>) target(%dma_start3A_616 : memref<128x16xf32, #tpu.memory_space<hbm>>) target_semaphore(%arg29 : memref<!tpu.dma_semaphore, #tpu.memory_space<semaphore_mem>>)
    %scan3A_621 = arith.constant 2 : i32
    %scan3A_622 = arith.constant 0 : i32
    %scan3A_623 = arith.constant 0 : i32
    %scan3A_624 = arith.constant 48 : i32
    %scan3A_625 = arith.addi %scan3A_623, %scan3A_624 : i32
    %scan3A_626 = arith.constant 1 : i32
    scf.for %scan3A_642 = %scan3A_623 to %scan3A_625 step %scan3A_626  : i32 {
      %mul3A_643 = arith.constant 1 : i32
      %mul3A_644 = arith.muli %scan3A_642, %mul3A_643 : i32
      %add3A_645 = arith.constant 1 : i32
      %add3A_646 = arith.addi %add3A_645, %mul3A_644 : i32
      %mul3A_647 = arith.constant 128 : i32
      %mul3A_648 = arith.muli %add3A_646, %mul3A_647 : i32
      %add3A_649 = arith.addi %mul3A_2, %mul3A_648 : i32
      %dma_wait3A_650 = arith.constant 0 : i32
      %dma_wait3A_651 = arith.constant 0 : i32
      %dma_wait3A_652 = tpu.memref_slice %arg15[%scan3A_621, %dma_wait3A_650, %dma_wait3A_651] : memref<4x128x16xf32, #tpu.memory_space<vmem>> -> memref<1x128x16xf32, #tpu.memory_space<vmem>>
      %dma_wait3A_653 = tpu.memref_squeeze %dma_wait3A_652 : memref<1x128x16xf32, #tpu.memory_space<vmem>> -> memref<128x16xf32, #tpu.memory_space<vmem>>
      %dma_wait3A_654 = arith.constant 0 : i32
      %dma_wait3A_655 = tpu.memref_slice %arg5[%mul3A_0, %dma_wait3A_654] : memref<200704x16xf32, #tpu.memory_space<hbm>> -> memref<128x16xf32, #tpu.memory_space<hbm>>
      %dma_wait3A_656 = arith.constant 0 : i32
      %dma_wait3A_657 = tpu.memref_slice %arg5[%mul3A_0, %dma_wait3A_656] : memref<200704x16xf32, #tpu.memory_space<hbm>> -> memref<128x16xf32, #tpu.memory_space<hbm>>
      %dma_wait3A_658 = arith.constant 0 : i32
      %dma_wait3A_659 = arith.constant 0 : i32
      %dma_wait3A_660 = tpu.memref_slice %arg15[%scan3A_621, %dma_wait3A_658, %dma_wait3A_659] : memref<4x128x16xf32, #tpu.memory_space<vmem>> -> memref<1x128x16xf32, #tpu.memory_space<vmem>>
      %dma_wait3A_661 = tpu.memref_squeeze %dma_wait3A_660 : memref<1x128x16xf32, #tpu.memory_space<vmem>> -> memref<128x16xf32, #tpu.memory_space<vmem>>
      tpu.wait_dma2 semaphore(%arg29 : memref<!tpu.dma_semaphore, #tpu.memory_space<semaphore_mem>>) src(%dma_wait3A_661 : memref<128x16xf32, #tpu.memory_space<vmem>>) dst(%dma_wait3A_657 : memref<128x16xf32, #tpu.memory_space<hbm>>)
      %add3A_662 = arith.addi %mul3A_0, %add3A_649 : i32
      %dma_start3A_663 = arith.constant 0 : i32
      %dma_start3A_664 = arith.constant 0 : i32
      %dma_start3A_665 = tpu.memref_slice %arg15[%scan3A_621, %dma_start3A_663, %dma_start3A_664] : memref<4x128x16xf32, #tpu.memory_space<vmem>> -> memref<1x128x16xf32, #tpu.memory_space<vmem>>
      %dma_start3A_666 = tpu.memref_squeeze %dma_start3A_665 : memref<1x128x16xf32, #tpu.memory_space<vmem>> -> memref<128x16xf32, #tpu.memory_space<vmem>>
      %dma_start3A_667 = arith.constant 0 : i32
      %dma_start3A_668 = tpu.memref_slice %arg5[%add3A_662, %dma_start3A_667] : memref<200704x16xf32, #tpu.memory_space<hbm>> -> memref<128x16xf32, #tpu.memory_space<hbm>>
      %dma_start3A_669 = arith.constant 0 : i32
      %dma_start3A_670 = arith.constant 0 : i32
      %dma_start3A_671 = tpu.memref_slice %arg15[%scan3A_621, %dma_start3A_669, %dma_start3A_670] : memref<4x128x16xf32, #tpu.memory_space<vmem>> -> memref<1x128x16xf32, #tpu.memory_space<vmem>>
      %dma_start3A_672 = tpu.memref_squeeze %dma_start3A_671 : memref<1x128x16xf32, #tpu.memory_space<vmem>> -> memref<128x16xf32, #tpu.memory_space<vmem>>
      %dma_start3A_673 = arith.constant 0 : i32
      %dma_start3A_674 = tpu.memref_slice %arg5[%add3A_662, %dma_start3A_673] : memref<200704x16xf32, #tpu.memory_space<hbm>> -> memref<128x16xf32, #tpu.memory_space<hbm>>
      tpu.enqueue_dma source(%dma_start3A_674 : memref<128x16xf32, #tpu.memory_space<hbm>>) target(%dma_start3A_672 : memref<128x16xf32, #tpu.memory_space<vmem>>) target_semaphore(%arg28 : memref<!tpu.dma_semaphore, #tpu.memory_space<semaphore_mem>>)
      "tpu.region"() ({
        %run_scoped3A_705 = tpu.sem_alloc : memref<!tpu.dma_semaphore, #tpu.memory_space<semaphore_mem>>
        %dma_start3A_706 = arith.constant 0 : i32
        %dma_start3A_707 = arith.constant 0 : i32
        %dma_start3A_708 = tpu.memref_slice %arg15[%scan3A_622, %dma_start3A_706, %dma_start3A_707] : memref<4x128x16xf32, #tpu.memory_space<vmem>> -> memref<1x128x16xf32, #tpu.memory_space<vmem>>
        %dma_start3A_709 = tpu.memref_squeeze %dma_start3A_708 : memref<1x128x16xf32, #tpu.memory_space<vmem>> -> memref<128x16xf32, #tpu.memory_space<vmem>>
        %dma_start3A_710 = arith.constant 0 : i32
        %dma_start3A_711 = tpu.memref_slice %arg9[%add3A_649, %dma_start3A_710] : memref<100352x16xf32, #tpu.memory_space<vmem_shared>> -> memref<128x16xf32, #tpu.memory_space<vmem_shared>>
        %dma_start3A_712 = arith.constant 0 : i32
        %dma_start3A_713 = arith.constant 0 : i32
        %dma_start3A_714 = tpu.memref_slice %arg15[%scan3A_622, %dma_start3A_712, %dma_start3A_713] : memref<4x128x16xf32, #tpu.memory_space<vmem>> -> memref<1x128x16xf32, #tpu.memory_space<vmem>>
        %dma_start3A_715 = tpu.memref_squeeze %dma_start3A_714 : memref<1x128x16xf32, #tpu.memory_space<vmem>> -> memref<128x16xf32, #tpu.memory_space<vmem>>
        %dma_start3A_716 = arith.constant 0 : i32
        %dma_start3A_717 = tpu.memref_slice %arg9[%add3A_649, %dma_start3A_716] : memref<100352x16xf32, #tpu.memory_space<vmem_shared>> -> memref<128x16xf32, #tpu.memory_space<vmem_shared>>
        tpu.enqueue_dma source(%dma_start3A_717 : memref<128x16xf32, #tpu.memory_space<vmem_shared>>) target(%dma_start3A_715 : memref<128x16xf32, #tpu.memory_space<vmem>>) target_semaphore(%run_scoped3A_705 : memref<!tpu.dma_semaphore, #tpu.memory_space<semaphore_mem>>)
        %dma_wait3A_718 = arith.constant 0 : i32
        %dma_wait3A_719 = arith.constant 0 : i32
        %dma_wait3A_720 = tpu.memref_slice %arg15[%scan3A_622, %dma_wait3A_718, %dma_wait3A_719] : memref<4x128x16xf32, #tpu.memory_space<vmem>> -> memref<1x128x16xf32, #tpu.memory_space<vmem>>
        %dma_wait3A_721 = tpu.memref_squeeze %dma_wait3A_720 : memref<1x128x16xf32, #tpu.memory_space<vmem>> -> memref<128x16xf32, #tpu.memory_space<vmem>>
        %dma_wait3A_722 = arith.constant 0 : i32
        %dma_wait3A_723 = tpu.memref_slice %arg9[%add3A_649, %dma_wait3A_722] : memref<100352x16xf32, #tpu.memory_space<vmem_shared>> -> memref<128x16xf32, #tpu.memory_space<vmem_shared>>
        %dma_wait3A_724 = arith.constant 0 : i32
        %dma_wait3A_725 = arith.constant 0 : i32
        %dma_wait3A_726 = tpu.memref_slice %arg15[%scan3A_622, %dma_wait3A_724, %dma_wait3A_725] : memref<4x128x16xf32, #tpu.memory_space<vmem>> -> memref<1x128x16xf32, #tpu.memory_space<vmem>>
        %dma_wait3A_727 = tpu.memref_squeeze %dma_wait3A_726 : memref<1x128x16xf32, #tpu.memory_space<vmem>> -> memref<128x16xf32, #tpu.memory_space<vmem>>
        %dma_wait3A_728 = arith.constant 0 : i32
        %dma_wait3A_729 = tpu.memref_slice %arg9[%add3A_649, %dma_wait3A_728] : memref<100352x16xf32, #tpu.memory_space<vmem_shared>> -> memref<128x16xf32, #tpu.memory_space<vmem_shared>>
        tpu.wait_dma2 semaphore(%run_scoped3A_705 : memref<!tpu.dma_semaphore, #tpu.memory_space<semaphore_mem>>) src(%dma_wait3A_729 : memref<128x16xf32, #tpu.memory_space<vmem_shared>>) dst(%dma_wait3A_727 : memref<128x16xf32, #tpu.memory_space<vmem>>)
        tpu.yield
      }) : () -> ()
      "tpu.region"() ({
        %run_scoped3A_705 = tpu.sem_alloc : memref<!tpu.dma_semaphore, #tpu.memory_space<semaphore_mem>>
        %dma_start3A_706 = tpu.memref_slice %arg10[%add3A_649] : memref<100352xf32, #tpu.memory_space<vmem_shared>> -> memref<128xf32, #tpu.memory_space<vmem_shared>>
        %dma_start3A_707 = tpu.memref_slice %arg10[%add3A_649] : memref<100352xf32, #tpu.memory_space<vmem_shared>> -> memref<128xf32, #tpu.memory_space<vmem_shared>>
        tpu.enqueue_dma source(%dma_start3A_707 : memref<128xf32, #tpu.memory_space<vmem_shared>>) target(%arg19 : memref<128xf32, #tpu.memory_space<vmem>>) target_semaphore(%run_scoped3A_705 : memref<!tpu.dma_semaphore, #tpu.memory_space<semaphore_mem>>)
        %dma_wait3A_708 = tpu.memref_slice %arg10[%add3A_649] : memref<100352xf32, #tpu.memory_space<vmem_shared>> -> memref<128xf32, #tpu.memory_space<vmem_shared>>
        %dma_wait3A_709 = tpu.memref_slice %arg10[%add3A_649] : memref<100352xf32, #tpu.memory_space<vmem_shared>> -> memref<128xf32, #tpu.memory_space<vmem_shared>>
        tpu.wait_dma2 semaphore(%run_scoped3A_705 : memref<!tpu.dma_semaphore, #tpu.memory_space<semaphore_mem>>) src(%dma_wait3A_709 : memref<128xf32, #tpu.memory_space<vmem_shared>>) dst(%arg19 : memref<128xf32, #tpu.memory_space<vmem>>)
        tpu.yield
      }) : () -> ()
      %dma_wait3A_675 = arith.constant 0 : i32
      %dma_wait3A_676 = arith.constant 0 : i32
      %dma_wait3A_677 = tpu.memref_slice %arg15[%scan3A_621, %dma_wait3A_675, %dma_wait3A_676] : memref<4x128x16xf32, #tpu.memory_space<vmem>> -> memref<1x128x16xf32, #tpu.memory_space<vmem>>
      %dma_wait3A_678 = tpu.memref_squeeze %dma_wait3A_677 : memref<1x128x16xf32, #tpu.memory_space<vmem>> -> memref<128x16xf32, #tpu.memory_space<vmem>>
      %dma_wait3A_679 = arith.constant 0 : i32
      %dma_wait3A_680 = tpu.memref_slice %arg5[%add3A_662, %dma_wait3A_679] : memref<200704x16xf32, #tpu.memory_space<hbm>> -> memref<128x16xf32, #tpu.memory_space<hbm>>
      %dma_wait3A_681 = arith.constant 0 : i32
      %dma_wait3A_682 = arith.constant 0 : i32
      %dma_wait3A_683 = tpu.memref_slice %arg15[%scan3A_621, %dma_wait3A_681, %dma_wait3A_682] : memref<4x128x16xf32, #tpu.memory_space<vmem>> -> memref<1x128x16xf32, #tpu.memory_space<vmem>>
      %dma_wait3A_684 = tpu.memref_squeeze %dma_wait3A_683 : memref<1x128x16xf32, #tpu.memory_space<vmem>> -> memref<128x16xf32, #tpu.memory_space<vmem>>
      %dma_wait3A_685 = arith.constant 0 : i32
      %dma_wait3A_686 = tpu.memref_slice %arg5[%add3A_662, %dma_wait3A_685] : memref<200704x16xf32, #tpu.memory_space<hbm>> -> memref<128x16xf32, #tpu.memory_space<hbm>>
      tpu.wait_dma2 semaphore(%arg28 : memref<!tpu.dma_semaphore, #tpu.memory_space<semaphore_mem>>) src(%dma_wait3A_686 : memref<128x16xf32, #tpu.memory_space<hbm>>) dst(%dma_wait3A_684 : memref<128x16xf32, #tpu.memory_space<vmem>>)
      %scan3A_687 = arith.constant 0 : i32
      %scan3A_688 = arith.constant 128 : i32
      %scan3A_689 = arith.addi %scan3A_687, %scan3A_688 : i32
      %scan3A_690 = arith.constant 1 : i32
      scf.for %scan3A_705 = %scan3A_687 to %scan3A_689 step %scan3A_690  : i32 {
        %mul3A_706 = arith.constant 1 : i32
        %mul3A_707 = arith.muli %scan3A_705, %mul3A_706 : i32
        %add3A_708 = arith.constant 0 : i32
        %add3A_709 = arith.addi %add3A_708, %mul3A_707 : i32
        %broadcast_in_dim3A_710 = vector.broadcast %add3A_709 : i32 to vector<16xi32>
        %gather3A = tpu.vector_load_idx %arg19[%broadcast_in_dim3A_710] : memref<128xf32, #tpu.memory_space<vmem>>[vector<16xi32>], vector<16xf32>,
        %get3A = arith.constant 0 : i32
        %get3A_711 = arith.constant 0 : i32
        %get3A_712 = tpu.memref_slice %arg15[%scan3A_622, %get3A, %get3A_711] : memref<4x128x16xf32, #tpu.memory_space<vmem>> -> memref<1x128x16xf32, #tpu.memory_space<vmem>>
        %get3A_713 = tpu.memref_squeeze %get3A_712 : memref<1x128x16xf32, #tpu.memory_space<vmem>> -> memref<128x16xf32, #tpu.memory_space<vmem>>
        %get3A_714 = arith.index_cast %add3A_709 : i32 to index
        %get3A_715 = arith.constant 0 : index
        %get3A_716 = tpu.vector_load %get3A_713[%get3A_714, %get3A_715] {strides = array<i32>} : memref<128x16xf32, #tpu.memory_space<vmem>>, vector<16xf32>,
        %mul3A_717 = arith.mulf %gather3A, %get3A_716 : vector<16xf32>
        %get3A_718 = arith.constant 0 : i32
        %get3A_719 = arith.constant 0 : i32
        %get3A_720 = tpu.memref_slice %arg15[%scan3A_621, %get3A_718, %get3A_719] : memref<4x128x16xf32, #tpu.memory_space<vmem>> -> memref<1x128x16xf32, #tpu.memory_space<vmem>>
        %get3A_721 = tpu.memref_squeeze %get3A_720 : memref<1x128x16xf32, #tpu.memory_space<vmem>> -> memref<128x16xf32, #tpu.memory_space<vmem>>
        %get3A_722 = arith.index_cast %add3A_709 : i32 to index
        %get3A_723 = arith.constant 0 : index
        %get3A_724 = tpu.vector_load %get3A_721[%get3A_722, %get3A_723] {strides = array<i32>} : memref<128x16xf32, #tpu.memory_space<vmem>>, vector<16xf32>,
        %add3A_725 = arith.addf %get3A_724, %mul3A_717 : vector<16xf32>
        %mul3A_726 = arith.constant 2.500000e-01 : f32
        %mul3A_727 = vector.broadcast %mul3A_726 : f32 to vector<16xf32>
        %mul3A_728 = arith.mulf %add3A_725, %mul3A_727 : vector<16xf32>
        %swap3A = arith.constant 0 : i32
        %swap3A_729 = arith.constant 0 : i32
        %swap3A_730 = tpu.memref_slice %arg15[%scan3A_621, %swap3A, %swap3A_729] : memref<4x128x16xf32, #tpu.memory_space<vmem>> -> memref<1x128x16xf32, #tpu.memory_space<vmem>>
        %swap3A_731 = tpu.memref_squeeze %swap3A_730 : memref<1x128x16xf32, #tpu.memory_space<vmem>> -> memref<128x16xf32, #tpu.memory_space<vmem>>
        %swap3A_732 = arith.index_cast %add3A_709 : i32 to index
        %swap3A_733 = arith.constant 0 : index
        %swap3A_734 = tpu.vector_load %swap3A_731[%swap3A_732, %swap3A_733] {strides = array<i32>} : memref<128x16xf32, #tpu.memory_space<vmem>>, vector<16xf32>,
        tpu.vector_store %swap3A_731[%swap3A_732, %swap3A_733], %mul3A_728 {strides = array<i32>} : memref<128x16xf32, #tpu.memory_space<vmem>>, vector<16xf32>,
      }
      %scan3A_691 = arith.constant 128 : i32
      %add3A_692 = arith.addi %mul3A_0, %add3A_649 : i32
      %dma_start3A_693 = arith.constant 0 : i32
      %dma_start3A_694 = arith.constant 0 : i32
      %dma_start3A_695 = tpu.memref_slice %arg15[%scan3A_621, %dma_start3A_693, %dma_start3A_694] : memref<4x128x16xf32, #tpu.memory_space<vmem>> -> memref<1x128x16xf32, #tpu.memory_space<vmem>>
      %dma_start3A_696 = tpu.memref_squeeze %dma_start3A_695 : memref<1x128x16xf32, #tpu.memory_space<vmem>> -> memref<128x16xf32, #tpu.memory_space<vmem>>
      %dma_start3A_697 = arith.constant 0 : i32
      %dma_start3A_698 = tpu.memref_slice %arg5[%add3A_692, %dma_start3A_697] : memref<200704x16xf32, #tpu.memory_space<hbm>> -> memref<128x16xf32, #tpu.memory_space<hbm>>
      %dma_start3A_699 = arith.constant 0 : i32
      %dma_start3A_700 = tpu.memref_slice %arg5[%add3A_692, %dma_start3A_699] : memref<200704x16xf32, #tpu.memory_space<hbm>> -> memref<128x16xf32, #tpu.memory_space<hbm>>
      %dma_start3A_701 = arith.constant 0 : i32
      %dma_start3A_702 = arith.constant 0 : i32
      %dma_start3A_703 = tpu.memref_slice %arg15[%scan3A_621, %dma_start3A_701, %dma_start3A_702] : memref<4x128x16xf32, #tpu.memory_space<vmem>> -> memref<1x128x16xf32, #tpu.memory_space<vmem>>
      %dma_start3A_704 = tpu.memref_squeeze %dma_start3A_703 : memref<1x128x16xf32, #tpu.memory_space<vmem>> -> memref<128x16xf32, #tpu.memory_space<vmem>>
      tpu.enqueue_dma source(%dma_start3A_704 : memref<128x16xf32, #tpu.memory_space<vmem>>) target(%dma_start3A_700 : memref<128x16xf32, #tpu.memory_space<hbm>>) target_semaphore(%arg29 : memref<!tpu.dma_semaphore, #tpu.memory_space<semaphore_mem>>)
    }
    %scan3A_627 = arith.constant 48 : i32
    %dma_wait3A_628 = arith.constant 2 : i32
    %dma_wait3A_629 = arith.constant 0 : i32
    %dma_wait3A_630 = arith.constant 0 : i32
    %dma_wait3A_631 = tpu.memref_slice %arg15[%dma_wait3A_628, %dma_wait3A_629, %dma_wait3A_630] : memref<4x128x16xf32, #tpu.memory_space<vmem>> -> memref<1x128x16xf32, #tpu.memory_space<vmem>>
    %dma_wait3A_632 = tpu.memref_squeeze %dma_wait3A_631 : memref<1x128x16xf32, #tpu.memory_space<vmem>> -> memref<128x16xf32, #tpu.memory_space<vmem>>
    %dma_wait3A_633 = arith.constant 0 : i32
    %dma_wait3A_634 = tpu.memref_slice %arg5[%mul3A_0, %dma_wait3A_633] : memref<200704x16xf32, #tpu.memory_space<hbm>> -> memref<128x16xf32, #tpu.memory_space<hbm>>
    %dma_wait3A_635 = arith.constant 0 : i32
    %dma_wait3A_636 = tpu.memref_slice %arg5[%mul3A_0, %dma_wait3A_635] : memref<200704x16xf32, #tpu.memory_space<hbm>> -> memref<128x16xf32, #tpu.memory_space<hbm>>
    %dma_wait3A_637 = arith.constant 0 : i32
    %dma_wait3A_638 = arith.constant 0 : i32
    %dma_wait3A_639 = tpu.memref_slice %arg15[%dma_wait3A_628, %dma_wait3A_637, %dma_wait3A_638] : memref<4x128x16xf32, #tpu.memory_space<vmem>> -> memref<1x128x16xf32, #tpu.memory_space<vmem>>
    %dma_wait3A_640 = tpu.memref_squeeze %dma_wait3A_639 : memref<1x128x16xf32, #tpu.memory_space<vmem>> -> memref<128x16xf32, #tpu.memory_space<vmem>>
    tpu.wait_dma2 semaphore(%arg29 : memref<!tpu.dma_semaphore, #tpu.memory_space<semaphore_mem>>) src(%dma_wait3A_640 : memref<128x16xf32, #tpu.memory_space<vmem>>) dst(%dma_wait3A_636 : memref<128x16xf32, #tpu.memory_space<hbm>>)
    "tpu.trace_stop"() : () -> ()
    %barrier3A_641 = arith.constant 0 : index
    tpu.barrier barrier_id(%barrier3A_641)
    return
  }
}

</mosaic_0001>

<sc_bundles>
// kernel: _lightgcn.3.cloned.1.call-start
scs
__scs_entry_jumppad:
0x0: {  	(pc) =	sbr.rel $0x88, $3  }
0x1: {  	(tag) =	ssettag $0x0;
	lr =	simm.s32 $0x1  }
0x2: {  	[smem:$0x3F9E] =	sst lr;
	_ =	strace $0xD0000000  }
0x3: {  	_ = 	snop  }
0x4: {  	_ = 	snop  }
0x5: {  	_ = 	snop  }
0x6: {  	_ = 	snop  }
0x7: {  	_ = 	snop  }
__scs_overlays_trampoline_lowered:
0x8: {  	[smem:$0x3FAD] =	sst s0  }
0x9: {  	[smem:$0x3FAE] =	sst s1  }
0xa: {  	[smem:$0x3FAF] =	sst s2  }
0xb: {  	[smem:$0x3FB0] =	sst s3  }
0xc: {  	[smem:$0x3FB1] =	sst s4  }
0xd: {  	[smem:$0x3FB2] =	sst s5  }
0xe: {  	[smem:$0x3FB3] =	sst s6  }
0xf: {  	[smem:$0x3FB4] =	sst s7  }
0x10: {  	[smem:$0x3FB5] =	sst s8  }
0x11: {  	[smem:$0x3FB6] =	sst s9;
	s0 =	simm.s32 @!p0 $0x0  }
0x12: {  	s1 =	sld [smem:$0x3F9C];
	s0 =	simm.s32 @p0 $0x1  }
0x13: {  	[smem:$0x3FB7] =	sst s0;
	s0 =	simm.s32 @!p1 $0x0  }
0x14: {  	s2 =	sld [smem:$0x3F9B];
	s0 =	simm.s32 @p1 $0x1  }
0x15: {  	[smem:$0x3FB8] =	sst s0;
	s0 =	simm.s32 @!p2 $0x0  }
0x16: {  	s3 =	sld [smem:$0x3FDB];
	s0 =	simm.s32 @p2 $0x1  }
0x17: {  	s4 =	simm.s32 $0x1BF5;
	[smem:$0x3FBA] =	sst s0  }
0x18: {  	s0 =	sld [smem:$0x3F9D];
	_ =	swait.ge [sflag:s4], $0x0  }
0x19: {  	s7 =	sld [smem:$0x3F9E]  }
0x1a: {  	s8 =	sadd.s32 $0xFFFFE003, lr  }
0x1b: {  	s9 =	sadd.s32 $0xFFFFFEF7, lr;
	s5 =	simm.s32 $0xFFFFFFFF;
	p2 =	slt.u32 s8, $0xFFFFF086  }
0x1c: {  	p1 =	slt.u32 s9, $0xF7A;
	s5 =	simm.s32 @!p2 $0x0  }
0x1d: {  	s5 =	simm.s32 @p1 $0x1;
	p0 =	seq.s32 s7, s2  }
0x1e: {  	s7 =	smul.u32 @!p0 $0xF7A, s2;
	p2 =	seq.s32 @!p0 s5, $0x0  }
0x1f: {  	s9 =	smul.u32 $0xF7A, s1;
	s8 =	simm.s32 @!p0 $0x1BF5;
	p2 =	por !p2, p0  }
0x20: {  	[sflag:s8] =	ssyncset.s32 @!p0 $0xFFFFF086;
	s6 =	sadd.s32 @!p0 s3, s7;
	s7 =	simm.s32 @!p0 $0x108  }
0x21: {  	s3 =	sadd.s32 s3, s9;
	s6 =	sadd.s32 @!p0 $0x88, s6;
	s7 =	simm.s32 @p2 $0x1082  }
0x22: {  	[simem:s7], [sflag:s8] =	dma.local @!p0 [hbm:s6], $0xF7A  }
0x23: {  	s9 =	sor.u32 $0xD0000000, s2;
	s6 =	simm.s32 $0x108;
	_ =	swait.ge @!p0 [sflag:s8], $0x0  }
0x24: {  	s3 =	sadd.s32 $0x88, s3;
	s6 =	simm.s32 @!p1 $0x1082;
	[sflag:s4] =	ssyncset.s32 $0xFFFFF086  }
0x25: {  	[simem:s6], [sflag:s4] =	dma.local [hbm:s3], $0xF7A  }
0x26: {  	[smem:$0x3F9E] =	sst s1;
	(tag) =	ssettag s2;
	_ =	strace s9  }
0x27: {  	s1 =	sld [smem:$0x3FAE]  }
0x28: {  	s2 =	sld [smem:$0x3FAF]  }
0x29: {  	s4 =	sld [smem:$0x3FB1]  }
0x2a: {  	p0 =	seq.s32 s5, $0x0;
	s5 =	sld [smem:$0x3FB2]  }
0x2b: {  	s6 =	sld [smem:$0x3FB3]  }
0x2c: {  	s7 =	sld [smem:$0x3FB4]  }
0x2d: {  	s3 =	simm.s32 $0x108;
	s8 =	sld [smem:$0x3FB5]  }
0x2e: {  	s3 =	simm.s32 @!p0 $0x1082;
	s9 =	sld [smem:$0x3FB6]  }
0x2f: {  	lr =	sadd.s32 s0, s3;
	s0 =	sld [smem:$0x3FAD]  }
0x30: {  	s3 =	sld [smem:$0x3FB0]  }
0x31: {  	[smem:$0x3FB9] =	sst s10  }
0x32: {  	s10 =	sld [smem:$0x3FB7];
	_ =	sdelay $0x3  }
0x33: {  	p0 =	seq.s32 s10, $0x1;
	s10 =	sld [smem:$0x3FB9];
	_ =	sdelay $0x3  }
0x34: {  	[smem:$0x3FB9] =	sst s10  }
0x35: {  	s10 =	sld [smem:$0x3FB8];
	_ =	sdelay $0x3  }
0x36: {  	p1 =	seq.s32 s10, $0x1;
	s10 =	sld [smem:$0x3FB9];
	_ =	sdelay $0x3  }
0x37: {  	[smem:$0x3FB9] =	sst s10  }
0x38: {  	s10 =	sld [smem:$0x3FBA]  }
0x39: {  	_ = 	snop;
	(pc) =	sbr.ind lr, $3  }
0x3a: {  	_ = 	snop  }
0x3b: {  	_ = 	snop  }
0x3c: {  	p2 =	seq.s32 s10, $0x1;
	s10 =	sld [smem:$0x3FB9]  }
0x3d: {  	_ =	shalt  }
0x3e: {  	_ =	shalt  }
0x3f: {  	_ =	shalt  }
0x40: {  	_ =	shalt  }
0x41: {  	_ =	shalt  }
0x42: {  	_ =	shalt  }
0x43: {  	_ =	shalt  }
0x44: {  	_ =	shalt  }
0x45: {  	_ =	shalt  }
0x46: {  	_ =	shalt  }
0x47: {  	_ =	shalt  }
0x48: {  	_ =	shalt  }
0x49: {  	_ =	shalt  }
0x4a: {  	_ =	shalt  }
0x4b: {  	_ =	shalt  }
0x4c: {  	_ =	shalt  }
0x4d: {  	_ =	shalt  }
0x4e: {  	_ =	shalt  }
0x4f: {  	_ =	shalt  }
0x50: {  	_ =	shalt  }
0x51: {  	_ =	shalt  }
0x52: {  	_ =	shalt  }
0x53: {  	_ =	shalt  }
0x54: {  	_ =	shalt  }
0x55: {  	_ =	shalt  }
0x56: {  	_ =	shalt  }
0x57: {  	_ =	shalt  }
0x58: {  	_ =	shalt  }
0x59: {  	_ =	shalt  }
0x5a: {  	_ =	shalt  }
0x5b: {  	_ =	shalt  }
0x5c: {  	_ =	shalt  }
0x5d: {  	_ =	shalt  }
0x5e: {  	_ =	shalt  }
0x5f: {  	_ =	shalt  }
0x60: {  	_ =	shalt  }
0x61: {  	_ =	shalt  }
0x62: {  	_ =	shalt  }
0x63: {  	_ =	shalt  }
0x64: {  	_ =	shalt  }
0x65: {  	_ =	shalt  }
0x66: {  	_ =	shalt  }
0x67: {  	_ =	shalt  }
0x68: {  	_ =	shalt  }
0x69: {  	_ =	shalt  }
0x6a: {  	_ =	shalt  }
0x6b: {  	_ =	shalt  }
0x6c: {  	_ =	shalt  }
0x6d: {  	_ =	shalt  }
0x6e: {  	_ =	shalt  }
0x6f: {  	_ =	shalt  }
0x70: {  	_ =	shalt  }
0x71: {  	_ =	shalt  }
0x72: {  	_ =	shalt  }
0x73: {  	_ =	shalt  }
0x74: {  	_ =	shalt  }
0x75: {  	_ =	shalt  }
0x76: {  	_ =	shalt  }
0x77: {  	_ =	shalt  }
0x78: {  	_ =	shalt  }
0x79: {  	_ =	shalt  }
0x7a: {  	_ =	shalt  }
0x7b: {  	_ =	shalt  }
0x7c: {  	_ =	shalt  }
0x7d: {  	_ =	shalt  }
0x7e: {  	_ =	shalt  }
0x7f: {  	_ =	shalt  }
0x80: {  	_ =	shalt  }
0x81: {  	_ =	shalt  }
0x82: {  	_ =	shalt  }
0x83: {  	_ =	shalt  }
0x84: {  	_ =	shalt  }
0x85: {  	_ =	shalt  }
0x86: {  	_ =	shalt  }
0x87: {  	_ =	shalt  }
.Lfunc_end0:
.L_simem_size_0:
called_computation_lowered:
.L_overlay_start_0:
0x88: {  	s2 =	sld [smem:$0x3FD9]  }
0x89: {  	s3 =	sld [smem:$0x3FFE];
	_ =	sdelay $0x1  }
0x8a: {  	s1 =	srdreg.scid  }
0x8b: {  	s0 =	sand.u32 $0x1, s1  }
0x8c: {  	s14 =	sshll.u32 s0, $0xA;
	s2 =	sadd.s32 s3, s2  }
0x8d: {  	s2 =	sadd.s32 s2, s14  }
0x8e: {  	[smem:$0x3FC5] =	sst s2  }
0x8f: {  	_ = 	snop  }
0x90: {  	s2 =	sld [smem:$0x3FD0];
	_ =	sdelay $0x1  }
0x91: {  	s15 =	sld [smem:$0x3FC9]  }
0x92: {  	s5 =	simm.s32 $0xA;
	s6 =	simm.s32 $0x10;
	s4 =	sld [smem:$0x3FC8]  }
0x93: {  	[smem:s6], [sflag:s5] =	dma.local [hbm:s2], $0x1  }
0x94: {  	_ =	swait.eq [sflag:s5], $0x1  }
0x95: {  	s16 =	sld [smem:$0x11];
	[sflag:s5] =	ssyncset.done $0x0  }
0x96: {  	s17 =	sld [smem:$0x12];
	[sflag:s5] =	ssyncadd.s32 $0xFFFFFFFF  }
0x97: {  	s18 =	sld [smem:$0x13];
	(tm) =	ssettm $0x1  }
0x98: {  	s7 =	sld [smem:$0x3FFB];
	_ =	sdelay $0x3  }
0x99: {  	_ =	strace s7  }
0x9a: {  	s7 =	sld [smem:$0x3FFC];
	_ =	sdelay $0x3  }
0x9b: {  	_ =	strace s7  }
0x9c: {  	s7 =	sld [smem:$0x3FFD];
	_ =	sdelay $0x3  }
0x9d: {  	_ =	strace s7  }
0x9e: {  	_ =	strace $0x8FFFFFFF  }
0x9f: {  	s19 =	sld [smem:$0x3FDB];
	_ =	sdelay $0x1  }
0xa0: {  	s8 =	simm.s32 $_scs_section_size  }
0xa1: {  	s9 =	simm.s32 $_size__tile_overlayer_lowered;
	s10 =	simm.s32 $_tile_overlayer_lowered  }
0xa2: {  	s22 =	simm.s32 $0x1BFF;
	s21 =	sshll.u32 s10, $0x1;
	s7 =	sadd.s32 s8, s19  }
0xa3: {  	s11 =	simm.s32 $0x0;
	s20 =	sshll.u32 s9, $0x1;
	s9 =	sadd.s32 s21, s7  }
0xa4: {  	[timem:s11], [sflag:s22] =	dma.local [hbm:s9], s20  }
0xa5: {  	_ =	swait.ge [sflag:s22], s20  }
0xa6: {  	s8 =	ssub.s32 $0x0, s20;
	[sflag:s22] =	ssyncset.done $0x0  }
0xa7: {  	[sflag:s22] =	ssyncadd.s32 s8;
	_ =	sdelay $0x1  }
0xa8: {  	s23 =	simm.s32 $0x1B8B  }
0xa9: {  	_ =	swait.ge [sflag:s23], $0x1  }
0xaa: {  	[sflag:s23] =	ssyncset.done $0x0  }
0xab: {  	s25 =	simm.s32 $0x1B8E;
	s24 =	sld [smem:$0x3FFE];
	[sflag:s23] =	ssyncadd.s32 $0xFFFFFFFF  }
0xac: {  	s26 =	simm.s32 $execute0_lowered;
	[smem:$0x3FD2] =	sst s25  }
0xad: {  	s9 =	sshll.u32 s26, $0x1;
	_ =	strace $0x80000046;
	[dreg:$0x1] =	wrdreg $0xFFFFFFFF  }
0xae: {  	s28 =	simm.s32 $_size_execute0_lowered;
	s7 =	sadd.s32 s7, s9;
	[dreg:$0x0] =	wrdreg $0x0  }
0xaf: {  	s9 =	sshll.u32 s28, $0x1;
	[dreg:$0x2] =	wrdreg s7  }
0xb0: {  	[dreg:$0x3] =	wrdreg s9  }
0xb1: {  	[dreg:$0x4] =	wrdreg $0xC0  }
0xb2: {  	_ =	task [dreg:s11], $0x5FFFF  }
0xb3: {  	[dreg:$0x1] =	wrdreg $0xFFFFFFFF  }
0xb4: {  	[dreg:$0x0] =	wrdreg $0x60  }
0xb5: {  	[dreg:$0x2] =	wrdreg s15  }
0xb6: {  	[dreg:$0x3] =	wrdreg s4  }
0xb7: {  	[dreg:$0x4] =	wrdreg s18  }
0xb8: {  	[dreg:$0x5] =	wrdreg s17  }
0xb9: {  	[dreg:$0x6] =	wrdreg s16  }
0xba: {  	[dreg:$0x7] =	wrdreg s24  }
0xbb: {  	[dreg:$0x8] =	wrdreg $0x0  }
0xbc: {  	[dreg:$0x9] =	wrdreg $0x188000  }
0xbd: {  	[dreg:$0xa] =	wrdreg $0x9  }
0xbe: {  	_ =	task.clear_ibuf [dreg:s11], $0xBFFFF;
	_ =	strace $0x90000046  }
0xbf: {  	s29 =	simm.s32 $0x9;
	_ =	strace $0x80000050  }
0xc0: {  	_ =	swait.ge [sflag:s29], $0x1  }
0xc1: {  	[sflag:s29] =	ssyncadd.s32 $0xFFFFFFFF  }
0xc2: {  	_ =	strace $0x90000050  }
0xc3: {  	_ =	sfence  }
0xc4: {  	s30 =	sld [smem:$0x0];
	_ =	sdelay $0x2  }
0xc5: {  	s31 =	sshll.u32 s1, $0xD;
	s1 =	sshrl.u32 s1, $0x2  }
0xc6: {  	s3 =	sand.u32 $0x4000, s31;
	s1 =	sadd.s32 s1, s30  }
0xc7: {  	s0 =	sor.u32 s3, s0;
	s1 =	sshll.u32 s1, $0x11  }
0xc8: {  	s0 =	sor.u32 s1, s0  }
0xc9: {  	s0 =	sadd.s32 $0x8F2B, s0  }
0xca: {  	[sflag:s0] =	ssyncadd.remote.s32 $0x1  }
0xcb: {  	_ =	sfence.sel $0xFFFF  }
0xcc: {  	[dreg:$0x0] =	wrdreg $0xFFFFFFFF;
	(pc) =	sbr.abs _section_cstart, $3  }
0xcd: {  	[dreg:$0x1] =	wrdreg $0xFFFFFFFF  }
0xce: {  	_ =	task.clear_ibuf [dreg:s11], $0x2FFFF;
	_ =	strace $0x9FFFFFFF  }
0xcf: {  	(tm) =	ssettm $0x7FFFFFFF  }
tec
execute0_lowered:
.L_overlay_start_1:
0x0: {  	(tag) =	ssettag $0x1  }
0x1: {  	s0 =	rddreg [dreg:$0x0]  }
0x2: {  	s7 =	rddreg [dreg:$0x1]  }
0x3: {  	s9 =	rddreg [dreg:$0x2]  }
0x4: {  	s11 =	rddreg [dreg:$0x3]  }
0x5: {  	s12 =	rddreg [dreg:$0x4]  }
0x6: {  	s1 =	rddreg [dreg:$0x5]  }
0x7: {  	s14 =	rddreg [dreg:$0x6]  }
0x8: {  	s2 =	srdreg.scid;
	s13 =	stileid.u32  }
0x9: {  	s8 =	rddreg [dreg:$0x7];
	s15 =	smul.u32 $0x1880, s13  }
0xa: {  	s10 =	simm.s32 $0x0;
	s31 =	simm.s32 $0x1C080;
	s3 =	smul.u32 $0x3100, s13  }
0xb: {  	[smem:$0x7FF] =	sst s10;
	s16 =	sadd.s32 $0xE00, s1;
	s5 =	smul.u32 $0x18800, s13  }
0xc: {  	s17 =	sadd.s32 $0x62E00, s1;
	_ =	strace $0x80000047;
	[dreg:$0xc] =	wrdreg s16  }
0xd: {  	s30 =	simm.s32 $0x1A400;
	s29 =	smul.u32 $0x310, s13;
	[dreg:$0xd] =	wrdreg s17  }
0xe: {  	s2 =	sand.u32 $0x1, s2;
	s19 =	smul.u32 $0x62000, s13;
	[dreg:$0xa] =	wrdreg s15  }
0xf: {  	s6 =	smul.u32 $0x188000, s2;
	s23 =	sadd.s32 s0, s3;
	[dreg:$0x1d] =	wrdreg s29  }
0x10: {  	s28 =	smul.u32 $0x18800, s2;
	s4 =	ssub.s32 $0x2, s2;
	[dreg:$0xe] =	wrdreg s23  }
0x11: {  	s24 =	sor.u32 $0x40, s3;
	s3 =	sadd.s32 s7, s3;
	[dreg:$0xb] =	wrdreg s6  }
0x12: {  	s22 =	sshrl.u32 s4, $0x1;
	s20 =	sadd.s32 s5, s14;
	[dreg:$0x12] =	wrdreg s3  }
0x13: {  	s1 =	ssub.s32 s4, s22;
	s25 =	sadd.s32 s5, s6;
	[dreg:$0x14] =	wrdreg s20  }
0x14: {  	s26 =	sadd.s32 s15, s28;
	s18 =	sadd.s32 s0, s24;
	[dreg:$0x9] =	wrdreg s28  }
0x15: {  	s2 =	sadd.s32 s7, s24;
	s5 =	simm.s32 $0xB;
	[dreg:$0xf] =	wrdreg s18  }
0x16: {  	s4 =	sshrl.u32 s25, $0x3;
	s6 =	sshll.u32 s26, $0x1;
	s18 =	smul.u32 $0x6200, s13  }
0x17: {  	[dreg:$0x13] =	wrdreg s2;
	s2 =	sshrl.u32 s19, $0x2;
	s1 =	smax.u32 s1, $0x1  }
0x18: {  	s26 =	sadd.s32 s15, s8;
	s13 =	simm.s32 $0x1A100;
	s19 =	simm.s32 $0x1A180  }
0x19: {  	s15 =	simm.s32 $0x6;
	s4 =	sadd.s32 s9, s4;
	[dreg:$0x18] =	wrdreg s1  }
0x1a: {  	s11 =	sadd.s32 s11, s6;
	s21 =	sadd.s32 s12, s6;
	[dreg:$0x1a] =	wrdreg s26  }
0x1b: {  	s22 =	sadd.s32 s16, s6;
	s23 =	sadd.s32 s17, s6;
	[dreg:$0x10] =	wrdreg s4  }
0x1c: {  	s25 =	sadd.s32 s2, s14;
	s9 =	simm.s32 $0x1E900;
	[dreg:$0x11] =	wrdreg s11  }
0x1d: {  	s17 =	simm.s32 $0x1A080;
	s16 =	simm.s32 $0x1A300;
	[dreg:$0x15] =	wrdreg s21  }
0x1e: {  	s2 =	simm.s32 $0x4;
	s12 =	simm.s32 $0x1E980;
	[dreg:$0x16] =	wrdreg s22  }
0x1f: {  	s14 =	simm.s32 $0x1C880;
	s1 =	simm.s32 $0x2;
	[dreg:$0x17] =	wrdreg s23  }
0x20: {  	s24 =	sshrl.u32 s18, $0x2;
	[dreg:$0x19] =	wrdreg s25;
	s22 =	simm.s32 $0x1A280  }
0x21: {  	s23 =	simm.s32 $0x5;
	s25 =	simm.s32 $0x1E880;
	s21 =	simm.s32 $0x1A380  }
0x22: {  	s18 =	simm.s32 $0x3;
	s11 =	simm.s32 $0x1;
	s6 =	sadd.s32 s24, s8  }
0x23: {  	v1 =	vimm.f32 $1.000000000e+00;
	v2 =	vimm.f32 $0.0e+00;
	v0 =	vmov s28;
	s4 =	simm.s32 $0x0;
	s24 =	simm.s32 $0x80;
	[dreg:$0x1c] =	wrdreg s6  }
.LBB2_1:
0x24: {  	[tilespmem:$0x1E880] =	vst v1  }
0x25: {  	[tilespmem:$0x1E890] =	vst v1  }
0x26: {  	[tilespmem:$0x1E8A0] =	vst v1  }
0x27: {  	[tilespmem:$0x1E8B0] =	vst v1  }
0x28: {  	[tilespmem:$0x1E8C0] =	vst v1  }
0x29: {  	[tilespmem:$0x1E8D0] =	vst v1  }
0x2a: {  	[tilespmem:$0x1E8E0] =	vst v1  }
0x2b: {  	[tilespmem:$0x1E8F0] =	vst v1  }
0x2c: {  	[tilespmem:$0x1E900] =	vst v2  }
0x2d: {  	[tilespmem:$0x1E910] =	vst v2  }
0x2e: {  	[tilespmem:$0x1E920] =	vst v2  }
0x2f: {  	[tilespmem:$0x1E930] =	vst v2  }
0x30: {  	[tilespmem:$0x1E940] =	vst v2  }
0x31: {  	[tilespmem:$0x1E950] =	vst v2  }
0x32: {  	[tilespmem:$0x1E960] =	vst v2  }
0x33: {  	[dreg:$0x1b] =	wrdreg s4;
	[tilespmem:$0x1E970] =	vst v2;
	s3 =	simm.s32 $0x0  }
.LBB2_2:
0x34: {  	p0 =	sne.s32 s3, $0x1FC0  }
.Ltmp0:
0x35: {  	_ = 	snop;
	(pc) =	sbr.rel @p0 .LBB2_2-.Ltmp0, $3  }
0x36: {  	_ =	sdelay $0x1  }
0x37: {  	s4 =	sshra.s32 s3, $0x2  }
0x38: {  	s3 =	sadd.s32 $0x40, s3;
	[tilespmem:s4+$0x1C080] =	vst v2  }
0x39: {  	s4 =	rddreg [dreg:$0x19]  }
0x3a: {  	[spmem:s4] =	stream.linear.scatter [tilespmem:s31], [sflag:$0xB], $0x800, $0x38;
	[tilespmem:$0x1EA00] =	vst v63  }
0x3b: {  	_ =	swait.ge [sflag:s5], $0x800  }
0x3c: {  	[sflag:s5] =	ssyncset.done $0x0  }
0x3d: {  	s3 =	sadd.s32 $0x0, s6;
	[sflag:s5] =	ssyncadd.s32 $0xFFFFF800  }
0x3e: {  	[spmem:s3] =	stream.linear.scatter [tilespmem:s9], [sflag:$0xB], $0x80, $0x38;
	[tilespmem:$0x1EA00] =	vst v63  }
0x3f: {  	_ =	swait.ge [sflag:s5], $0x80  }
0x40: {  	s3 =	simm.s32 $0x200;
	[sflag:s5] =	ssyncset.done $0x0  }
.LBB2_4:
0x41: {  	p0 =	sne.s32 s3, $0x6000;
	[sflag:s5] =	ssyncadd.s32 $0xFFFFFF80;
	s4 =	sadd.s32 $0x800, s4  }
0x42: {  	[spmem:s4] =	stream.linear.scatter [tilespmem:s31], [sflag:$0xB], $0x800, $0x38;
	[tilespmem:$0x1EA00] =	vst v63  }
0x43: {  	s7 =	smov.u32 s3;
	s3 =	sadd.s32 $0x200, s3;
	_ =	swait.ge [sflag:s5], $0x800  }
.Ltmp1:
0x44: {  	s7 =	sshra.s32 s7, $0x2;
	[sflag:s5] =	ssyncset.done $0x0;
	(pc) =	sbr.rel @p0 .LBB2_4-.Ltmp1, $4  }
0x45: {  	s7 =	sadd.s32 s7, s6;
	[sflag:s5] =	ssyncadd.s32 $0xFFFFF800  }
0x46: {  	[spmem:s7] =	stream.linear.scatter [tilespmem:s9], [sflag:$0xB], $0x80, $0x38;
	[tilespmem:$0x1EA00] =	vst v63  }
0x47: {  	_ =	swait.ge [sflag:s5], $0x80  }
0x48: {  	[sflag:s5] =	ssyncset.done $0x0  }
0x49: {  	[sflag:s5] =	ssyncadd.s32 $0xFFFFFF80  }
0x4a: {  	[bflag:$0x0] =	sbarrier.arrive $0xFFFF  }
0x4b: {  	_ =	strace $0x80000048  }
0x4c: {  	s3 =	rddreg [dreg:$0xe]  }
0x4d: {  	[tilespmem:s17], [sflag:$0x5] =	stream.linear.gather [hbm4b:s3+s10], $0x200, $0x200038;
	[tilespmem:$0x1EA00] =	vst v63  }
0x4e: {  	s7 =	rddreg [dreg:$0xf]  }
0x4f: {  	[tilespmem:s22], [sflag:$0x6] =	stream.linear.gather [hbm4b:s7+s10], $0x200, $0x200038;
	[tilespmem:$0x1EA00] =	vst v63  }
0x50: {  	_ =	swait.ge [sflag:s23], $0x200  }
0x51: {  	[sflag:s23] =	ssyncset.done $0x0  }
0x52: {  	[sflag:s23] =	ssyncadd.s32 $0xFFFFFE00  }
0x53: {  	[spmem:s8] =	stream.indirect.scatter.add.f32 [tilespmem:s25], [sflag:$0x3], $0x1, s17, s24, $0x2000b8;
	[tilespmem:$0x1EA00] =	vst v63  }
0x54: {  	_ = 	snop  }
0x55: {  	[spmem:s8] =	stream.indirect.scatter.add.f32 [tilespmem:s25], [sflag:$0x3], $0x1, s13, s24, $0x2000b8;
	[tilespmem:$0x1EA00] =	vst v63  }
0x56: {  	_ = 	snop  }
0x57: {  	[spmem:s8] =	stream.indirect.scatter.add.f32 [tilespmem:s25], [sflag:$0x3], $0x1, s19, s24, $0x2000b8;
	[tilespmem:$0x1EA00] =	vst v63  }
0x58: {  	s9 =	simm.s32 $0x1A200  }
0x59: {  	[spmem:s8] =	stream.indirect.scatter.add.f32 [tilespmem:s25], [sflag:$0x3], $0x1, s9, s24, $0x2000b8;
	[tilespmem:$0x1EA00] =	vst v63  }
0x5a: {  	_ =	swait.ge [sflag:s15], $0x200  }
0x5b: {  	[sflag:s15] =	ssyncset.done $0x0  }
0x5c: {  	[sflag:s15] =	ssyncadd.s32 $0xFFFFFE00  }
0x5d: {  	[spmem:s8] =	stream.indirect.scatter.add.f32 [tilespmem:s25], [sflag:$0x4], $0x1, s22, s24, $0x2000b8;
	[tilespmem:$0x1EA00] =	vst v63  }
0x5e: {  	_ = 	snop  }
0x5f: {  	[spmem:s8] =	stream.indirect.scatter.add.f32 [tilespmem:s25], [sflag:$0x4], $0x1, s16, s24, $0x2000b8;
	[tilespmem:$0x1EA00] =	vst v63  }
0x60: {  	_ = 	snop  }
0x61: {  	[spmem:s8] =	stream.indirect.scatter.add.f32 [tilespmem:s25], [sflag:$0x4], $0x1, s21, s24, $0x2000b8;
	[tilespmem:$0x1EA00] =	vst v63  }
0x62: {  	_ = 	snop  }
0x63: {  	[spmem:s8] =	stream.indirect.scatter.add.f32 [tilespmem:s25], [sflag:$0x4], $0x1, s30, s24, $0x2000b8;
	[tilespmem:$0x1EA00] =	vst v63  }
0x64: {  	_ =	swait.ge [sflag:s18], $0x80  }
0x65: {  	[sflag:s18] =	ssyncset.done $0x0  }
0x66: {  	[sflag:s18] =	ssyncadd.s32 $0xFFFFFF80  }
0x67: {  	_ =	swait.ge [sflag:s18], $0x80  }
0x68: {  	[sflag:s18] =	ssyncset.done $0x0  }
0x69: {  	[sflag:s18] =	ssyncadd.s32 $0xFFFFFF80  }
0x6a: {  	s20 =	sadd.s32 $0xFFFFFCF0, s29;
	_ =	swait.ge [sflag:s18], $0x80  }
0x6b: {  	s4 =	sadd.s32 $0x318, s20;
	[sflag:s18] =	ssyncset.done $0x0  }
0x6c: {  	p0 =	slt.s32 s4, $0x30FC;
	[sflag:s18] =	ssyncadd.s32 $0xFFFFFF80  }
0x6d: {  	s4 =	simm.s32 @!p0 $0x30FC;
	_ =	swait.ge [sflag:s18], $0x80  }
0x6e: {  	s4 =	sshll.u32 s4, $0x4;
	[sflag:s18] =	ssyncset.done $0x0  }
0x6f: {  	s4 =	sadd.s32 s0, s4;
	[sflag:s18] =	ssyncadd.s32 $0xFFFFFF80  }
0x70: {  	[tilespmem:s17], [sflag:$0x5] =	stream.linear.gather [hbm4b:s4+s10], $0x200, $0x200038;
	[tilespmem:$0x1EA00] =	vst v63  }
0x71: {  	_ =	swait.ge [sflag:s2], $0x80  }
0x72: {  	[sflag:s2] =	ssyncset.done $0x0  }
0x73: {  	[sflag:s2] =	ssyncadd.s32 $0xFFFFFF80  }
0x74: {  	_ =	swait.ge [sflag:s2], $0x80  }
0x75: {  	[sflag:s2] =	ssyncset.done $0x0  }
0x76: {  	[sflag:s2] =	ssyncadd.s32 $0xFFFFFF80  }
0x77: {  	_ =	swait.ge [sflag:s2], $0x80  }
0x78: {  	s3 =	sadd.s32 $0x31C, s20;
	[sflag:s2] =	ssyncset.done $0x0  }
0x79: {  	p0 =	slt.s32 s3, $0x30FC;
	[sflag:s2] =	ssyncadd.s32 $0xFFFFFF80  }
0x7a: {  	s3 =	simm.s32 @!p0 $0x30FC;
	_ =	swait.ge [sflag:s2], $0x80  }
0x7b: {  	s26 =	sshll.u32 s3, $0x4;
	[sflag:s2] =	ssyncset.done $0x0  }
0x7c: {  	s3 =	simm.s32 $0xFFFFFCF8;
	s4 =	sadd.s32 s0, s26;
	[sflag:s2] =	ssyncadd.s32 $0xFFFFFF80  }
.LBB2_6:
0x7d: {  	[tilespmem:s22], [sflag:$0x6] =	stream.linear.gather [hbm4b:s4+s10], $0x200, $0x200038;
	[tilespmem:$0x1EA00] =	vst v63  }
0x7e: {  	s4 =	smov.u32 s3  }
0x7f: {  	p0 =	sne.s32 s3, $0xFFFFFFF8;
	s3 =	sadd.s32 $0x8, s3;
	_ =	swait.ge [sflag:s23], $0x200  }
0x80: {  	[sflag:s23] =	ssyncset.done $0x0  }
0x81: {  	[sflag:s23] =	ssyncadd.s32 $0xFFFFFE00  }
0x82: {  	[spmem:s8] =	stream.indirect.scatter.add.f32 [tilespmem:s25], [sflag:$0x3], $0x1, s17, s24, $0x2000b8;
	[tilespmem:$0x1EA00] =	vst v63  }
0x83: {  	_ = 	snop  }
0x84: {  	[spmem:s8] =	stream.indirect.scatter.add.f32 [tilespmem:s25], [sflag:$0x3], $0x1, s13, s24, $0x2000b8;
	[tilespmem:$0x1EA00] =	vst v63  }
0x85: {  	_ = 	snop  }
0x86: {  	[spmem:s8] =	stream.indirect.scatter.add.f32 [tilespmem:s25], [sflag:$0x3], $0x1, s19, s24, $0x2000b8;
	[tilespmem:$0x1EA00] =	vst v63  }
0x87: {  	s7 =	simm.s32 $0x1A200  }
0x88: {  	[spmem:s8] =	stream.indirect.scatter.add.f32 [tilespmem:s25], [sflag:$0x3], $0x1, s7, s24, $0x2000b8;
	[tilespmem:$0x1EA00] =	vst v63  }
0x89: {  	_ =	swait.ge [sflag:s15], $0x200  }
0x8a: {  	[sflag:s15] =	ssyncset.done $0x0  }
0x8b: {  	[sflag:s15] =	ssyncadd.s32 $0xFFFFFE00  }
0x8c: {  	[spmem:s8] =	stream.indirect.scatter.add.f32 [tilespmem:s25], [sflag:$0x4], $0x1, s22, s24, $0x2000b8;
	[tilespmem:$0x1EA00] =	vst v63  }
0x8d: {  	_ = 	snop  }
0x8e: {  	[spmem:s8] =	stream.indirect.scatter.add.f32 [tilespmem:s25], [sflag:$0x4], $0x1, s16, s24, $0x2000b8;
	[tilespmem:$0x1EA00] =	vst v63  }
0x8f: {  	_ = 	snop  }
0x90: {  	[spmem:s8] =	stream.indirect.scatter.add.f32 [tilespmem:s25], [sflag:$0x4], $0x1, s21, s24, $0x2000b8;
	[tilespmem:$0x1EA00] =	vst v63  }
0x91: {  	_ = 	snop  }
0x92: {  	[spmem:s8] =	stream.indirect.scatter.add.f32 [tilespmem:s25], [sflag:$0x4], $0x1, s30, s24, $0x2000b8;
	[tilespmem:$0x1EA00] =	vst v63  }
0x93: {  	_ =	swait.ge [sflag:s18], $0x80  }
0x94: {  	[sflag:s18] =	ssyncset.done $0x0  }
0x95: {  	[sflag:s18] =	ssyncadd.s32 $0xFFFFFF80  }
0x96: {  	_ =	swait.ge [sflag:s18], $0x80  }
0x97: {  	[sflag:s18] =	ssyncset.done $0x0  }
0x98: {  	[sflag:s18] =	ssyncadd.s32 $0xFFFFFF80  }
0x99: {  	s4 =	sadd.s32 s4, s29;
	_ =	swait.ge [sflag:s18], $0x80  }
0x9a: {  	s7 =	sadd.s32 $0x318, s4;
	s4 =	sadd.s32 $0x31C, s4;
	[sflag:s18] =	ssyncset.done $0x0  }
0x9b: {  	p1 =	slt.s32 s7, $0x30FC;
	p2 =	slt.s32 s4, $0x30FC;
	[sflag:s18] =	ssyncadd.s32 $0xFFFFFF80  }
0x9c: {  	s7 =	simm.s32 @!p1 $0x30FC;
	s4 =	simm.s32 @!p2 $0x30FC;
	_ =	swait.ge [sflag:s18], $0x80  }
0x9d: {  	s7 =	sshll.u32 s7, $0x4;
	s4 =	sshll.u32 s4, $0x4;
	[sflag:s18] =	ssyncset.done $0x0  }
0x9e: {  	s7 =	sadd.s32 s0, s7;
	[sflag:s18] =	ssyncadd.s32 $0xFFFFFF80  }
0x9f: {  	[tilespmem:s17], [sflag:$0x5] =	stream.linear.gather [hbm4b:s7+s10], $0x200, $0x200038;
	[tilespmem:$0x1EA00] =	vst v63  }
0xa0: {  	_ =	swait.ge [sflag:s2], $0x80  }
0xa1: {  	[sflag:s2] =	ssyncset.done $0x0  }
0xa2: {  	[sflag:s2] =	ssyncadd.s32 $0xFFFFFF80  }
0xa3: {  	_ =	swait.ge [sflag:s2], $0x80  }
0xa4: {  	[sflag:s2] =	ssyncset.done $0x0  }
0xa5: {  	[sflag:s2] =	ssyncadd.s32 $0xFFFFFF80  }
0xa6: {  	_ =	swait.ge [sflag:s2], $0x80  }
.Ltmp2:
0xa7: {  	[sflag:s2] =	ssyncset.done $0x0;
	(pc) =	sbr.rel @p0 .LBB2_6-.Ltmp2, $4  }
0xa8: {  	[sflag:s2] =	ssyncadd.s32 $0xFFFFFF80  }
0xa9: {  	_ =	swait.ge [sflag:s2], $0x80  }
0xaa: {  	[sflag:s2] =	ssyncset.done $0x0  }
0xab: {  	s4 =	sadd.s32 s0, s4;
	[sflag:s2] =	ssyncadd.s32 $0xFFFFFF80  }
0xac: {  	[tilespmem:s22], [sflag:$0x6] =	stream.linear.gather [hbm4b:s4+s10], $0x200, $0x200038;
	[tilespmem:$0x1EA00] =	vst v63  }
0xad: {  	_ =	swait.ge [sflag:s23], $0x200  }
0xae: {  	[sflag:s23] =	ssyncset.done $0x0  }
0xaf: {  	[sflag:s23] =	ssyncadd.s32 $0xFFFFFE00  }
0xb0: {  	_ =	swait.ge [sflag:s15], $0x200  }
0xb1: {  	[sflag:s15] =	ssyncset.done $0x0  }
0xb2: {  	[sflag:s15] =	ssyncadd.s32 $0xFFFFFE00  }
0xb3: {  	_ =	strace $0x90000048  }
0xb4: {  	[bflag:$0x0] =	sbarrier.arrive $0xFFFF  }
0xb5: {  	_ =	strace $0x80000049  }
0xb6: {  	s13 =	simm.s32 $0x0;
	s3 =	simm.s32 $0x1C880;
	s7 =	rddreg [dreg:$0x10]  }
0xb7: {  	[tilespmem:s3], [sflag:$0x9] =	stream.linear.gather [hbm4b:s7+s13], $0x800, $0x200038;
	[tilespmem:$0x1EA00] =	vst v63  }
0xb8: {  	s20 =	rddreg [dreg:$0x1a]  }
0xb9: {  	[tilespmem:s12], [sflag:$0xB] =	stream.linear.gather [spmem:s20], $0x80, $0x200038;
	[tilespmem:$0x1EA00] =	vst v63  }
0xba: {  	_ =	swait.ge [sflag:s5], $0x80  }
0xbb: {  	[sflag:s5] =	ssyncset.done $0x0  }
0xbc: {  	[sflag:s5] =	ssyncadd.s32 $0xFFFFFF80  }
0xbd: {  	v3 =	vld [tilespmem:$0x1E980];
	_ =	sdelay $0x4  }
0xbe: {  	v4 =	vld [tilespmem:$0x1E990];
	v5 =	vshra.s32 v3, $0x1;
	v6 =	vmul.f32 $5.000000000e-01, v3  }
0xbf: {  	v5 =	vsub.s32 $0x5F3759DF, v5  }
0xc0: {  	v9 =	vmul.f32 v5, v6  }
0xc1: {  	v11 =	vld [tilespmem:$0x1E9A0]  }
0xc2: {  	v12 =	vld [tilespmem:$0x1E9B0];
	v9 =	vmul.f32 v5, v9  }
0xc3: {  	v40 =	vld [tilespmem:$0x1E9C0];
	v7 =	vshra.s32 v4, $0x1;
	v8 =	vmul.f32 $5.000000000e-01, v4  }
0xc4: {  	v41 =	vld [tilespmem:$0x1E9D0];
	v7 =	vsub.s32 $0x5F3759DF, v7;
	v9 =	vsub.f32 $1.500000000e+00, v9  }
0xc5: {  	v42 =	vld [tilespmem:$0x1E9E0];
	v10 =	vmul.f32 v7, v8  }
0xc6: {  	v36 =	vshra.s32 v11, $0x1;
	v37 =	vmul.f32 $5.000000000e-01, v11;
	v5 =	vmul.f32 v5, v9  }
0xc7: {  	v16 =	vshra.s32 v12, $0x1;
	v17 =	vmul.f32 $5.000000000e-01, v12;
	v10 =	vmul.f32 v7, v10  }
0xc8: {  	v19 =	vmul.f32 $5.000000000e-01, v40;
	v9 =	vsub.s32 $0x5F3759DF, v36;
	v13 =	vmul.f32 v5, v6  }
0xc9: {  	v21 =	vmul.f32 $5.000000000e-01, v41;
	v10 =	vsub.f32 $1.500000000e+00, v10;
	v15 =	vmul.f32 v9, v37  }
0xca: {  	v20 =	vshra.s32 v41, $0x1;
	v24 =	vmul.f32 $5.000000000e-01, v42;
	v13 =	vmul.f32 v13, v5  }
0xcb: {  	v44 =	vld [tilespmem:$0x1E9F0];
	v16 =	vsub.s32 $0x5F3759DF, v16;
	v7 =	vmul.f32 v7, v10;
	v15 =	vmul.f32 v9, v15  }
0xcc: {  	v20 =	vsub.s32 $0x5F3759DF, v20;
	v18 =	vmul.f32 v16, v17;
	v13 =	vsub.f32 $1.500000000e+00, v13  }
0xcd: {  	v22 =	vmul.f32 v20, v21;
	v14 =	vmul.f32 v7, v8;
	v15 =	vsub.f32 $1.500000000e+00, v15  }
0xce: {  	v38 =	vmul.f32 v16, v18;
	v5 =	vmul.f32 v13, v5  }
0xcf: {  	v45 =	vshra.s32 v40, $0x1;
	v14 =	vmul.f32 v14, v7;
	v9 =	vmul.f32 v9, v15  }
0xd0: {  	v26 =	vmul.f32 $5.000000000e-01, v44;
	v13 =	vsub.f32 $1.500000000e+00, v38;
	v6 =	vmul.f32 v5, v6  }
0xd1: {  	v22 =	vmul.f32 v20, v22;
	v14 =	vsub.f32 $1.500000000e+00, v14;
	v39 =	vmul.f32 v9, v37  }
0xd2: {  	v23 =	vshra.s32 v42, $0x1;
	v13 =	vmul.f32 v16, v13;
	v6 =	vmul.f32 v6, v5  }
0xd3: {  	v25 =	vshra.s32 v44, $0x1;
	v7 =	vmul.f32 v14, v7;
	v14 =	vmul.f32 v39, v9  }
0xd4: {  	v25 =	vsub.s32 $0x5F3759DF, v25;
	v16 =	vmul.f32 v13, v17;
	v6 =	vsub.f32 $1.500000000e+00, v6  }
0xd5: {  	v28 =	vmul.f32 v25, v26;
	v22 =	vsub.f32 $1.500000000e+00, v22;
	v14 =	vsub.f32 $1.500000000e+00, v14  }
0xd6: {  	v23 =	vsub.s32 $0x5F3759DF, v23;
	v5 =	vmul.f32 v6, v5;
	v6 =	vmul.f32 v16, v13  }
0xd7: {  	v20 =	vmul.f32 v20, v22;
	v43 =	vmul.f32 v14, v9;
	v14 =	vsub.s32 $0x5F3759DF, v45  }
0xd8: {  	v27 =	vmul.f32 v23, v24;
	v46 =	vmul.f32 v14, v19;
	v6 =	vsub.f32 $1.500000000e+00, v6  }
0xd9: {  	v28 =	vmul.f32 v25, v28;
	v50 =	vmul.f32 v20, v21  }
0xda: {  	v6 =	vmul.f32 v6, v13;
	v13 =	vmul.f32 v14, v46  }
0xdb: {  	vm0 =	vgt.f32 v3, $5.000000000e-01;
	v3 =	vmul.f32 v50, v20  }
0xdc: {  	v27 =	vmul.f32 v23, v27;
	v48 =	vsub.f32 $1.500000000e+00, v28;
	v13 =	vsub.f32 $1.500000000e+00, v13  }
0xdd: {  	v3 =	vsub.f32 $1.500000000e+00, v3  }
0xde: {  	v47 =	vsub.f32 $1.500000000e+00, v27;
	v22 =	vmul.f32 v25, v48;
	v13 =	vmul.f32 v14, v13  }
0xdf: {  	v3 =	vmul.f32 v3, v20;
	v8 =	vmul.f32 v7, v8  }
0xe0: {  	v14 =	vmul.f32 v23, v47;
	v49 =	vmul.f32 v13, v19  }
0xe1: {  	vm9 =	vgt.f32 v4, $5.000000000e-01;
	v58 =	vmul.f32 v3, v21;
	v8 =	vmul.f32 v8, v7  }
0xe2: {  	vm10 =	vgt.f32 v11, $5.000000000e-01;
	v52 =	vmul.f32 v14, v24;
	v51 =	vmul.f32 v49, v13  }
0xe3: {  	vm11 =	vgt.f32 v12, $5.000000000e-01;
	v53 =	vmul.f32 v22, v26;
	v60 =	vmul.f32 v58, v3  }
0xe4: {  	v8 =	vsub.f32 $1.500000000e+00, v8;
	v27 =	vmul.f32 v52, v14;
	v25 =	vsub.f32 $1.500000000e+00, v51  }
0xe5: {  	vm13 =	vgt.f32 v41, $5.000000000e-01;
	v10 =	vmul.f32 v43, v37;
	v23 =	vmul.f32 v53, v22  }
0xe6: {  	v7 =	vmul.f32 v8, v7;
	v55 =	vsub.f32 $1.500000000e+00, v27;
	v54 =	vmul.f32 v25, v13  }
0xe7: {  	v10 =	vmul.f32 v10, v43;
	v17 =	vmul.f32 v6, v17;
	v56 =	vsub.f32 $1.500000000e+00, v23  }
0xe8: {  	v5 =	vnsel vm0, $0x0, v5;
	v13 =	vmul.f32 v55, v14;
	v57 =	vmul.f32 v54, v19  }
0xe9: {  	[tilespmem:$0x1E980] =	vst v5;
	v5 =	vsub.f32 $1.500000000e+00, v60;
	v17 =	vmul.f32 v17, v6;
	v4 =	vmul.f32 v56, v22  }
0xea: {  	v10 =	vsub.f32 $1.500000000e+00, v10;
	v59 =	vmul.f32 v13, v24;
	v14 =	vmul.f32 v57, v54  }
0xeb: {  	v3 =	vmul.f32 v5, v3;
	v17 =	vsub.f32 $1.500000000e+00, v17;
	v61 =	vmul.f32 v4, v26  }
0xec: {  	v8 =	vmul.f32 v10, v43;
	v19 =	vmul.f32 v59, v13;
	v14 =	vsub.f32 $1.500000000e+00, v14  }
0xed: {  	v7 =	vnsel vm9, $0x0, v7;
	v6 =	vmul.f32 v17, v6;
	v62 =	vmul.f32 v61, v4  }
0xee: {  	[tilespmem:$0x1E990] =	vst v7;
	v3 =	vnsel vm13, $0x0, v3;
	v63 =	vsub.f32 $1.500000000e+00, v19;
	v7 =	vmul.f32 v14, v54  }
0xef: {  	vm12 =	vgt.f32 v40, $5.000000000e-01;
	[tilespmem:$0x1E9D0] =	vst v3;
	v6 =	vnsel vm11, $0x0, v6;
	v5 =	vsub.f32 $1.500000000e+00, v62  }
0xf0: {  	v8 =	vnsel vm10, $0x0, v8;
	[tilespmem:$0x1E9B0] =	vst v6;
	v6 =	vnsel vm12, $0x0, v7;
	v7 =	vmul.f32 v63, v13  }
0xf1: {  	vm14 =	vgt.f32 v42, $5.000000000e-01;
	[tilespmem:$0x1E9A0] =	vst v8;
	v4 =	vmul.f32 v5, v4  }
0xf2: {  	vm15 =	vgt.f32 v44, $5.000000000e-01;
	[tilespmem:$0x1E9C0] =	vst v6;
	v3 =	vnsel vm14, $0x0, v7  }
0xf3: {  	[tilespmem:$0x1E9E0] =	vst v3;
	v3 =	vnsel vm15, $0x0, v4  }
0xf4: {  	[tilespmem:$0x1E9F0] =	vst v3  }
0xf5: {  	[spmem:s20] =	stream.linear.scatter [tilespmem:s12], [sflag:$0xB], $0x80, $0x200038;
	[tilespmem:$0x1EA00] =	vst v63  }
0xf6: {  	_ =	swait.ge [sflag:s5], $0x80  }
0xf7: {  	v3 =	vmov s13;
	[sflag:s5] =	ssyncset.done $0x0  }
0xf8: {  	s21 =	simm.s32 $0x9;
	[sflag:s5] =	ssyncadd.s32 $0xFFFFFF80  }
0xf9: {  	_ =	swait.ge [sflag:s21], $0x800  }
0xfa: {  	[sflag:s21] =	ssyncset.done $0x0  }
0xfb: {  	[sflag:s21] =	ssyncadd.s32 $0xFFFFF800  }
0xfc: {  	v3 =	vld.idx.msk [tilespmem:v3+s12+$0x0], $0xffff  }
0xfd: {  	v4 =	vld [tilespmem:s3+$0x0];
	_ =	sdelay $0x1  }
0xfe: {  	s26 =	simm.s32 $0x1  }
0xff: {  	v5 =	vmov s26;
	_ =	sdelay $0x1  }
0x100: {  	s4 =	simm.s32 $0x1B880;
	v3 =	vmul.f32 v4, v3  }
0x101: {  	[tilespmem:s4+$0x0] =	vst v4  }
0x102: {  	[tilespmem:s3+$0x0] =	vst v3  }
0x103: {  	s3 =	simm.s32 $0x1C890;
	v4 =	vld.idx.msk [tilespmem:v5+s12+$0x0], $0xffff  }
0x104: {  	v5 =	vld [tilespmem:s3+$0x0];
	_ =	sdelay $0x1  }
0x105: {  	s30 =	simm.s32 $0x2  }
0x106: {  	s9 =	simm.s32 $0x1B880;
	s7 =	simm.s32 $0x3;
	v3 =	vmov s30  }
.LBB2_8:
0x107: {  	p0 =	sne.s32 s7, $0x7F  }
0x108: {  	s4 =	sadd.s32 $0x10, s4;
	v4 =	vmul.f32 v5, v4  }
0x109: {  	[tilespmem:s4+$0x0] =	vst v5  }
0x10a: {  	[tilespmem:s3+$0x0] =	vst v4  }
.Ltmp3:
0x10b: {  	s3 =	sadd.s32 $0x10, s3;
	v4 =	vld.idx.msk [tilespmem:v3+s12+$0x0], $0xffff;
	(pc) =	sbr.rel @p0 .LBB2_8-.Ltmp3, $2  }
0x10c: {  	v5 =	vld [tilespmem:s3+$0x0];
	_ =	sdelay $0x2  }
0x10d: {  	v3 =	vmov s7;
	s7 =	sadd.s32 $0x1, s7  }
0x10e: {  	_ = 	snop  }
0x10f: {  	s4 =	sadd.s32 $0x10, s4;
	v4 =	vmul.f32 v5, v4  }
0x110: {  	[tilespmem:s4+$0x0] =	vst v5  }
0x111: {  	[tilespmem:s3+$0x0] =	vst v4  }
0x112: {  	s21 =	sadd.s32 $0x10, s3;
	v3 =	vld.idx.msk [tilespmem:v3+s12+$0x0], $0xffff  }
0x113: {  	v4 =	vld [tilespmem:s21+$0x0];
	_ =	sdelay $0x4  }
0x114: {  	s4 =	sadd.s32 $0x10, s4;
	v3 =	vmul.f32 v4, v3  }
0x115: {  	[tilespmem:s4+$0x0] =	vst v4  }
0x116: {  	s20 =	simm.s32 $0x0;
	s26 =	rddreg [dreg:$0x11];
	[tilespmem:s21+$0x0] =	vst v3  }
0x117: {  	[hbm4b:s26+s20] =	stream.linear.scatter [tilespmem:s9], [sflag:$0xA], $0x800, $0x200038;
	[tilespmem:$0x1EA00] =	vst v63  }
0x118: {  	s30 =	rddreg [dreg:$0x15];
	s6 =	simm.s32 $0x1C880;
	s3 =	simm.s32 $0x0  }
0x119: {  	[hbm4b:s30+s20] =	stream.linear.scatter [tilespmem:s14], [sflag:$0xA], $0x800, $0x200038;
	[tilespmem:$0x1EA00] =	vst v63  }
.LBB2_10:
0x11a: {  	s13 =	simm.s32 $0xA  }
0x11b: {  	_ =	swait.ge [sflag:s13], $0x800  }
0x11c: {  	s3 =	sadd.s32 $0x1, s3;
	[sflag:s13] =	ssyncset.done $0x0  }
0x11d: {  	s4 =	sshll.u32 s3, $0x7;
	s7 =	rddreg [dreg:$0xa];
	[sflag:s13] =	ssyncadd.s32 $0xFFFFF800  }
0x11e: {  	s4 =	sadd.s32 s7, s4;
	_ =	swait.ge [sflag:s13], $0x800  }
0x11f: {  	s7 =	sshll.u32 s4, $0x4;
	s9 =	rddreg [dreg:$0xb];
	[sflag:s13] =	ssyncset.done $0x0  }
0x120: {  	s7 =	sadd.s32 s9, s7;
	[sflag:s13] =	ssyncadd.s32 $0xFFFFF800  }
0x121: {  	s7 =	sshrl.u32 s7, $0x3;
	s26 =	rddreg [dreg:$0x2]  }
0x122: {  	s30 =	simm.s32 $0x1C880;
	s7 =	sadd.s32 s26, s7  }
0x123: {  	[tilespmem:s30], [sflag:$0x9] =	stream.linear.gather [hbm4b:s7+s20], $0x800, $0x200038;
	[tilespmem:$0x1EA00] =	vst v63  }
0x124: {  	s14 =	sadd.s32 s4, s8  }
0x125: {  	[tilespmem:s12], [sflag:$0xB] =	stream.linear.gather [spmem:s14], $0x80, $0x200038;
	[tilespmem:$0x1EA00] =	vst v63  }
0x126: {  	_ =	swait.ge [sflag:s5], $0x80  }
0x127: {  	[sflag:s5] =	ssyncset.done $0x0  }
0x128: {  	[sflag:s5] =	ssyncadd.s32 $0xFFFFFF80  }
0x129: {  	v3 =	vld [tilespmem:$0x1E980];
	_ =	sdelay $0x4  }
0x12a: {  	v4 =	vld [tilespmem:$0x1E990];
	v5 =	vshra.s32 v3, $0x1;
	v6 =	vmul.f32 $5.000000000e-01, v3  }
0x12b: {  	v5 =	vsub.s32 $0x5F3759DF, v5  }
0x12c: {  	v9 =	vmul.f32 v5, v6  }
0x12d: {  	v11 =	vld [tilespmem:$0x1E9A0]  }
0x12e: {  	v12 =	vld [tilespmem:$0x1E9B0];
	v9 =	vmul.f32 v5, v9  }
0x12f: {  	v40 =	vld [tilespmem:$0x1E9C0];
	v7 =	vshra.s32 v4, $0x1;
	v8 =	vmul.f32 $5.000000000e-01, v4  }
0x130: {  	v41 =	vld [tilespmem:$0x1E9D0];
	v7 =	vsub.s32 $0x5F3759DF, v7;
	v9 =	vsub.f32 $1.500000000e+00, v9  }
0x131: {  	v42 =	vld [tilespmem:$0x1E9E0];
	v10 =	vmul.f32 v7, v8  }
0x132: {  	v36 =	vshra.s32 v11, $0x1;
	v37 =	vmul.f32 $5.000000000e-01, v11;
	v5 =	vmul.f32 v5, v9  }
0x133: {  	v16 =	vshra.s32 v12, $0x1;
	v17 =	vmul.f32 $5.000000000e-01, v12;
	v10 =	vmul.f32 v7, v10  }
0x134: {  	v19 =	vmul.f32 $5.000000000e-01, v40;
	v9 =	vsub.s32 $0x5F3759DF, v36;
	v13 =	vmul.f32 v5, v6  }
0x135: {  	v21 =	vmul.f32 $5.000000000e-01, v41;
	v10 =	vsub.f32 $1.500000000e+00, v10;
	v15 =	vmul.f32 v9, v37  }
0x136: {  	v20 =	vshra.s32 v41, $0x1;
	v24 =	vmul.f32 $5.000000000e-01, v42;
	v13 =	vmul.f32 v13, v5  }
0x137: {  	v44 =	vld [tilespmem:$0x1E9F0];
	v16 =	vsub.s32 $0x5F3759DF, v16;
	v7 =	vmul.f32 v7, v10;
	v15 =	vmul.f32 v9, v15  }
0x138: {  	v20 =	vsub.s32 $0x5F3759DF, v20;
	v18 =	vmul.f32 v16, v17;
	v13 =	vsub.f32 $1.500000000e+00, v13  }
0x139: {  	v22 =	vmul.f32 v20, v21;
	v14 =	vmul.f32 v7, v8;
	v15 =	vsub.f32 $1.500000000e+00, v15  }
0x13a: {  	v38 =	vmul.f32 v16, v18;
	v5 =	vmul.f32 v13, v5  }
0x13b: {  	v45 =	vshra.s32 v40, $0x1;
	v14 =	vmul.f32 v14, v7;
	v9 =	vmul.f32 v9, v15  }
0x13c: {  	v26 =	vmul.f32 $5.000000000e-01, v44;
	v13 =	vsub.f32 $1.500000000e+00, v38;
	v6 =	vmul.f32 v5, v6  }
0x13d: {  	v22 =	vmul.f32 v20, v22;
	v14 =	vsub.f32 $1.500000000e+00, v14;
	v39 =	vmul.f32 v9, v37  }
0x13e: {  	v23 =	vshra.s32 v42, $0x1;
	v13 =	vmul.f32 v16, v13;
	v6 =	vmul.f32 v6, v5  }
0x13f: {  	v25 =	vshra.s32 v44, $0x1;
	v7 =	vmul.f32 v14, v7;
	v14 =	vmul.f32 v39, v9  }
0x140: {  	v25 =	vsub.s32 $0x5F3759DF, v25;
	v16 =	vmul.f32 v13, v17;
	v6 =	vsub.f32 $1.500000000e+00, v6  }
0x141: {  	v28 =	vmul.f32 v25, v26;
	v22 =	vsub.f32 $1.500000000e+00, v22;
	v14 =	vsub.f32 $1.500000000e+00, v14  }
0x142: {  	v23 =	vsub.s32 $0x5F3759DF, v23;
	v5 =	vmul.f32 v6, v5;
	v6 =	vmul.f32 v16, v13  }
0x143: {  	v20 =	vmul.f32 v20, v22;
	v43 =	vmul.f32 v14, v9;
	v14 =	vsub.s32 $0x5F3759DF, v45  }
0x144: {  	v27 =	vmul.f32 v23, v24;
	v46 =	vmul.f32 v14, v19;
	v6 =	vsub.f32 $1.500000000e+00, v6  }
0x145: {  	v28 =	vmul.f32 v25, v28;
	v50 =	vmul.f32 v20, v21  }
0x146: {  	v6 =	vmul.f32 v6, v13;
	v13 =	vmul.f32 v14, v46  }
0x147: {  	vm0 =	vgt.f32 v3, $5.000000000e-01;
	v3 =	vmul.f32 v50, v20  }
0x148: {  	v27 =	vmul.f32 v23, v27;
	v48 =	vsub.f32 $1.500000000e+00, v28;
	v13 =	vsub.f32 $1.500000000e+00, v13  }
0x149: {  	v3 =	vsub.f32 $1.500000000e+00, v3  }
0x14a: {  	v47 =	vsub.f32 $1.500000000e+00, v27;
	v22 =	vmul.f32 v25, v48;
	v13 =	vmul.f32 v14, v13  }
0x14b: {  	v3 =	vmul.f32 v3, v20;
	v8 =	vmul.f32 v7, v8  }
0x14c: {  	v14 =	vmul.f32 v23, v47;
	v49 =	vmul.f32 v13, v19  }
0x14d: {  	vm9 =	vgt.f32 v4, $5.000000000e-01;
	v58 =	vmul.f32 v3, v21;
	v8 =	vmul.f32 v8, v7  }
0x14e: {  	vm10 =	vgt.f32 v11, $5.000000000e-01;
	v52 =	vmul.f32 v14, v24;
	v51 =	vmul.f32 v49, v13  }
0x14f: {  	vm11 =	vgt.f32 v12, $5.000000000e-01;
	v53 =	vmul.f32 v22, v26;
	v60 =	vmul.f32 v58, v3  }
0x150: {  	v8 =	vsub.f32 $1.500000000e+00, v8;
	v27 =	vmul.f32 v52, v14;
	v25 =	vsub.f32 $1.500000000e+00, v51  }
0x151: {  	vm13 =	vgt.f32 v41, $5.000000000e-01;
	v10 =	vmul.f32 v43, v37;
	v23 =	vmul.f32 v53, v22  }
0x152: {  	v7 =	vmul.f32 v8, v7;
	v55 =	vsub.f32 $1.500000000e+00, v27;
	v54 =	vmul.f32 v25, v13  }
0x153: {  	v10 =	vmul.f32 v10, v43;
	v17 =	vmul.f32 v6, v17;
	v56 =	vsub.f32 $1.500000000e+00, v23  }
0x154: {  	v5 =	vnsel vm0, $0x0, v5;
	v13 =	vmul.f32 v55, v14;
	v57 =	vmul.f32 v54, v19  }
0x155: {  	[tilespmem:$0x1E980] =	vst v5;
	v5 =	vsub.f32 $1.500000000e+00, v60;
	v17 =	vmul.f32 v17, v6;
	v4 =	vmul.f32 v56, v22  }
0x156: {  	v10 =	vsub.f32 $1.500000000e+00, v10;
	v59 =	vmul.f32 v13, v24;
	v14 =	vmul.f32 v57, v54  }
0x157: {  	v3 =	vmul.f32 v5, v3;
	v17 =	vsub.f32 $1.500000000e+00, v17;
	v61 =	vmul.f32 v4, v26  }
0x158: {  	v8 =	vmul.f32 v10, v43;
	v19 =	vmul.f32 v59, v13;
	v14 =	vsub.f32 $1.500000000e+00, v14  }
0x159: {  	v7 =	vnsel vm9, $0x0, v7;
	v6 =	vmul.f32 v17, v6;
	v62 =	vmul.f32 v61, v4  }
0x15a: {  	[tilespmem:$0x1E990] =	vst v7;
	v3 =	vnsel vm13, $0x0, v3;
	v63 =	vsub.f32 $1.500000000e+00, v19;
	v7 =	vmul.f32 v14, v54  }
0x15b: {  	vm12 =	vgt.f32 v40, $5.000000000e-01;
	[tilespmem:$0x1E9D0] =	vst v3;
	v6 =	vnsel vm11, $0x0, v6;
	v5 =	vsub.f32 $1.500000000e+00, v62  }
0x15c: {  	v8 =	vnsel vm10, $0x0, v8;
	[tilespmem:$0x1E9B0] =	vst v6;
	v6 =	vnsel vm12, $0x0, v7;
	v7 =	vmul.f32 v63, v13  }
0x15d: {  	vm14 =	vgt.f32 v42, $5.000000000e-01;
	[tilespmem:$0x1E9A0] =	vst v8;
	v4 =	vmul.f32 v5, v4  }
0x15e: {  	vm15 =	vgt.f32 v44, $5.000000000e-01;
	[tilespmem:$0x1E9C0] =	vst v6;
	v3 =	vnsel vm14, $0x0, v7  }
0x15f: {  	[tilespmem:$0x1E9E0] =	vst v3;
	v3 =	vnsel vm15, $0x0, v4  }
0x160: {  	[tilespmem:$0x1E9F0] =	vst v3  }
0x161: {  	[spmem:s14] =	stream.linear.scatter [tilespmem:s12], [sflag:$0xB], $0x80, $0x200038;
	[tilespmem:$0x1EA00] =	vst v63  }
0x162: {  	_ =	swait.ge [sflag:s5], $0x80  }
0x163: {  	v3 =	vmov s20;
	[sflag:s5] =	ssyncset.done $0x0  }
0x164: {  	s21 =	simm.s32 $0x9;
	[sflag:s5] =	ssyncadd.s32 $0xFFFFFF80  }
0x165: {  	_ =	swait.ge [sflag:s21], $0x800  }
0x166: {  	[sflag:s21] =	ssyncset.done $0x0  }
0x167: {  	[sflag:s21] =	ssyncadd.s32 $0xFFFFF800  }
0x168: {  	v3 =	vld.idx.msk [tilespmem:v3+s12+$0x0], $0xffff  }
0x169: {  	v4 =	vld [tilespmem:s30+$0x0];
	_ =	sdelay $0x1  }
0x16a: {  	s26 =	simm.s32 $0x1  }
0x16b: {  	v5 =	vmov s26;
	_ =	sdelay $0x1  }
0x16c: {  	s9 =	simm.s32 $0x1B880;
	v3 =	vmul.f32 v4, v3  }
0x16d: {  	[tilespmem:s9+$0x0] =	vst v4  }
0x16e: {  	[tilespmem:s30+$0x0] =	vst v3  }
0x16f: {  	s13 =	simm.s32 $0x1C890;
	v4 =	vld.idx.msk [tilespmem:v5+s12+$0x0], $0xffff  }
0x170: {  	v5 =	vld [tilespmem:s13+$0x0];
	_ =	sdelay $0x1  }
0x171: {  	s30 =	simm.s32 $0x2  }
0x172: {  	s7 =	simm.s32 $0x3;
	v3 =	vmov s30  }
.LBB2_11:
0x173: {  	p0 =	sne.s32 s7, $0x7F  }
0x174: {  	s9 =	sadd.s32 $0x10, s9;
	v4 =	vmul.f32 v5, v4  }
0x175: {  	[tilespmem:s9+$0x0] =	vst v5  }
0x176: {  	[tilespmem:s13+$0x0] =	vst v4  }
.Ltmp4:
0x177: {  	s13 =	sadd.s32 $0x10, s13;
	v4 =	vld.idx.msk [tilespmem:v3+s12+$0x0], $0xffff;
	(pc) =	sbr.rel @p0 .LBB2_11-.Ltmp4, $2  }
0x178: {  	v5 =	vld [tilespmem:s13+$0x0];
	_ =	sdelay $0x2  }
0x179: {  	v3 =	vmov s7;
	s7 =	sadd.s32 $0x1, s7  }
0x17a: {  	_ = 	snop  }
0x17b: {  	s7 =	sadd.s32 $0x10, s9;
	v4 =	vmul.f32 v5, v4  }
0x17c: {  	[tilespmem:s7+$0x0] =	vst v5  }
0x17d: {  	[tilespmem:s13+$0x0] =	vst v4  }
0x17e: {  	s26 =	sadd.s32 $0x10, s13;
	v3 =	vld.idx.msk [tilespmem:v3+s12+$0x0], $0xffff  }
0x17f: {  	v4 =	vld [tilespmem:s26+$0x0];
	_ =	sdelay $0x3  }
0x180: {  	s4 =	sadd.s32 s28, s4  }
0x181: {  	p0 =	sne.s32 s3, $0x30;
	s7 =	sadd.s32 $0x10, s7;
	s4 =	sshll.u32 s4, $0x1;
	v3 =	vmul.f32 v4, v3  }
.Ltmp5:
0x182: {  	s30 =	rddreg [dreg:$0x3];
	s4 =	sand.u32 $0x1FFFFF00, s4;
	[tilespmem:s7+$0x0] =	vst v4;
	(pc) =	sbr.rel @p0 .LBB2_10-.Ltmp5, $4  }
0x183: {  	s9 =	simm.s32 $0x1B880;
	s13 =	rddreg [dreg:$0x4];
	s7 =	sadd.s32 s30, s4;
	[tilespmem:s26+$0x0] =	vst v3  }
0x184: {  	[hbm4b:s7+s10] =	stream.linear.scatter [tilespmem:s9], [sflag:$0xA], $0x800, $0x200038;
	[tilespmem:$0x1EA00] =	vst v63  }
0x185: {  	s4 =	sadd.s32 s13, s4  }
0x186: {  	[hbm4b:s4+s10] =	stream.linear.scatter [tilespmem:s6], [sflag:$0xA], $0x800, $0x200038;
	[tilespmem:$0x1EA00] =	vst v63  }
0x187: {  	s3 =	simm.s32 $0xA  }
0x188: {  	_ =	swait.ge [sflag:s3], $0x800  }
0x189: {  	[sflag:s3] =	ssyncset.done $0x0  }
0x18a: {  	[sflag:s3] =	ssyncadd.s32 $0xFFFFF800  }
0x18b: {  	_ =	swait.ge [sflag:s3], $0x800  }
0x18c: {  	[sflag:s3] =	ssyncset.done $0x0  }
0x18d: {  	[sflag:s3] =	ssyncadd.s32 $0xFFFFF800  }
0x18e: {  	_ =	strace $0x90000049  }
0x18f: {  	[bflag:$0x0] =	sbarrier.arrive $0xFFFF  }
0x190: {  	_ =	strace $0x8000004A  }
0x191: {  	s20 =	rddreg [dreg:$0xe]  }
0x192: {  	s21 =	rddreg [dreg:$0x12]  }
0x193: {  	s26 =	rddreg [dreg:$0xf]  }
0x194: {  	[tilespmem:s17], [sflag:$0x5] =	stream.linear.gather [hbm4b:s20+s10], $0x200, $0x200038;
	[tilespmem:$0x1EA00] =	vst v63  }
0x195: {  	s4 =	simm.s32 $0x1A480;
	s28 =	rddreg [dreg:$0x13]  }
0x196: {  	[tilespmem:s4], [sflag:$0x7] =	stream.linear.gather [hbm4b:s21+s10], $0x200, $0x200038;
	[tilespmem:$0x1EA00] =	vst v63  }
0x197: {  	s30 =	simm.s32 $0x1A680;
	s14 =	rddreg [dreg:$0x6]  }
0x198: {  	[tilespmem:s22], [sflag:$0x6] =	stream.linear.gather [hbm4b:s26+s10], $0x200, $0x200038;
	[tilespmem:$0x1EA00] =	vst v63  }
0x199: {  	s20 =	simm.s32 $0x1A380;
	s4 =	simm.s32 $0xFFFFFCF0;
	s26 =	simm.s32 $0x1E080  }
0x19a: {  	[tilespmem:s30], [sflag:$0x8] =	stream.linear.gather [hbm4b:s28+s10], $0x200, $0x200038;
	[tilespmem:$0x1EA00] =	vst v63  }
.LBB2_14:
0x19b: {  	_ =	swait.ge [sflag:s23], $0x200  }
0x19c: {  	[sflag:s23] =	ssyncset.done $0x0  }
0x19d: {  	s3 =	simm.s32 $0x7;
	[sflag:s23] =	ssyncadd.s32 $0xFFFFFE00  }
0x19e: {  	_ =	swait.ge [sflag:s3], $0x200  }
0x19f: {  	[sflag:s3] =	ssyncset.done $0x0  }
0x1a0: {  	[sflag:s3] =	ssyncadd.s32 $0xFFFFFE00  }
0x1a1: {  	v3 =	vld [tilespmem:$0x1A080]  }
0x1a2: {  	v4 =	vld [tilespmem:$0x1A090]  }
0x1a3: {  	v5 =	vld [tilespmem:$0x1A0A0]  }
0x1a4: {  	v6 =	vld [tilespmem:$0x1A0B0]  }
0x1a5: {  	v7 =	vld [tilespmem:$0x1A0C0]  }
0x1a6: {  	v8 =	vld [tilespmem:$0x1A0D0];
	v3 =	vadd.s32 v0, v3  }
0x1a7: {  	v59 =	vld [tilespmem:$0x1A0E0];
	[tilespmem:$0x1A080] =	vst v3;
	v3 =	vadd.s32 v0, v4  }
0x1a8: {  	v60 =	vld [tilespmem:$0x1A0F0];
	[tilespmem:$0x1A090] =	vst v3;
	v3 =	vadd.s32 v0, v5  }
0x1a9: {  	v61 =	vld [tilespmem:$0x1A100];
	[tilespmem:$0x1A0A0] =	vst v3;
	v3 =	vadd.s32 v0, v6  }
0x1aa: {  	v62 =	vld [tilespmem:$0x1A110];
	[tilespmem:$0x1A0B0] =	vst v3;
	v3 =	vadd.s32 v0, v7  }
0x1ab: {  	v63 =	vld [tilespmem:$0x1A120];
	[tilespmem:$0x1A0C0] =	vst v3;
	v3 =	vadd.s32 v0, v8  }
0x1ac: {  	v12 =	vld [tilespmem:$0x1A130];
	[tilespmem:$0x1A0D0] =	vst v3;
	v3 =	vadd.s32 v0, v59  }
0x1ad: {  	v13 =	vld [tilespmem:$0x1A140];
	[tilespmem:$0x1A0E0] =	vst v3;
	v3 =	vadd.s32 v0, v60  }
0x1ae: {  	v14 =	vld [tilespmem:$0x1A150];
	[tilespmem:$0x1A0F0] =	vst v3;
	v3 =	vadd.s32 v0, v61  }
0x1af: {  	v15 =	vld [tilespmem:$0x1A160];
	[tilespmem:$0x1A100] =	vst v3;
	v3 =	vadd.s32 v0, v62  }
0x1b0: {  	v16 =	vld [tilespmem:$0x1A170];
	[tilespmem:$0x1A110] =	vst v3;
	v3 =	vadd.s32 v0, v63  }
0x1b1: {  	v17 =	vld [tilespmem:$0x1A180];
	[tilespmem:$0x1A120] =	vst v3;
	v3 =	vadd.s32 v0, v12  }
0x1b2: {  	v18 =	vld [tilespmem:$0x1A190];
	[tilespmem:$0x1A130] =	vst v3;
	v3 =	vadd.s32 v0, v13  }
0x1b3: {  	v19 =	vld [tilespmem:$0x1A1A0];
	[tilespmem:$0x1A140] =	vst v3;
	v3 =	vadd.s32 v0, v14  }
0x1b4: {  	v20 =	vld [tilespmem:$0x1A1B0];
	[tilespmem:$0x1A150] =	vst v3;
	v3 =	vadd.s32 v0, v15  }
0x1b5: {  	v21 =	vld [tilespmem:$0x1A1C0];
	[tilespmem:$0x1A160] =	vst v3;
	v3 =	vadd.s32 v0, v16  }
0x1b6: {  	v22 =	vld [tilespmem:$0x1A1D0];
	[tilespmem:$0x1A170] =	vst v3;
	v3 =	vadd.s32 v0, v17  }
0x1b7: {  	v23 =	vld [tilespmem:$0x1A1E0];
	[tilespmem:$0x1A180] =	vst v3;
	v3 =	vadd.s32 v0, v18  }
0x1b8: {  	v24 =	vld [tilespmem:$0x1A1F0];
	[tilespmem:$0x1A190] =	vst v3;
	v3 =	vadd.s32 v0, v19  }
0x1b9: {  	v25 =	vld [tilespmem:$0x1A200];
	[tilespmem:$0x1A1A0] =	vst v3;
	v3 =	vadd.s32 v0, v20  }
0x1ba: {  	v26 =	vld [tilespmem:$0x1A210];
	[tilespmem:$0x1A1B0] =	vst v3;
	v3 =	vadd.s32 v0, v21  }
0x1bb: {  	v27 =	vld [tilespmem:$0x1A220];
	[tilespmem:$0x1A1C0] =	vst v3;
	v3 =	vadd.s32 v0, v22  }
0x1bc: {  	v28 =	vld [tilespmem:$0x1A230];
	[tilespmem:$0x1A1D0] =	vst v3;
	v3 =	vadd.s32 v0, v23  }
0x1bd: {  	v29 =	vld [tilespmem:$0x1A240];
	[tilespmem:$0x1A1E0] =	vst v3;
	v3 =	vadd.s32 v0, v24  }
0x1be: {  	v30 =	vld [tilespmem:$0x1A250];
	[tilespmem:$0x1A1F0] =	vst v3;
	v3 =	vadd.s32 v0, v25  }
0x1bf: {  	v31 =	vld [tilespmem:$0x1A260];
	[tilespmem:$0x1A200] =	vst v3;
	v3 =	vadd.s32 v0, v26  }
0x1c0: {  	v32 =	vld [tilespmem:$0x1A270];
	[tilespmem:$0x1A210] =	vst v3;
	v3 =	vadd.s32 v0, v27  }
0x1c1: {  	[tilespmem:$0x1A220] =	vst v3;
	v3 =	vadd.s32 v0, v28  }
0x1c2: {  	[tilespmem:$0x1A230] =	vst v3;
	v3 =	vadd.s32 v0, v29  }
0x1c3: {  	[tilespmem:$0x1A240] =	vst v3;
	v3 =	vadd.s32 v0, v30  }
0x1c4: {  	[tilespmem:$0x1A250] =	vst v3;
	v3 =	vadd.s32 v0, v31  }
0x1c5: {  	[tilespmem:$0x1A260] =	vst v3;
	v3 =	vadd.s32 v0, v32  }
0x1c6: {  	s6 =	simm.s32 $0x1A880;
	[tilespmem:$0x1A270] =	vst v3  }
0x1c7: {  	[tilespmem:s6], [sflag:$0x1] =	stream.indirect.gather [hbm4b:s13+s24], $0x10, s17, s24, $0x2000b8;
	[tilespmem:$0x1EA00] =	vst v63  }
0x1c8: {  	s30 =	simm.s32 $0x1A100;
	s7 =	simm.s32 $0x1B080  }
0x1c9: {  	[tilespmem:s7], [sflag:$0x1] =	stream.indirect.gather [hbm4b:s13+s24], $0x10, s30, s24, $0x2000b8;
	[tilespmem:$0x1EA00] =	vst v63  }
0x1ca: {  	_ = 	snop  }
0x1cb: {  	[tilespmem:s9], [sflag:$0x1] =	stream.indirect.gather [hbm4b:s13+s24], $0x10, s19, s24, $0x2000b8;
	[tilespmem:$0x1EA00] =	vst v63  }
0x1cc: {  	s19 =	simm.s32 $0x1A200  }
0x1cd: {  	[tilespmem:s31], [sflag:$0x1] =	stream.indirect.gather [hbm4b:s13+s24], $0x10, s19, s24, $0x2000b8;
	[tilespmem:$0x1EA00] =	vst v63  }
0x1ce: {  	_ =	swait.ge [sflag:s15], $0x200  }
0x1cf: {  	[sflag:s15] =	ssyncset.done $0x0  }
0x1d0: {  	s21 =	simm.s32 $0x8;
	[sflag:s15] =	ssyncadd.s32 $0xFFFFFE00  }
0x1d1: {  	_ =	swait.ge [sflag:s21], $0x200  }
0x1d2: {  	[sflag:s21] =	ssyncset.done $0x0  }
0x1d3: {  	[sflag:s21] =	ssyncadd.s32 $0xFFFFFE00  }
0x1d4: {  	v3 =	vld [tilespmem:$0x1A280]  }
0x1d5: {  	v33 =	vld [tilespmem:$0x1A290]  }
0x1d6: {  	v34 =	vld [tilespmem:$0x1A2A0]  }
0x1d7: {  	v35 =	vld [tilespmem:$0x1A2B0]  }
0x1d8: {  	v36 =	vld [tilespmem:$0x1A2C0]  }
0x1d9: {  	v37 =	vld [tilespmem:$0x1A2D0];
	v3 =	vadd.s32 v0, v3  }
0x1da: {  	v38 =	vld [tilespmem:$0x1A2E0];
	[tilespmem:$0x1A280] =	vst v3;
	v3 =	vadd.s32 v0, v33  }
0x1db: {  	v39 =	vld [tilespmem:$0x1A2F0];
	[tilespmem:$0x1A290] =	vst v3;
	v3 =	vadd.s32 v0, v34  }
0x1dc: {  	v40 =	vld [tilespmem:$0x1A300];
	[tilespmem:$0x1A2A0] =	vst v3;
	v3 =	vadd.s32 v0, v35  }
0x1dd: {  	v41 =	vld [tilespmem:$0x1A310];
	[tilespmem:$0x1A2B0] =	vst v3;
	v3 =	vadd.s32 v0, v36  }
0x1de: {  	v42 =	vld [tilespmem:$0x1A320];
	[tilespmem:$0x1A2C0] =	vst v3;
	v3 =	vadd.s32 v0, v37  }
0x1df: {  	v43 =	vld [tilespmem:$0x1A330];
	[tilespmem:$0x1A2D0] =	vst v3;
	v3 =	vadd.s32 v0, v38  }
0x1e0: {  	v44 =	vld [tilespmem:$0x1A340];
	[tilespmem:$0x1A2E0] =	vst v3;
	v3 =	vadd.s32 v0, v39  }
0x1e1: {  	v45 =	vld [tilespmem:$0x1A350];
	[tilespmem:$0x1A2F0] =	vst v3;
	v3 =	vadd.s32 v0, v40  }
0x1e2: {  	v46 =	vld [tilespmem:$0x1A360];
	[tilespmem:$0x1A300] =	vst v3;
	v3 =	vadd.s32 v0, v41  }
0x1e3: {  	v47 =	vld [tilespmem:$0x1A370];
	[tilespmem:$0x1A310] =	vst v3;
	v3 =	vadd.s32 v0, v42  }
0x1e4: {  	v48 =	vld [tilespmem:$0x1A380];
	[tilespmem:$0x1A320] =	vst v3;
	v3 =	vadd.s32 v0, v43  }
0x1e5: {  	v49 =	vld [tilespmem:$0x1A390];
	[tilespmem:$0x1A330] =	vst v3;
	v3 =	vadd.s32 v0, v44  }
0x1e6: {  	v50 =	vld [tilespmem:$0x1A3A0];
	[tilespmem:$0x1A340] =	vst v3;
	v3 =	vadd.s32 v0, v45  }
0x1e7: {  	v51 =	vld [tilespmem:$0x1A3B0];
	[tilespmem:$0x1A350] =	vst v3;
	v3 =	vadd.s32 v0, v46  }
0x1e8: {  	v52 =	vld [tilespmem:$0x1A3C0];
	[tilespmem:$0x1A360] =	vst v3;
	v3 =	vadd.s32 v0, v47  }
0x1e9: {  	v53 =	vld [tilespmem:$0x1A3D0];
	[tilespmem:$0x1A370] =	vst v3;
	v3 =	vadd.s32 v0, v48  }
0x1ea: {  	v54 =	vld [tilespmem:$0x1A3E0];
	[tilespmem:$0x1A380] =	vst v3;
	v3 =	vadd.s32 v0, v49  }
0x1eb: {  	v55 =	vld [tilespmem:$0x1A3F0];
	[tilespmem:$0x1A390] =	vst v3;
	v3 =	vadd.s32 v0, v50  }
0x1ec: {  	v56 =	vld [tilespmem:$0x1A400];
	[tilespmem:$0x1A3A0] =	vst v3;
	v3 =	vadd.s32 v0, v51  }
0x1ed: {  	v57 =	vld [tilespmem:$0x1A410];
	[tilespmem:$0x1A3B0] =	vst v3;
	v3 =	vadd.s32 v0, v52  }
0x1ee: {  	v58 =	vld [tilespmem:$0x1A420];
	[tilespmem:$0x1A3C0] =	vst v3;
	v3 =	vadd.s32 v0, v53  }
0x1ef: {  	v59 =	vld [tilespmem:$0x1A430];
	[tilespmem:$0x1A3D0] =	vst v3;
	v3 =	vadd.s32 v0, v54  }
0x1f0: {  	v60 =	vld [tilespmem:$0x1A440];
	[tilespmem:$0x1A3E0] =	vst v3;
	v3 =	vadd.s32 v0, v55  }
0x1f1: {  	v61 =	vld [tilespmem:$0x1A450];
	[tilespmem:$0x1A3F0] =	vst v3;
	v3 =	vadd.s32 v0, v56  }
0x1f2: {  	v62 =	vld [tilespmem:$0x1A460];
	[tilespmem:$0x1A400] =	vst v3;
	v3 =	vadd.s32 v0, v57  }
0x1f3: {  	v63 =	vld [tilespmem:$0x1A470];
	[tilespmem:$0x1A410] =	vst v3;
	v3 =	vadd.s32 v0, v58  }
0x1f4: {  	[tilespmem:$0x1A420] =	vst v3;
	v3 =	vadd.s32 v0, v59  }
0x1f5: {  	[tilespmem:$0x1A430] =	vst v3;
	v3 =	vadd.s32 v0, v60  }
0x1f6: {  	[tilespmem:$0x1A440] =	vst v3;
	v3 =	vadd.s32 v0, v61  }
0x1f7: {  	[tilespmem:$0x1A450] =	vst v3;
	v3 =	vadd.s32 v0, v62  }
0x1f8: {  	[tilespmem:$0x1A460] =	vst v3;
	v3 =	vadd.s32 v0, v63  }
0x1f9: {  	s19 =	simm.s32 $0x1C880;
	[tilespmem:$0x1A470] =	vst v3  }
0x1fa: {  	[tilespmem:s19], [sflag:$0x2] =	stream.indirect.gather [hbm4b:s13+s24], $0x10, s22, s24, $0x2000b8;
	[tilespmem:$0x1EA00] =	vst v63  }
0x1fb: {  	s21 =	simm.s32 $0x1D080  }
0x1fc: {  	[tilespmem:s21], [sflag:$0x2] =	stream.indirect.gather [hbm4b:s13+s24], $0x10, s16, s24, $0x2000b8;
	[tilespmem:$0x1EA00] =	vst v63  }
0x1fd: {  	s30 =	simm.s32 $0x1D880  }
0x1fe: {  	[tilespmem:s30], [sflag:$0x2] =	stream.indirect.gather [hbm4b:s13+s24], $0x10, s20, s24, $0x2000b8;
	[tilespmem:$0x1EA00] =	vst v63  }
0x1ff: {  	s28 =	simm.s32 $0x1A400  }
0x200: {  	[tilespmem:s26], [sflag:$0x2] =	stream.indirect.gather [hbm4b:s13+s24], $0x10, s28, s24, $0x2000b8;
	[tilespmem:$0x1EA00] =	vst v63  }
0x201: {  	_ =	swait.ge [sflag:s11], $0x800  }
0x202: {  	[sflag:s11] =	ssyncset.done $0x0  }
0x203: {  	[sflag:s11] =	ssyncadd.s32 $0xFFFFF800  }
0x204: {  	_ =	swait.ge [sflag:s11], $0x800  }
0x205: {  	[sflag:s11] =	ssyncset.done $0x0  }
0x206: {  	[sflag:s11] =	ssyncadd.s32 $0xFFFFF800  }
0x207: {  	_ =	swait.ge [sflag:s11], $0x800  }
0x208: {  	[sflag:s11] =	ssyncset.done $0x0  }
0x209: {  	[sflag:s11] =	ssyncadd.s32 $0xFFFFF800  }
0x20a: {  	_ =	swait.ge [sflag:s11], $0x800  }
0x20b: {  	[sflag:s11] =	ssyncset.done $0x0  }
0x20c: {  	s28 =	simm.s32 $0x1A480;
	[sflag:s11] =	ssyncadd.s32 $0xFFFFF800  }
0x20d: {  	[spmem:s14] =	stream.indirect.scatter.add.f32 [tilespmem:s6], [sflag:$0x3], $0x10, s28, s24, $0x2000b8;
	[tilespmem:$0x1EA00] =	vst v63  }
0x20e: {  	s6 =	simm.s32 $0x1A500  }
0x20f: {  	[spmem:s14] =	stream.indirect.scatter.add.f32 [tilespmem:s7], [sflag:$0x3], $0x10, s6, s24, $0x2000b8;
	[tilespmem:$0x1EA00] =	vst v63  }
0x210: {  	s3 =	sadd.s32 s4, s29;
	s7 =	simm.s32 $0x1A580  }
0x211: {  	[spmem:s14] =	stream.indirect.scatter.add.f32 [tilespmem:s9], [sflag:$0x3], $0x10, s7, s24, $0x2000b8;
	[tilespmem:$0x1EA00] =	vst v63  }
0x212: {  	s7 =	sadd.s32 $0x318, s3  }
0x213: {  	s9 =	simm.s32 $0x1A600;
	p0 =	slt.s32 s7, $0x30FC  }
0x214: {  	[spmem:s14] =	stream.indirect.scatter.add.f32 [tilespmem:s31], [sflag:$0x3], $0x10, s9, s24, $0x2000b8;
	[tilespmem:$0x1EA00] =	vst v63  }
0x215: {  	s7 =	simm.s32 @!p0 $0x30FC  }
0x216: {  	s7 =	sshll.u32 s7, $0x4  }
0x217: {  	s6 =	sadd.s32 s0, s7  }
0x218: {  	[tilespmem:s17], [sflag:$0x5] =	stream.linear.gather [hbm4b:s6+s10], $0x200, $0x200038;
	[tilespmem:$0x1EA00] =	vst v63  }
0x219: {  	_ =	swait.ge [sflag:s1], $0x800  }
0x21a: {  	[sflag:s1] =	ssyncset.done $0x0  }
0x21b: {  	[sflag:s1] =	ssyncadd.s32 $0xFFFFF800  }
0x21c: {  	_ =	swait.ge [sflag:s1], $0x800  }
0x21d: {  	[sflag:s1] =	ssyncset.done $0x0  }
0x21e: {  	[sflag:s1] =	ssyncadd.s32 $0xFFFFF800  }
0x21f: {  	_ =	swait.ge [sflag:s1], $0x800  }
0x220: {  	[sflag:s1] =	ssyncset.done $0x0  }
0x221: {  	[sflag:s1] =	ssyncadd.s32 $0xFFFFF800  }
0x222: {  	_ =	swait.ge [sflag:s1], $0x800  }
0x223: {  	[sflag:s1] =	ssyncset.done $0x0  }
0x224: {  	s3 =	sadd.s32 $0x31C, s3;
	s6 =	simm.s32 $0x1A680;
	[sflag:s1] =	ssyncadd.s32 $0xFFFFF800  }
0x225: {  	[spmem:s14] =	stream.indirect.scatter.add.f32 [tilespmem:s19], [sflag:$0x4], $0x10, s6, s24, $0x2000b8;
	[tilespmem:$0x1EA00] =	vst v63  }
0x226: {  	p0 =	slt.s32 s3, $0x30FC;
	s19 =	simm.s32 $0x1A700  }
0x227: {  	[spmem:s14] =	stream.indirect.scatter.add.f32 [tilespmem:s21], [sflag:$0x4], $0x10, s19, s24, $0x2000b8;
	[tilespmem:$0x1EA00] =	vst v63  }
0x228: {  	s3 =	simm.s32 @!p0 $0x30FC;
	s21 =	simm.s32 $0x1A780  }
0x229: {  	[spmem:s14] =	stream.indirect.scatter.add.f32 [tilespmem:s30], [sflag:$0x4], $0x10, s21, s24, $0x2000b8;
	[tilespmem:$0x1EA00] =	vst v63  }
0x22a: {  	s3 =	sshll.u32 s3, $0x4;
	s19 =	simm.s32 $0x1A800  }
0x22b: {  	[spmem:s14] =	stream.indirect.scatter.add.f32 [tilespmem:s26], [sflag:$0x4], $0x10, s19, s24, $0x2000b8;
	[tilespmem:$0x1EA00] =	vst v63  }
0x22c: {  	s21 =	sadd.s32 s0, s3  }
0x22d: {  	[tilespmem:s22], [sflag:$0x6] =	stream.linear.gather [hbm4b:s21+s10], $0x200, $0x200038;
	[tilespmem:$0x1EA00] =	vst v63  }
0x22e: {  	_ =	swait.ge [sflag:s18], $0x800  }
0x22f: {  	[sflag:s18] =	ssyncset.done $0x0  }
0x230: {  	[sflag:s18] =	ssyncadd.s32 $0xFFFFF800  }
0x231: {  	_ =	swait.ge [sflag:s18], $0x800  }
0x232: {  	[sflag:s18] =	ssyncset.done $0x0  }
0x233: {  	[sflag:s18] =	ssyncadd.s32 $0xFFFFF800  }
0x234: {  	_ =	swait.ge [sflag:s18], $0x800  }
0x235: {  	[sflag:s18] =	ssyncset.done $0x0  }
0x236: {  	[sflag:s18] =	ssyncadd.s32 $0xFFFFF800  }
0x237: {  	_ =	swait.ge [sflag:s18], $0x800  }
0x238: {  	[sflag:s18] =	ssyncset.done $0x0  }
0x239: {  	[sflag:s18] =	ssyncadd.s32 $0xFFFFF800  }
0x23a: {  	s30 =	rddreg [dreg:$0x1]  }
0x23b: {  	s7 =	sadd.s32 s30, s7  }
0x23c: {  	[tilespmem:s28], [sflag:$0x7] =	stream.linear.gather [hbm4b:s7+s10], $0x200, $0x200038;
	[tilespmem:$0x1EA00] =	vst v63  }
0x23d: {  	_ =	swait.ge [sflag:s2], $0x800  }
0x23e: {  	[sflag:s2] =	ssyncset.done $0x0  }
0x23f: {  	[sflag:s2] =	ssyncadd.s32 $0xFFFFF800  }
0x240: {  	_ =	swait.ge [sflag:s2], $0x800  }
0x241: {  	[sflag:s2] =	ssyncset.done $0x0  }
0x242: {  	[sflag:s2] =	ssyncadd.s32 $0xFFFFF800  }
0x243: {  	_ =	swait.ge [sflag:s2], $0x800  }
0x244: {  	p0 =	sne.s32 s4, $0xFFFFFFF8;
	[sflag:s2] =	ssyncset.done $0x0  }
.Ltmp6:
0x245: {  	[sflag:s2] =	ssyncadd.s32 $0xFFFFF800;
	(pc) =	sbr.rel @p0 .LBB2_14-.Ltmp6, $4  }
0x246: {  	_ =	swait.ge [sflag:s2], $0x800  }
0x247: {  	s9 =	simm.s32 $0x1B880;
	s4 =	sadd.s32 $0x8, s4;
	[sflag:s2] =	ssyncset.done $0x0  }
0x248: {  	s19 =	simm.s32 $0x1A180;
	s3 =	sadd.s32 s30, s3;
	[sflag:s2] =	ssyncadd.s32 $0xFFFFF800  }
0x249: {  	[tilespmem:s6], [sflag:$0x8] =	stream.linear.gather [hbm4b:s3+s10], $0x200, $0x200038;
	[tilespmem:$0x1EA00] =	vst v63  }
0x24a: {  	_ =	swait.ge [sflag:s23], $0x200  }
0x24b: {  	[sflag:s23] =	ssyncset.done $0x0  }
0x24c: {  	s3 =	simm.s32 $0x7;
	[sflag:s23] =	ssyncadd.s32 $0xFFFFFE00  }
0x24d: {  	_ =	swait.ge [sflag:s3], $0x200  }
0x24e: {  	[sflag:s3] =	ssyncset.done $0x0  }
0x24f: {  	[sflag:s3] =	ssyncadd.s32 $0xFFFFFE00  }
0x250: {  	_ =	swait.ge [sflag:s15], $0x200  }
0x251: {  	[sflag:s15] =	ssyncset.done $0x0  }
0x252: {  	s30 =	simm.s32 $0x8;
	[sflag:s15] =	ssyncadd.s32 $0xFFFFFE00  }
0x253: {  	_ =	swait.ge [sflag:s30], $0x200  }
0x254: {  	[sflag:s30] =	ssyncset.done $0x0  }
0x255: {  	[sflag:s30] =	ssyncadd.s32 $0xFFFFFE00  }
0x256: {  	_ =	strace $0x9000004A  }
0x257: {  	[bflag:$0x0] =	sbarrier.arrive $0xFFFF  }
0x258: {  	s4 =	simm.s32 $0x0;
	s3 =	simm.s32 $0x40;
	_ =	strace $0x8000004B  }
.LBB2_16:
0x259: {  	p0 =	sne.s32 s3, $0x1FC0;
	[tilespmem:s4+$0x1C080] =	vst v2;
	s4 =	smov.u32 s3;
	s3 =	sadd.s32 $0x40, s3  }
.Ltmp7:
0x25a: {  	(pc) =	sbr.rel @p0 .LBB2_16-.Ltmp7, $2  }
0x25b: {  	_ =	sdelay $0x2  }
0x25c: {  	s4 =	sshra.s32 s4, $0x2  }
0x25d: {  	[tilespmem:s4+$0x1C080] =	vst v2;
	s21 =	simm.s32 $0x0;
	s3 =	simm.s32 $0x1B880;
	s6 =	rddreg [dreg:$0x11]  }
0x25e: {  	[tilespmem:s3], [sflag:$0x9] =	stream.linear.gather [hbm4b:s6+s21], $0x800, $0x200038;
	[tilespmem:$0x1EA00] =	vst v63  }
0x25f: {  	s26 =	rddreg [dreg:$0x14];
	s13 =	simm.s32 $0x1A880  }
0x260: {  	[tilespmem:s13], [sflag:$0xB] =	stream.linear.gather [spmem:s26], $0x800, $0x200038;
	[tilespmem:$0x1EA00] =	vst v63  }
0x261: {  	_ =	swait.ge [sflag:s5], $0x800  }
0x262: {  	[sflag:s5] =	ssyncset.done $0x0  }
0x263: {  	s7 =	rddreg [dreg:$0x1a];
	[sflag:s5] =	ssyncadd.s32 $0xFFFFF800  }
0x264: {  	[tilespmem:s12], [sflag:$0xB] =	stream.linear.gather [spmem:s7], $0x80, $0x200038;
	[tilespmem:$0x1EA00] =	vst v63  }
0x265: {  	_ =	swait.ge [sflag:s5], $0x80  }
0x266: {  	[sflag:s5] =	ssyncset.done $0x0  }
0x267: {  	[sflag:s5] =	ssyncadd.s32 $0xFFFFFF80  }
0x268: {  	[spmem:s26] =	stream.linear.scatter [tilespmem:s31], [sflag:$0xB], $0x800, $0x200038;
	[tilespmem:$0x1EA00] =	vst v63  }
0x269: {  	_ =	swait.ge [sflag:s5], $0x800  }
0x26a: {  	v3 =	vmov s21;
	[sflag:s5] =	ssyncset.done $0x0  }
0x26b: {  	s28 =	simm.s32 $0x9;
	[sflag:s5] =	ssyncadd.s32 $0xFFFFF800  }
0x26c: {  	_ =	swait.ge [sflag:s28], $0x800  }
0x26d: {  	[sflag:s28] =	ssyncset.done $0x0  }
0x26e: {  	[sflag:s28] =	ssyncadd.s32 $0xFFFFF800  }
0x26f: {  	v3 =	vld.idx.msk [tilespmem:v3+s12+$0x0], $0xffff  }
0x270: {  	v4 =	vld [tilespmem:s3+$0xFFFFF000];
	_ =	sdelay $0x1  }
0x271: {  	v5 =	vld [tilespmem:s3+$0x0];
	_ =	sdelay $0x2  }
0x272: {  	s29 =	simm.s32 $0x1;
	v6 =	vmul.f32 v4, v3  }
0x273: {  	s4 =	simm.s32 $0x2;
	s30 =	simm.s32 $0x1A400;
	s21 =	simm.s32 $0x1A380;
	v4 =	vmov s29  }
.LBB2_18:
0x274: {  	p0 =	sne.s32 s4, $0x7F;
	v5 =	vadd.f32 v6, v5;
	v3 =	vmul.f32 v6, v3;
	_ =	sdelay $0x1  }
0x275: {  	[tilespmem:s3+$0x0] =	vst v5  }
0x276: {  	[tilespmem:s3+$0xFFFFF000] =	vst v3  }
0x277: {  	s3 =	sadd.s32 $0x10, s3;
	v3 =	vld.idx.msk [tilespmem:v4+s12+$0x0], $0xffff  }
0x278: {  	v4 =	vld [tilespmem:s3+$0xFFFFF000];
	_ =	sdelay $0x1  }
.Ltmp8:
0x279: {  	v5 =	vld [tilespmem:s3+$0x0];
	(pc) =	sbr.rel @p0 .LBB2_18-.Ltmp8, $3  }
0x27a: {  	_ =	sdelay $0x1  }
0x27b: {  	v6 =	vmul.f32 v4, v3  }
0x27c: {  	v4 =	vmov s4;
	s4 =	sadd.s32 $0x1, s4  }
0x27d: {  	v5 =	vadd.f32 v6, v5  }
0x27e: {  	v3 =	vmul.f32 v6, v3  }
0x27f: {  	[tilespmem:s3+$0x0] =	vst v5  }
0x280: {  	[tilespmem:s3+$0xFFFFF000] =	vst v3  }
0x281: {  	s28 =	sadd.s32 $0x10, s3;
	v3 =	vld.idx.msk [tilespmem:v4+s12+$0x0], $0xffff  }
0x282: {  	v63 =	vld [tilespmem:s28+$0xFFFFF000];
	_ =	sdelay $0x1  }
0x283: {  	v5 =	vld [tilespmem:s28+$0x0];
	_ =	sdelay $0x2  }
0x284: {  	v4 =	vmul.f32 v63, v3;
	_ =	sdelay $0x1  }
0x285: {  	v5 =	vadd.f32 v4, v5  }
0x286: {  	v3 =	vmul.f32 v4, v3  }
0x287: {  	s4 =	rddreg [dreg:$0x11];
	[tilespmem:s28+$0x0] =	vst v5  }
0x288: {  	s29 =	rddreg [dreg:$0x16];
	s3 =	simm.s32 $0x0;
	[tilespmem:s28+$0xFFFFF000] =	vst v3  }
0x289: {  	[hbm4b:s4+s3] =	stream.linear.scatter [tilespmem:s9], [sflag:$0xA], $0x800, $0x200038;
	[tilespmem:$0x1EA00] =	vst v63  }
0x28a: {  	s4 =	simm.s32 $0x0;
	s9 =	rddreg [dreg:$0x9]  }
0x28b: {  	[hbm4b:s29+s3] =	stream.linear.scatter [tilespmem:s13], [sflag:$0xA], $0x800, $0x200038;
	[tilespmem:$0x1EA00] =	vst v63  }
.LBB2_20:
0x28c: {  	s14 =	simm.s32 $0xA  }
0x28d: {  	_ =	swait.ge [sflag:s14], $0x800  }
0x28e: {  	s4 =	sadd.s32 $0x1, s4;
	[sflag:s14] =	ssyncset.done $0x0  }
0x28f: {  	s7 =	sshll.u32 s4, $0x7;
	s6 =	rddreg [dreg:$0xa];
	[sflag:s14] =	ssyncadd.s32 $0xFFFFF800  }
0x290: {  	s7 =	sadd.s32 s6, s7;
	_ =	swait.ge [sflag:s14], $0x800  }
0x291: {  	s9 =	sadd.s32 s9, s7;
	[sflag:s14] =	ssyncset.done $0x0  }
0x292: {  	s20 =	sshll.u32 s7, $0x4;
	s9 =	sshll.u32 s9, $0x1;
	[sflag:s14] =	ssyncadd.s32 $0xFFFFF800  }
0x293: {  	s6 =	sand.u32 $0x3FFFFFF0, s20;
	s13 =	sand.u32 $0x1FFFFF00, s9;
	s14 =	rddreg [dreg:$0x3]  }
0x294: {  	s9 =	simm.s32 $0x1B880;
	s28 =	rddreg [dreg:$0x6];
	s14 =	sadd.s32 s14, s13  }
0x295: {  	[tilespmem:s9], [sflag:$0x9] =	stream.linear.gather [hbm4b:s14+s3], $0x800, $0x200038;
	[tilespmem:$0x1EA00] =	vst v63  }
0x296: {  	s6 =	sadd.s32 s6, s28;
	s28 =	simm.s32 $0x1A880  }
0x297: {  	[tilespmem:s28], [sflag:$0xB] =	stream.linear.gather [spmem:s6], $0x800, $0x200038;
	[tilespmem:$0x1EA00] =	vst v63  }
0x298: {  	_ =	swait.ge [sflag:s5], $0x800  }
0x299: {  	[sflag:s5] =	ssyncset.done $0x0  }
0x29a: {  	s7 =	sadd.s32 s7, s8;
	[sflag:s5] =	ssyncadd.s32 $0xFFFFF800  }
0x29b: {  	[tilespmem:s12], [sflag:$0xB] =	stream.linear.gather [spmem:s7], $0x80, $0x200038;
	[tilespmem:$0x1EA00] =	vst v63  }
0x29c: {  	_ =	swait.ge [sflag:s5], $0x80  }
0x29d: {  	[sflag:s5] =	ssyncset.done $0x0  }
0x29e: {  	[sflag:s5] =	ssyncadd.s32 $0xFFFFFF80  }
0x29f: {  	[spmem:s6] =	stream.linear.scatter [tilespmem:s31], [sflag:$0xB], $0x800, $0x200038;
	[tilespmem:$0x1EA00] =	vst v63  }
0x2a0: {  	_ =	swait.ge [sflag:s5], $0x800  }
0x2a1: {  	v3 =	vmov s3;
	[sflag:s5] =	ssyncset.done $0x0  }
0x2a2: {  	s26 =	simm.s32 $0x9;
	[sflag:s5] =	ssyncadd.s32 $0xFFFFF800  }
0x2a3: {  	_ =	swait.ge [sflag:s26], $0x800  }
0x2a4: {  	[sflag:s26] =	ssyncset.done $0x0  }
0x2a5: {  	[sflag:s26] =	ssyncadd.s32 $0xFFFFF800  }
0x2a6: {  	v3 =	vld.idx.msk [tilespmem:v3+s12+$0x0], $0xffff  }
0x2a7: {  	v4 =	vld [tilespmem:s9+$0xFFFFF000];
	_ =	sdelay $0x1  }
0x2a8: {  	v5 =	vld [tilespmem:s9+$0x0];
	_ =	sdelay $0x2  }
0x2a9: {  	s29 =	simm.s32 $0x1;
	v6 =	vmul.f32 v4, v3  }
0x2aa: {  	s7 =	simm.s32 $0x2;
	v4 =	vmov s29  }
.LBB2_21:
0x2ab: {  	p0 =	sne.s32 s7, $0x7F;
	v5 =	vadd.f32 v6, v5;
	v3 =	vmul.f32 v6, v3;
	_ =	sdelay $0x1  }
0x2ac: {  	[tilespmem:s9+$0x0] =	vst v5  }
0x2ad: {  	[tilespmem:s9+$0xFFFFF000] =	vst v3  }
0x2ae: {  	s9 =	sadd.s32 $0x10, s9;
	v3 =	vld.idx.msk [tilespmem:v4+s12+$0x0], $0xffff  }
0x2af: {  	v4 =	vld [tilespmem:s9+$0xFFFFF000];
	_ =	sdelay $0x1  }
.Ltmp9:
0x2b0: {  	v5 =	vld [tilespmem:s9+$0x0];
	(pc) =	sbr.rel @p0 .LBB2_21-.Ltmp9, $3  }
0x2b1: {  	_ =	sdelay $0x1  }
0x2b2: {  	v6 =	vmul.f32 v4, v3  }
0x2b3: {  	v4 =	vmov s7;
	s7 =	sadd.s32 $0x1, s7  }
0x2b4: {  	v5 =	vadd.f32 v6, v5  }
0x2b5: {  	v3 =	vmul.f32 v6, v3  }
0x2b6: {  	[tilespmem:s9+$0x0] =	vst v5  }
0x2b7: {  	[tilespmem:s9+$0xFFFFF000] =	vst v3  }
0x2b8: {  	s6 =	sadd.s32 $0x10, s9;
	v3 =	vld.idx.msk [tilespmem:v4+s12+$0x0], $0xffff  }
0x2b9: {  	v63 =	vld [tilespmem:s6+$0xFFFFF000];
	_ =	sdelay $0x1  }
0x2ba: {  	v5 =	vld [tilespmem:s6+$0x0];
	_ =	sdelay $0x2  }
0x2bb: {  	v4 =	vmul.f32 v63, v3;
	_ =	sdelay $0x1  }
0x2bc: {  	v5 =	vadd.f32 v4, v5  }
0x2bd: {  	v3 =	vmul.f32 v4, v3  }
0x2be: {  	p0 =	sne.s32 s4, $0x30;
	[tilespmem:s6+$0x0] =	vst v5  }
.Ltmp10:
0x2bf: {  	s26 =	simm.s32 $0x1B880;
	[tilespmem:s6+$0xFFFFF000] =	vst v3;
	(pc) =	sbr.rel @p0 .LBB2_20-.Ltmp10, $4  }
0x2c0: {  	[hbm4b:s14+s10] =	stream.linear.scatter [tilespmem:s26], [sflag:$0xA], $0x800, $0x200038;
	[tilespmem:$0x1EA00] =	vst v63  }
0x2c1: {  	s14 =	rddreg [dreg:$0xc]  }
0x2c2: {  	s9 =	rddreg [dreg:$0x9];
	s29 =	sadd.s32 s14, s13  }
0x2c3: {  	[hbm4b:s29+s10] =	stream.linear.scatter [tilespmem:s28], [sflag:$0xA], $0x800, $0x200038;
	[tilespmem:$0x1EA00] =	vst v63  }
0x2c4: {  	s3 =	simm.s32 $0xA  }
0x2c5: {  	_ =	swait.ge [sflag:s3], $0x800  }
0x2c6: {  	[sflag:s3] =	ssyncset.done $0x0  }
0x2c7: {  	[sflag:s3] =	ssyncadd.s32 $0xFFFFF800  }
0x2c8: {  	_ =	swait.ge [sflag:s3], $0x800  }
0x2c9: {  	[sflag:s3] =	ssyncset.done $0x0  }
0x2ca: {  	[sflag:s3] =	ssyncadd.s32 $0xFFFFF800  }
0x2cb: {  	_ =	strace $0x9000004B  }
0x2cc: {  	[bflag:$0x0] =	sbarrier.arrive $0xFFFF  }
0x2cd: {  	_ =	strace $0x8000004C  }
0x2ce: {  	s13 =	rddreg [dreg:$0xe]  }
0x2cf: {  	[tilespmem:s17], [sflag:$0x5] =	stream.linear.gather [hbm4b:s13+s10], $0x200, $0x200038;
	[tilespmem:$0x1EA00] =	vst v63  }
0x2d0: {  	s6 =	simm.s32 $0x1A480;
	s20 =	rddreg [dreg:$0x12]  }
0x2d1: {  	[tilespmem:s6], [sflag:$0x7] =	stream.linear.gather [hbm4b:s20+s10], $0x200, $0x200038;
	[tilespmem:$0x1EA00] =	vst v63  }
0x2d2: {  	s26 =	rddreg [dreg:$0xf]  }
0x2d3: {  	[tilespmem:s22], [sflag:$0x6] =	stream.linear.gather [hbm4b:s26+s10], $0x200, $0x200038;
	[tilespmem:$0x1EA00] =	vst v63  }
0x2d4: {  	s4 =	simm.s32 $0x1A680;
	s31 =	simm.s32 $0x2;
	s29 =	rddreg [dreg:$0x13]  }
0x2d5: {  	[tilespmem:s4], [sflag:$0x8] =	stream.linear.gather [hbm4b:s29+s10], $0x200, $0x200038;
	[tilespmem:$0x1EA00] =	vst v63  }
0x2d6: {  	s1 =	simm.s32 $0x1;
	s13 =	rddreg [dreg:$0x6];
	s4 =	simm.s32 $0xFFFFFCF0  }
.LBB2_24:
0x2d7: {  	_ =	swait.ge [sflag:s23], $0x200  }
0x2d8: {  	[sflag:s23] =	ssyncset.done $0x0  }
0x2d9: {  	s3 =	simm.s32 $0x7;
	[sflag:s23] =	ssyncadd.s32 $0xFFFFFE00  }
0x2da: {  	_ =	swait.ge [sflag:s3], $0x200  }
0x2db: {  	[sflag:s3] =	ssyncset.done $0x0  }
0x2dc: {  	[sflag:s3] =	ssyncadd.s32 $0xFFFFFE00  }
0x2dd: {  	v3 =	vld [tilespmem:$0x1A080]  }
0x2de: {  	v4 =	vld [tilespmem:$0x1A090]  }
0x2df: {  	v5 =	vld [tilespmem:$0x1A0A0]  }
0x2e0: {  	v6 =	vld [tilespmem:$0x1A0B0]  }
0x2e1: {  	v7 =	vld [tilespmem:$0x1A0C0]  }
0x2e2: {  	v8 =	vld [tilespmem:$0x1A0D0];
	v3 =	vadd.s32 v0, v3  }
0x2e3: {  	v59 =	vld [tilespmem:$0x1A0E0];
	[tilespmem:$0x1A080] =	vst v3;
	v3 =	vadd.s32 v0, v4  }
0x2e4: {  	v60 =	vld [tilespmem:$0x1A0F0];
	[tilespmem:$0x1A090] =	vst v3;
	v3 =	vadd.s32 v0, v5  }
0x2e5: {  	v61 =	vld [tilespmem:$0x1A100];
	[tilespmem:$0x1A0A0] =	vst v3;
	v3 =	vadd.s32 v0, v6  }
0x2e6: {  	v62 =	vld [tilespmem:$0x1A110];
	[tilespmem:$0x1A0B0] =	vst v3;
	v3 =	vadd.s32 v0, v7  }
0x2e7: {  	v63 =	vld [tilespmem:$0x1A120];
	[tilespmem:$0x1A0C0] =	vst v3;
	v3 =	vadd.s32 v0, v8  }
0x2e8: {  	v12 =	vld [tilespmem:$0x1A130];
	[tilespmem:$0x1A0D0] =	vst v3;
	v3 =	vadd.s32 v0, v59  }
0x2e9: {  	v13 =	vld [tilespmem:$0x1A140];
	[tilespmem:$0x1A0E0] =	vst v3;
	v3 =	vadd.s32 v0, v60  }
0x2ea: {  	v14 =	vld [tilespmem:$0x1A150];
	[tilespmem:$0x1A0F0] =	vst v3;
	v3 =	vadd.s32 v0, v61  }
0x2eb: {  	v15 =	vld [tilespmem:$0x1A160];
	[tilespmem:$0x1A100] =	vst v3;
	v3 =	vadd.s32 v0, v62  }
0x2ec: {  	v16 =	vld [tilespmem:$0x1A170];
	[tilespmem:$0x1A110] =	vst v3;
	v3 =	vadd.s32 v0, v63  }
0x2ed: {  	v17 =	vld [tilespmem:$0x1A180];
	[tilespmem:$0x1A120] =	vst v3;
	v3 =	vadd.s32 v0, v12  }
0x2ee: {  	v18 =	vld [tilespmem:$0x1A190];
	[tilespmem:$0x1A130] =	vst v3;
	v3 =	vadd.s32 v0, v13  }
0x2ef: {  	v19 =	vld [tilespmem:$0x1A1A0];
	[tilespmem:$0x1A140] =	vst v3;
	v3 =	vadd.s32 v0, v14  }
0x2f0: {  	v20 =	vld [tilespmem:$0x1A1B0];
	[tilespmem:$0x1A150] =	vst v3;
	v3 =	vadd.s32 v0, v15  }
0x2f1: {  	v21 =	vld [tilespmem:$0x1A1C0];
	[tilespmem:$0x1A160] =	vst v3;
	v3 =	vadd.s32 v0, v16  }
0x2f2: {  	v22 =	vld [tilespmem:$0x1A1D0];
	[tilespmem:$0x1A170] =	vst v3;
	v3 =	vadd.s32 v0, v17  }
0x2f3: {  	v23 =	vld [tilespmem:$0x1A1E0];
	[tilespmem:$0x1A180] =	vst v3;
	v3 =	vadd.s32 v0, v18  }
0x2f4: {  	v24 =	vld [tilespmem:$0x1A1F0];
	[tilespmem:$0x1A190] =	vst v3;
	v3 =	vadd.s32 v0, v19  }
0x2f5: {  	v25 =	vld [tilespmem:$0x1A200];
	[tilespmem:$0x1A1A0] =	vst v3;
	v3 =	vadd.s32 v0, v20  }
0x2f6: {  	v26 =	vld [tilespmem:$0x1A210];
	[tilespmem:$0x1A1B0] =	vst v3;
	v3 =	vadd.s32 v0, v21  }
0x2f7: {  	v27 =	vld [tilespmem:$0x1A220];
	[tilespmem:$0x1A1C0] =	vst v3;
	v3 =	vadd.s32 v0, v22  }
0x2f8: {  	v28 =	vld [tilespmem:$0x1A230];
	[tilespmem:$0x1A1D0] =	vst v3;
	v3 =	vadd.s32 v0, v23  }
0x2f9: {  	v29 =	vld [tilespmem:$0x1A240];
	[tilespmem:$0x1A1E0] =	vst v3;
	v3 =	vadd.s32 v0, v24  }
0x2fa: {  	v30 =	vld [tilespmem:$0x1A250];
	[tilespmem:$0x1A1F0] =	vst v3;
	v3 =	vadd.s32 v0, v25  }
0x2fb: {  	v31 =	vld [tilespmem:$0x1A260];
	[tilespmem:$0x1A200] =	vst v3;
	v3 =	vadd.s32 v0, v26  }
0x2fc: {  	v32 =	vld [tilespmem:$0x1A270];
	[tilespmem:$0x1A210] =	vst v3;
	v3 =	vadd.s32 v0, v27  }
0x2fd: {  	[tilespmem:$0x1A220] =	vst v3;
	v3 =	vadd.s32 v0, v28  }
0x2fe: {  	[tilespmem:$0x1A230] =	vst v3;
	v3 =	vadd.s32 v0, v29  }
0x2ff: {  	[tilespmem:$0x1A240] =	vst v3;
	v3 =	vadd.s32 v0, v30  }
0x300: {  	[tilespmem:$0x1A250] =	vst v3;
	v3 =	vadd.s32 v0, v31  }
0x301: {  	[tilespmem:$0x1A260] =	vst v3;
	v3 =	vadd.s32 v0, v32  }
0x302: {  	[tilespmem:$0x1A270] =	vst v3  }
0x303: {  	[tilespmem:s28], [sflag:$0x1] =	stream.indirect.gather [hbm4b:s14+s24], $0x10, s17, s24, $0x2000b8;
	[tilespmem:$0x1EA00] =	vst v63  }
0x304: {  	s11 =	simm.s32 $0x1A100;
	s9 =	simm.s32 $0x1B080  }
0x305: {  	[tilespmem:s9], [sflag:$0x1] =	stream.indirect.gather [hbm4b:s14+s24], $0x10, s11, s24, $0x2000b8;
	[tilespmem:$0x1EA00] =	vst v63  }
0x306: {  	s20 =	simm.s32 $0x1B880  }
0x307: {  	[tilespmem:s20], [sflag:$0x1] =	stream.indirect.gather [hbm4b:s14+s24], $0x10, s19, s24, $0x2000b8;
	[tilespmem:$0x1EA00] =	vst v63  }
0x308: {  	s26 =	simm.s32 $0x1A200;
	s7 =	simm.s32 $0x1C080  }
0x309: {  	[tilespmem:s7], [sflag:$0x1] =	stream.indirect.gather [hbm4b:s14+s24], $0x10, s26, s24, $0x2000b8;
	[tilespmem:$0x1EA00] =	vst v63  }
0x30a: {  	_ =	swait.ge [sflag:s15], $0x200  }
0x30b: {  	[sflag:s15] =	ssyncset.done $0x0  }
0x30c: {  	s29 =	simm.s32 $0x8;
	[sflag:s15] =	ssyncadd.s32 $0xFFFFFE00  }
0x30d: {  	_ =	swait.ge [sflag:s29], $0x200  }
0x30e: {  	[sflag:s29] =	ssyncset.done $0x0  }
0x30f: {  	[sflag:s29] =	ssyncadd.s32 $0xFFFFFE00  }
0x310: {  	v3 =	vld [tilespmem:$0x1A280]  }
0x311: {  	v33 =	vld [tilespmem:$0x1A290]  }
0x312: {  	v34 =	vld [tilespmem:$0x1A2A0]  }
0x313: {  	v35 =	vld [tilespmem:$0x1A2B0]  }
0x314: {  	v36 =	vld [tilespmem:$0x1A2C0]  }
0x315: {  	v37 =	vld [tilespmem:$0x1A2D0];
	v3 =	vadd.s32 v0, v3  }
0x316: {  	v38 =	vld [tilespmem:$0x1A2E0];
	[tilespmem:$0x1A280] =	vst v3;
	v3 =	vadd.s32 v0, v33  }
0x317: {  	v39 =	vld [tilespmem:$0x1A2F0];
	[tilespmem:$0x1A290] =	vst v3;
	v3 =	vadd.s32 v0, v34  }
0x318: {  	v40 =	vld [tilespmem:$0x1A300];
	[tilespmem:$0x1A2A0] =	vst v3;
	v3 =	vadd.s32 v0, v35  }
0x319: {  	v41 =	vld [tilespmem:$0x1A310];
	[tilespmem:$0x1A2B0] =	vst v3;
	v3 =	vadd.s32 v0, v36  }
0x31a: {  	v42 =	vld [tilespmem:$0x1A320];
	[tilespmem:$0x1A2C0] =	vst v3;
	v3 =	vadd.s32 v0, v37  }
0x31b: {  	v43 =	vld [tilespmem:$0x1A330];
	[tilespmem:$0x1A2D0] =	vst v3;
	v3 =	vadd.s32 v0, v38  }
0x31c: {  	v44 =	vld [tilespmem:$0x1A340];
	[tilespmem:$0x1A2E0] =	vst v3;
	v3 =	vadd.s32 v0, v39  }
0x31d: {  	v45 =	vld [tilespmem:$0x1A350];
	[tilespmem:$0x1A2F0] =	vst v3;
	v3 =	vadd.s32 v0, v40  }
0x31e: {  	v46 =	vld [tilespmem:$0x1A360];
	[tilespmem:$0x1A300] =	vst v3;
	v3 =	vadd.s32 v0, v41  }
0x31f: {  	v47 =	vld [tilespmem:$0x1A370];
	[tilespmem:$0x1A310] =	vst v3;
	v3 =	vadd.s32 v0, v42  }
0x320: {  	v48 =	vld [tilespmem:$0x1A380];
	[tilespmem:$0x1A320] =	vst v3;
	v3 =	vadd.s32 v0, v43  }
0x321: {  	v49 =	vld [tilespmem:$0x1A390];
	[tilespmem:$0x1A330] =	vst v3;
	v3 =	vadd.s32 v0, v44  }
0x322: {  	v50 =	vld [tilespmem:$0x1A3A0];
	[tilespmem:$0x1A340] =	vst v3;
	v3 =	vadd.s32 v0, v45  }
0x323: {  	v51 =	vld [tilespmem:$0x1A3B0];
	[tilespmem:$0x1A350] =	vst v3;
	v3 =	vadd.s32 v0, v46  }
0x324: {  	v52 =	vld [tilespmem:$0x1A3C0];
	[tilespmem:$0x1A360] =	vst v3;
	v3 =	vadd.s32 v0, v47  }
0x325: {  	v53 =	vld [tilespmem:$0x1A3D0];
	[tilespmem:$0x1A370] =	vst v3;
	v3 =	vadd.s32 v0, v48  }
0x326: {  	v54 =	vld [tilespmem:$0x1A3E0];
	[tilespmem:$0x1A380] =	vst v3;
	v3 =	vadd.s32 v0, v49  }
0x327: {  	v55 =	vld [tilespmem:$0x1A3F0];
	[tilespmem:$0x1A390] =	vst v3;
	v3 =	vadd.s32 v0, v50  }
0x328: {  	v56 =	vld [tilespmem:$0x1A400];
	[tilespmem:$0x1A3A0] =	vst v3;
	v3 =	vadd.s32 v0, v51  }
0x329: {  	v57 =	vld [tilespmem:$0x1A410];
	[tilespmem:$0x1A3B0] =	vst v3;
	v3 =	vadd.s32 v0, v52  }
0x32a: {  	v58 =	vld [tilespmem:$0x1A420];
	[tilespmem:$0x1A3C0] =	vst v3;
	v3 =	vadd.s32 v0, v53  }
0x32b: {  	v59 =	vld [tilespmem:$0x1A430];
	[tilespmem:$0x1A3D0] =	vst v3;
	v3 =	vadd.s32 v0, v54  }
0x32c: {  	v60 =	vld [tilespmem:$0x1A440];
	[tilespmem:$0x1A3E0] =	vst v3;
	v3 =	vadd.s32 v0, v55  }
0x32d: {  	v61 =	vld [tilespmem:$0x1A450];
	[tilespmem:$0x1A3F0] =	vst v3;
	v3 =	vadd.s32 v0, v56  }
0x32e: {  	v62 =	vld [tilespmem:$0x1A460];
	[tilespmem:$0x1A400] =	vst v3;
	v3 =	vadd.s32 v0, v57  }
0x32f: {  	v63 =	vld [tilespmem:$0x1A470];
	[tilespmem:$0x1A410] =	vst v3;
	v3 =	vadd.s32 v0, v58  }
0x330: {  	[tilespmem:$0x1A420] =	vst v3;
	v3 =	vadd.s32 v0, v59  }
0x331: {  	[tilespmem:$0x1A430] =	vst v3;
	v3 =	vadd.s32 v0, v60  }
0x332: {  	[tilespmem:$0x1A440] =	vst v3;
	v3 =	vadd.s32 v0, v61  }
0x333: {  	[tilespmem:$0x1A450] =	vst v3;
	v3 =	vadd.s32 v0, v62  }
0x334: {  	[tilespmem:$0x1A460] =	vst v3;
	v3 =	vadd.s32 v0, v63  }
0x335: {  	s20 =	simm.s32 $0x1C880;
	[tilespmem:$0x1A470] =	vst v3  }
0x336: {  	[tilespmem:s20], [sflag:$0x2] =	stream.indirect.gather [hbm4b:s14+s24], $0x10, s22, s24, $0x2000b8;
	[tilespmem:$0x1EA00] =	vst v63  }
0x337: {  	s11 =	simm.s32 $0x1D080  }
0x338: {  	[tilespmem:s11], [sflag:$0x2] =	stream.indirect.gather [hbm4b:s14+s24], $0x10, s16, s24, $0x2000b8;
	[tilespmem:$0x1EA00] =	vst v63  }
0x339: {  	s29 =	simm.s32 $0x1D880  }
0x33a: {  	[tilespmem:s29], [sflag:$0x2] =	stream.indirect.gather [hbm4b:s14+s24], $0x10, s21, s24, $0x2000b8;
	[tilespmem:$0x1EA00] =	vst v63  }
0x33b: {  	s26 =	simm.s32 $0x1E080  }
0x33c: {  	[tilespmem:s26], [sflag:$0x2] =	stream.indirect.gather [hbm4b:s14+s24], $0x10, s30, s24, $0x2000b8;
	[tilespmem:$0x1EA00] =	vst v63  }
0x33d: {  	_ =	swait.ge [sflag:s1], $0x800  }
0x33e: {  	[sflag:s1] =	ssyncset.done $0x0  }
0x33f: {  	[sflag:s1] =	ssyncadd.s32 $0xFFFFF800  }
0x340: {  	_ =	swait.ge [sflag:s1], $0x800  }
0x341: {  	[sflag:s1] =	ssyncset.done $0x0  }
0x342: {  	[sflag:s1] =	ssyncadd.s32 $0xFFFFF800  }
0x343: {  	_ =	swait.ge [sflag:s1], $0x800  }
0x344: {  	[sflag:s1] =	ssyncset.done $0x0  }
0x345: {  	[sflag:s1] =	ssyncadd.s32 $0xFFFFF800  }
0x346: {  	_ =	swait.ge [sflag:s1], $0x800  }
0x347: {  	[sflag:s1] =	ssyncset.done $0x0  }
0x348: {  	[sflag:s1] =	ssyncadd.s32 $0xFFFFF800  }
0x349: {  	[spmem:s13] =	stream.indirect.scatter.add.f32 [tilespmem:s28], [sflag:$0x3], $0x10, s6, s24, $0x2000b8;
	[tilespmem:$0x1EA00] =	vst v63  }
0x34a: {  	s6 =	simm.s32 $0x1A500  }
0x34b: {  	[spmem:s13] =	stream.indirect.scatter.add.f32 [tilespmem:s9], [sflag:$0x3], $0x10, s6, s24, $0x2000b8;
	[tilespmem:$0x1EA00] =	vst v63  }
0x34c: {  	s6 =	simm.s32 $0x1A580;
	s9 =	simm.s32 $0x1B880  }
0x34d: {  	[spmem:s13] =	stream.indirect.scatter.add.f32 [tilespmem:s9], [sflag:$0x3], $0x10, s6, s24, $0x2000b8;
	[tilespmem:$0x1EA00] =	vst v63  }
0x34e: {  	s9 =	rddreg [dreg:$0x1d]  }
0x34f: {  	s6 =	simm.s32 $0x1A600;
	s3 =	sadd.s32 s4, s9  }
0x350: {  	[spmem:s13] =	stream.indirect.scatter.add.f32 [tilespmem:s7], [sflag:$0x3], $0x10, s6, s24, $0x2000b8;
	[tilespmem:$0x1EA00] =	vst v63  }
0x351: {  	s6 =	sadd.s32 $0x318, s3  }
0x352: {  	p0 =	slt.s32 s6, $0x30FC  }
0x353: {  	s6 =	simm.s32 @!p0 $0x30FC  }
0x354: {  	s6 =	sshll.u32 s6, $0x4  }
0x355: {  	s7 =	sadd.s32 s0, s6  }
0x356: {  	[tilespmem:s17], [sflag:$0x5] =	stream.linear.gather [hbm4b:s7+s10], $0x200, $0x200038;
	[tilespmem:$0x1EA00] =	vst v63  }
0x357: {  	_ =	swait.ge [sflag:s31], $0x800  }
0x358: {  	[sflag:s31] =	ssyncset.done $0x0  }
0x359: {  	[sflag:s31] =	ssyncadd.s32 $0xFFFFF800  }
0x35a: {  	_ =	swait.ge [sflag:s31], $0x800  }
0x35b: {  	[sflag:s31] =	ssyncset.done $0x0  }
0x35c: {  	[sflag:s31] =	ssyncadd.s32 $0xFFFFF800  }
0x35d: {  	_ =	swait.ge [sflag:s31], $0x800  }
0x35e: {  	[sflag:s31] =	ssyncset.done $0x0  }
0x35f: {  	[sflag:s31] =	ssyncadd.s32 $0xFFFFF800  }
0x360: {  	_ =	swait.ge [sflag:s31], $0x800  }
0x361: {  	[sflag:s31] =	ssyncset.done $0x0  }
0x362: {  	s9 =	simm.s32 $0x1A680;
	s3 =	sadd.s32 $0x31C, s3;
	[sflag:s31] =	ssyncadd.s32 $0xFFFFF800  }
0x363: {  	[spmem:s13] =	stream.indirect.scatter.add.f32 [tilespmem:s20], [sflag:$0x4], $0x10, s9, s24, $0x2000b8;
	[tilespmem:$0x1EA00] =	vst v63  }
0x364: {  	p0 =	slt.s32 s3, $0x30FC;
	s20 =	simm.s32 $0x1A700  }
0x365: {  	[spmem:s13] =	stream.indirect.scatter.add.f32 [tilespmem:s11], [sflag:$0x4], $0x10, s20, s24, $0x2000b8;
	[tilespmem:$0x1EA00] =	vst v63  }
0x366: {  	s3 =	simm.s32 @!p0 $0x30FC;
	s9 =	simm.s32 $0x1A780  }
0x367: {  	[spmem:s13] =	stream.indirect.scatter.add.f32 [tilespmem:s29], [sflag:$0x4], $0x10, s9, s24, $0x2000b8;
	[tilespmem:$0x1EA00] =	vst v63  }
0x368: {  	s3 =	sshll.u32 s3, $0x4;
	s11 =	simm.s32 $0x1A800  }
0x369: {  	[spmem:s13] =	stream.indirect.scatter.add.f32 [tilespmem:s26], [sflag:$0x4], $0x10, s11, s24, $0x2000b8;
	[tilespmem:$0x1EA00] =	vst v63  }
0x36a: {  	s20 =	sadd.s32 s0, s3  }
0x36b: {  	[tilespmem:s22], [sflag:$0x6] =	stream.linear.gather [hbm4b:s20+s10], $0x200, $0x200038;
	[tilespmem:$0x1EA00] =	vst v63  }
0x36c: {  	_ =	swait.ge [sflag:s18], $0x800  }
0x36d: {  	[sflag:s18] =	ssyncset.done $0x0  }
0x36e: {  	[sflag:s18] =	ssyncadd.s32 $0xFFFFF800  }
0x36f: {  	_ =	swait.ge [sflag:s18], $0x800  }
0x370: {  	[sflag:s18] =	ssyncset.done $0x0  }
0x371: {  	[sflag:s18] =	ssyncadd.s32 $0xFFFFF800  }
0x372: {  	_ =	swait.ge [sflag:s18], $0x800  }
0x373: {  	[sflag:s18] =	ssyncset.done $0x0  }
0x374: {  	[sflag:s18] =	ssyncadd.s32 $0xFFFFF800  }
0x375: {  	_ =	swait.ge [sflag:s18], $0x800  }
0x376: {  	[sflag:s18] =	ssyncset.done $0x0  }
0x377: {  	[sflag:s18] =	ssyncadd.s32 $0xFFFFF800  }
0x378: {  	s26 =	rddreg [dreg:$0x1]  }
0x379: {  	s28 =	simm.s32 $0x1A480;
	s6 =	sadd.s32 s26, s6  }
0x37a: {  	[tilespmem:s28], [sflag:$0x7] =	stream.linear.gather [hbm4b:s6+s10], $0x200, $0x200038;
	[tilespmem:$0x1EA00] =	vst v63  }
0x37b: {  	_ =	swait.ge [sflag:s2], $0x800  }
0x37c: {  	[sflag:s2] =	ssyncset.done $0x0  }
0x37d: {  	[sflag:s2] =	ssyncadd.s32 $0xFFFFF800  }
0x37e: {  	_ =	swait.ge [sflag:s2], $0x800  }
0x37f: {  	[sflag:s2] =	ssyncset.done $0x0  }
0x380: {  	[sflag:s2] =	ssyncadd.s32 $0xFFFFF800  }
0x381: {  	_ =	swait.ge [sflag:s2], $0x800  }
0x382: {  	p0 =	sne.s32 s4, $0xFFFFFFF8;
	[sflag:s2] =	ssyncset.done $0x0  }
.Ltmp11:
0x383: {  	[sflag:s2] =	ssyncadd.s32 $0xFFFFF800;
	(pc) =	sbr.rel @p0 .LBB2_24-.Ltmp11, $4  }
0x384: {  	s4 =	sadd.s32 $0x8, s4;
	_ =	swait.ge [sflag:s2], $0x800  }
0x385: {  	s29 =	simm.s32 $0x1A680;
	s3 =	sadd.s32 s26, s3;
	[sflag:s2] =	ssyncset.done $0x0  }
0x386: {  	s28 =	simm.s32 $0x1A880;
	s6 =	simm.s32 $0x1A480;
	[sflag:s2] =	ssyncadd.s32 $0xFFFFF800  }
0x387: {  	[tilespmem:s29], [sflag:$0x8] =	stream.linear.gather [hbm4b:s3+s10], $0x200, $0x200038;
	[tilespmem:$0x1EA00] =	vst v63  }
0x388: {  	s29 =	rddreg [dreg:$0x1d];
	_ =	swait.ge [sflag:s23], $0x200  }
0x389: {  	[sflag:s23] =	ssyncset.done $0x0  }
0x38a: {  	s3 =	simm.s32 $0x7;
	[sflag:s23] =	ssyncadd.s32 $0xFFFFFE00  }
0x38b: {  	_ =	swait.ge [sflag:s3], $0x200  }
0x38c: {  	[sflag:s3] =	ssyncset.done $0x0  }
0x38d: {  	[sflag:s3] =	ssyncadd.s32 $0xFFFFFE00  }
0x38e: {  	_ =	swait.ge [sflag:s15], $0x200  }
0x38f: {  	[sflag:s15] =	ssyncset.done $0x0  }
0x390: {  	s31 =	simm.s32 $0x8;
	[sflag:s15] =	ssyncadd.s32 $0xFFFFFE00  }
0x391: {  	_ =	swait.ge [sflag:s31], $0x200  }
0x392: {  	[sflag:s31] =	ssyncset.done $0x0  }
0x393: {  	[sflag:s31] =	ssyncadd.s32 $0xFFFFFE00  }
0x394: {  	_ =	strace $0x9000004C  }
0x395: {  	[bflag:$0x0] =	sbarrier.arrive $0xFFFF  }
0x396: {  	s4 =	simm.s32 $0x0;
	s3 =	simm.s32 $0x40;
	_ =	strace $0x8000004D  }
.LBB2_26:
0x397: {  	p0 =	sne.s32 s3, $0x1FC0;
	[tilespmem:s4+$0x1C080] =	vst v2;
	s4 =	smov.u32 s3;
	s3 =	sadd.s32 $0x40, s3  }
.Ltmp12:
0x398: {  	(pc) =	sbr.rel @p0 .LBB2_26-.Ltmp12, $2  }
0x399: {  	_ =	sdelay $0x2  }
0x39a: {  	s4 =	sshra.s32 s4, $0x2  }
0x39b: {  	[tilespmem:s4+$0x1C080] =	vst v2;
	s14 =	simm.s32 $0x0;
	s3 =	simm.s32 $0x1B880;
	s6 =	rddreg [dreg:$0x11]  }
0x39c: {  	[tilespmem:s3], [sflag:$0x9] =	stream.linear.gather [hbm4b:s6+s14], $0x800, $0x200038;
	[tilespmem:$0x1EA00] =	vst v63  }
0x39d: {  	s16 =	rddreg [dreg:$0x14]  }
0x39e: {  	[tilespmem:s28], [sflag:$0xB] =	stream.linear.gather [spmem:s16], $0x800, $0x200038;
	[tilespmem:$0x1EA00] =	vst v63  }
0x39f: {  	_ =	swait.ge [sflag:s5], $0x800  }
0x3a0: {  	[sflag:s5] =	ssyncset.done $0x0  }
0x3a1: {  	s7 =	rddreg [dreg:$0x1a];
	[sflag:s5] =	ssyncadd.s32 $0xFFFFF800  }
0x3a2: {  	[tilespmem:s12], [sflag:$0xB] =	stream.linear.gather [spmem:s7], $0x80, $0x200038;
	[tilespmem:$0x1EA00] =	vst v63  }
0x3a3: {  	_ =	swait.ge [sflag:s5], $0x80  }
0x3a4: {  	[sflag:s5] =	ssyncset.done $0x0  }
0x3a5: {  	s31 =	simm.s32 $0x1C080;
	[sflag:s5] =	ssyncadd.s32 $0xFFFFFF80  }
0x3a6: {  	[spmem:s16] =	stream.linear.scatter [tilespmem:s31], [sflag:$0xB], $0x800, $0x200038;
	[tilespmem:$0x1EA00] =	vst v63  }
0x3a7: {  	_ =	swait.ge [sflag:s5], $0x800  }
0x3a8: {  	v3 =	vmov s14;
	[sflag:s5] =	ssyncset.done $0x0  }
0x3a9: {  	s20 =	simm.s32 $0x9;
	[sflag:s5] =	ssyncadd.s32 $0xFFFFF800  }
0x3aa: {  	_ =	swait.ge [sflag:s20], $0x800  }
0x3ab: {  	[sflag:s20] =	ssyncset.done $0x0  }
0x3ac: {  	[sflag:s20] =	ssyncadd.s32 $0xFFFFF800  }
0x3ad: {  	v3 =	vld.idx.msk [tilespmem:v3+s12+$0x0], $0xffff  }
0x3ae: {  	v4 =	vld [tilespmem:s3+$0xFFFFF000];
	_ =	sdelay $0x1  }
0x3af: {  	v5 =	vld [tilespmem:s3+$0x0];
	_ =	sdelay $0x2  }
0x3b0: {  	s26 =	simm.s32 $0x1;
	v6 =	vmul.f32 v4, v3  }
0x3b1: {  	s4 =	simm.s32 $0x2;
	s6 =	simm.s32 $0x1B880;
	v4 =	vmov s26  }
.LBB2_28:
0x3b2: {  	p0 =	sne.s32 s4, $0x7F;
	v5 =	vadd.f32 v6, v5;
	v3 =	vmul.f32 v6, v3;
	_ =	sdelay $0x1  }
0x3b3: {  	[tilespmem:s3+$0x0] =	vst v5  }
0x3b4: {  	[tilespmem:s3+$0xFFFFF000] =	vst v3  }
0x3b5: {  	s3 =	sadd.s32 $0x10, s3;
	v3 =	vld.idx.msk [tilespmem:v4+s12+$0x0], $0xffff  }
0x3b6: {  	v4 =	vld [tilespmem:s3+$0xFFFFF000];
	_ =	sdelay $0x1  }
.Ltmp13:
0x3b7: {  	v5 =	vld [tilespmem:s3+$0x0];
	(pc) =	sbr.rel @p0 .LBB2_28-.Ltmp13, $3  }
0x3b8: {  	_ =	sdelay $0x1  }
0x3b9: {  	v6 =	vmul.f32 v4, v3  }
0x3ba: {  	v4 =	vmov s4;
	s4 =	sadd.s32 $0x1, s4  }
0x3bb: {  	v5 =	vadd.f32 v6, v5  }
0x3bc: {  	v3 =	vmul.f32 v6, v3  }
0x3bd: {  	[tilespmem:s3+$0x0] =	vst v5  }
0x3be: {  	[tilespmem:s3+$0xFFFFF000] =	vst v3  }
0x3bf: {  	s20 =	sadd.s32 $0x10, s3;
	v3 =	vld.idx.msk [tilespmem:v4+s12+$0x0], $0xffff  }
0x3c0: {  	v63 =	vld [tilespmem:s20+$0xFFFFF000];
	_ =	sdelay $0x1  }
0x3c1: {  	v5 =	vld [tilespmem:s20+$0x0];
	_ =	sdelay $0x2  }
0x3c2: {  	v4 =	vmul.f32 v63, v3;
	_ =	sdelay $0x1  }
0x3c3: {  	v5 =	vadd.f32 v4, v5  }
0x3c4: {  	v3 =	vmul.f32 v4, v3  }
0x3c5: {  	s4 =	rddreg [dreg:$0x11];
	[tilespmem:s20+$0x0] =	vst v5  }
0x3c6: {  	s26 =	rddreg [dreg:$0x17];
	s3 =	simm.s32 $0x0;
	[tilespmem:s20+$0xFFFFF000] =	vst v3  }
0x3c7: {  	[hbm4b:s4+s3] =	stream.linear.scatter [tilespmem:s6], [sflag:$0xA], $0x800, $0x200038;
	[tilespmem:$0x1EA00] =	vst v63  }
0x3c8: {  	s14 =	rddreg [dreg:$0x9];
	s4 =	simm.s32 $0x0  }
0x3c9: {  	[hbm4b:s26+s3] =	stream.linear.scatter [tilespmem:s28], [sflag:$0xA], $0x800, $0x200038;
	[tilespmem:$0x1EA00] =	vst v63  }
.LBB2_30:
0x3ca: {  	s9 =	simm.s32 $0xA  }
0x3cb: {  	_ =	swait.ge [sflag:s9], $0x800  }
0x3cc: {  	s4 =	sadd.s32 $0x1, s4;
	[sflag:s9] =	ssyncset.done $0x0  }
0x3cd: {  	s6 =	sshll.u32 s4, $0x7;
	s7 =	rddreg [dreg:$0xa];
	[sflag:s9] =	ssyncadd.s32 $0xFFFFF800  }
0x3ce: {  	s6 =	sadd.s32 s7, s6;
	_ =	swait.ge [sflag:s9], $0x800  }
0x3cf: {  	s7 =	sadd.s32 s14, s6;
	[sflag:s9] =	ssyncset.done $0x0  }
0x3d0: {  	s16 =	sshll.u32 s6, $0x4;
	s7 =	sshll.u32 s7, $0x1;
	[sflag:s9] =	ssyncadd.s32 $0xFFFFF800  }
0x3d1: {  	s13 =	sand.u32 $0x1FFFFF00, s7;
	s9 =	simm.s32 $0x1B880;
	s14 =	rddreg [dreg:$0x3]  }
0x3d2: {  	s7 =	sand.u32 $0x3FFFFFF0, s16;
	s28 =	rddreg [dreg:$0x6];
	s14 =	sadd.s32 s14, s13  }
0x3d3: {  	[tilespmem:s9], [sflag:$0x9] =	stream.linear.gather [hbm4b:s14+s3], $0x800, $0x200038;
	[tilespmem:$0x1EA00] =	vst v63  }
0x3d4: {  	s7 =	sadd.s32 s7, s28;
	s28 =	simm.s32 $0x1A880  }
0x3d5: {  	[tilespmem:s28], [sflag:$0xB] =	stream.linear.gather [spmem:s7], $0x800, $0x200038;
	[tilespmem:$0x1EA00] =	vst v63  }
0x3d6: {  	_ =	swait.ge [sflag:s5], $0x800  }
0x3d7: {  	[sflag:s5] =	ssyncset.done $0x0  }
0x3d8: {  	s6 =	sadd.s32 s6, s8;
	[sflag:s5] =	ssyncadd.s32 $0xFFFFF800  }
0x3d9: {  	[tilespmem:s12], [sflag:$0xB] =	stream.linear.gather [spmem:s6], $0x80, $0x200038;
	[tilespmem:$0x1EA00] =	vst v63  }
0x3da: {  	_ =	swait.ge [sflag:s5], $0x80  }
0x3db: {  	[sflag:s5] =	ssyncset.done $0x0  }
0x3dc: {  	[sflag:s5] =	ssyncadd.s32 $0xFFFFFF80  }
0x3dd: {  	[spmem:s7] =	stream.linear.scatter [tilespmem:s31], [sflag:$0xB], $0x800, $0x200038;
	[tilespmem:$0x1EA00] =	vst v63  }
0x3de: {  	_ =	swait.ge [sflag:s5], $0x800  }
0x3df: {  	v3 =	vmov s3;
	[sflag:s5] =	ssyncset.done $0x0  }
0x3e0: {  	s20 =	simm.s32 $0x9;
	[sflag:s5] =	ssyncadd.s32 $0xFFFFF800  }
0x3e1: {  	_ =	swait.ge [sflag:s20], $0x800  }
0x3e2: {  	[sflag:s20] =	ssyncset.done $0x0  }
0x3e3: {  	[sflag:s20] =	ssyncadd.s32 $0xFFFFF800  }
0x3e4: {  	v3 =	vld.idx.msk [tilespmem:v3+s12+$0x0], $0xffff  }
0x3e5: {  	v4 =	vld [tilespmem:s9+$0xFFFFF000];
	_ =	sdelay $0x1  }
0x3e6: {  	v5 =	vld [tilespmem:s9+$0x0];
	_ =	sdelay $0x2  }
0x3e7: {  	s26 =	simm.s32 $0x1;
	v6 =	vmul.f32 v4, v3  }
0x3e8: {  	s7 =	simm.s32 $0x2;
	v4 =	vmov s26  }
.LBB2_31:
0x3e9: {  	p0 =	sne.s32 s7, $0x7F;
	v5 =	vadd.f32 v6, v5;
	v3 =	vmul.f32 v6, v3;
	_ =	sdelay $0x1  }
0x3ea: {  	[tilespmem:s9+$0x0] =	vst v5  }
0x3eb: {  	[tilespmem:s9+$0xFFFFF000] =	vst v3  }
0x3ec: {  	s9 =	sadd.s32 $0x10, s9;
	v3 =	vld.idx.msk [tilespmem:v4+s12+$0x0], $0xffff  }
0x3ed: {  	v4 =	vld [tilespmem:s9+$0xFFFFF000];
	_ =	sdelay $0x1  }
.Ltmp14:
0x3ee: {  	v5 =	vld [tilespmem:s9+$0x0];
	(pc) =	sbr.rel @p0 .LBB2_31-.Ltmp14, $3  }
0x3ef: {  	_ =	sdelay $0x1  }
0x3f0: {  	v6 =	vmul.f32 v4, v3  }
0x3f1: {  	v4 =	vmov s7;
	s7 =	sadd.s32 $0x1, s7  }
0x3f2: {  	v5 =	vadd.f32 v6, v5  }
0x3f3: {  	v3 =	vmul.f32 v6, v3  }
0x3f4: {  	[tilespmem:s9+$0x0] =	vst v5  }
0x3f5: {  	[tilespmem:s9+$0xFFFFF000] =	vst v3  }
0x3f6: {  	s6 =	sadd.s32 $0x10, s9;
	v3 =	vld.idx.msk [tilespmem:v4+s12+$0x0], $0xffff  }
0x3f7: {  	v63 =	vld [tilespmem:s6+$0xFFFFF000];
	_ =	sdelay $0x1  }
0x3f8: {  	v5 =	vld [tilespmem:s6+$0x0];
	_ =	sdelay $0x2  }
0x3f9: {  	v4 =	vmul.f32 v63, v3;
	_ =	sdelay $0x1  }
0x3fa: {  	v5 =	vadd.f32 v4, v5  }
0x3fb: {  	p0 =	sne.s32 s4, $0x30;
	v3 =	vmul.f32 v4, v3  }
.Ltmp15:
0x3fc: {  	[tilespmem:s6+$0x0] =	vst v5;
	(pc) =	sbr.rel @p0 .LBB2_30-.Ltmp15, $4  }
0x3fd: {  	s20 =	simm.s32 $0x1B880;
	s7 =	rddreg [dreg:$0xd];
	[tilespmem:s6+$0xFFFFF000] =	vst v3  }
0x3fe: {  	[hbm4b:s14+s10] =	stream.linear.scatter [tilespmem:s20], [sflag:$0xA], $0x800, $0x200038;
	[tilespmem:$0x1EA00] =	vst v63  }
0x3ff: {  	s26 =	sadd.s32 s7, s13;
	s14 =	rddreg [dreg:$0x9]  }
0x400: {  	[hbm4b:s26+s10] =	stream.linear.scatter [tilespmem:s28], [sflag:$0xA], $0x800, $0x200038;
	[tilespmem:$0x1EA00] =	vst v63  }
0x401: {  	s3 =	simm.s32 $0xA  }
0x402: {  	_ =	swait.ge [sflag:s3], $0x800  }
0x403: {  	[sflag:s3] =	ssyncset.done $0x0  }
0x404: {  	[sflag:s3] =	ssyncadd.s32 $0xFFFFF800  }
0x405: {  	_ =	swait.ge [sflag:s3], $0x800  }
0x406: {  	[sflag:s3] =	ssyncset.done $0x0  }
0x407: {  	[sflag:s3] =	ssyncadd.s32 $0xFFFFF800  }
0x408: {  	_ =	strace $0x9000004D  }
0x409: {  	[bflag:$0x0] =	sbarrier.arrive $0xFFFF  }
0x40a: {  	_ =	strace $0x8000004E  }
0x40b: {  	s14 =	rddreg [dreg:$0xe]  }
0x40c: {  	[tilespmem:s17], [sflag:$0x5] =	stream.linear.gather [hbm4b:s14+s10], $0x200, $0x200038;
	[tilespmem:$0x1EA00] =	vst v63  }
0x40d: {  	s6 =	simm.s32 $0x1A480;
	s16 =	rddreg [dreg:$0x12]  }
0x40e: {  	[tilespmem:s6], [sflag:$0x7] =	stream.linear.gather [hbm4b:s16+s10], $0x200, $0x200038;
	[tilespmem:$0x1EA00] =	vst v63  }
0x40f: {  	s13 =	smov.u32 s7;
	s20 =	rddreg [dreg:$0xf]  }
0x410: {  	[tilespmem:s22], [sflag:$0x6] =	stream.linear.gather [hbm4b:s20+s10], $0x200, $0x200038;
	[tilespmem:$0x1EA00] =	vst v63  }
0x411: {  	s4 =	simm.s32 $0x1A680;
	s0 =	simm.s32 $0x2;
	s26 =	rddreg [dreg:$0x13]  }
0x412: {  	[tilespmem:s4], [sflag:$0x8] =	stream.linear.gather [hbm4b:s26+s10], $0x200, $0x200038;
	[tilespmem:$0x1EA00] =	vst v63  }
0x413: {  	s1 =	simm.s32 $0x1;
	s14 =	rddreg [dreg:$0x6];
	s4 =	simm.s32 $0xFFFFFCF0  }
.LBB2_34:
0x414: {  	_ =	swait.ge [sflag:s23], $0x200  }
0x415: {  	[sflag:s23] =	ssyncset.done $0x0  }
0x416: {  	s3 =	simm.s32 $0x7;
	[sflag:s23] =	ssyncadd.s32 $0xFFFFFE00  }
0x417: {  	_ =	swait.ge [sflag:s3], $0x200  }
0x418: {  	[sflag:s3] =	ssyncset.done $0x0  }
0x419: {  	[sflag:s3] =	ssyncadd.s32 $0xFFFFFE00  }
0x41a: {  	v3 =	vld [tilespmem:$0x1A080]  }
0x41b: {  	v4 =	vld [tilespmem:$0x1A090]  }
0x41c: {  	v5 =	vld [tilespmem:$0x1A0A0]  }
0x41d: {  	v6 =	vld [tilespmem:$0x1A0B0]  }
0x41e: {  	v7 =	vld [tilespmem:$0x1A0C0]  }
0x41f: {  	v8 =	vld [tilespmem:$0x1A0D0];
	v3 =	vadd.s32 v0, v3  }
0x420: {  	v59 =	vld [tilespmem:$0x1A0E0];
	[tilespmem:$0x1A080] =	vst v3;
	v3 =	vadd.s32 v0, v4  }
0x421: {  	v60 =	vld [tilespmem:$0x1A0F0];
	[tilespmem:$0x1A090] =	vst v3;
	v3 =	vadd.s32 v0, v5  }
0x422: {  	v61 =	vld [tilespmem:$0x1A100];
	[tilespmem:$0x1A0A0] =	vst v3;
	v3 =	vadd.s32 v0, v6  }
0x423: {  	v62 =	vld [tilespmem:$0x1A110];
	[tilespmem:$0x1A0B0] =	vst v3;
	v3 =	vadd.s32 v0, v7  }
0x424: {  	v63 =	vld [tilespmem:$0x1A120];
	[tilespmem:$0x1A0C0] =	vst v3;
	v3 =	vadd.s32 v0, v8  }
0x425: {  	v12 =	vld [tilespmem:$0x1A130];
	[tilespmem:$0x1A0D0] =	vst v3;
	v3 =	vadd.s32 v0, v59  }
0x426: {  	v13 =	vld [tilespmem:$0x1A140];
	[tilespmem:$0x1A0E0] =	vst v3;
	v3 =	vadd.s32 v0, v60  }
0x427: {  	v14 =	vld [tilespmem:$0x1A150];
	[tilespmem:$0x1A0F0] =	vst v3;
	v3 =	vadd.s32 v0, v61  }
0x428: {  	v15 =	vld [tilespmem:$0x1A160];
	[tilespmem:$0x1A100] =	vst v3;
	v3 =	vadd.s32 v0, v62  }
0x429: {  	v16 =	vld [tilespmem:$0x1A170];
	[tilespmem:$0x1A110] =	vst v3;
	v3 =	vadd.s32 v0, v63  }
0x42a: {  	v17 =	vld [tilespmem:$0x1A180];
	[tilespmem:$0x1A120] =	vst v3;
	v3 =	vadd.s32 v0, v12  }
0x42b: {  	v18 =	vld [tilespmem:$0x1A190];
	[tilespmem:$0x1A130] =	vst v3;
	v3 =	vadd.s32 v0, v13  }
0x42c: {  	v19 =	vld [tilespmem:$0x1A1A0];
	[tilespmem:$0x1A140] =	vst v3;
	v3 =	vadd.s32 v0, v14  }
0x42d: {  	v20 =	vld [tilespmem:$0x1A1B0];
	[tilespmem:$0x1A150] =	vst v3;
	v3 =	vadd.s32 v0, v15  }
0x42e: {  	v21 =	vld [tilespmem:$0x1A1C0];
	[tilespmem:$0x1A160] =	vst v3;
	v3 =	vadd.s32 v0, v16  }
0x42f: {  	v22 =	vld [tilespmem:$0x1A1D0];
	[tilespmem:$0x1A170] =	vst v3;
	v3 =	vadd.s32 v0, v17  }
0x430: {  	v23 =	vld [tilespmem:$0x1A1E0];
	[tilespmem:$0x1A180] =	vst v3;
	v3 =	vadd.s32 v0, v18  }
0x431: {  	v24 =	vld [tilespmem:$0x1A1F0];
	[tilespmem:$0x1A190] =	vst v3;
	v3 =	vadd.s32 v0, v19  }
0x432: {  	v25 =	vld [tilespmem:$0x1A200];
	[tilespmem:$0x1A1A0] =	vst v3;
	v3 =	vadd.s32 v0, v20  }
0x433: {  	v26 =	vld [tilespmem:$0x1A210];
	[tilespmem:$0x1A1B0] =	vst v3;
	v3 =	vadd.s32 v0, v21  }
0x434: {  	v27 =	vld [tilespmem:$0x1A220];
	[tilespmem:$0x1A1C0] =	vst v3;
	v3 =	vadd.s32 v0, v22  }
0x435: {  	v28 =	vld [tilespmem:$0x1A230];
	[tilespmem:$0x1A1D0] =	vst v3;
	v3 =	vadd.s32 v0, v23  }
0x436: {  	v29 =	vld [tilespmem:$0x1A240];
	[tilespmem:$0x1A1E0] =	vst v3;
	v3 =	vadd.s32 v0, v24  }
0x437: {  	v30 =	vld [tilespmem:$0x1A250];
	[tilespmem:$0x1A1F0] =	vst v3;
	v3 =	vadd.s32 v0, v25  }
0x438: {  	v31 =	vld [tilespmem:$0x1A260];
	[tilespmem:$0x1A200] =	vst v3;
	v3 =	vadd.s32 v0, v26  }
0x439: {  	v32 =	vld [tilespmem:$0x1A270];
	[tilespmem:$0x1A210] =	vst v3;
	v3 =	vadd.s32 v0, v27  }
0x43a: {  	[tilespmem:$0x1A220] =	vst v3;
	v3 =	vadd.s32 v0, v28  }
0x43b: {  	[tilespmem:$0x1A230] =	vst v3;
	v3 =	vadd.s32 v0, v29  }
0x43c: {  	[tilespmem:$0x1A240] =	vst v3;
	v3 =	vadd.s32 v0, v30  }
0x43d: {  	[tilespmem:$0x1A250] =	vst v3;
	v3 =	vadd.s32 v0, v31  }
0x43e: {  	[tilespmem:$0x1A260] =	vst v3;
	v3 =	vadd.s32 v0, v32  }
0x43f: {  	[tilespmem:$0x1A270] =	vst v3  }
0x440: {  	[tilespmem:s28], [sflag:$0x1] =	stream.indirect.gather [hbm4b:s13+s24], $0x10, s17, s24, $0x2000b8;
	[tilespmem:$0x1EA00] =	vst v63  }
0x441: {  	s7 =	simm.s32 $0x1A100;
	s9 =	simm.s32 $0x1B080  }
0x442: {  	[tilespmem:s9], [sflag:$0x1] =	stream.indirect.gather [hbm4b:s13+s24], $0x10, s7, s24, $0x2000b8;
	[tilespmem:$0x1EA00] =	vst v63  }
0x443: {  	s7 =	simm.s32 $0x1B880  }
0x444: {  	[tilespmem:s7], [sflag:$0x1] =	stream.indirect.gather [hbm4b:s13+s24], $0x10, s19, s24, $0x2000b8;
	[tilespmem:$0x1EA00] =	vst v63  }
0x445: {  	s11 =	simm.s32 $0x1A200  }
0x446: {  	[tilespmem:s31], [sflag:$0x1] =	stream.indirect.gather [hbm4b:s13+s24], $0x10, s11, s24, $0x2000b8;
	[tilespmem:$0x1EA00] =	vst v63  }
0x447: {  	_ =	swait.ge [sflag:s15], $0x200  }
0x448: {  	[sflag:s15] =	ssyncset.done $0x0  }
0x449: {  	s16 =	simm.s32 $0x8;
	[sflag:s15] =	ssyncadd.s32 $0xFFFFFE00  }
0x44a: {  	_ =	swait.ge [sflag:s16], $0x200  }
0x44b: {  	[sflag:s16] =	ssyncset.done $0x0  }
0x44c: {  	[sflag:s16] =	ssyncadd.s32 $0xFFFFFE00  }
0x44d: {  	v3 =	vld [tilespmem:$0x1A280]  }
0x44e: {  	v33 =	vld [tilespmem:$0x1A290]  }
0x44f: {  	v34 =	vld [tilespmem:$0x1A2A0]  }
0x450: {  	v35 =	vld [tilespmem:$0x1A2B0]  }
0x451: {  	v36 =	vld [tilespmem:$0x1A2C0]  }
0x452: {  	v37 =	vld [tilespmem:$0x1A2D0];
	v3 =	vadd.s32 v0, v3  }
0x453: {  	v38 =	vld [tilespmem:$0x1A2E0];
	[tilespmem:$0x1A280] =	vst v3;
	v3 =	vadd.s32 v0, v33  }
0x454: {  	v39 =	vld [tilespmem:$0x1A2F0];
	[tilespmem:$0x1A290] =	vst v3;
	v3 =	vadd.s32 v0, v34  }
0x455: {  	v40 =	vld [tilespmem:$0x1A300];
	[tilespmem:$0x1A2A0] =	vst v3;
	v3 =	vadd.s32 v0, v35  }
0x456: {  	v41 =	vld [tilespmem:$0x1A310];
	[tilespmem:$0x1A2B0] =	vst v3;
	v3 =	vadd.s32 v0, v36  }
0x457: {  	v42 =	vld [tilespmem:$0x1A320];
	[tilespmem:$0x1A2C0] =	vst v3;
	v3 =	vadd.s32 v0, v37  }
0x458: {  	v43 =	vld [tilespmem:$0x1A330];
	[tilespmem:$0x1A2D0] =	vst v3;
	v3 =	vadd.s32 v0, v38  }
0x459: {  	v44 =	vld [tilespmem:$0x1A340];
	[tilespmem:$0x1A2E0] =	vst v3;
	v3 =	vadd.s32 v0, v39  }
0x45a: {  	v45 =	vld [tilespmem:$0x1A350];
	[tilespmem:$0x1A2F0] =	vst v3;
	v3 =	vadd.s32 v0, v40  }
0x45b: {  	v46 =	vld [tilespmem:$0x1A360];
	[tilespmem:$0x1A300] =	vst v3;
	v3 =	vadd.s32 v0, v41  }
0x45c: {  	v47 =	vld [tilespmem:$0x1A370];
	[tilespmem:$0x1A310] =	vst v3;
	v3 =	vadd.s32 v0, v42  }
0x45d: {  	v48 =	vld [tilespmem:$0x1A380];
	[tilespmem:$0x1A320] =	vst v3;
	v3 =	vadd.s32 v0, v43  }
0x45e: {  	v49 =	vld [tilespmem:$0x1A390];
	[tilespmem:$0x1A330] =	vst v3;
	v3 =	vadd.s32 v0, v44  }
0x45f: {  	v50 =	vld [tilespmem:$0x1A3A0];
	[tilespmem:$0x1A340] =	vst v3;
	v3 =	vadd.s32 v0, v45  }
0x460: {  	v51 =	vld [tilespmem:$0x1A3B0];
	[tilespmem:$0x1A350] =	vst v3;
	v3 =	vadd.s32 v0, v46  }
0x461: {  	v52 =	vld [tilespmem:$0x1A3C0];
	[tilespmem:$0x1A360] =	vst v3;
	v3 =	vadd.s32 v0, v47  }
0x462: {  	v53 =	vld [tilespmem:$0x1A3D0];
	[tilespmem:$0x1A370] =	vst v3;
	v3 =	vadd.s32 v0, v48  }
0x463: {  	v54 =	vld [tilespmem:$0x1A3E0];
	[tilespmem:$0x1A380] =	vst v3;
	v3 =	vadd.s32 v0, v49  }
0x464: {  	v55 =	vld [tilespmem:$0x1A3F0];
	[tilespmem:$0x1A390] =	vst v3;
	v3 =	vadd.s32 v0, v50  }
0x465: {  	v56 =	vld [tilespmem:$0x1A400];
	[tilespmem:$0x1A3A0] =	vst v3;
	v3 =	vadd.s32 v0, v51  }
0x466: {  	v57 =	vld [tilespmem:$0x1A410];
	[tilespmem:$0x1A3B0] =	vst v3;
	v3 =	vadd.s32 v0, v52  }
0x467: {  	v58 =	vld [tilespmem:$0x1A420];
	[tilespmem:$0x1A3C0] =	vst v3;
	v3 =	vadd.s32 v0, v53  }
0x468: {  	v59 =	vld [tilespmem:$0x1A430];
	[tilespmem:$0x1A3D0] =	vst v3;
	v3 =	vadd.s32 v0, v54  }
0x469: {  	v60 =	vld [tilespmem:$0x1A440];
	[tilespmem:$0x1A3E0] =	vst v3;
	v3 =	vadd.s32 v0, v55  }
0x46a: {  	v61 =	vld [tilespmem:$0x1A450];
	[tilespmem:$0x1A3F0] =	vst v3;
	v3 =	vadd.s32 v0, v56  }
0x46b: {  	v62 =	vld [tilespmem:$0x1A460];
	[tilespmem:$0x1A400] =	vst v3;
	v3 =	vadd.s32 v0, v57  }
0x46c: {  	v63 =	vld [tilespmem:$0x1A470];
	[tilespmem:$0x1A410] =	vst v3;
	v3 =	vadd.s32 v0, v58  }
0x46d: {  	[tilespmem:$0x1A420] =	vst v3;
	v3 =	vadd.s32 v0, v59  }
0x46e: {  	[tilespmem:$0x1A430] =	vst v3;
	v3 =	vadd.s32 v0, v60  }
0x46f: {  	[tilespmem:$0x1A440] =	vst v3;
	v3 =	vadd.s32 v0, v61  }
0x470: {  	[tilespmem:$0x1A450] =	vst v3;
	v3 =	vadd.s32 v0, v62  }
0x471: {  	[tilespmem:$0x1A460] =	vst v3;
	v3 =	vadd.s32 v0, v63  }
0x472: {  	s16 =	simm.s32 $0x1C880;
	[tilespmem:$0x1A470] =	vst v3  }
0x473: {  	[tilespmem:s16], [sflag:$0x2] =	stream.indirect.gather [hbm4b:s13+s24], $0x10, s22, s24, $0x2000b8;
	[tilespmem:$0x1EA00] =	vst v63  }
0x474: {  	s26 =	simm.s32 $0x1D080;
	s17 =	simm.s32 $0x1A300  }
0x475: {  	[tilespmem:s26], [sflag:$0x2] =	stream.indirect.gather [hbm4b:s13+s24], $0x10, s17, s24, $0x2000b8;
	[tilespmem:$0x1EA00] =	vst v63  }
0x476: {  	s11 =	simm.s32 $0x1D880  }
0x477: {  	[tilespmem:s11], [sflag:$0x2] =	stream.indirect.gather [hbm4b:s13+s24], $0x10, s21, s24, $0x2000b8;
	[tilespmem:$0x1EA00] =	vst v63  }
0x478: {  	s17 =	simm.s32 $0x1E080  }
0x479: {  	[tilespmem:s17], [sflag:$0x2] =	stream.indirect.gather [hbm4b:s13+s24], $0x10, s30, s24, $0x2000b8;
	[tilespmem:$0x1EA00] =	vst v63  }
0x47a: {  	_ =	swait.ge [sflag:s1], $0x800  }
0x47b: {  	[sflag:s1] =	ssyncset.done $0x0  }
0x47c: {  	[sflag:s1] =	ssyncadd.s32 $0xFFFFF800  }
0x47d: {  	_ =	swait.ge [sflag:s1], $0x800  }
0x47e: {  	[sflag:s1] =	ssyncset.done $0x0  }
0x47f: {  	[sflag:s1] =	ssyncadd.s32 $0xFFFFF800  }
0x480: {  	_ =	swait.ge [sflag:s1], $0x800  }
0x481: {  	[sflag:s1] =	ssyncset.done $0x0  }
0x482: {  	[sflag:s1] =	ssyncadd.s32 $0xFFFFF800  }
0x483: {  	_ =	swait.ge [sflag:s1], $0x800  }
0x484: {  	[sflag:s1] =	ssyncset.done $0x0  }
0x485: {  	[sflag:s1] =	ssyncadd.s32 $0xFFFFF800  }
0x486: {  	[spmem:s14] =	stream.indirect.scatter.add.f32 [tilespmem:s28], [sflag:$0x3], $0x10, s6, s24, $0x2000b8;
	[tilespmem:$0x1EA00] =	vst v63  }
0x487: {  	s20 =	simm.s32 $0x1A500  }
0x488: {  	[spmem:s14] =	stream.indirect.scatter.add.f32 [tilespmem:s9], [sflag:$0x3], $0x10, s20, s24, $0x2000b8;
	[tilespmem:$0x1EA00] =	vst v63  }
0x489: {  	s3 =	sadd.s32 s4, s29;
	s6 =	simm.s32 $0x1A580  }
0x48a: {  	[spmem:s14] =	stream.indirect.scatter.add.f32 [tilespmem:s7], [sflag:$0x3], $0x10, s6, s24, $0x2000b8;
	[tilespmem:$0x1EA00] =	vst v63  }
0x48b: {  	s6 =	sadd.s32 $0x318, s3  }
0x48c: {  	s9 =	simm.s32 $0x1A600;
	p0 =	slt.s32 s6, $0x30FC  }
0x48d: {  	[spmem:s14] =	stream.indirect.scatter.add.f32 [tilespmem:s31], [sflag:$0x3], $0x10, s9, s24, $0x2000b8;
	[tilespmem:$0x1EA00] =	vst v63  }
0x48e: {  	s6 =	simm.s32 @!p0 $0x30FC  }
0x48f: {  	s20 =	rddreg [dreg:$0x0];
	s6 =	sshll.u32 s6, $0x4  }
0x490: {  	s22 =	simm.s32 $0x1A080;
	s7 =	sadd.s32 s20, s6  }
0x491: {  	[tilespmem:s22], [sflag:$0x5] =	stream.linear.gather [hbm4b:s7+s10], $0x200, $0x200038;
	[tilespmem:$0x1EA00] =	vst v63  }
0x492: {  	_ =	swait.ge [sflag:s0], $0x800  }
0x493: {  	[sflag:s0] =	ssyncset.done $0x0  }
0x494: {  	[sflag:s0] =	ssyncadd.s32 $0xFFFFF800  }
0x495: {  	_ =	swait.ge [sflag:s0], $0x800  }
0x496: {  	[sflag:s0] =	ssyncset.done $0x0  }
0x497: {  	[sflag:s0] =	ssyncadd.s32 $0xFFFFF800  }
0x498: {  	_ =	swait.ge [sflag:s0], $0x800  }
0x499: {  	[sflag:s0] =	ssyncset.done $0x0  }
0x49a: {  	[sflag:s0] =	ssyncadd.s32 $0xFFFFF800  }
0x49b: {  	_ =	swait.ge [sflag:s0], $0x800  }
0x49c: {  	[sflag:s0] =	ssyncset.done $0x0  }
0x49d: {  	s3 =	sadd.s32 $0x31C, s3;
	s9 =	simm.s32 $0x1A680;
	[sflag:s0] =	ssyncadd.s32 $0xFFFFF800  }
0x49e: {  	[spmem:s14] =	stream.indirect.scatter.add.f32 [tilespmem:s16], [sflag:$0x4], $0x10, s9, s24, $0x2000b8;
	[tilespmem:$0x1EA00] =	vst v63  }
0x49f: {  	p0 =	slt.s32 s3, $0x30FC;
	s16 =	simm.s32 $0x1A700  }
0x4a0: {  	[spmem:s14] =	stream.indirect.scatter.add.f32 [tilespmem:s26], [sflag:$0x4], $0x10, s16, s24, $0x2000b8;
	[tilespmem:$0x1EA00] =	vst v63  }
0x4a1: {  	s3 =	simm.s32 @!p0 $0x30FC;
	s9 =	simm.s32 $0x1A780  }
0x4a2: {  	[spmem:s14] =	stream.indirect.scatter.add.f32 [tilespmem:s11], [sflag:$0x4], $0x10, s9, s24, $0x2000b8;
	[tilespmem:$0x1EA00] =	vst v63  }
0x4a3: {  	s3 =	sshll.u32 s3, $0x4;
	s11 =	simm.s32 $0x1A800  }
0x4a4: {  	[spmem:s14] =	stream.indirect.scatter.add.f32 [tilespmem:s17], [sflag:$0x4], $0x10, s11, s24, $0x2000b8;
	[tilespmem:$0x1EA00] =	vst v63  }
0x4a5: {  	s22 =	simm.s32 $0x1A280;
	s16 =	sadd.s32 s20, s3  }
0x4a6: {  	[tilespmem:s22], [sflag:$0x6] =	stream.linear.gather [hbm4b:s16+s10], $0x200, $0x200038;
	[tilespmem:$0x1EA00] =	vst v63  }
0x4a7: {  	_ =	swait.ge [sflag:s18], $0x800  }
0x4a8: {  	[sflag:s18] =	ssyncset.done $0x0  }
0x4a9: {  	[sflag:s18] =	ssyncadd.s32 $0xFFFFF800  }
0x4aa: {  	_ =	swait.ge [sflag:s18], $0x800  }
0x4ab: {  	[sflag:s18] =	ssyncset.done $0x0  }
0x4ac: {  	[sflag:s18] =	ssyncadd.s32 $0xFFFFF800  }
0x4ad: {  	_ =	swait.ge [sflag:s18], $0x800  }
0x4ae: {  	[sflag:s18] =	ssyncset.done $0x0  }
0x4af: {  	[sflag:s18] =	ssyncadd.s32 $0xFFFFF800  }
0x4b0: {  	_ =	swait.ge [sflag:s18], $0x800  }
0x4b1: {  	[sflag:s18] =	ssyncset.done $0x0  }
0x4b2: {  	[sflag:s18] =	ssyncadd.s32 $0xFFFFF800  }
0x4b3: {  	s20 =	rddreg [dreg:$0x1]  }
0x4b4: {  	s28 =	simm.s32 $0x1A480;
	s6 =	sadd.s32 s20, s6  }
0x4b5: {  	[tilespmem:s28], [sflag:$0x7] =	stream.linear.gather [hbm4b:s6+s10], $0x200, $0x200038;
	[tilespmem:$0x1EA00] =	vst v63  }
0x4b6: {  	_ =	swait.ge [sflag:s2], $0x800  }
0x4b7: {  	[sflag:s2] =	ssyncset.done $0x0  }
0x4b8: {  	[sflag:s2] =	ssyncadd.s32 $0xFFFFF800  }
0x4b9: {  	_ =	swait.ge [sflag:s2], $0x800  }
0x4ba: {  	[sflag:s2] =	ssyncset.done $0x0  }
0x4bb: {  	[sflag:s2] =	ssyncadd.s32 $0xFFFFF800  }
0x4bc: {  	_ =	swait.ge [sflag:s2], $0x800  }
0x4bd: {  	p0 =	sne.s32 s4, $0xFFFFFFF8;
	[sflag:s2] =	ssyncset.done $0x0  }
.Ltmp16:
0x4be: {  	[sflag:s2] =	ssyncadd.s32 $0xFFFFF800;
	(pc) =	sbr.rel @p0 .LBB2_34-.Ltmp16, $4  }
0x4bf: {  	s4 =	sadd.s32 $0x8, s4;
	s26 =	simm.s32 $0x1A680;
	_ =	swait.ge [sflag:s2], $0x800  }
0x4c0: {  	s17 =	simm.s32 $0x1A080;
	s3 =	sadd.s32 s20, s3;
	[sflag:s2] =	ssyncset.done $0x0  }
0x4c1: {  	s28 =	simm.s32 $0x1A880;
	s6 =	simm.s32 $0x1A480;
	[sflag:s2] =	ssyncadd.s32 $0xFFFFF800  }
0x4c2: {  	[tilespmem:s26], [sflag:$0x8] =	stream.linear.gather [hbm4b:s3+s10], $0x200, $0x200038;
	[tilespmem:$0x1EA00] =	vst v63  }
0x4c3: {  	s0 =	rddreg [dreg:$0x0];
	_ =	swait.ge [sflag:s23], $0x200  }
0x4c4: {  	[sflag:s23] =	ssyncset.done $0x0  }
0x4c5: {  	s3 =	simm.s32 $0x7;
	[sflag:s23] =	ssyncadd.s32 $0xFFFFFE00  }
0x4c6: {  	_ =	swait.ge [sflag:s3], $0x200  }
0x4c7: {  	[sflag:s3] =	ssyncset.done $0x0  }
0x4c8: {  	[sflag:s3] =	ssyncadd.s32 $0xFFFFFE00  }
0x4c9: {  	_ =	swait.ge [sflag:s15], $0x200  }
0x4ca: {  	[sflag:s15] =	ssyncset.done $0x0  }
0x4cb: {  	s26 =	simm.s32 $0x8;
	[sflag:s15] =	ssyncadd.s32 $0xFFFFFE00  }
0x4cc: {  	_ =	swait.ge [sflag:s26], $0x200  }
0x4cd: {  	[sflag:s26] =	ssyncset.done $0x0  }
0x4ce: {  	[sflag:s26] =	ssyncadd.s32 $0xFFFFFE00  }
0x4cf: {  	_ =	strace $0x9000004E  }
0x4d0: {  	[bflag:$0x0] =	sbarrier.arrive $0xFFFF  }
0x4d1: {  	s4 =	simm.s32 $0x0;
	s3 =	simm.s32 $0x40;
	_ =	strace $0x8000004F  }
.LBB2_36:
0x4d2: {  	p0 =	sne.s32 s3, $0x1FC0;
	[tilespmem:s4+$0x1C080] =	vst v2;
	s4 =	smov.u32 s3;
	s3 =	sadd.s32 $0x40, s3  }
.Ltmp17:
0x4d3: {  	(pc) =	sbr.rel @p0 .LBB2_36-.Ltmp17, $2  }
0x4d4: {  	_ =	sdelay $0x2  }
0x4d5: {  	s4 =	sshra.s32 s4, $0x2  }
0x4d6: {  	[tilespmem:s4+$0x1C080] =	vst v2;
	s11 =	simm.s32 $0x0;
	s3 =	simm.s32 $0x1B880;
	s6 =	rddreg [dreg:$0x11]  }
0x4d7: {  	[tilespmem:s3], [sflag:$0x9] =	stream.linear.gather [hbm4b:s6+s11], $0x800, $0x200038;
	[tilespmem:$0x1EA00] =	vst v63  }
0x4d8: {  	s13 =	rddreg [dreg:$0x14]  }
0x4d9: {  	[tilespmem:s28], [sflag:$0xB] =	stream.linear.gather [spmem:s13], $0x800, $0x200038;
	[tilespmem:$0x1EA00] =	vst v63  }
0x4da: {  	_ =	swait.ge [sflag:s5], $0x800  }
0x4db: {  	[sflag:s5] =	ssyncset.done $0x0  }
0x4dc: {  	s16 =	rddreg [dreg:$0x1a];
	[sflag:s5] =	ssyncadd.s32 $0xFFFFF800  }
0x4dd: {  	[tilespmem:s12], [sflag:$0xB] =	stream.linear.gather [spmem:s16], $0x80, $0x200038;
	[tilespmem:$0x1EA00] =	vst v63  }
0x4de: {  	_ =	swait.ge [sflag:s5], $0x80  }
0x4df: {  	v3 =	vmov s11;
	[sflag:s5] =	ssyncset.done $0x0  }
0x4e0: {  	s20 =	simm.s32 $0x9;
	[sflag:s5] =	ssyncadd.s32 $0xFFFFFF80  }
0x4e1: {  	_ =	swait.ge [sflag:s20], $0x800  }
0x4e2: {  	[sflag:s20] =	ssyncset.done $0x0  }
0x4e3: {  	[sflag:s20] =	ssyncadd.s32 $0xFFFFF800  }
0x4e4: {  	v3 =	vld.idx.msk [tilespmem:v3+s12+$0x0], $0xffff  }
0x4e5: {  	v4 =	vld [tilespmem:s3+$0xFFFFF000];
	_ =	sdelay $0x1  }
0x4e6: {  	v5 =	vld [tilespmem:s3+$0x0];
	_ =	sdelay $0x2  }
0x4e7: {  	v4 =	vmul.f32 v4, v3  }
0x4e8: {  	s26 =	simm.s32 $0x1;
	s4 =	simm.s32 $0x2;
	s1 =	simm.s32 $0x2  }
0x4e9: {  	s6 =	simm.s32 $0x1B880;
	s11 =	simm.s32 $0x1;
	s16 =	simm.s32 $0x1A300;
	v3 =	vmov s26;
	v4 =	vadd.f32 v4, v5  }
.LBB2_38:
0x4ea: {  	p0 =	sne.s32 s4, $0x7F  }
0x4eb: {  	v4 =	vmul.f32 $2.500000000e-01, v4;
	_ =	sdelay $0x1  }
0x4ec: {  	[tilespmem:s3+$0x0] =	vst v4  }
0x4ed: {  	s3 =	sadd.s32 $0x10, s3;
	v3 =	vld.idx.msk [tilespmem:v3+s12+$0x0], $0xffff  }
0x4ee: {  	v4 =	vld [tilespmem:s3+$0xFFFFF000];
	_ =	sdelay $0x1  }
0x4ef: {  	v5 =	vld [tilespmem:s3+$0x0]  }
.Ltmp18:
0x4f0: {  	(pc) =	sbr.rel @p0 .LBB2_38-.Ltmp18, $3  }
0x4f1: {  	_ = 	snop  }
0x4f2: {  	v4 =	vmul.f32 v4, v3;
	_ =	sdelay $0x1  }
0x4f3: {  	v3 =	vmov s4;
	s4 =	sadd.s32 $0x1, s4;
	v4 =	vadd.f32 v4, v5  }
0x4f4: {  	_ = 	snop  }
0x4f5: {  	v4 =	vmul.f32 $2.500000000e-01, v4  }
0x4f6: {  	s26 =	sadd.s32 $0x10, s3  }
0x4f7: {  	v63 =	vld [tilespmem:s26+$0xFFFFF000];
	[tilespmem:s3+$0x0] =	vst v4  }
0x4f8: {  	v3 =	vld.idx.msk [tilespmem:v3+s12+$0x0], $0xffff;
	_ =	sdelay $0x1  }
0x4f9: {  	v5 =	vld [tilespmem:s26+$0x0];
	_ =	sdelay $0x2  }
0x4fa: {  	v3 =	vmul.f32 v63, v3;
	_ =	sdelay $0x1  }
0x4fb: {  	v3 =	vadd.f32 v3, v5;
	_ =	sdelay $0x1  }
0x4fc: {  	v3 =	vmul.f32 $2.500000000e-01, v3;
	_ =	sdelay $0x1  }
0x4fd: {  	s4 =	rddreg [dreg:$0x11];
	s3 =	simm.s32 $0x0;
	[tilespmem:s26+$0x0] =	vst v3  }
0x4fe: {  	[hbm4b:s4+s3] =	stream.linear.scatter [tilespmem:s6], [sflag:$0xA], $0x800, $0x200038;
	[tilespmem:$0x1EA00] =	vst v63  }
0x4ff: {  	s4 =	simm.s32 $0x0  }
.LBB2_40:
0x500: {  	s4 =	sadd.s32 $0x1, s4  }
0x501: {  	s7 =	rddreg [dreg:$0xa];
	s9 =	simm.s32 $0xA;
	s6 =	sshll.u32 s4, $0x7  }
0x502: {  	s20 =	rddreg [dreg:$0x9];
	_ =	swait.ge [sflag:s9], $0x800;
	s6 =	sadd.s32 s7, s6  }
0x503: {  	[sflag:s9] =	ssyncset.done $0x0;
	s7 =	sadd.s32 s20, s6  }
0x504: {  	[sflag:s9] =	ssyncadd.s32 $0xFFFFF800;
	s7 =	sshll.u32 s7, $0x1  }
0x505: {  	s26 =	sshll.u32 s6, $0x4;
	s9 =	rddreg [dreg:$0x3];
	s7 =	sand.u32 $0x1FFFFF00, s7  }
0x506: {  	s13 =	sadd.s32 s9, s7;
	s9 =	simm.s32 $0x1B880;
	s7 =	sand.u32 $0x3FFFFFF0, s26  }
0x507: {  	[tilespmem:s9], [sflag:$0x9] =	stream.linear.gather [hbm4b:s13+s3], $0x800, $0x200038;
	[tilespmem:$0x1EA00] =	vst v63  }
0x508: {  	s7 =	sadd.s32 s7, s14  }
0x509: {  	[tilespmem:s28], [sflag:$0xB] =	stream.linear.gather [spmem:s7], $0x800, $0x200038;
	[tilespmem:$0x1EA00] =	vst v63  }
0x50a: {  	_ =	swait.ge [sflag:s5], $0x800  }
0x50b: {  	[sflag:s5] =	ssyncset.done $0x0  }
0x50c: {  	s6 =	sadd.s32 s6, s8;
	[sflag:s5] =	ssyncadd.s32 $0xFFFFF800  }
0x50d: {  	[tilespmem:s12], [sflag:$0xB] =	stream.linear.gather [spmem:s6], $0x80, $0x200038;
	[tilespmem:$0x1EA00] =	vst v63  }
0x50e: {  	_ =	swait.ge [sflag:s5], $0x80  }
0x50f: {  	v3 =	vmov s3;
	[sflag:s5] =	ssyncset.done $0x0  }
0x510: {  	s20 =	simm.s32 $0x9;
	[sflag:s5] =	ssyncadd.s32 $0xFFFFFF80  }
0x511: {  	_ =	swait.ge [sflag:s20], $0x800  }
0x512: {  	[sflag:s20] =	ssyncset.done $0x0  }
0x513: {  	[sflag:s20] =	ssyncadd.s32 $0xFFFFF800  }
0x514: {  	v3 =	vld.idx.msk [tilespmem:v3+s12+$0x0], $0xffff  }
0x515: {  	v4 =	vld [tilespmem:s9+$0xFFFFF000];
	_ =	sdelay $0x1  }
0x516: {  	v5 =	vld [tilespmem:s9+$0x0];
	_ =	sdelay $0x2  }
0x517: {  	v4 =	vmul.f32 v4, v3  }
0x518: {  	s26 =	simm.s32 $0x1  }
0x519: {  	s14 =	simm.s32 $0x2;
	v3 =	vmov s26;
	v4 =	vadd.f32 v4, v5  }
.LBB2_41:
0x51a: {  	p0 =	sne.s32 s14, $0x7F  }
0x51b: {  	v4 =	vmul.f32 $2.500000000e-01, v4;
	_ =	sdelay $0x1  }
0x51c: {  	[tilespmem:s9+$0x0] =	vst v4  }
0x51d: {  	s9 =	sadd.s32 $0x10, s9;
	v3 =	vld.idx.msk [tilespmem:v3+s12+$0x0], $0xffff  }
0x51e: {  	v4 =	vld [tilespmem:s9+$0xFFFFF000];
	_ =	sdelay $0x1  }
0x51f: {  	v5 =	vld [tilespmem:s9+$0x0]  }
.Ltmp19:
0x520: {  	(pc) =	sbr.rel @p0 .LBB2_41-.Ltmp19, $3  }
0x521: {  	_ = 	snop  }
0x522: {  	v4 =	vmul.f32 v4, v3;
	_ =	sdelay $0x1  }
0x523: {  	v3 =	vmov s14;
	s14 =	sadd.s32 $0x1, s14;
	v4 =	vadd.f32 v4, v5  }
0x524: {  	_ = 	snop  }
0x525: {  	v4 =	vmul.f32 $2.500000000e-01, v4  }
0x526: {  	s6 =	sadd.s32 $0x10, s9  }
0x527: {  	v63 =	vld [tilespmem:s6+$0xFFFFF000];
	[tilespmem:s9+$0x0] =	vst v4  }
0x528: {  	v3 =	vld.idx.msk [tilespmem:v3+s12+$0x0], $0xffff;
	_ =	sdelay $0x1  }
0x529: {  	v5 =	vld [tilespmem:s6+$0x0];
	_ =	sdelay $0x2  }
0x52a: {  	v3 =	vmul.f32 v63, v3;
	_ =	sdelay $0x1  }
0x52b: {  	p0 =	sne.s32 s4, $0x30;
	v3 =	vadd.f32 v3, v5  }
.Ltmp20:
0x52c: {  	_ = 	snop;
	(pc) =	sbr.rel @p0 .LBB2_40-.Ltmp20, $3  }
0x52d: {  	v3 =	vmul.f32 $2.500000000e-01, v3;
	_ =	sdelay $0x1  }
0x52e: {  	s26 =	simm.s32 $0x1B880;
	s14 =	rddreg [dreg:$0x6];
	[tilespmem:s6+$0x0] =	vst v3  }
0x52f: {  	[hbm4b:s13+s10] =	stream.linear.scatter [tilespmem:s26], [sflag:$0xA], $0x800, $0x200038;
	[tilespmem:$0x1EA00] =	vst v63  }
0x530: {  	s3 =	simm.s32 $0xA  }
0x531: {  	_ =	swait.ge [sflag:s3], $0x800  }
0x532: {  	[sflag:s3] =	ssyncset.done $0x0  }
0x533: {  	[sflag:s3] =	ssyncadd.s32 $0xFFFFF800  }
0x534: {  	s4 =	rddreg [dreg:$0x1b];
	_ =	strace $0x9000004F  }
0x535: {  	s4 =	sadd.s32 $0x1, s4;
	s26 =	rddreg [dreg:$0x18]  }
0x536: {  	p0 =	sne.s32 s4, s26  }
.Ltmp21:
0x537: {  	_ = 	snop;
	(pc) =	sbr.rel @p0 .LBB2_1-.Ltmp21, $4  }
0x538: {  	_ = 	snop  }
0x539: {  	[bflag:$0x0] =	sbarrier.arrive $0xFFFF  }
0x53a: {  	s9 =	simm.s32 $0x1E900;
	s28 =	rddreg [dreg:$0x9]  }
0x53b: {  	s13 =	simm.s32 $0x1A100;
	s14 =	simm.s32 $0x1C880;
	s6 =	rddreg [dreg:$0x1c]  }
0x53c: {  	_ =	sfence.sel $0x180000  }
0x53d: {  	[bflag:$0x0] =	sbarrier.arrive $0xFFFF  }
0x53e: {  	_ =	strace $0x90000047  }
0x53f: {  	s0 =	stileid.u32;
	[bflag:$0x2] =	sbarrier.arrive $0xFFFF  }
0x540: {  	p0 =	sne.s32 s0, $0x0;
	s0 =	rddreg [dreg:$0x8]  }
0x541: {  	s0 =	sadd.s32 @!p0 $0x100000, s0  }
0x542: {  	[sflag:s0] =	ssyncadd.tile.s32 @!p0 $0x1;
	_ =	shalt  }
.Lfunc_end2:
_tile_overlayer_lowered:
.L_overlay_start_2:
0x543: {  	(tag) =	ssettag $0x2  }
0x544: {  	s0 =	rddreg [dreg:$0x0];
	s2 =	stileid.u32  }
0x545: {  	s1 =	rddreg [dreg:$0x1];
	p0 =	sne.s32 s2, $0x0  }
0x546: {  	s3 =	rddreg [dreg:$0x2];
	[bflag:$0x3] =	sbarrier.arrive $0xFFFF;
	s2 =	simm.s32 @!p0 $0x1C0B  }
0x547: {  	[timem:s3], [sflag:s2] =	dma.local @!p0 [hbm:s0], s1  }
0x548: {  	s0 =	simm.s32 @!p0 $0xB  }
0x549: {  	_ =	swait.ge @!p0 [sflag:s0], s1  }
0x54a: {  	s1 =	ssub.s32 @!p0 $0x0, s1;
	[sflag:s0] =	ssyncset.done @!p0 $0x0  }
0x54b: {  	[sflag:s0] =	ssyncadd.s32 @!p0 s1  }
0x54c: {  	[bflag:$0x3] =	sbarrier.arrive $0xFFFF  }
0x54d: {  	_ =	shalt  }

</sc_bundles>
